<compile_context>
chip_gen: v7x
topology: tpu7x:2x2x1
jax: 0.10.2.dev20260603
libtpu: 0.0.44.dev20260713+nightly
codegen_flags: <defaults>
</compile_context>

<pallas_src>
import functools

import jax
import jax.numpy as jnp
from jax import lax
from jax.experimental import pallas as pl
from jax.experimental.pallas import tpu as pltpu
from jax.experimental.pallas import tpu_sc as plsc

BATCH = 16384
EMB_K = 64
NROWS = 1000000
LANEB = 128
_LAST = (NROWS - 1) // LANEB
_CMAX = _LAST - 1
_TAIL = _LAST * LANEB

_info = plsc.get_sparse_core_info()
_NC, _NS = _info.num_cores, _info.num_subcores
_NW = _NC * _NS
_BPW = BATCH // _NW
_HALF = _BPW // 2
_DEPTH = 8


def _extract_col(zb, l, dst, b):
    lvec = jnp.full((16,), l, jnp.int32)
    bvec = jnp.full((16,), b, jnp.int32)
    for g in range(EMB_K // 16):
        rows = lax.iota(jnp.int32, 16) + (g * 16)
        vals = plsc.load_gather(zb, [rows, lvec])
        plsc.store_scatter(dst, [rows, bvec], vals)


def _sc_gather_body(xt_hbm, w_t, h_t, zu_out, zv_out,
                    uidx_v, vidx_v, bufs, zb_v, sems):
    wid = lax.axis_index("s") * _NC + lax.axis_index("c")
    base = wid * _BPW
    pltpu.sync_copy(xt_hbm.at[0, pl.ds(base, _BPW)], uidx_v.at[pl.ds(0, _BPW)])
    pltpu.sync_copy(xt_hbm.at[1, pl.ds(base, _BPW)], vidx_v.at[pl.ds(0, _BPW)])

    def read_idx(idx_v, b):
        return idx_v[pl.ds(b, 16)][0]

    def fire(idx_v, table, buf, sem, b):
        i = read_idx(idx_v, b)
        c = jnp.minimum(lax.shift_right_logical(i, 7), _CMAX)
        o = pl.multiple_of(c * LANEB, LANEB)
        pltpu.make_async_copy(table.at[:, pl.ds(o, LANEB)], buf, sem).start()

    def take(idx_v, buf, sem, b, col):
        pltpu.make_async_copy(w_t.at[:, pl.ds(0, LANEB)], buf, sem).wait()
        i = read_idx(idx_v, b)
        c = jnp.minimum(lax.shift_right_logical(i, 7), _CMAX)
        l = jnp.minimum(i - c * LANEB, LANEB - 1)
        _extract_col(buf, l, zb_v, col)

    for idx_v, table, out in ((uidx_v, w_t, zu_out), (vidx_v, h_t, zv_out)):
        for h in range(2):
            e0 = h * _HALF
            for k in range(_DEPTH):
                fire(idx_v, table, bufs[k], sems[k], e0 + k)

            def body(j, _):
                for k in range(_DEPTH):
                    b = e0 + j * _DEPTH + k
                    take(idx_v, bufs[k], sems[k], b, j * _DEPTH + k)
                    bn = jnp.minimum(b + _DEPTH, e0 + _HALF - 1)
                    fire(idx_v, table, bufs[k], sems[k], bn)
                return ()

            lax.fori_loop(0, _HALF // _DEPTH, body, ())
            for k in range(_DEPTH):
                pltpu.make_async_copy(w_t.at[:, pl.ds(0, LANEB)],
                                      bufs[k], sems[k]).wait()
            pltpu.sync_copy(zb_v, out.at[:, pl.ds(base + e0, _HALF)])


def _sc_body_wrapper(xt_hbm, w_t, h_t, zu_out, zv_out,
                     uidx_v, vidx_v,
                     b0, b1, b2, b3, b4, b5, b6, b7, zb_v,
                     s0, s1, s2, s3, s4, s5, s6, s7):
    _sc_gather_body(xt_hbm, w_t, h_t, zu_out, zv_out, uidx_v, vidx_v,
                    (b0, b1, b2, b3, b4, b5, b6, b7), zb_v,
                    (s0, s1, s2, s3, s4, s5, s6, s7))


@jax.jit
def _sc_gather(xt, w_t, h_t):
    mesh = plsc.VectorSubcoreMesh(core_axis_name="c", subcore_axis_name="s")
    f = functools.partial(
        pl.kernel,
        mesh=mesh,
        out_type=[
            jax.ShapeDtypeStruct((EMB_K, BATCH), jnp.float32),
            jax.ShapeDtypeStruct((EMB_K, BATCH), jnp.float32),
        ],
        scratch_types=(
            [pltpu.VMEM((_BPW + 16,), jnp.int32)] * 2
            + [pltpu.VMEM((EMB_K, LANEB), jnp.float32)] * _DEPTH
            + [pltpu.VMEM((EMB_K, _HALF), jnp.float32)]
            + [pltpu.SemaphoreType.DMA] * _DEPTH
        ),
        compiler_params=pltpu.CompilerParams(needs_layout_passes=False),
    )(_sc_body_wrapper)
    return f(xt, w_t, h_t)


def _tc_mlp_body(zu_ref, zv_ref, xt_ref, wtu_ref, wtv_ref,
                 a_ref, b_ref, bias_ref, w2_ref, o_ref):
    blk = zu_ref.shape[1]
    kiota = lax.broadcasted_iota(jnp.int32, (EMB_K, blk), 0)

    def fixed(z_ref, idx_row, wt_ref):
        rem = idx_row - _TAIL
        oh = (kiota == rem).astype(jnp.float32)
        repl = lax.dot_general(wt_ref[...], oh, (((1,), (0,)), ((), ())),
                               preferred_element_type=jnp.float32)
        return jnp.where(idx_row >= _TAIL, repl, z_ref[...])

    zu = fixed(zu_ref, xt_ref[0:1, :], wtu_ref)
    zv = fixed(zv_ref, xt_ref[1:2, :], wtv_ref)
    h = lax.dot_general(a_ref[...], zu, (((1,), (0,)), ((), ())),
                        preferred_element_type=jnp.float32)
    h = h + lax.dot_general(b_ref[...], zv, (((1,), (0,)), ((), ())),
                            preferred_element_type=jnp.float32)
    h = h + bias_ref[...]
    h = jnp.maximum(h, 0.0)
    o_ref[...] = lax.dot_general(w2_ref[...], h, (((1,), (0,)), ((), ())),
                                 preferred_element_type=jnp.float32)


_TC_BLK = 8192


@jax.jit
def _tc_mlp(zu, zv, xt, wtu, wtv, a_w, b_w, bias, w2_row):
    grid = (BATCH // _TC_BLK,)
    return pl.pallas_call(
        _tc_mlp_body,
        grid=grid,
        in_specs=[
            pl.BlockSpec((EMB_K, _TC_BLK), lambda i: (0, i)),
            pl.BlockSpec((EMB_K, _TC_BLK), lambda i: (0, i)),
            pl.BlockSpec((2, _TC_BLK), lambda i: (0, i)),
            pl.BlockSpec((EMB_K, EMB_K), lambda i: (0, 0)),
            pl.BlockSpec((EMB_K, EMB_K), lambda i: (0, 0)),
            pl.BlockSpec((EMB_K, EMB_K), lambda i: (0, 0)),
            pl.BlockSpec((EMB_K, EMB_K), lambda i: (0, 0)),
            pl.BlockSpec((EMB_K, 1), lambda i: (0, 0)),
            pl.BlockSpec((1, EMB_K), lambda i: (0, 0)),
        ],
        out_specs=pl.BlockSpec((1, _TC_BLK), lambda i: (0, i)),
        out_shape=jax.ShapeDtypeStruct((1, BATCH), jnp.float32),
    )(zu, zv, xt, wtu, wtv, a_w, b_w, bias, w2_row)


def kernel(x, W_table, H_table, linear1_w, linear1_b, linear2_w):
    xt = x.T.astype(jnp.int32)
    w_t = W_table.T
    h_t = H_table.T
    zu, zv = _sc_gather(xt, w_t, h_t)
    wtu = W_table[_TAIL:, :].T
    wtv = H_table[_TAIL:, :].T
    a_w = linear1_w[:, :EMB_K]
    b_w = linear1_w[:, EMB_K:]
    bias = linear1_b.reshape(EMB_K, 1)
    out_t = _tc_mlp(zu, zv, xt, wtu, wtv, a_w, b_w, bias, linear2_w)
    return out_t.reshape(BATCH, 1)

# --- scband reference (transcript-rebuilt; emitter-appended) ---
"""Pipeline reference for scband-ncf-cvib-77455440216519 (READ-ONLY COPY).

The authoritative reference and input builder live on the scoring server;
editing this copy changes nothing except your own understanding.
"""

import jax, jax.numpy as jnp
import numpy as np

NUM_USERS = 1000000
NUM_ITEMS = 1000000
EMB_K = 64
BATCH = 16384

def setup_inputs(seed: int = 0) -> dict:
    key = jax.random.key(seed)
    k_x, k_w, k_h, k_l1w, k_l1b, k_l2w = jax.random.split(key, 6)
    x = jax.random.randint(k_x, (BATCH, 2), 0, NUM_USERS, dtype=jnp.int64) if jax.config.jax_enable_x64 else jax.random.randint(k_x, (BATCH, 2), 0, NUM_USERS).astype(jnp.int32)
    W_table = jax.random.normal(k_w, (NUM_USERS, EMB_K), dtype=jnp.float32)
    H_table = jax.random.normal(k_h, (NUM_ITEMS, EMB_K), dtype=jnp.float32)
    lim1 = 1.0 / np.sqrt(2 * EMB_K)
    linear1_w = jax.random.uniform(k_l1w, (EMB_K, 2 * EMB_K), minval=-lim1, maxval=lim1, dtype=jnp.float32)
    linear1_b = jax.random.uniform(k_l1b, (EMB_K,), minval=-lim1, maxval=lim1, dtype=jnp.float32)
    lim2 = 1.0 / np.sqrt(EMB_K)
    linear2_w = jax.random.uniform(k_l2w, (1, EMB_K), minval=-lim2, maxval=lim2, dtype=jnp.float32)
    return {"x": x, "W_table": W_table, "H_table": H_table, "linear1_w": linear1_w, "linear1_b": linear1_b, "linear2_w": linear2_w}

def reference(x, W_table, H_table, linear1_w, linear1_b, linear2_w):
    user_idx = x[:, 0]
    item_idx = x[:, 1]
    U_emb = jnp.take(W_table, user_idx, axis=0)
    V_emb = jnp.take(H_table, item_idx, axis=0)
    z_emb = jnp.concatenate([U_emb, V_emb], axis=1)
    h1 = z_emb @ linear1_w.T + linear1_b
    h1 = jax.nn.relu(h1)
    out = h1 @ linear2_w.T
    return out

if __name__ == "__main__":
    import jax
    _d = setup_inputs()
    print(jax.jit(kernel)(*tuple(_d.values())))

</pallas_src>

<mosaic_0001>
#map = affine_map<(d0, d1) -> (0, 0)>
module attributes {stable_mosaic.version = 14 : i64} {
  func.func @_sc_body_wrapper(%arg0: i32, %arg1: i32, %arg2: memref<2x16384xi32, #tpu.memory_space<hbm>>, %arg3: memref<64x1000000xf32, #tpu.memory_space<hbm>>, %arg4: memref<64x1000000xf32, #tpu.memory_space<hbm>>, %arg5: memref<64x16384xf32, #tpu.memory_space<hbm>>, %arg6: memref<64x16384xf32, #tpu.memory_space<hbm>>, %arg7: memref<528xi32, #tpu.memory_space<vmem>>, %arg8: memref<528xi32, #tpu.memory_space<vmem>>, %arg9: memref<64x128xf32, #tpu.memory_space<vmem>>, %arg10: memref<64x128xf32, #tpu.memory_space<vmem>>, %arg11: memref<64x128xf32, #tpu.memory_space<vmem>>, %arg12: memref<64x128xf32, #tpu.memory_space<vmem>>, %arg13: memref<64x128xf32, #tpu.memory_space<vmem>>, %arg14: memref<64x128xf32, #tpu.memory_space<vmem>>, %arg15: memref<64x128xf32, #tpu.memory_space<vmem>>, %arg16: memref<64x128xf32, #tpu.memory_space<vmem>>, %arg17: memref<64x256xf32, #tpu.memory_space<vmem>>, %arg18: memref<!tpu.dma_semaphore, #tpu.memory_space<semaphore_mem>>, %arg19: memref<!tpu.dma_semaphore, #tpu.memory_space<semaphore_mem>>, %arg20: memref<!tpu.dma_semaphore, #tpu.memory_space<semaphore_mem>>, %arg21: memref<!tpu.dma_semaphore, #tpu.memory_space<semaphore_mem>>, %arg22: memref<!tpu.dma_semaphore, #tpu.memory_space<semaphore_mem>>, %arg23: memref<!tpu.dma_semaphore, #tpu.memory_space<semaphore_mem>>, %arg24: memref<!tpu.dma_semaphore, #tpu.memory_space<semaphore_mem>>, %arg25: memref<!tpu.dma_semaphore, #tpu.memory_space<semaphore_mem>>) attributes {dimension_semantics = [#tpu.dimension_semantics<core_parallel>, #tpu.dimension_semantics<subcore_parallel>], iteration_bounds = array<i64: 2, 16>, scalar_prefetch = 0 : i64, scratch_operands = 19 : i64, tpu.core_type = #tpu.core_type<sc_vector_subcore>, window_params = [{transform_indices = #map}, {transform_indices = #map}, {transform_indices = #map}, {transform_indices = #map}, {transform_indices = #map}]} {
    %mul3A = arith.constant 2 : i32
    %mul3A_0 = arith.muli %arg1, %mul3A : i32
    %add3A = arith.addi %mul3A_0, %arg0 : i32
    %mul3A_1 = arith.constant 512 : i32
    %mul3A_2 = arith.muli %add3A, %mul3A_1 : i32
    %run_scoped3A = arith.constant 0 : i32
    "tpu.region"() ({
      %run_scoped3A_695 = tpu.sem_alloc : memref<!tpu.dma_semaphore, #tpu.memory_space<semaphore_mem>>
      %dma_start3A_696 = arith.constant 0 : i32
      %dma_start3A_697 = tpu.memref_slice %arg7[%dma_start3A_696] : memref<528xi32, #tpu.memory_space<vmem>> -> memref<512xi32, #tpu.memory_space<vmem>>
      %dma_start3A_698 = tpu.memref_slice %arg2[%run_scoped3A, %mul3A_2] : memref<2x16384xi32, #tpu.memory_space<hbm>> -> memref<1x512xi32, #tpu.memory_space<hbm>>
      %dma_start3A_699 = tpu.memref_squeeze %dma_start3A_698 : memref<1x512xi32, #tpu.memory_space<hbm>> -> memref<512xi32, #tpu.memory_space<hbm>>
      %dma_start3A_700 = arith.constant 0 : i32
      %dma_start3A_701 = tpu.memref_slice %arg7[%dma_start3A_700] : memref<528xi32, #tpu.memory_space<vmem>> -> memref<512xi32, #tpu.memory_space<vmem>>
      %dma_start3A_702 = tpu.memref_slice %arg2[%run_scoped3A, %mul3A_2] : memref<2x16384xi32, #tpu.memory_space<hbm>> -> memref<1x512xi32, #tpu.memory_space<hbm>>
      %dma_start3A_703 = tpu.memref_squeeze %dma_start3A_702 : memref<1x512xi32, #tpu.memory_space<hbm>> -> memref<512xi32, #tpu.memory_space<hbm>>
      tpu.enqueue_dma source(%dma_start3A_703 : memref<512xi32, #tpu.memory_space<hbm>>) target(%dma_start3A_701 : memref<512xi32, #tpu.memory_space<vmem>>) target_semaphore(%run_scoped3A_695 : memref<!tpu.dma_semaphore, #tpu.memory_space<semaphore_mem>>)
      %dma_wait3A_704 = arith.constant 0 : i32
      %dma_wait3A_705 = tpu.memref_slice %arg7[%dma_wait3A_704] : memref<528xi32, #tpu.memory_space<vmem>> -> memref<512xi32, #tpu.memory_space<vmem>>
      %dma_wait3A_706 = tpu.memref_slice %arg2[%run_scoped3A, %mul3A_2] : memref<2x16384xi32, #tpu.memory_space<hbm>> -> memref<1x512xi32, #tpu.memory_space<hbm>>
      %dma_wait3A_707 = tpu.memref_squeeze %dma_wait3A_706 : memref<1x512xi32, #tpu.memory_space<hbm>> -> memref<512xi32, #tpu.memory_space<hbm>>
      %dma_wait3A_708 = arith.constant 0 : i32
      %dma_wait3A_709 = tpu.memref_slice %arg7[%dma_wait3A_708] : memref<528xi32, #tpu.memory_space<vmem>> -> memref<512xi32, #tpu.memory_space<vmem>>
      %dma_wait3A_710 = tpu.memref_slice %arg2[%run_scoped3A, %mul3A_2] : memref<2x16384xi32, #tpu.memory_space<hbm>> -> memref<1x512xi32, #tpu.memory_space<hbm>>
      %dma_wait3A_711 = tpu.memref_squeeze %dma_wait3A_710 : memref<1x512xi32, #tpu.memory_space<hbm>> -> memref<512xi32, #tpu.memory_space<hbm>>
      tpu.wait_dma2 semaphore(%run_scoped3A_695 : memref<!tpu.dma_semaphore, #tpu.memory_space<semaphore_mem>>) src(%dma_wait3A_711 : memref<512xi32, #tpu.memory_space<hbm>>) dst(%dma_wait3A_709 : memref<512xi32, #tpu.memory_space<vmem>>)
      tpu.yield
    }) : () -> ()
    %run_scoped3A_3 = arith.constant 1 : i32
    "tpu.region"() ({
      %run_scoped3A_695 = tpu.sem_alloc : memref<!tpu.dma_semaphore, #tpu.memory_space<semaphore_mem>>
      %dma_start3A_696 = arith.constant 0 : i32
      %dma_start3A_697 = tpu.memref_slice %arg8[%dma_start3A_696] : memref<528xi32, #tpu.memory_space<vmem>> -> memref<512xi32, #tpu.memory_space<vmem>>
      %dma_start3A_698 = tpu.memref_slice %arg2[%run_scoped3A_3, %mul3A_2] : memref<2x16384xi32, #tpu.memory_space<hbm>> -> memref<1x512xi32, #tpu.memory_space<hbm>>
      %dma_start3A_699 = tpu.memref_squeeze %dma_start3A_698 : memref<1x512xi32, #tpu.memory_space<hbm>> -> memref<512xi32, #tpu.memory_space<hbm>>
      %dma_start3A_700 = arith.constant 0 : i32
      %dma_start3A_701 = tpu.memref_slice %arg8[%dma_start3A_700] : memref<528xi32, #tpu.memory_space<vmem>> -> memref<512xi32, #tpu.memory_space<vmem>>
      %dma_start3A_702 = tpu.memref_slice %arg2[%run_scoped3A_3, %mul3A_2] : memref<2x16384xi32, #tpu.memory_space<hbm>> -> memref<1x512xi32, #tpu.memory_space<hbm>>
      %dma_start3A_703 = tpu.memref_squeeze %dma_start3A_702 : memref<1x512xi32, #tpu.memory_space<hbm>> -> memref<512xi32, #tpu.memory_space<hbm>>
      tpu.enqueue_dma source(%dma_start3A_703 : memref<512xi32, #tpu.memory_space<hbm>>) target(%dma_start3A_701 : memref<512xi32, #tpu.memory_space<vmem>>) target_semaphore(%run_scoped3A_695 : memref<!tpu.dma_semaphore, #tpu.memory_space<semaphore_mem>>)
      %dma_wait3A_704 = arith.constant 0 : i32
      %dma_wait3A_705 = tpu.memref_slice %arg8[%dma_wait3A_704] : memref<528xi32, #tpu.memory_space<vmem>> -> memref<512xi32, #tpu.memory_space<vmem>>
      %dma_wait3A_706 = tpu.memref_slice %arg2[%run_scoped3A_3, %mul3A_2] : memref<2x16384xi32, #tpu.memory_space<hbm>> -> memref<1x512xi32, #tpu.memory_space<hbm>>
      %dma_wait3A_707 = tpu.memref_squeeze %dma_wait3A_706 : memref<1x512xi32, #tpu.memory_space<hbm>> -> memref<512xi32, #tpu.memory_space<hbm>>
      %dma_wait3A_708 = arith.constant 0 : i32
      %dma_wait3A_709 = tpu.memref_slice %arg8[%dma_wait3A_708] : memref<528xi32, #tpu.memory_space<vmem>> -> memref<512xi32, #tpu.memory_space<vmem>>
      %dma_wait3A_710 = tpu.memref_slice %arg2[%run_scoped3A_3, %mul3A_2] : memref<2x16384xi32, #tpu.memory_space<hbm>> -> memref<1x512xi32, #tpu.memory_space<hbm>>
      %dma_wait3A_711 = tpu.memref_squeeze %dma_wait3A_710 : memref<1x512xi32, #tpu.memory_space<hbm>> -> memref<512xi32, #tpu.memory_space<hbm>>
      tpu.wait_dma2 semaphore(%run_scoped3A_695 : memref<!tpu.dma_semaphore, #tpu.memory_space<semaphore_mem>>) src(%dma_wait3A_711 : memref<512xi32, #tpu.memory_space<hbm>>) dst(%dma_wait3A_709 : memref<512xi32, #tpu.memory_space<vmem>>)
      tpu.yield
    }) : () -> ()
    %get3A = arith.constant 0 : index
    %get3A_4 = tpu.vector_load %arg7[%get3A] {strides = array<i32>} : memref<528xi32, #tpu.memory_space<vmem>>, vector<16xi32>,
    %slice3A = vector.extract_strided_slice %get3A_4 {offsets = [0], sizes = [1], strides = [1]} : vector<16xi32> to vector<1xi32>
    %squeeze3A = vector.extract %slice3A[0] : i32 from vector<1xi32>
    %shift_right_logical3A = arith.constant 7 : i32
    %shift_right_logical3A_5 = arith.shrui %squeeze3A, %shift_right_logical3A : i32
    %min3A = arith.constant 7811 : i32
    %min3A_6 = arith.minsi %shift_right_logical3A_5, %min3A : i32
    %mul3A_7 = arith.constant 128 : i32
    %mul3A_8 = arith.muli %min3A_6, %mul3A_7 : i32
    %multiple_of3A = tpu.assume_multiple %mul3A_8, 128 : i32
    %dma_start3A = arith.constant 0 : i32
    %dma_start3A_9 = tpu.memref_slice %arg3[%dma_start3A, %multiple_of3A] : memref<64x1000000xf32, #tpu.memory_space<hbm>> -> memref<64x128xf32, #tpu.memory_space<hbm>>
    %dma_start3A_10 = arith.constant 0 : i32
    %dma_start3A_11 = tpu.memref_slice %arg3[%dma_start3A_10, %multiple_of3A] : memref<64x1000000xf32, #tpu.memory_space<hbm>> -> memref<64x128xf32, #tpu.memory_space<hbm>>
    tpu.enqueue_dma source(%dma_start3A_11 : memref<64x128xf32, #tpu.memory_space<hbm>>) target(%arg9 : memref<64x128xf32, #tpu.memory_space<vmem>>) target_semaphore(%arg18 : memref<!tpu.dma_semaphore, #tpu.memory_space<semaphore_mem>>)
    %get3A_12 = arith.constant 1 : index
    %get3A_13 = tpu.vector_load %arg7[%get3A_12] {strides = array<i32>} : memref<528xi32, #tpu.memory_space<vmem>>, vector<16xi32>,
    %slice3A_14 = vector.extract_strided_slice %get3A_13 {offsets = [0], sizes = [1], strides = [1]} : vector<16xi32> to vector<1xi32>
    %squeeze3A_15 = vector.extract %slice3A_14[0] : i32 from vector<1xi32>
    %shift_right_logical3A_16 = arith.constant 7 : i32
    %shift_right_logical3A_17 = arith.shrui %squeeze3A_15, %shift_right_logical3A_16 : i32
    %min3A_18 = arith.constant 7811 : i32
    %min3A_19 = arith.minsi %shift_right_logical3A_17, %min3A_18 : i32
    %mul3A_20 = arith.constant 128 : i32
    %mul3A_21 = arith.muli %min3A_19, %mul3A_20 : i32
    %multiple_of3A_22 = tpu.assume_multiple %mul3A_21, 128 : i32
    %dma_start3A_23 = arith.constant 0 : i32
    %dma_start3A_24 = tpu.memref_slice %arg3[%dma_start3A_23, %multiple_of3A_22] : memref<64x1000000xf32, #tpu.memory_space<hbm>> -> memref<64x128xf32, #tpu.memory_space<hbm>>
    %dma_start3A_25 = arith.constant 0 : i32
    %dma_start3A_26 = tpu.memref_slice %arg3[%dma_start3A_25, %multiple_of3A_22] : memref<64x1000000xf32, #tpu.memory_space<hbm>> -> memref<64x128xf32, #tpu.memory_space<hbm>>
    tpu.enqueue_dma source(%dma_start3A_26 : memref<64x128xf32, #tpu.memory_space<hbm>>) target(%arg10 : memref<64x128xf32, #tpu.memory_space<vmem>>) target_semaphore(%arg19 : memref<!tpu.dma_semaphore, #tpu.memory_space<semaphore_mem>>)
    %get3A_27 = arith.constant 2 : index
    %get3A_28 = tpu.vector_load %arg7[%get3A_27] {strides = array<i32>} : memref<528xi32, #tpu.memory_space<vmem>>, vector<16xi32>,
    %slice3A_29 = vector.extract_strided_slice %get3A_28 {offsets = [0], sizes = [1], strides = [1]} : vector<16xi32> to vector<1xi32>
    %squeeze3A_30 = vector.extract %slice3A_29[0] : i32 from vector<1xi32>
    %shift_right_logical3A_31 = arith.constant 7 : i32
    %shift_right_logical3A_32 = arith.shrui %squeeze3A_30, %shift_right_logical3A_31 : i32
    %min3A_33 = arith.constant 7811 : i32
    %min3A_34 = arith.minsi %shift_right_logical3A_32, %min3A_33 : i32
    %mul3A_35 = arith.constant 128 : i32
    %mul3A_36 = arith.muli %min3A_34, %mul3A_35 : i32
    %multiple_of3A_37 = tpu.assume_multiple %mul3A_36, 128 : i32
    %dma_start3A_38 = arith.constant 0 : i32
    %dma_start3A_39 = tpu.memref_slice %arg3[%dma_start3A_38, %multiple_of3A_37] : memref<64x1000000xf32, #tpu.memory_space<hbm>> -> memref<64x128xf32, #tpu.memory_space<hbm>>
    %dma_start3A_40 = arith.constant 0 : i32
    %dma_start3A_41 = tpu.memref_slice %arg3[%dma_start3A_40, %multiple_of3A_37] : memref<64x1000000xf32, #tpu.memory_space<hbm>> -> memref<64x128xf32, #tpu.memory_space<hbm>>
    tpu.enqueue_dma source(%dma_start3A_41 : memref<64x128xf32, #tpu.memory_space<hbm>>) target(%arg11 : memref<64x128xf32, #tpu.memory_space<vmem>>) target_semaphore(%arg20 : memref<!tpu.dma_semaphore, #tpu.memory_space<semaphore_mem>>)
    %get3A_42 = arith.constant 3 : index
    %get3A_43 = tpu.vector_load %arg7[%get3A_42] {strides = array<i32>} : memref<528xi32, #tpu.memory_space<vmem>>, vector<16xi32>,
    %slice3A_44 = vector.extract_strided_slice %get3A_43 {offsets = [0], sizes = [1], strides = [1]} : vector<16xi32> to vector<1xi32>
    %squeeze3A_45 = vector.extract %slice3A_44[0] : i32 from vector<1xi32>
    %shift_right_logical3A_46 = arith.constant 7 : i32
    %shift_right_logical3A_47 = arith.shrui %squeeze3A_45, %shift_right_logical3A_46 : i32
    %min3A_48 = arith.constant 7811 : i32
    %min3A_49 = arith.minsi %shift_right_logical3A_47, %min3A_48 : i32
    %mul3A_50 = arith.constant 128 : i32
    %mul3A_51 = arith.muli %min3A_49, %mul3A_50 : i32
    %multiple_of3A_52 = tpu.assume_multiple %mul3A_51, 128 : i32
    %dma_start3A_53 = arith.constant 0 : i32
    %dma_start3A_54 = tpu.memref_slice %arg3[%dma_start3A_53, %multiple_of3A_52] : memref<64x1000000xf32, #tpu.memory_space<hbm>> -> memref<64x128xf32, #tpu.memory_space<hbm>>
    %dma_start3A_55 = arith.constant 0 : i32
    %dma_start3A_56 = tpu.memref_slice %arg3[%dma_start3A_55, %multiple_of3A_52] : memref<64x1000000xf32, #tpu.memory_space<hbm>> -> memref<64x128xf32, #tpu.memory_space<hbm>>
    tpu.enqueue_dma source(%dma_start3A_56 : memref<64x128xf32, #tpu.memory_space<hbm>>) target(%arg12 : memref<64x128xf32, #tpu.memory_space<vmem>>) target_semaphore(%arg21 : memref<!tpu.dma_semaphore, #tpu.memory_space<semaphore_mem>>)
    %get3A_57 = arith.constant 4 : index
    %get3A_58 = tpu.vector_load %arg7[%get3A_57] {strides = array<i32>} : memref<528xi32, #tpu.memory_space<vmem>>, vector<16xi32>,
    %slice3A_59 = vector.extract_strided_slice %get3A_58 {offsets = [0], sizes = [1], strides = [1]} : vector<16xi32> to vector<1xi32>
    %squeeze3A_60 = vector.extract %slice3A_59[0] : i32 from vector<1xi32>
    %shift_right_logical3A_61 = arith.constant 7 : i32
    %shift_right_logical3A_62 = arith.shrui %squeeze3A_60, %shift_right_logical3A_61 : i32
    %min3A_63 = arith.constant 7811 : i32
    %min3A_64 = arith.minsi %shift_right_logical3A_62, %min3A_63 : i32
    %mul3A_65 = arith.constant 128 : i32
    %mul3A_66 = arith.muli %min3A_64, %mul3A_65 : i32
    %multiple_of3A_67 = tpu.assume_multiple %mul3A_66, 128 : i32
    %dma_start3A_68 = arith.constant 0 : i32
    %dma_start3A_69 = tpu.memref_slice %arg3[%dma_start3A_68, %multiple_of3A_67] : memref<64x1000000xf32, #tpu.memory_space<hbm>> -> memref<64x128xf32, #tpu.memory_space<hbm>>
    %dma_start3A_70 = arith.constant 0 : i32
    %dma_start3A_71 = tpu.memref_slice %arg3[%dma_start3A_70, %multiple_of3A_67] : memref<64x1000000xf32, #tpu.memory_space<hbm>> -> memref<64x128xf32, #tpu.memory_space<hbm>>
    tpu.enqueue_dma source(%dma_start3A_71 : memref<64x128xf32, #tpu.memory_space<hbm>>) target(%arg13 : memref<64x128xf32, #tpu.memory_space<vmem>>) target_semaphore(%arg22 : memref<!tpu.dma_semaphore, #tpu.memory_space<semaphore_mem>>)
    %get3A_72 = arith.constant 5 : index
    %get3A_73 = tpu.vector_load %arg7[%get3A_72] {strides = array<i32>} : memref<528xi32, #tpu.memory_space<vmem>>, vector<16xi32>,
    %slice3A_74 = vector.extract_strided_slice %get3A_73 {offsets = [0], sizes = [1], strides = [1]} : vector<16xi32> to vector<1xi32>
    %squeeze3A_75 = vector.extract %slice3A_74[0] : i32 from vector<1xi32>
    %shift_right_logical3A_76 = arith.constant 7 : i32
    %shift_right_logical3A_77 = arith.shrui %squeeze3A_75, %shift_right_logical3A_76 : i32
    %min3A_78 = arith.constant 7811 : i32
    %min3A_79 = arith.minsi %shift_right_logical3A_77, %min3A_78 : i32
    %mul3A_80 = arith.constant 128 : i32
    %mul3A_81 = arith.muli %min3A_79, %mul3A_80 : i32
    %multiple_of3A_82 = tpu.assume_multiple %mul3A_81, 128 : i32
    %dma_start3A_83 = arith.constant 0 : i32
    %dma_start3A_84 = tpu.memref_slice %arg3[%dma_start3A_83, %multiple_of3A_82] : memref<64x1000000xf32, #tpu.memory_space<hbm>> -> memref<64x128xf32, #tpu.memory_space<hbm>>
    %dma_start3A_85 = arith.constant 0 : i32
    %dma_start3A_86 = tpu.memref_slice %arg3[%dma_start3A_85, %multiple_of3A_82] : memref<64x1000000xf32, #tpu.memory_space<hbm>> -> memref<64x128xf32, #tpu.memory_space<hbm>>
    tpu.enqueue_dma source(%dma_start3A_86 : memref<64x128xf32, #tpu.memory_space<hbm>>) target(%arg14 : memref<64x128xf32, #tpu.memory_space<vmem>>) target_semaphore(%arg23 : memref<!tpu.dma_semaphore, #tpu.memory_space<semaphore_mem>>)
    %get3A_87 = arith.constant 6 : index
    %get3A_88 = tpu.vector_load %arg7[%get3A_87] {strides = array<i32>} : memref<528xi32, #tpu.memory_space<vmem>>, vector<16xi32>,
    %slice3A_89 = vector.extract_strided_slice %get3A_88 {offsets = [0], sizes = [1], strides = [1]} : vector<16xi32> to vector<1xi32>
    %squeeze3A_90 = vector.extract %slice3A_89[0] : i32 from vector<1xi32>
    %shift_right_logical3A_91 = arith.constant 7 : i32
    %shift_right_logical3A_92 = arith.shrui %squeeze3A_90, %shift_right_logical3A_91 : i32
    %min3A_93 = arith.constant 7811 : i32
    %min3A_94 = arith.minsi %shift_right_logical3A_92, %min3A_93 : i32
    %mul3A_95 = arith.constant 128 : i32
    %mul3A_96 = arith.muli %min3A_94, %mul3A_95 : i32
    %multiple_of3A_97 = tpu.assume_multiple %mul3A_96, 128 : i32
    %dma_start3A_98 = arith.constant 0 : i32
    %dma_start3A_99 = tpu.memref_slice %arg3[%dma_start3A_98, %multiple_of3A_97] : memref<64x1000000xf32, #tpu.memory_space<hbm>> -> memref<64x128xf32, #tpu.memory_space<hbm>>
    %dma_start3A_100 = arith.constant 0 : i32
    %dma_start3A_101 = tpu.memref_slice %arg3[%dma_start3A_100, %multiple_of3A_97] : memref<64x1000000xf32, #tpu.memory_space<hbm>> -> memref<64x128xf32, #tpu.memory_space<hbm>>
    tpu.enqueue_dma source(%dma_start3A_101 : memref<64x128xf32, #tpu.memory_space<hbm>>) target(%arg15 : memref<64x128xf32, #tpu.memory_space<vmem>>) target_semaphore(%arg24 : memref<!tpu.dma_semaphore, #tpu.memory_space<semaphore_mem>>)
    %get3A_102 = arith.constant 7 : index
    %get3A_103 = tpu.vector_load %arg7[%get3A_102] {strides = array<i32>} : memref<528xi32, #tpu.memory_space<vmem>>, vector<16xi32>,
    %slice3A_104 = vector.extract_strided_slice %get3A_103 {offsets = [0], sizes = [1], strides = [1]} : vector<16xi32> to vector<1xi32>
    %squeeze3A_105 = vector.extract %slice3A_104[0] : i32 from vector<1xi32>
    %shift_right_logical3A_106 = arith.constant 7 : i32
    %shift_right_logical3A_107 = arith.shrui %squeeze3A_105, %shift_right_logical3A_106 : i32
    %min3A_108 = arith.constant 7811 : i32
    %min3A_109 = arith.minsi %shift_right_logical3A_107, %min3A_108 : i32
    %mul3A_110 = arith.constant 128 : i32
    %mul3A_111 = arith.muli %min3A_109, %mul3A_110 : i32
    %multiple_of3A_112 = tpu.assume_multiple %mul3A_111, 128 : i32
    %dma_start3A_113 = arith.constant 0 : i32
    %dma_start3A_114 = tpu.memref_slice %arg3[%dma_start3A_113, %multiple_of3A_112] : memref<64x1000000xf32, #tpu.memory_space<hbm>> -> memref<64x128xf32, #tpu.memory_space<hbm>>
    %dma_start3A_115 = arith.constant 0 : i32
    %dma_start3A_116 = tpu.memref_slice %arg3[%dma_start3A_115, %multiple_of3A_112] : memref<64x1000000xf32, #tpu.memory_space<hbm>> -> memref<64x128xf32, #tpu.memory_space<hbm>>
    tpu.enqueue_dma source(%dma_start3A_116 : memref<64x128xf32, #tpu.memory_space<hbm>>) target(%arg16 : memref<64x128xf32, #tpu.memory_space<vmem>>) target_semaphore(%arg25 : memref<!tpu.dma_semaphore, #tpu.memory_space<semaphore_mem>>)
    %scan3A = arith.constant 0 : i32
    %scan3A_117 = arith.constant 32 : i32
    %scan3A_118 = arith.addi %scan3A, %scan3A_117 : i32
    %scan3A_119 = arith.constant 1 : i32
    scf.for %scan3A_695 = %scan3A to %scan3A_118 step %scan3A_119  : i32 {
      %mul3A_696 = arith.constant 8 : i32
      %mul3A_697 = arith.muli %scan3A_695, %mul3A_696 : i32
      %add3A_698 = arith.constant 0 : i32
      %add3A_699 = arith.addi %add3A_698, %mul3A_697 : i32
      %add3A_700 = arith.constant 0 : i32
      %add3A_701 = arith.addi %add3A_699, %add3A_700 : i32
      %mul3A_702 = arith.constant 8 : i32
      %mul3A_703 = arith.muli %scan3A_695, %mul3A_702 : i32
      %add3A_704 = arith.constant 0 : i32
      %add3A_705 = arith.addi %mul3A_703, %add3A_704 : i32
      %dma_wait3A_706 = arith.constant 0 : i32
      %dma_wait3A_707 = arith.constant 0 : i32
      %dma_wait3A_708 = tpu.memref_slice %arg3[%dma_wait3A_706, %dma_wait3A_707] : memref<64x1000000xf32, #tpu.memory_space<hbm>> -> memref<64x128xf32, #tpu.memory_space<hbm>>
      %dma_wait3A_709 = arith.constant 0 : i32
      %dma_wait3A_710 = arith.constant 0 : i32
      %dma_wait3A_711 = tpu.memref_slice %arg3[%dma_wait3A_709, %dma_wait3A_710] : memref<64x1000000xf32, #tpu.memory_space<hbm>> -> memref<64x128xf32, #tpu.memory_space<hbm>>
      tpu.wait_dma2 semaphore(%arg18 : memref<!tpu.dma_semaphore, #tpu.memory_space<semaphore_mem>>) src(%dma_wait3A_711 : memref<64x128xf32, #tpu.memory_space<hbm>>) dst(%arg9 : memref<64x128xf32, #tpu.memory_space<vmem>>)
      %get3A_712 = arith.index_cast %add3A_701 : i32 to index
      %get3A_713 = tpu.vector_load %arg7[%get3A_712] {strides = array<i32>} : memref<528xi32, #tpu.memory_space<vmem>>, vector<16xi32>,
      %slice3A_714 = vector.extract_strided_slice %get3A_713 {offsets = [0], sizes = [1], strides = [1]} : vector<16xi32> to vector<1xi32>
      %squeeze3A_715 = vector.extract %slice3A_714[0] : i32 from vector<1xi32>
      %shift_right_logical3A_716 = arith.constant 7 : i32
      %shift_right_logical3A_717 = arith.shrui %squeeze3A_715, %shift_right_logical3A_716 : i32
      %min3A_718 = arith.constant 7811 : i32
      %min3A_719 = arith.minsi %shift_right_logical3A_717, %min3A_718 : i32
      %mul3A_720 = arith.constant 128 : i32
      %mul3A_721 = arith.muli %min3A_719, %mul3A_720 : i32
      %sub3A = arith.subi %squeeze3A_715, %mul3A_721 : i32
      %min3A_722 = arith.constant 127 : i32
      %min3A_723 = arith.minsi %sub3A, %min3A_722 : i32
      %broadcast_in_dim3A = vector.broadcast %min3A_723 : i32 to vector<16xi32>
      %broadcast_in_dim3A_724 = vector.broadcast %add3A_705 : i32 to vector<16xi32>
      %iota3A = tpu.iota {dimensions = array<i32: 0>} : vector<16xi32>
      %add3A_725 = arith.constant 0 : i32
      %add3A_726 = vector.broadcast %add3A_725 : i32 to vector<16xi32>
      %add3A_727 = arith.addi %iota3A, %add3A_726 : vector<16xi32>
      %gather3A = tpu.vector_load_idx %arg9[%add3A_727, %broadcast_in_dim3A] : memref<64x128xf32, #tpu.memory_space<vmem>>[vector<16xi32>, vector<16xi32>], vector<16xf32>,
      tpu.vector_store_idx %arg17[%add3A_727, %broadcast_in_dim3A_724], %gather3A : memref<64x256xf32, #tpu.memory_space<vmem>>[vector<16xi32>, vector<16xi32>], vector<16xf32>,
      %iota3A_728 = tpu.iota {dimensions = array<i32: 0>} : vector<16xi32>
      %add3A_729 = arith.constant 16 : i32
      %add3A_730 = vector.broadcast %add3A_729 : i32 to vector<16xi32>
      %add3A_731 = arith.addi %iota3A_728, %add3A_730 : vector<16xi32>
      %gather3A_732 = tpu.vector_load_idx %arg9[%add3A_731, %broadcast_in_dim3A] : memref<64x128xf32, #tpu.memory_space<vmem>>[vector<16xi32>, vector<16xi32>], vector<16xf32>,
      tpu.vector_store_idx %arg17[%add3A_731, %broadcast_in_dim3A_724], %gather3A_732 : memref<64x256xf32, #tpu.memory_space<vmem>>[vector<16xi32>, vector<16xi32>], vector<16xf32>,
      %iota3A_733 = tpu.iota {dimensions = array<i32: 0>} : vector<16xi32>
      %add3A_734 = arith.constant 32 : i32
      %add3A_735 = vector.broadcast %add3A_734 : i32 to vector<16xi32>
      %add3A_736 = arith.addi %iota3A_733, %add3A_735 : vector<16xi32>
      %gather3A_737 = tpu.vector_load_idx %arg9[%add3A_736, %broadcast_in_dim3A] : memref<64x128xf32, #tpu.memory_space<vmem>>[vector<16xi32>, vector<16xi32>], vector<16xf32>,
      tpu.vector_store_idx %arg17[%add3A_736, %broadcast_in_dim3A_724], %gather3A_737 : memref<64x256xf32, #tpu.memory_space<vmem>>[vector<16xi32>, vector<16xi32>], vector<16xf32>,
      %iota3A_738 = tpu.iota {dimensions = array<i32: 0>} : vector<16xi32>
      %add3A_739 = arith.constant 48 : i32
      %add3A_740 = vector.broadcast %add3A_739 : i32 to vector<16xi32>
      %add3A_741 = arith.addi %iota3A_738, %add3A_740 : vector<16xi32>
      %gather3A_742 = tpu.vector_load_idx %arg9[%add3A_741, %broadcast_in_dim3A] : memref<64x128xf32, #tpu.memory_space<vmem>>[vector<16xi32>, vector<16xi32>], vector<16xf32>,
      tpu.vector_store_idx %arg17[%add3A_741, %broadcast_in_dim3A_724], %gather3A_742 : memref<64x256xf32, #tpu.memory_space<vmem>>[vector<16xi32>, vector<16xi32>], vector<16xf32>,
      %add3A_743 = arith.constant 8 : i32
      %add3A_744 = arith.addi %add3A_701, %add3A_743 : i32
      %min3A_745 = arith.constant 255 : i32
      %min3A_746 = arith.minsi %add3A_744, %min3A_745 : i32
      %get3A_747 = arith.index_cast %min3A_746 : i32 to index
      %get3A_748 = tpu.vector_load %arg7[%get3A_747] {strides = array<i32>} : memref<528xi32, #tpu.memory_space<vmem>>, vector<16xi32>,
      %slice3A_749 = vector.extract_strided_slice %get3A_748 {offsets = [0], sizes = [1], strides = [1]} : vector<16xi32> to vector<1xi32>
      %squeeze3A_750 = vector.extract %slice3A_749[0] : i32 from vector<1xi32>
      %shift_right_logical3A_751 = arith.constant 7 : i32
      %shift_right_logical3A_752 = arith.shrui %squeeze3A_750, %shift_right_logical3A_751 : i32
      %min3A_753 = arith.constant 7811 : i32
      %min3A_754 = arith.minsi %shift_right_logical3A_752, %min3A_753 : i32
      %mul3A_755 = arith.constant 128 : i32
      %mul3A_756 = arith.muli %min3A_754, %mul3A_755 : i32
      %multiple_of3A_757 = tpu.assume_multiple %mul3A_756, 128 : i32
      %dma_start3A_758 = arith.constant 0 : i32
      %dma_start3A_759 = tpu.memref_slice %arg3[%dma_start3A_758, %multiple_of3A_757] : memref<64x1000000xf32, #tpu.memory_space<hbm>> -> memref<64x128xf32, #tpu.memory_space<hbm>>
      %dma_start3A_760 = arith.constant 0 : i32
      %dma_start3A_761 = tpu.memref_slice %arg3[%dma_start3A_760, %multiple_of3A_757] : memref<64x1000000xf32, #tpu.memory_space<hbm>> -> memref<64x128xf32, #tpu.memory_space<hbm>>
      tpu.enqueue_dma source(%dma_start3A_761 : memref<64x128xf32, #tpu.memory_space<hbm>>) target(%arg9 : memref<64x128xf32, #tpu.memory_space<vmem>>) target_semaphore(%arg18 : memref<!tpu.dma_semaphore, #tpu.memory_space<semaphore_mem>>)
      %mul3A_762 = arith.constant 8 : i32
      %mul3A_763 = arith.muli %scan3A_695, %mul3A_762 : i32
      %add3A_764 = arith.constant 0 : i32
      %add3A_765 = arith.addi %add3A_764, %mul3A_763 : i32
      %add3A_766 = arith.constant 1 : i32
      %add3A_767 = arith.addi %add3A_765, %add3A_766 : i32
      %mul3A_768 = arith.constant 8 : i32
      %mul3A_769 = arith.muli %scan3A_695, %mul3A_768 : i32
      %add3A_770 = arith.constant 1 : i32
      %add3A_771 = arith.addi %mul3A_769, %add3A_770 : i32
      %dma_wait3A_772 = arith.constant 0 : i32
      %dma_wait3A_773 = arith.constant 0 : i32
      %dma_wait3A_774 = tpu.memref_slice %arg3[%dma_wait3A_772, %dma_wait3A_773] : memref<64x1000000xf32, #tpu.memory_space<hbm>> -> memref<64x128xf32, #tpu.memory_space<hbm>>
      %dma_wait3A_775 = arith.constant 0 : i32
      %dma_wait3A_776 = arith.constant 0 : i32
      %dma_wait3A_777 = tpu.memref_slice %arg3[%dma_wait3A_775, %dma_wait3A_776] : memref<64x1000000xf32, #tpu.memory_space<hbm>> -> memref<64x128xf32, #tpu.memory_space<hbm>>
      tpu.wait_dma2 semaphore(%arg19 : memref<!tpu.dma_semaphore, #tpu.memory_space<semaphore_mem>>) src(%dma_wait3A_777 : memref<64x128xf32, #tpu.memory_space<hbm>>) dst(%arg10 : memref<64x128xf32, #tpu.memory_space<vmem>>)
      %get3A_778 = arith.index_cast %add3A_767 : i32 to index
      %get3A_779 = tpu.vector_load %arg7[%get3A_778] {strides = array<i32>} : memref<528xi32, #tpu.memory_space<vmem>>, vector<16xi32>,
      %slice3A_780 = vector.extract_strided_slice %get3A_779 {offsets = [0], sizes = [1], strides = [1]} : vector<16xi32> to vector<1xi32>
      %squeeze3A_781 = vector.extract %slice3A_780[0] : i32 from vector<1xi32>
      %shift_right_logical3A_782 = arith.constant 7 : i32
      %shift_right_logical3A_783 = arith.shrui %squeeze3A_781, %shift_right_logical3A_782 : i32
      %min3A_784 = arith.constant 7811 : i32
      %min3A_785 = arith.minsi %shift_right_logical3A_783, %min3A_784 : i32
      %mul3A_786 = arith.constant 128 : i32
      %mul3A_787 = arith.muli %min3A_785, %mul3A_786 : i32
      %sub3A_788 = arith.subi %squeeze3A_781, %mul3A_787 : i32
      %min3A_789 = arith.constant 127 : i32
      %min3A_790 = arith.minsi %sub3A_788, %min3A_789 : i32
      %broadcast_in_dim3A_791 = vector.broadcast %min3A_790 : i32 to vector<16xi32>
      %broadcast_in_dim3A_792 = vector.broadcast %add3A_771 : i32 to vector<16xi32>
      %iota3A_793 = tpu.iota {dimensions = array<i32: 0>} : vector<16xi32>
      %add3A_794 = arith.constant 0 : i32
      %add3A_795 = vector.broadcast %add3A_794 : i32 to vector<16xi32>
      %add3A_796 = arith.addi %iota3A_793, %add3A_795 : vector<16xi32>
      %gather3A_797 = tpu.vector_load_idx %arg10[%add3A_796, %broadcast_in_dim3A_791] : memref<64x128xf32, #tpu.memory_space<vmem>>[vector<16xi32>, vector<16xi32>], vector<16xf32>,
      tpu.vector_store_idx %arg17[%add3A_796, %broadcast_in_dim3A_792], %gather3A_797 : memref<64x256xf32, #tpu.memory_space<vmem>>[vector<16xi32>, vector<16xi32>], vector<16xf32>,
      %iota3A_798 = tpu.iota {dimensions = array<i32: 0>} : vector<16xi32>
      %add3A_799 = arith.constant 16 : i32
      %add3A_800 = vector.broadcast %add3A_799 : i32 to vector<16xi32>
      %add3A_801 = arith.addi %iota3A_798, %add3A_800 : vector<16xi32>
      %gather3A_802 = tpu.vector_load_idx %arg10[%add3A_801, %broadcast_in_dim3A_791] : memref<64x128xf32, #tpu.memory_space<vmem>>[vector<16xi32>, vector<16xi32>], vector<16xf32>,
      tpu.vector_store_idx %arg17[%add3A_801, %broadcast_in_dim3A_792], %gather3A_802 : memref<64x256xf32, #tpu.memory_space<vmem>>[vector<16xi32>, vector<16xi32>], vector<16xf32>,
      %iota3A_803 = tpu.iota {dimensions = array<i32: 0>} : vector<16xi32>
      %add3A_804 = arith.constant 32 : i32
      %add3A_805 = vector.broadcast %add3A_804 : i32 to vector<16xi32>
      %add3A_806 = arith.addi %iota3A_803, %add3A_805 : vector<16xi32>
      %gather3A_807 = tpu.vector_load_idx %arg10[%add3A_806, %broadcast_in_dim3A_791] : memref<64x128xf32, #tpu.memory_space<vmem>>[vector<16xi32>, vector<16xi32>], vector<16xf32>,
      tpu.vector_store_idx %arg17[%add3A_806, %broadcast_in_dim3A_792], %gather3A_807 : memref<64x256xf32, #tpu.memory_space<vmem>>[vector<16xi32>, vector<16xi32>], vector<16xf32>,
      %iota3A_808 = tpu.iota {dimensions = array<i32: 0>} : vector<16xi32>
      %add3A_809 = arith.constant 48 : i32
      %add3A_810 = vector.broadcast %add3A_809 : i32 to vector<16xi32>
      %add3A_811 = arith.addi %iota3A_808, %add3A_810 : vector<16xi32>
      %gather3A_812 = tpu.vector_load_idx %arg10[%add3A_811, %broadcast_in_dim3A_791] : memref<64x128xf32, #tpu.memory_space<vmem>>[vector<16xi32>, vector<16xi32>], vector<16xf32>,
      tpu.vector_store_idx %arg17[%add3A_811, %broadcast_in_dim3A_792], %gather3A_812 : memref<64x256xf32, #tpu.memory_space<vmem>>[vector<16xi32>, vector<16xi32>], vector<16xf32>,
      %add3A_813 = arith.constant 8 : i32
      %add3A_814 = arith.addi %add3A_767, %add3A_813 : i32
      %min3A_815 = arith.constant 255 : i32
      %min3A_816 = arith.minsi %add3A_814, %min3A_815 : i32
      %get3A_817 = arith.index_cast %min3A_816 : i32 to index
      %get3A_818 = tpu.vector_load %arg7[%get3A_817] {strides = array<i32>} : memref<528xi32, #tpu.memory_space<vmem>>, vector<16xi32>,
      %slice3A_819 = vector.extract_strided_slice %get3A_818 {offsets = [0], sizes = [1], strides = [1]} : vector<16xi32> to vector<1xi32>
      %squeeze3A_820 = vector.extract %slice3A_819[0] : i32 from vector<1xi32>
      %shift_right_logical3A_821 = arith.constant 7 : i32
      %shift_right_logical3A_822 = arith.shrui %squeeze3A_820, %shift_right_logical3A_821 : i32
      %min3A_823 = arith.constant 7811 : i32
      %min3A_824 = arith.minsi %shift_right_logical3A_822, %min3A_823 : i32
      %mul3A_825 = arith.constant 128 : i32
      %mul3A_826 = arith.muli %min3A_824, %mul3A_825 : i32
      %multiple_of3A_827 = tpu.assume_multiple %mul3A_826, 128 : i32
      %dma_start3A_828 = arith.constant 0 : i32
      %dma_start3A_829 = tpu.memref_slice %arg3[%dma_start3A_828, %multiple_of3A_827] : memref<64x1000000xf32, #tpu.memory_space<hbm>> -> memref<64x128xf32, #tpu.memory_space<hbm>>
      %dma_start3A_830 = arith.constant 0 : i32
      %dma_start3A_831 = tpu.memref_slice %arg3[%dma_start3A_830, %multiple_of3A_827] : memref<64x1000000xf32, #tpu.memory_space<hbm>> -> memref<64x128xf32, #tpu.memory_space<hbm>>
      tpu.enqueue_dma source(%dma_start3A_831 : memref<64x128xf32, #tpu.memory_space<hbm>>) target(%arg10 : memref<64x128xf32, #tpu.memory_space<vmem>>) target_semaphore(%arg19 : memref<!tpu.dma_semaphore, #tpu.memory_space<semaphore_mem>>)
      %mul3A_832 = arith.constant 8 : i32
      %mul3A_833 = arith.muli %scan3A_695, %mul3A_832 : i32
      %add3A_834 = arith.constant 0 : i32
      %add3A_835 = arith.addi %add3A_834, %mul3A_833 : i32
      %add3A_836 = arith.constant 2 : i32
      %add3A_837 = arith.addi %add3A_835, %add3A_836 : i32
      %mul3A_838 = arith.constant 8 : i32
      %mul3A_839 = arith.muli %scan3A_695, %mul3A_838 : i32
      %add3A_840 = arith.constant 2 : i32
      %add3A_841 = arith.addi %mul3A_839, %add3A_840 : i32
      %dma_wait3A_842 = arith.constant 0 : i32
      %dma_wait3A_843 = arith.constant 0 : i32
      %dma_wait3A_844 = tpu.memref_slice %arg3[%dma_wait3A_842, %dma_wait3A_843] : memref<64x1000000xf32, #tpu.memory_space<hbm>> -> memref<64x128xf32, #tpu.memory_space<hbm>>
      %dma_wait3A_845 = arith.constant 0 : i32
      %dma_wait3A_846 = arith.constant 0 : i32
      %dma_wait3A_847 = tpu.memref_slice %arg3[%dma_wait3A_845, %dma_wait3A_846] : memref<64x1000000xf32, #tpu.memory_space<hbm>> -> memref<64x128xf32, #tpu.memory_space<hbm>>
      tpu.wait_dma2 semaphore(%arg20 : memref<!tpu.dma_semaphore, #tpu.memory_space<semaphore_mem>>) src(%dma_wait3A_847 : memref<64x128xf32, #tpu.memory_space<hbm>>) dst(%arg11 : memref<64x128xf32, #tpu.memory_space<vmem>>)
      %get3A_848 = arith.index_cast %add3A_837 : i32 to index
      %get3A_849 = tpu.vector_load %arg7[%get3A_848] {strides = array<i32>} : memref<528xi32, #tpu.memory_space<vmem>>, vector<16xi32>,
      %slice3A_850 = vector.extract_strided_slice %get3A_849 {offsets = [0], sizes = [1], strides = [1]} : vector<16xi32> to vector<1xi32>
      %squeeze3A_851 = vector.extract %slice3A_850[0] : i32 from vector<1xi32>
      %shift_right_logical3A_852 = arith.constant 7 : i32
      %shift_right_logical3A_853 = arith.shrui %squeeze3A_851, %shift_right_logical3A_852 : i32
      %min3A_854 = arith.constant 7811 : i32
      %min3A_855 = arith.minsi %shift_right_logical3A_853, %min3A_854 : i32
      %mul3A_856 = arith.constant 128 : i32
      %mul3A_857 = arith.muli %min3A_855, %mul3A_856 : i32
      %sub3A_858 = arith.subi %squeeze3A_851, %mul3A_857 : i32
      %min3A_859 = arith.constant 127 : i32
      %min3A_860 = arith.minsi %sub3A_858, %min3A_859 : i32
      %broadcast_in_dim3A_861 = vector.broadcast %min3A_860 : i32 to vector<16xi32>
      %broadcast_in_dim3A_862 = vector.broadcast %add3A_841 : i32 to vector<16xi32>
      %iota3A_863 = tpu.iota {dimensions = array<i32: 0>} : vector<16xi32>
      %add3A_864 = arith.constant 0 : i32
      %add3A_865 = vector.broadcast %add3A_864 : i32 to vector<16xi32>
      %add3A_866 = arith.addi %iota3A_863, %add3A_865 : vector<16xi32>
      %gather3A_867 = tpu.vector_load_idx %arg11[%add3A_866, %broadcast_in_dim3A_861] : memref<64x128xf32, #tpu.memory_space<vmem>>[vector<16xi32>, vector<16xi32>], vector<16xf32>,
      tpu.vector_store_idx %arg17[%add3A_866, %broadcast_in_dim3A_862], %gather3A_867 : memref<64x256xf32, #tpu.memory_space<vmem>>[vector<16xi32>, vector<16xi32>], vector<16xf32>,
      %iota3A_868 = tpu.iota {dimensions = array<i32: 0>} : vector<16xi32>
      %add3A_869 = arith.constant 16 : i32
      %add3A_870 = vector.broadcast %add3A_869 : i32 to vector<16xi32>
      %add3A_871 = arith.addi %iota3A_868, %add3A_870 : vector<16xi32>
      %gather3A_872 = tpu.vector_load_idx %arg11[%add3A_871, %broadcast_in_dim3A_861] : memref<64x128xf32, #tpu.memory_space<vmem>>[vector<16xi32>, vector<16xi32>], vector<16xf32>,
      tpu.vector_store_idx %arg17[%add3A_871, %broadcast_in_dim3A_862], %gather3A_872 : memref<64x256xf32, #tpu.memory_space<vmem>>[vector<16xi32>, vector<16xi32>], vector<16xf32>,
      %iota3A_873 = tpu.iota {dimensions = array<i32: 0>} : vector<16xi32>
      %add3A_874 = arith.constant 32 : i32
      %add3A_875 = vector.broadcast %add3A_874 : i32 to vector<16xi32>
      %add3A_876 = arith.addi %iota3A_873, %add3A_875 : vector<16xi32>
      %gather3A_877 = tpu.vector_load_idx %arg11[%add3A_876, %broadcast_in_dim3A_861] : memref<64x128xf32, #tpu.memory_space<vmem>>[vector<16xi32>, vector<16xi32>], vector<16xf32>,
      tpu.vector_store_idx %arg17[%add3A_876, %broadcast_in_dim3A_862], %gather3A_877 : memref<64x256xf32, #tpu.memory_space<vmem>>[vector<16xi32>, vector<16xi32>], vector<16xf32>,
      %iota3A_878 = tpu.iota {dimensions = array<i32: 0>} : vector<16xi32>
      %add3A_879 = arith.constant 48 : i32
      %add3A_880 = vector.broadcast %add3A_879 : i32 to vector<16xi32>
      %add3A_881 = arith.addi %iota3A_878, %add3A_880 : vector<16xi32>
      %gather3A_882 = tpu.vector_load_idx %arg11[%add3A_881, %broadcast_in_dim3A_861] : memref<64x128xf32, #tpu.memory_space<vmem>>[vector<16xi32>, vector<16xi32>], vector<16xf32>,
      tpu.vector_store_idx %arg17[%add3A_881, %broadcast_in_dim3A_862], %gather3A_882 : memref<64x256xf32, #tpu.memory_space<vmem>>[vector<16xi32>, vector<16xi32>], vector<16xf32>,
      %add3A_883 = arith.constant 8 : i32
      %add3A_884 = arith.addi %add3A_837, %add3A_883 : i32
      %min3A_885 = arith.constant 255 : i32
      %min3A_886 = arith.minsi %add3A_884, %min3A_885 : i32
      %get3A_887 = arith.index_cast %min3A_886 : i32 to index
      %get3A_888 = tpu.vector_load %arg7[%get3A_887] {strides = array<i32>} : memref<528xi32, #tpu.memory_space<vmem>>, vector<16xi32>,
      %slice3A_889 = vector.extract_strided_slice %get3A_888 {offsets = [0], sizes = [1], strides = [1]} : vector<16xi32> to vector<1xi32>
      %squeeze3A_890 = vector.extract %slice3A_889[0] : i32 from vector<1xi32>
      %shift_right_logical3A_891 = arith.constant 7 : i32
      %shift_right_logical3A_892 = arith.shrui %squeeze3A_890, %shift_right_logical3A_891 : i32
      %min3A_893 = arith.constant 7811 : i32
      %min3A_894 = arith.minsi %shift_right_logical3A_892, %min3A_893 : i32
      %mul3A_895 = arith.constant 128 : i32
      %mul3A_896 = arith.muli %min3A_894, %mul3A_895 : i32
      %multiple_of3A_897 = tpu.assume_multiple %mul3A_896, 128 : i32
      %dma_start3A_898 = arith.constant 0 : i32
      %dma_start3A_899 = tpu.memref_slice %arg3[%dma_start3A_898, %multiple_of3A_897] : memref<64x1000000xf32, #tpu.memory_space<hbm>> -> memref<64x128xf32, #tpu.memory_space<hbm>>
      %dma_start3A_900 = arith.constant 0 : i32
      %dma_start3A_901 = tpu.memref_slice %arg3[%dma_start3A_900, %multiple_of3A_897] : memref<64x1000000xf32, #tpu.memory_space<hbm>> -> memref<64x128xf32, #tpu.memory_space<hbm>>
      tpu.enqueue_dma source(%dma_start3A_901 : memref<64x128xf32, #tpu.memory_space<hbm>>) target(%arg11 : memref<64x128xf32, #tpu.memory_space<vmem>>) target_semaphore(%arg20 : memref<!tpu.dma_semaphore, #tpu.memory_space<semaphore_mem>>)
      %mul3A_902 = arith.constant 8 : i32
      %mul3A_903 = arith.muli %scan3A_695, %mul3A_902 : i32
      %add3A_904 = arith.constant 0 : i32
      %add3A_905 = arith.addi %add3A_904, %mul3A_903 : i32
      %add3A_906 = arith.constant 3 : i32
      %add3A_907 = arith.addi %add3A_905, %add3A_906 : i32
      %mul3A_908 = arith.constant 8 : i32
      %mul3A_909 = arith.muli %scan3A_695, %mul3A_908 : i32
      %add3A_910 = arith.constant 3 : i32
      %add3A_911 = arith.addi %mul3A_909, %add3A_910 : i32
      %dma_wait3A_912 = arith.constant 0 : i32
      %dma_wait3A_913 = arith.constant 0 : i32
      %dma_wait3A_914 = tpu.memref_slice %arg3[%dma_wait3A_912, %dma_wait3A_913] : memref<64x1000000xf32, #tpu.memory_space<hbm>> -> memref<64x128xf32, #tpu.memory_space<hbm>>
      %dma_wait3A_915 = arith.constant 0 : i32
      %dma_wait3A_916 = arith.constant 0 : i32
      %dma_wait3A_917 = tpu.memref_slice %arg3[%dma_wait3A_915, %dma_wait3A_916] : memref<64x1000000xf32, #tpu.memory_space<hbm>> -> memref<64x128xf32, #tpu.memory_space<hbm>>
      tpu.wait_dma2 semaphore(%arg21 : memref<!tpu.dma_semaphore, #tpu.memory_space<semaphore_mem>>) src(%dma_wait3A_917 : memref<64x128xf32, #tpu.memory_space<hbm>>) dst(%arg12 : memref<64x128xf32, #tpu.memory_space<vmem>>)
      %get3A_918 = arith.index_cast %add3A_907 : i32 to index
      %get3A_919 = tpu.vector_load %arg7[%get3A_918] {strides = array<i32>} : memref<528xi32, #tpu.memory_space<vmem>>, vector<16xi32>,
      %slice3A_920 = vector.extract_strided_slice %get3A_919 {offsets = [0], sizes = [1], strides = [1]} : vector<16xi32> to vector<1xi32>
      %squeeze3A_921 = vector.extract %slice3A_920[0] : i32 from vector<1xi32>
      %shift_right_logical3A_922 = arith.constant 7 : i32
      %shift_right_logical3A_923 = arith.shrui %squeeze3A_921, %shift_right_logical3A_922 : i32
      %min3A_924 = arith.constant 7811 : i32
      %min3A_925 = arith.minsi %shift_right_logical3A_923, %min3A_924 : i32
      %mul3A_926 = arith.constant 128 : i32
      %mul3A_927 = arith.muli %min3A_925, %mul3A_926 : i32
      %sub3A_928 = arith.subi %squeeze3A_921, %mul3A_927 : i32
      %min3A_929 = arith.constant 127 : i32
      %min3A_930 = arith.minsi %sub3A_928, %min3A_929 : i32
      %broadcast_in_dim3A_931 = vector.broadcast %min3A_930 : i32 to vector<16xi32>
      %broadcast_in_dim3A_932 = vector.broadcast %add3A_911 : i32 to vector<16xi32>
      %iota3A_933 = tpu.iota {dimensions = array<i32: 0>} : vector<16xi32>
      %add3A_934 = arith.constant 0 : i32
      %add3A_935 = vector.broadcast %add3A_934 : i32 to vector<16xi32>
      %add3A_936 = arith.addi %iota3A_933, %add3A_935 : vector<16xi32>
      %gather3A_937 = tpu.vector_load_idx %arg12[%add3A_936, %broadcast_in_dim3A_931] : memref<64x128xf32, #tpu.memory_space<vmem>>[vector<16xi32>, vector<16xi32>], vector<16xf32>,
      tpu.vector_store_idx %arg17[%add3A_936, %broadcast_in_dim3A_932], %gather3A_937 : memref<64x256xf32, #tpu.memory_space<vmem>>[vector<16xi32>, vector<16xi32>], vector<16xf32>,
      %iota3A_938 = tpu.iota {dimensions = array<i32: 0>} : vector<16xi32>
      %add3A_939 = arith.constant 16 : i32
      %add3A_940 = vector.broadcast %add3A_939 : i32 to vector<16xi32>
      %add3A_941 = arith.addi %iota3A_938, %add3A_940 : vector<16xi32>
      %gather3A_942 = tpu.vector_load_idx %arg12[%add3A_941, %broadcast_in_dim3A_931] : memref<64x128xf32, #tpu.memory_space<vmem>>[vector<16xi32>, vector<16xi32>], vector<16xf32>,
      tpu.vector_store_idx %arg17[%add3A_941, %broadcast_in_dim3A_932], %gather3A_942 : memref<64x256xf32, #tpu.memory_space<vmem>>[vector<16xi32>, vector<16xi32>], vector<16xf32>,
      %iota3A_943 = tpu.iota {dimensions = array<i32: 0>} : vector<16xi32>
      %add3A_944 = arith.constant 32 : i32
      %add3A_945 = vector.broadcast %add3A_944 : i32 to vector<16xi32>
      %add3A_946 = arith.addi %iota3A_943, %add3A_945 : vector<16xi32>
      %gather3A_947 = tpu.vector_load_idx %arg12[%add3A_946, %broadcast_in_dim3A_931] : memref<64x128xf32, #tpu.memory_space<vmem>>[vector<16xi32>, vector<16xi32>], vector<16xf32>,
      tpu.vector_store_idx %arg17[%add3A_946, %broadcast_in_dim3A_932], %gather3A_947 : memref<64x256xf32, #tpu.memory_space<vmem>>[vector<16xi32>, vector<16xi32>], vector<16xf32>,
      %iota3A_948 = tpu.iota {dimensions = array<i32: 0>} : vector<16xi32>
      %add3A_949 = arith.constant 48 : i32
      %add3A_950 = vector.broadcast %add3A_949 : i32 to vector<16xi32>
      %add3A_951 = arith.addi %iota3A_948, %add3A_950 : vector<16xi32>
      %gather3A_952 = tpu.vector_load_idx %arg12[%add3A_951, %broadcast_in_dim3A_931] : memref<64x128xf32, #tpu.memory_space<vmem>>[vector<16xi32>, vector<16xi32>], vector<16xf32>,
      tpu.vector_store_idx %arg17[%add3A_951, %broadcast_in_dim3A_932], %gather3A_952 : memref<64x256xf32, #tpu.memory_space<vmem>>[vector<16xi32>, vector<16xi32>], vector<16xf32>,
      %add3A_953 = arith.constant 8 : i32
      %add3A_954 = arith.addi %add3A_907, %add3A_953 : i32
      %min3A_955 = arith.constant 255 : i32
      %min3A_956 = arith.minsi %add3A_954, %min3A_955 : i32
      %get3A_957 = arith.index_cast %min3A_956 : i32 to index
      %get3A_958 = tpu.vector_load %arg7[%get3A_957] {strides = array<i32>} : memref<528xi32, #tpu.memory_space<vmem>>, vector<16xi32>,
      %slice3A_959 = vector.extract_strided_slice %get3A_958 {offsets = [0], sizes = [1], strides = [1]} : vector<16xi32> to vector<1xi32>
      %squeeze3A_960 = vector.extract %slice3A_959[0] : i32 from vector<1xi32>
      %shift_right_logical3A_961 = arith.constant 7 : i32
      %shift_right_logical3A_962 = arith.shrui %squeeze3A_960, %shift_right_logical3A_961 : i32
      %min3A_963 = arith.constant 7811 : i32
      %min3A_964 = arith.minsi %shift_right_logical3A_962, %min3A_963 : i32
      %mul3A_965 = arith.constant 128 : i32
      %mul3A_966 = arith.muli %min3A_964, %mul3A_965 : i32
      %multiple_of3A_967 = tpu.assume_multiple %mul3A_966, 128 : i32
      %dma_start3A_968 = arith.constant 0 : i32
      %dma_start3A_969 = tpu.memref_slice %arg3[%dma_start3A_968, %multiple_of3A_967] : memref<64x1000000xf32, #tpu.memory_space<hbm>> -> memref<64x128xf32, #tpu.memory_space<hbm>>
      %dma_start3A_970 = arith.constant 0 : i32
      %dma_start3A_971 = tpu.memref_slice %arg3[%dma_start3A_970, %multiple_of3A_967] : memref<64x1000000xf32, #tpu.memory_space<hbm>> -> memref<64x128xf32, #tpu.memory_space<hbm>>
      tpu.enqueue_dma source(%dma_start3A_971 : memref<64x128xf32, #tpu.memory_space<hbm>>) target(%arg12 : memref<64x128xf32, #tpu.memory_space<vmem>>) target_semaphore(%arg21 : memref<!tpu.dma_semaphore, #tpu.memory_space<semaphore_mem>>)
      %mul3A_972 = arith.constant 8 : i32
      %mul3A_973 = arith.muli %scan3A_695, %mul3A_972 : i32
      %add3A_974 = arith.constant 0 : i32
      %add3A_975 = arith.addi %add3A_974, %mul3A_973 : i32
      %add3A_976 = arith.constant 4 : i32
      %add3A_977 = arith.addi %add3A_975, %add3A_976 : i32
      %mul3A_978 = arith.constant 8 : i32
      %mul3A_979 = arith.muli %scan3A_695, %mul3A_978 : i32
      %add3A_980 = arith.constant 4 : i32
      %add3A_981 = arith.addi %mul3A_979, %add3A_980 : i32
      %dma_wait3A_982 = arith.constant 0 : i32
      %dma_wait3A_983 = arith.constant 0 : i32
      %dma_wait3A_984 = tpu.memref_slice %arg3[%dma_wait3A_982, %dma_wait3A_983] : memref<64x1000000xf32, #tpu.memory_space<hbm>> -> memref<64x128xf32, #tpu.memory_space<hbm>>
      %dma_wait3A_985 = arith.constant 0 : i32
      %dma_wait3A_986 = arith.constant 0 : i32
      %dma_wait3A_987 = tpu.memref_slice %arg3[%dma_wait3A_985, %dma_wait3A_986] : memref<64x1000000xf32, #tpu.memory_space<hbm>> -> memref<64x128xf32, #tpu.memory_space<hbm>>
      tpu.wait_dma2 semaphore(%arg22 : memref<!tpu.dma_semaphore, #tpu.memory_space<semaphore_mem>>) src(%dma_wait3A_987 : memref<64x128xf32, #tpu.memory_space<hbm>>) dst(%arg13 : memref<64x128xf32, #tpu.memory_space<vmem>>)
      %get3A_988 = arith.index_cast %add3A_977 : i32 to index
      %get3A_989 = tpu.vector_load %arg7[%get3A_988] {strides = array<i32>} : memref<528xi32, #tpu.memory_space<vmem>>, vector<16xi32>,
      %slice3A_990 = vector.extract_strided_slice %get3A_989 {offsets = [0], sizes = [1], strides = [1]} : vector<16xi32> to vector<1xi32>
      %squeeze3A_991 = vector.extract %slice3A_990[0] : i32 from vector<1xi32>
      %shift_right_logical3A_992 = arith.constant 7 : i32
      %shift_right_logical3A_993 = arith.shrui %squeeze3A_991, %shift_right_logical3A_992 : i32
      %min3A_994 = arith.constant 7811 : i32
      %min3A_995 = arith.minsi %shift_right_logical3A_993, %min3A_994 : i32
      %mul3A_996 = arith.constant 128 : i32
      %mul3A_997 = arith.muli %min3A_995, %mul3A_996 : i32
      %sub3A_998 = arith.subi %squeeze3A_991, %mul3A_997 : i32
      %min3A_999 = arith.constant 127 : i32
      %min3A_1000 = arith.minsi %sub3A_998, %min3A_999 : i32
      %broadcast_in_dim3A_1001 = vector.broadcast %min3A_1000 : i32 to vector<16xi32>
      %broadcast_in_dim3A_1002 = vector.broadcast %add3A_981 : i32 to vector<16xi32>
      %iota3A_1003 = tpu.iota {dimensions = array<i32: 0>} : vector<16xi32>
      %add3A_1004 = arith.constant 0 : i32
      %add3A_1005 = vector.broadcast %add3A_1004 : i32 to vector<16xi32>
      %add3A_1006 = arith.addi %iota3A_1003, %add3A_1005 : vector<16xi32>
      %gather3A_1007 = tpu.vector_load_idx %arg13[%add3A_1006, %broadcast_in_dim3A_1001] : memref<64x128xf32, #tpu.memory_space<vmem>>[vector<16xi32>, vector<16xi32>], vector<16xf32>,
      tpu.vector_store_idx %arg17[%add3A_1006, %broadcast_in_dim3A_1002], %gather3A_1007 : memref<64x256xf32, #tpu.memory_space<vmem>>[vector<16xi32>, vector<16xi32>], vector<16xf32>,
      %iota3A_1008 = tpu.iota {dimensions = array<i32: 0>} : vector<16xi32>
      %add3A_1009 = arith.constant 16 : i32
      %add3A_1010 = vector.broadcast %add3A_1009 : i32 to vector<16xi32>
      %add3A_1011 = arith.addi %iota3A_1008, %add3A_1010 : vector<16xi32>
      %gather3A_1012 = tpu.vector_load_idx %arg13[%add3A_1011, %broadcast_in_dim3A_1001] : memref<64x128xf32, #tpu.memory_space<vmem>>[vector<16xi32>, vector<16xi32>], vector<16xf32>,
      tpu.vector_store_idx %arg17[%add3A_1011, %broadcast_in_dim3A_1002], %gather3A_1012 : memref<64x256xf32, #tpu.memory_space<vmem>>[vector<16xi32>, vector<16xi32>], vector<16xf32>,
      %iota3A_1013 = tpu.iota {dimensions = array<i32: 0>} : vector<16xi32>
      %add3A_1014 = arith.constant 32 : i32
      %add3A_1015 = vector.broadcast %add3A_1014 : i32 to vector<16xi32>
      %add3A_1016 = arith.addi %iota3A_1013, %add3A_1015 : vector<16xi32>
      %gather3A_1017 = tpu.vector_load_idx %arg13[%add3A_1016, %broadcast_in_dim3A_1001] : memref<64x128xf32, #tpu.memory_space<vmem>>[vector<16xi32>, vector<16xi32>], vector<16xf32>,
      tpu.vector_store_idx %arg17[%add3A_1016, %broadcast_in_dim3A_1002], %gather3A_1017 : memref<64x256xf32, #tpu.memory_space<vmem>>[vector<16xi32>, vector<16xi32>], vector<16xf32>,
      %iota3A_1018 = tpu.iota {dimensions = array<i32: 0>} : vector<16xi32>
      %add3A_1019 = arith.constant 48 : i32
      %add3A_1020 = vector.broadcast %add3A_1019 : i32 to vector<16xi32>
      %add3A_1021 = arith.addi %iota3A_1018, %add3A_1020 : vector<16xi32>
      %gather3A_1022 = tpu.vector_load_idx %arg13[%add3A_1021, %broadcast_in_dim3A_1001] : memref<64x128xf32, #tpu.memory_space<vmem>>[vector<16xi32>, vector<16xi32>], vector<16xf32>,
      tpu.vector_store_idx %arg17[%add3A_1021, %broadcast_in_dim3A_1002], %gather3A_1022 : memref<64x256xf32, #tpu.memory_space<vmem>>[vector<16xi32>, vector<16xi32>], vector<16xf32>,
      %add3A_1023 = arith.constant 8 : i32
      %add3A_1024 = arith.addi %add3A_977, %add3A_1023 : i32
      %min3A_1025 = arith.constant 255 : i32
      %min3A_1026 = arith.minsi %add3A_1024, %min3A_1025 : i32
      %get3A_1027 = arith.index_cast %min3A_1026 : i32 to index
      %get3A_1028 = tpu.vector_load %arg7[%get3A_1027] {strides = array<i32>} : memref<528xi32, #tpu.memory_space<vmem>>, vector<16xi32>,
      %slice3A_1029 = vector.extract_strided_slice %get3A_1028 {offsets = [0], sizes = [1], strides = [1]} : vector<16xi32> to vector<1xi32>
      %squeeze3A_1030 = vector.extract %slice3A_1029[0] : i32 from vector<1xi32>
      %shift_right_logical3A_1031 = arith.constant 7 : i32
      %shift_right_logical3A_1032 = arith.shrui %squeeze3A_1030, %shift_right_logical3A_1031 : i32
      %min3A_1033 = arith.constant 7811 : i32
      %min3A_1034 = arith.minsi %shift_right_logical3A_1032, %min3A_1033 : i32
      %mul3A_1035 = arith.constant 128 : i32
      %mul3A_1036 = arith.muli %min3A_1034, %mul3A_1035 : i32
      %multiple_of3A_1037 = tpu.assume_multiple %mul3A_1036, 128 : i32
      %dma_start3A_1038 = arith.constant 0 : i32
      %dma_start3A_1039 = tpu.memref_slice %arg3[%dma_start3A_1038, %multiple_of3A_1037] : memref<64x1000000xf32, #tpu.memory_space<hbm>> -> memref<64x128xf32, #tpu.memory_space<hbm>>
      %dma_start3A_1040 = arith.constant 0 : i32
      %dma_start3A_1041 = tpu.memref_slice %arg3[%dma_start3A_1040, %multiple_of3A_1037] : memref<64x1000000xf32, #tpu.memory_space<hbm>> -> memref<64x128xf32, #tpu.memory_space<hbm>>
      tpu.enqueue_dma source(%dma_start3A_1041 : memref<64x128xf32, #tpu.memory_space<hbm>>) target(%arg13 : memref<64x128xf32, #tpu.memory_space<vmem>>) target_semaphore(%arg22 : memref<!tpu.dma_semaphore, #tpu.memory_space<semaphore_mem>>)
      %mul3A_1042 = arith.constant 8 : i32
      %mul3A_1043 = arith.muli %scan3A_695, %mul3A_1042 : i32
      %add3A_1044 = arith.constant 0 : i32
      %add3A_1045 = arith.addi %add3A_1044, %mul3A_1043 : i32
      %add3A_1046 = arith.constant 5 : i32
      %add3A_1047 = arith.addi %add3A_1045, %add3A_1046 : i32
      %mul3A_1048 = arith.constant 8 : i32
      %mul3A_1049 = arith.muli %scan3A_695, %mul3A_1048 : i32
      %add3A_1050 = arith.constant 5 : i32
      %add3A_1051 = arith.addi %mul3A_1049, %add3A_1050 : i32
      %dma_wait3A_1052 = arith.constant 0 : i32
      %dma_wait3A_1053 = arith.constant 0 : i32
      %dma_wait3A_1054 = tpu.memref_slice %arg3[%dma_wait3A_1052, %dma_wait3A_1053] : memref<64x1000000xf32, #tpu.memory_space<hbm>> -> memref<64x128xf32, #tpu.memory_space<hbm>>
      %dma_wait3A_1055 = arith.constant 0 : i32
      %dma_wait3A_1056 = arith.constant 0 : i32
      %dma_wait3A_1057 = tpu.memref_slice %arg3[%dma_wait3A_1055, %dma_wait3A_1056] : memref<64x1000000xf32, #tpu.memory_space<hbm>> -> memref<64x128xf32, #tpu.memory_space<hbm>>
      tpu.wait_dma2 semaphore(%arg23 : memref<!tpu.dma_semaphore, #tpu.memory_space<semaphore_mem>>) src(%dma_wait3A_1057 : memref<64x128xf32, #tpu.memory_space<hbm>>) dst(%arg14 : memref<64x128xf32, #tpu.memory_space<vmem>>)
      %get3A_1058 = arith.index_cast %add3A_1047 : i32 to index
      %get3A_1059 = tpu.vector_load %arg7[%get3A_1058] {strides = array<i32>} : memref<528xi32, #tpu.memory_space<vmem>>, vector<16xi32>,
      %slice3A_1060 = vector.extract_strided_slice %get3A_1059 {offsets = [0], sizes = [1], strides = [1]} : vector<16xi32> to vector<1xi32>
      %squeeze3A_1061 = vector.extract %slice3A_1060[0] : i32 from vector<1xi32>
      %shift_right_logical3A_1062 = arith.constant 7 : i32
      %shift_right_logical3A_1063 = arith.shrui %squeeze3A_1061, %shift_right_logical3A_1062 : i32
      %min3A_1064 = arith.constant 7811 : i32
      %min3A_1065 = arith.minsi %shift_right_logical3A_1063, %min3A_1064 : i32
      %mul3A_1066 = arith.constant 128 : i32
      %mul3A_1067 = arith.muli %min3A_1065, %mul3A_1066 : i32
      %sub3A_1068 = arith.subi %squeeze3A_1061, %mul3A_1067 : i32
      %min3A_1069 = arith.constant 127 : i32
      %min3A_1070 = arith.minsi %sub3A_1068, %min3A_1069 : i32
      %broadcast_in_dim3A_1071 = vector.broadcast %min3A_1070 : i32 to vector<16xi32>
      %broadcast_in_dim3A_1072 = vector.broadcast %add3A_1051 : i32 to vector<16xi32>
      %iota3A_1073 = tpu.iota {dimensions = array<i32: 0>} : vector<16xi32>
      %add3A_1074 = arith.constant 0 : i32
      %add3A_1075 = vector.broadcast %add3A_1074 : i32 to vector<16xi32>
      %add3A_1076 = arith.addi %iota3A_1073, %add3A_1075 : vector<16xi32>
      %gather3A_1077 = tpu.vector_load_idx %arg14[%add3A_1076, %broadcast_in_dim3A_1071] : memref<64x128xf32, #tpu.memory_space<vmem>>[vector<16xi32>, vector<16xi32>], vector<16xf32>,
      tpu.vector_store_idx %arg17[%add3A_1076, %broadcast_in_dim3A_1072], %gather3A_1077 : memref<64x256xf32, #tpu.memory_space<vmem>>[vector<16xi32>, vector<16xi32>], vector<16xf32>,
      %iota3A_1078 = tpu.iota {dimensions = array<i32: 0>} : vector<16xi32>
      %add3A_1079 = arith.constant 16 : i32
      %add3A_1080 = vector.broadcast %add3A_1079 : i32 to vector<16xi32>
      %add3A_1081 = arith.addi %iota3A_1078, %add3A_1080 : vector<16xi32>
      %gather3A_1082 = tpu.vector_load_idx %arg14[%add3A_1081, %broadcast_in_dim3A_1071] : memref<64x128xf32, #tpu.memory_space<vmem>>[vector<16xi32>, vector<16xi32>], vector<16xf32>,
      tpu.vector_store_idx %arg17[%add3A_1081, %broadcast_in_dim3A_1072], %gather3A_1082 : memref<64x256xf32, #tpu.memory_space<vmem>>[vector<16xi32>, vector<16xi32>], vector<16xf32>,
      %iota3A_1083 = tpu.iota {dimensions = array<i32: 0>} : vector<16xi32>
      %add3A_1084 = arith.constant 32 : i32
      %add3A_1085 = vector.broadcast %add3A_1084 : i32 to vector<16xi32>
      %add3A_1086 = arith.addi %iota3A_1083, %add3A_1085 : vector<16xi32>
      %gather3A_1087 = tpu.vector_load_idx %arg14[%add3A_1086, %broadcast_in_dim3A_1071] : memref<64x128xf32, #tpu.memory_space<vmem>>[vector<16xi32>, vector<16xi32>], vector<16xf32>,
      tpu.vector_store_idx %arg17[%add3A_1086, %broadcast_in_dim3A_1072], %gather3A_1087 : memref<64x256xf32, #tpu.memory_space<vmem>>[vector<16xi32>, vector<16xi32>], vector<16xf32>,
      %iota3A_1088 = tpu.iota {dimensions = array<i32: 0>} : vector<16xi32>
      %add3A_1089 = arith.constant 48 : i32
      %add3A_1090 = vector.broadcast %add3A_1089 : i32 to vector<16xi32>
      %add3A_1091 = arith.addi %iota3A_1088, %add3A_1090 : vector<16xi32>
      %gather3A_1092 = tpu.vector_load_idx %arg14[%add3A_1091, %broadcast_in_dim3A_1071] : memref<64x128xf32, #tpu.memory_space<vmem>>[vector<16xi32>, vector<16xi32>], vector<16xf32>,
      tpu.vector_store_idx %arg17[%add3A_1091, %broadcast_in_dim3A_1072], %gather3A_1092 : memref<64x256xf32, #tpu.memory_space<vmem>>[vector<16xi32>, vector<16xi32>], vector<16xf32>,
      %add3A_1093 = arith.constant 8 : i32
      %add3A_1094 = arith.addi %add3A_1047, %add3A_1093 : i32
      %min3A_1095 = arith.constant 255 : i32
      %min3A_1096 = arith.minsi %add3A_1094, %min3A_1095 : i32
      %get3A_1097 = arith.index_cast %min3A_1096 : i32 to index
      %get3A_1098 = tpu.vector_load %arg7[%get3A_1097] {strides = array<i32>} : memref<528xi32, #tpu.memory_space<vmem>>, vector<16xi32>,
      %slice3A_1099 = vector.extract_strided_slice %get3A_1098 {offsets = [0], sizes = [1], strides = [1]} : vector<16xi32> to vector<1xi32>
      %squeeze3A_1100 = vector.extract %slice3A_1099[0] : i32 from vector<1xi32>
      %shift_right_logical3A_1101 = arith.constant 7 : i32
      %shift_right_logical3A_1102 = arith.shrui %squeeze3A_1100, %shift_right_logical3A_1101 : i32
      %min3A_1103 = arith.constant 7811 : i32
      %min3A_1104 = arith.minsi %shift_right_logical3A_1102, %min3A_1103 : i32
      %mul3A_1105 = arith.constant 128 : i32
      %mul3A_1106 = arith.muli %min3A_1104, %mul3A_1105 : i32
      %multiple_of3A_1107 = tpu.assume_multiple %mul3A_1106, 128 : i32
      %dma_start3A_1108 = arith.constant 0 : i32
      %dma_start3A_1109 = tpu.memref_slice %arg3[%dma_start3A_1108, %multiple_of3A_1107] : memref<64x1000000xf32, #tpu.memory_space<hbm>> -> memref<64x128xf32, #tpu.memory_space<hbm>>
      %dma_start3A_1110 = arith.constant 0 : i32
      %dma_start3A_1111 = tpu.memref_slice %arg3[%dma_start3A_1110, %multiple_of3A_1107] : memref<64x1000000xf32, #tpu.memory_space<hbm>> -> memref<64x128xf32, #tpu.memory_space<hbm>>
      tpu.enqueue_dma source(%dma_start3A_1111 : memref<64x128xf32, #tpu.memory_space<hbm>>) target(%arg14 : memref<64x128xf32, #tpu.memory_space<vmem>>) target_semaphore(%arg23 : memref<!tpu.dma_semaphore, #tpu.memory_space<semaphore_mem>>)
      %mul3A_1112 = arith.constant 8 : i32
      %mul3A_1113 = arith.muli %scan3A_695, %mul3A_1112 : i32
      %add3A_1114 = arith.constant 0 : i32
      %add3A_1115 = arith.addi %add3A_1114, %mul3A_1113 : i32
      %add3A_1116 = arith.constant 6 : i32
      %add3A_1117 = arith.addi %add3A_1115, %add3A_1116 : i32
      %mul3A_1118 = arith.constant 8 : i32
      %mul3A_1119 = arith.muli %scan3A_695, %mul3A_1118 : i32
      %add3A_1120 = arith.constant 6 : i32
      %add3A_1121 = arith.addi %mul3A_1119, %add3A_1120 : i32
      %dma_wait3A_1122 = arith.constant 0 : i32
      %dma_wait3A_1123 = arith.constant 0 : i32
      %dma_wait3A_1124 = tpu.memref_slice %arg3[%dma_wait3A_1122, %dma_wait3A_1123] : memref<64x1000000xf32, #tpu.memory_space<hbm>> -> memref<64x128xf32, #tpu.memory_space<hbm>>
      %dma_wait3A_1125 = arith.constant 0 : i32
      %dma_wait3A_1126 = arith.constant 0 : i32
      %dma_wait3A_1127 = tpu.memref_slice %arg3[%dma_wait3A_1125, %dma_wait3A_1126] : memref<64x1000000xf32, #tpu.memory_space<hbm>> -> memref<64x128xf32, #tpu.memory_space<hbm>>
      tpu.wait_dma2 semaphore(%arg24 : memref<!tpu.dma_semaphore, #tpu.memory_space<semaphore_mem>>) src(%dma_wait3A_1127 : memref<64x128xf32, #tpu.memory_space<hbm>>) dst(%arg15 : memref<64x128xf32, #tpu.memory_space<vmem>>)
      %get3A_1128 = arith.index_cast %add3A_1117 : i32 to index
      %get3A_1129 = tpu.vector_load %arg7[%get3A_1128] {strides = array<i32>} : memref<528xi32, #tpu.memory_space<vmem>>, vector<16xi32>,
      %slice3A_1130 = vector.extract_strided_slice %get3A_1129 {offsets = [0], sizes = [1], strides = [1]} : vector<16xi32> to vector<1xi32>
      %squeeze3A_1131 = vector.extract %slice3A_1130[0] : i32 from vector<1xi32>
      %shift_right_logical3A_1132 = arith.constant 7 : i32
      %shift_right_logical3A_1133 = arith.shrui %squeeze3A_1131, %shift_right_logical3A_1132 : i32
      %min3A_1134 = arith.constant 7811 : i32
      %min3A_1135 = arith.minsi %shift_right_logical3A_1133, %min3A_1134 : i32
      %mul3A_1136 = arith.constant 128 : i32
      %mul3A_1137 = arith.muli %min3A_1135, %mul3A_1136 : i32
      %sub3A_1138 = arith.subi %squeeze3A_1131, %mul3A_1137 : i32
      %min3A_1139 = arith.constant 127 : i32
      %min3A_1140 = arith.minsi %sub3A_1138, %min3A_1139 : i32
      %broadcast_in_dim3A_1141 = vector.broadcast %min3A_1140 : i32 to vector<16xi32>
      %broadcast_in_dim3A_1142 = vector.broadcast %add3A_1121 : i32 to vector<16xi32>
      %iota3A_1143 = tpu.iota {dimensions = array<i32: 0>} : vector<16xi32>
      %add3A_1144 = arith.constant 0 : i32
      %add3A_1145 = vector.broadcast %add3A_1144 : i32 to vector<16xi32>
      %add3A_1146 = arith.addi %iota3A_1143, %add3A_1145 : vector<16xi32>
      %gather3A_1147 = tpu.vector_load_idx %arg15[%add3A_1146, %broadcast_in_dim3A_1141] : memref<64x128xf32, #tpu.memory_space<vmem>>[vector<16xi32>, vector<16xi32>], vector<16xf32>,
      tpu.vector_store_idx %arg17[%add3A_1146, %broadcast_in_dim3A_1142], %gather3A_1147 : memref<64x256xf32, #tpu.memory_space<vmem>>[vector<16xi32>, vector<16xi32>], vector<16xf32>,
      %iota3A_1148 = tpu.iota {dimensions = array<i32: 0>} : vector<16xi32>
      %add3A_1149 = arith.constant 16 : i32
      %add3A_1150 = vector.broadcast %add3A_1149 : i32 to vector<16xi32>
      %add3A_1151 = arith.addi %iota3A_1148, %add3A_1150 : vector<16xi32>
      %gather3A_1152 = tpu.vector_load_idx %arg15[%add3A_1151, %broadcast_in_dim3A_1141] : memref<64x128xf32, #tpu.memory_space<vmem>>[vector<16xi32>, vector<16xi32>], vector<16xf32>,
      tpu.vector_store_idx %arg17[%add3A_1151, %broadcast_in_dim3A_1142], %gather3A_1152 : memref<64x256xf32, #tpu.memory_space<vmem>>[vector<16xi32>, vector<16xi32>], vector<16xf32>,
      %iota3A_1153 = tpu.iota {dimensions = array<i32: 0>} : vector<16xi32>
      %add3A_1154 = arith.constant 32 : i32
      %add3A_1155 = vector.broadcast %add3A_1154 : i32 to vector<16xi32>
      %add3A_1156 = arith.addi %iota3A_1153, %add3A_1155 : vector<16xi32>
      %gather3A_1157 = tpu.vector_load_idx %arg15[%add3A_1156, %broadcast_in_dim3A_1141] : memref<64x128xf32, #tpu.memory_space<vmem>>[vector<16xi32>, vector<16xi32>], vector<16xf32>,
      tpu.vector_store_idx %arg17[%add3A_1156, %broadcast_in_dim3A_1142], %gather3A_1157 : memref<64x256xf32, #tpu.memory_space<vmem>>[vector<16xi32>, vector<16xi32>], vector<16xf32>,
      %iota3A_1158 = tpu.iota {dimensions = array<i32: 0>} : vector<16xi32>
      %add3A_1159 = arith.constant 48 : i32
      %add3A_1160 = vector.broadcast %add3A_1159 : i32 to vector<16xi32>
      %add3A_1161 = arith.addi %iota3A_1158, %add3A_1160 : vector<16xi32>
      %gather3A_1162 = tpu.vector_load_idx %arg15[%add3A_1161, %broadcast_in_dim3A_1141] : memref<64x128xf32, #tpu.memory_space<vmem>>[vector<16xi32>, vector<16xi32>], vector<16xf32>,
      tpu.vector_store_idx %arg17[%add3A_1161, %broadcast_in_dim3A_1142], %gather3A_1162 : memref<64x256xf32, #tpu.memory_space<vmem>>[vector<16xi32>, vector<16xi32>], vector<16xf32>,
      %add3A_1163 = arith.constant 8 : i32
      %add3A_1164 = arith.addi %add3A_1117, %add3A_1163 : i32
      %min3A_1165 = arith.constant 255 : i32
      %min3A_1166 = arith.minsi %add3A_1164, %min3A_1165 : i32
      %get3A_1167 = arith.index_cast %min3A_1166 : i32 to index
      %get3A_1168 = tpu.vector_load %arg7[%get3A_1167] {strides = array<i32>} : memref<528xi32, #tpu.memory_space<vmem>>, vector<16xi32>,
      %slice3A_1169 = vector.extract_strided_slice %get3A_1168 {offsets = [0], sizes = [1], strides = [1]} : vector<16xi32> to vector<1xi32>
      %squeeze3A_1170 = vector.extract %slice3A_1169[0] : i32 from vector<1xi32>
      %shift_right_logical3A_1171 = arith.constant 7 : i32
      %shift_right_logical3A_1172 = arith.shrui %squeeze3A_1170, %shift_right_logical3A_1171 : i32
      %min3A_1173 = arith.constant 7811 : i32
      %min3A_1174 = arith.minsi %shift_right_logical3A_1172, %min3A_1173 : i32
      %mul3A_1175 = arith.constant 128 : i32
      %mul3A_1176 = arith.muli %min3A_1174, %mul3A_1175 : i32
      %multiple_of3A_1177 = tpu.assume_multiple %mul3A_1176, 128 : i32
      %dma_start3A_1178 = arith.constant 0 : i32
      %dma_start3A_1179 = tpu.memref_slice %arg3[%dma_start3A_1178, %multiple_of3A_1177] : memref<64x1000000xf32, #tpu.memory_space<hbm>> -> memref<64x128xf32, #tpu.memory_space<hbm>>
      %dma_start3A_1180 = arith.constant 0 : i32
      %dma_start3A_1181 = tpu.memref_slice %arg3[%dma_start3A_1180, %multiple_of3A_1177] : memref<64x1000000xf32, #tpu.memory_space<hbm>> -> memref<64x128xf32, #tpu.memory_space<hbm>>
      tpu.enqueue_dma source(%dma_start3A_1181 : memref<64x128xf32, #tpu.memory_space<hbm>>) target(%arg15 : memref<64x128xf32, #tpu.memory_space<vmem>>) target_semaphore(%arg24 : memref<!tpu.dma_semaphore, #tpu.memory_space<semaphore_mem>>)
      %mul3A_1182 = arith.constant 8 : i32
      %mul3A_1183 = arith.muli %scan3A_695, %mul3A_1182 : i32
      %add3A_1184 = arith.constant 0 : i32
      %add3A_1185 = arith.addi %add3A_1184, %mul3A_1183 : i32
      %add3A_1186 = arith.constant 7 : i32
      %add3A_1187 = arith.addi %add3A_1185, %add3A_1186 : i32
      %mul3A_1188 = arith.constant 8 : i32
      %mul3A_1189 = arith.muli %scan3A_695, %mul3A_1188 : i32
      %add3A_1190 = arith.constant 7 : i32
      %add3A_1191 = arith.addi %mul3A_1189, %add3A_1190 : i32
      %dma_wait3A_1192 = arith.constant 0 : i32
      %dma_wait3A_1193 = arith.constant 0 : i32
      %dma_wait3A_1194 = tpu.memref_slice %arg3[%dma_wait3A_1192, %dma_wait3A_1193] : memref<64x1000000xf32, #tpu.memory_space<hbm>> -> memref<64x128xf32, #tpu.memory_space<hbm>>
      %dma_wait3A_1195 = arith.constant 0 : i32
      %dma_wait3A_1196 = arith.constant 0 : i32
      %dma_wait3A_1197 = tpu.memref_slice %arg3[%dma_wait3A_1195, %dma_wait3A_1196] : memref<64x1000000xf32, #tpu.memory_space<hbm>> -> memref<64x128xf32, #tpu.memory_space<hbm>>
      tpu.wait_dma2 semaphore(%arg25 : memref<!tpu.dma_semaphore, #tpu.memory_space<semaphore_mem>>) src(%dma_wait3A_1197 : memref<64x128xf32, #tpu.memory_space<hbm>>) dst(%arg16 : memref<64x128xf32, #tpu.memory_space<vmem>>)
      %get3A_1198 = arith.index_cast %add3A_1187 : i32 to index
      %get3A_1199 = tpu.vector_load %arg7[%get3A_1198] {strides = array<i32>} : memref<528xi32, #tpu.memory_space<vmem>>, vector<16xi32>,
      %slice3A_1200 = vector.extract_strided_slice %get3A_1199 {offsets = [0], sizes = [1], strides = [1]} : vector<16xi32> to vector<1xi32>
      %squeeze3A_1201 = vector.extract %slice3A_1200[0] : i32 from vector<1xi32>
      %shift_right_logical3A_1202 = arith.constant 7 : i32
      %shift_right_logical3A_1203 = arith.shrui %squeeze3A_1201, %shift_right_logical3A_1202 : i32
      %min3A_1204 = arith.constant 7811 : i32
      %min3A_1205 = arith.minsi %shift_right_logical3A_1203, %min3A_1204 : i32
      %mul3A_1206 = arith.constant 128 : i32
      %mul3A_1207 = arith.muli %min3A_1205, %mul3A_1206 : i32
      %sub3A_1208 = arith.subi %squeeze3A_1201, %mul3A_1207 : i32
      %min3A_1209 = arith.constant 127 : i32
      %min3A_1210 = arith.minsi %sub3A_1208, %min3A_1209 : i32
      %broadcast_in_dim3A_1211 = vector.broadcast %min3A_1210 : i32 to vector<16xi32>
      %broadcast_in_dim3A_1212 = vector.broadcast %add3A_1191 : i32 to vector<16xi32>
      %iota3A_1213 = tpu.iota {dimensions = array<i32: 0>} : vector<16xi32>
      %add3A_1214 = arith.constant 0 : i32
      %add3A_1215 = vector.broadcast %add3A_1214 : i32 to vector<16xi32>
      %add3A_1216 = arith.addi %iota3A_1213, %add3A_1215 : vector<16xi32>
      %gather3A_1217 = tpu.vector_load_idx %arg16[%add3A_1216, %broadcast_in_dim3A_1211] : memref<64x128xf32, #tpu.memory_space<vmem>>[vector<16xi32>, vector<16xi32>], vector<16xf32>,
      tpu.vector_store_idx %arg17[%add3A_1216, %broadcast_in_dim3A_1212], %gather3A_1217 : memref<64x256xf32, #tpu.memory_space<vmem>>[vector<16xi32>, vector<16xi32>], vector<16xf32>,
      %iota3A_1218 = tpu.iota {dimensions = array<i32: 0>} : vector<16xi32>
      %add3A_1219 = arith.constant 16 : i32
      %add3A_1220 = vector.broadcast %add3A_1219 : i32 to vector<16xi32>
      %add3A_1221 = arith.addi %iota3A_1218, %add3A_1220 : vector<16xi32>
      %gather3A_1222 = tpu.vector_load_idx %arg16[%add3A_1221, %broadcast_in_dim3A_1211] : memref<64x128xf32, #tpu.memory_space<vmem>>[vector<16xi32>, vector<16xi32>], vector<16xf32>,
      tpu.vector_store_idx %arg17[%add3A_1221, %broadcast_in_dim3A_1212], %gather3A_1222 : memref<64x256xf32, #tpu.memory_space<vmem>>[vector<16xi32>, vector<16xi32>], vector<16xf32>,
      %iota3A_1223 = tpu.iota {dimensions = array<i32: 0>} : vector<16xi32>
      %add3A_1224 = arith.constant 32 : i32
      %add3A_1225 = vector.broadcast %add3A_1224 : i32 to vector<16xi32>
      %add3A_1226 = arith.addi %iota3A_1223, %add3A_1225 : vector<16xi32>
      %gather3A_1227 = tpu.vector_load_idx %arg16[%add3A_1226, %broadcast_in_dim3A_1211] : memref<64x128xf32, #tpu.memory_space<vmem>>[vector<16xi32>, vector<16xi32>], vector<16xf32>,
      tpu.vector_store_idx %arg17[%add3A_1226, %broadcast_in_dim3A_1212], %gather3A_1227 : memref<64x256xf32, #tpu.memory_space<vmem>>[vector<16xi32>, vector<16xi32>], vector<16xf32>,
      %iota3A_1228 = tpu.iota {dimensions = array<i32: 0>} : vector<16xi32>
      %add3A_1229 = arith.constant 48 : i32
      %add3A_1230 = vector.broadcast %add3A_1229 : i32 to vector<16xi32>
      %add3A_1231 = arith.addi %iota3A_1228, %add3A_1230 : vector<16xi32>
      %gather3A_1232 = tpu.vector_load_idx %arg16[%add3A_1231, %broadcast_in_dim3A_1211] : memref<64x128xf32, #tpu.memory_space<vmem>>[vector<16xi32>, vector<16xi32>], vector<16xf32>,
      tpu.vector_store_idx %arg17[%add3A_1231, %broadcast_in_dim3A_1212], %gather3A_1232 : memref<64x256xf32, #tpu.memory_space<vmem>>[vector<16xi32>, vector<16xi32>], vector<16xf32>,
      %add3A_1233 = arith.constant 8 : i32
      %add3A_1234 = arith.addi %add3A_1187, %add3A_1233 : i32
      %min3A_1235 = arith.constant 255 : i32
      %min3A_1236 = arith.minsi %add3A_1234, %min3A_1235 : i32
      %get3A_1237 = arith.index_cast %min3A_1236 : i32 to index
      %get3A_1238 = tpu.vector_load %arg7[%get3A_1237] {strides = array<i32>} : memref<528xi32, #tpu.memory_space<vmem>>, vector<16xi32>,
      %slice3A_1239 = vector.extract_strided_slice %get3A_1238 {offsets = [0], sizes = [1], strides = [1]} : vector<16xi32> to vector<1xi32>
      %squeeze3A_1240 = vector.extract %slice3A_1239[0] : i32 from vector<1xi32>
      %shift_right_logical3A_1241 = arith.constant 7 : i32
      %shift_right_logical3A_1242 = arith.shrui %squeeze3A_1240, %shift_right_logical3A_1241 : i32
      %min3A_1243 = arith.constant 7811 : i32
      %min3A_1244 = arith.minsi %shift_right_logical3A_1242, %min3A_1243 : i32
      %mul3A_1245 = arith.constant 128 : i32
      %mul3A_1246 = arith.muli %min3A_1244, %mul3A_1245 : i32
      %multiple_of3A_1247 = tpu.assume_multiple %mul3A_1246, 128 : i32
      %dma_start3A_1248 = arith.constant 0 : i32
      %dma_start3A_1249 = tpu.memref_slice %arg3[%dma_start3A_1248, %multiple_of3A_1247] : memref<64x1000000xf32, #tpu.memory_space<hbm>> -> memref<64x128xf32, #tpu.memory_space<hbm>>
      %dma_start3A_1250 = arith.constant 0 : i32
      %dma_start3A_1251 = tpu.memref_slice %arg3[%dma_start3A_1250, %multiple_of3A_1247] : memref<64x1000000xf32, #tpu.memory_space<hbm>> -> memref<64x128xf32, #tpu.memory_space<hbm>>
      tpu.enqueue_dma source(%dma_start3A_1251 : memref<64x128xf32, #tpu.memory_space<hbm>>) target(%arg16 : memref<64x128xf32, #tpu.memory_space<vmem>>) target_semaphore(%arg25 : memref<!tpu.dma_semaphore, #tpu.memory_space<semaphore_mem>>)
    }
    %scan3A_120 = arith.constant 32 : i32
    %dma_wait3A = arith.constant 0 : i32
    %dma_wait3A_121 = arith.constant 0 : i32
    %dma_wait3A_122 = tpu.memref_slice %arg3[%dma_wait3A, %dma_wait3A_121] : memref<64x1000000xf32, #tpu.memory_space<hbm>> -> memref<64x128xf32, #tpu.memory_space<hbm>>
    %dma_wait3A_123 = arith.constant 0 : i32
    %dma_wait3A_124 = arith.constant 0 : i32
    %dma_wait3A_125 = tpu.memref_slice %arg3[%dma_wait3A_123, %dma_wait3A_124] : memref<64x1000000xf32, #tpu.memory_space<hbm>> -> memref<64x128xf32, #tpu.memory_space<hbm>>
    tpu.wait_dma2 semaphore(%arg18 : memref<!tpu.dma_semaphore, #tpu.memory_space<semaphore_mem>>) src(%dma_wait3A_125 : memref<64x128xf32, #tpu.memory_space<hbm>>) dst(%arg9 : memref<64x128xf32, #tpu.memory_space<vmem>>)
    %dma_wait3A_126 = arith.constant 0 : i32
    %dma_wait3A_127 = arith.constant 0 : i32
    %dma_wait3A_128 = tpu.memref_slice %arg3[%dma_wait3A_126, %dma_wait3A_127] : memref<64x1000000xf32, #tpu.memory_space<hbm>> -> memref<64x128xf32, #tpu.memory_space<hbm>>
    %dma_wait3A_129 = arith.constant 0 : i32
    %dma_wait3A_130 = arith.constant 0 : i32
    %dma_wait3A_131 = tpu.memref_slice %arg3[%dma_wait3A_129, %dma_wait3A_130] : memref<64x1000000xf32, #tpu.memory_space<hbm>> -> memref<64x128xf32, #tpu.memory_space<hbm>>
    tpu.wait_dma2 semaphore(%arg19 : memref<!tpu.dma_semaphore, #tpu.memory_space<semaphore_mem>>) src(%dma_wait3A_131 : memref<64x128xf32, #tpu.memory_space<hbm>>) dst(%arg10 : memref<64x128xf32, #tpu.memory_space<vmem>>)
    %dma_wait3A_132 = arith.constant 0 : i32
    %dma_wait3A_133 = arith.constant 0 : i32
    %dma_wait3A_134 = tpu.memref_slice %arg3[%dma_wait3A_132, %dma_wait3A_133] : memref<64x1000000xf32, #tpu.memory_space<hbm>> -> memref<64x128xf32, #tpu.memory_space<hbm>>
    %dma_wait3A_135 = arith.constant 0 : i32
    %dma_wait3A_136 = arith.constant 0 : i32
    %dma_wait3A_137 = tpu.memref_slice %arg3[%dma_wait3A_135, %dma_wait3A_136] : memref<64x1000000xf32, #tpu.memory_space<hbm>> -> memref<64x128xf32, #tpu.memory_space<hbm>>
    tpu.wait_dma2 semaphore(%arg20 : memref<!tpu.dma_semaphore, #tpu.memory_space<semaphore_mem>>) src(%dma_wait3A_137 : memref<64x128xf32, #tpu.memory_space<hbm>>) dst(%arg11 : memref<64x128xf32, #tpu.memory_space<vmem>>)
    %dma_wait3A_138 = arith.constant 0 : i32
    %dma_wait3A_139 = arith.constant 0 : i32
    %dma_wait3A_140 = tpu.memref_slice %arg3[%dma_wait3A_138, %dma_wait3A_139] : memref<64x1000000xf32, #tpu.memory_space<hbm>> -> memref<64x128xf32, #tpu.memory_space<hbm>>
    %dma_wait3A_141 = arith.constant 0 : i32
    %dma_wait3A_142 = arith.constant 0 : i32
    %dma_wait3A_143 = tpu.memref_slice %arg3[%dma_wait3A_141, %dma_wait3A_142] : memref<64x1000000xf32, #tpu.memory_space<hbm>> -> memref<64x128xf32, #tpu.memory_space<hbm>>
    tpu.wait_dma2 semaphore(%arg21 : memref<!tpu.dma_semaphore, #tpu.memory_space<semaphore_mem>>) src(%dma_wait3A_143 : memref<64x128xf32, #tpu.memory_space<hbm>>) dst(%arg12 : memref<64x128xf32, #tpu.memory_space<vmem>>)
    %dma_wait3A_144 = arith.constant 0 : i32
    %dma_wait3A_145 = arith.constant 0 : i32
    %dma_wait3A_146 = tpu.memref_slice %arg3[%dma_wait3A_144, %dma_wait3A_145] : memref<64x1000000xf32, #tpu.memory_space<hbm>> -> memref<64x128xf32, #tpu.memory_space<hbm>>
    %dma_wait3A_147 = arith.constant 0 : i32
    %dma_wait3A_148 = arith.constant 0 : i32
    %dma_wait3A_149 = tpu.memref_slice %arg3[%dma_wait3A_147, %dma_wait3A_148] : memref<64x1000000xf32, #tpu.memory_space<hbm>> -> memref<64x128xf32, #tpu.memory_space<hbm>>
    tpu.wait_dma2 semaphore(%arg22 : memref<!tpu.dma_semaphore, #tpu.memory_space<semaphore_mem>>) src(%dma_wait3A_149 : memref<64x128xf32, #tpu.memory_space<hbm>>) dst(%arg13 : memref<64x128xf32, #tpu.memory_space<vmem>>)
    %dma_wait3A_150 = arith.constant 0 : i32
    %dma_wait3A_151 = arith.constant 0 : i32
    %dma_wait3A_152 = tpu.memref_slice %arg3[%dma_wait3A_150, %dma_wait3A_151] : memref<64x1000000xf32, #tpu.memory_space<hbm>> -> memref<64x128xf32, #tpu.memory_space<hbm>>
    %dma_wait3A_153 = arith.constant 0 : i32
    %dma_wait3A_154 = arith.constant 0 : i32
    %dma_wait3A_155 = tpu.memref_slice %arg3[%dma_wait3A_153, %dma_wait3A_154] : memref<64x1000000xf32, #tpu.memory_space<hbm>> -> memref<64x128xf32, #tpu.memory_space<hbm>>
    tpu.wait_dma2 semaphore(%arg23 : memref<!tpu.dma_semaphore, #tpu.memory_space<semaphore_mem>>) src(%dma_wait3A_155 : memref<64x128xf32, #tpu.memory_space<hbm>>) dst(%arg14 : memref<64x128xf32, #tpu.memory_space<vmem>>)
    %dma_wait3A_156 = arith.constant 0 : i32
    %dma_wait3A_157 = arith.constant 0 : i32
    %dma_wait3A_158 = tpu.memref_slice %arg3[%dma_wait3A_156, %dma_wait3A_157] : memref<64x1000000xf32, #tpu.memory_space<hbm>> -> memref<64x128xf32, #tpu.memory_space<hbm>>
    %dma_wait3A_159 = arith.constant 0 : i32
    %dma_wait3A_160 = arith.constant 0 : i32
    %dma_wait3A_161 = tpu.memref_slice %arg3[%dma_wait3A_159, %dma_wait3A_160] : memref<64x1000000xf32, #tpu.memory_space<hbm>> -> memref<64x128xf32, #tpu.memory_space<hbm>>
    tpu.wait_dma2 semaphore(%arg24 : memref<!tpu.dma_semaphore, #tpu.memory_space<semaphore_mem>>) src(%dma_wait3A_161 : memref<64x128xf32, #tpu.memory_space<hbm>>) dst(%arg15 : memref<64x128xf32, #tpu.memory_space<vmem>>)
    %dma_wait3A_162 = arith.constant 0 : i32
    %dma_wait3A_163 = arith.constant 0 : i32
    %dma_wait3A_164 = tpu.memref_slice %arg3[%dma_wait3A_162, %dma_wait3A_163] : memref<64x1000000xf32, #tpu.memory_space<hbm>> -> memref<64x128xf32, #tpu.memory_space<hbm>>
    %dma_wait3A_165 = arith.constant 0 : i32
    %dma_wait3A_166 = arith.constant 0 : i32
    %dma_wait3A_167 = tpu.memref_slice %arg3[%dma_wait3A_165, %dma_wait3A_166] : memref<64x1000000xf32, #tpu.memory_space<hbm>> -> memref<64x128xf32, #tpu.memory_space<hbm>>
    tpu.wait_dma2 semaphore(%arg25 : memref<!tpu.dma_semaphore, #tpu.memory_space<semaphore_mem>>) src(%dma_wait3A_167 : memref<64x128xf32, #tpu.memory_space<hbm>>) dst(%arg16 : memref<64x128xf32, #tpu.memory_space<vmem>>)
    %add3A_168 = arith.constant 0 : i32
    %add3A_169 = arith.addi %mul3A_2, %add3A_168 : i32
    "tpu.region"() ({
      %run_scoped3A_695 = tpu.sem_alloc : memref<!tpu.dma_semaphore, #tpu.memory_space<semaphore_mem>>
      %dma_start3A_696 = arith.constant 0 : i32
      %dma_start3A_697 = tpu.memref_slice %arg5[%dma_start3A_696, %add3A_169] : memref<64x16384xf32, #tpu.memory_space<hbm>> -> memref<64x256xf32, #tpu.memory_space<hbm>>
      %dma_start3A_698 = arith.constant 0 : i32
      %dma_start3A_699 = tpu.memref_slice %arg5[%dma_start3A_698, %add3A_169] : memref<64x16384xf32, #tpu.memory_space<hbm>> -> memref<64x256xf32, #tpu.memory_space<hbm>>
      tpu.enqueue_dma source(%arg17 : memref<64x256xf32, #tpu.memory_space<vmem>>) target(%dma_start3A_699 : memref<64x256xf32, #tpu.memory_space<hbm>>) target_semaphore(%run_scoped3A_695 : memref<!tpu.dma_semaphore, #tpu.memory_space<semaphore_mem>>)
      %dma_wait3A_700 = arith.constant 0 : i32
      %dma_wait3A_701 = tpu.memref_slice %arg5[%dma_wait3A_700, %add3A_169] : memref<64x16384xf32, #tpu.memory_space<hbm>> -> memref<64x256xf32, #tpu.memory_space<hbm>>
      %dma_wait3A_702 = arith.constant 0 : i32
      %dma_wait3A_703 = tpu.memref_slice %arg5[%dma_wait3A_702, %add3A_169] : memref<64x16384xf32, #tpu.memory_space<hbm>> -> memref<64x256xf32, #tpu.memory_space<hbm>>
      tpu.wait_dma2 semaphore(%run_scoped3A_695 : memref<!tpu.dma_semaphore, #tpu.memory_space<semaphore_mem>>) src(%arg17 : memref<64x256xf32, #tpu.memory_space<vmem>>) dst(%dma_wait3A_703 : memref<64x256xf32, #tpu.memory_space<hbm>>)
      tpu.yield
    }) : () -> ()
    %get3A_170 = arith.constant 256 : index
    %get3A_171 = tpu.vector_load %arg7[%get3A_170] {strides = array<i32>} : memref<528xi32, #tpu.memory_space<vmem>>, vector<16xi32>,
    %slice3A_172 = vector.extract_strided_slice %get3A_171 {offsets = [0], sizes = [1], strides = [1]} : vector<16xi32> to vector<1xi32>
    %squeeze3A_173 = vector.extract %slice3A_172[0] : i32 from vector<1xi32>
    %shift_right_logical3A_174 = arith.constant 7 : i32
    %shift_right_logical3A_175 = arith.shrui %squeeze3A_173, %shift_right_logical3A_174 : i32
    %min3A_176 = arith.constant 7811 : i32
    %min3A_177 = arith.minsi %shift_right_logical3A_175, %min3A_176 : i32
    %mul3A_178 = arith.constant 128 : i32
    %mul3A_179 = arith.muli %min3A_177, %mul3A_178 : i32
    %multiple_of3A_180 = tpu.assume_multiple %mul3A_179, 128 : i32
    %dma_start3A_181 = arith.constant 0 : i32
    %dma_start3A_182 = tpu.memref_slice %arg3[%dma_start3A_181, %multiple_of3A_180] : memref<64x1000000xf32, #tpu.memory_space<hbm>> -> memref<64x128xf32, #tpu.memory_space<hbm>>
    %dma_start3A_183 = arith.constant 0 : i32
    %dma_start3A_184 = tpu.memref_slice %arg3[%dma_start3A_183, %multiple_of3A_180] : memref<64x1000000xf32, #tpu.memory_space<hbm>> -> memref<64x128xf32, #tpu.memory_space<hbm>>
    tpu.enqueue_dma source(%dma_start3A_184 : memref<64x128xf32, #tpu.memory_space<hbm>>) target(%arg9 : memref<64x128xf32, #tpu.memory_space<vmem>>) target_semaphore(%arg18 : memref<!tpu.dma_semaphore, #tpu.memory_space<semaphore_mem>>)
    %get3A_185 = arith.constant 257 : index
    %get3A_186 = tpu.vector_load %arg7[%get3A_185] {strides = array<i32>} : memref<528xi32, #tpu.memory_space<vmem>>, vector<16xi32>,
    %slice3A_187 = vector.extract_strided_slice %get3A_186 {offsets = [0], sizes = [1], strides = [1]} : vector<16xi32> to vector<1xi32>
    %squeeze3A_188 = vector.extract %slice3A_187[0] : i32 from vector<1xi32>
    %shift_right_logical3A_189 = arith.constant 7 : i32
    %shift_right_logical3A_190 = arith.shrui %squeeze3A_188, %shift_right_logical3A_189 : i32
    %min3A_191 = arith.constant 7811 : i32
    %min3A_192 = arith.minsi %shift_right_logical3A_190, %min3A_191 : i32
    %mul3A_193 = arith.constant 128 : i32
    %mul3A_194 = arith.muli %min3A_192, %mul3A_193 : i32
    %multiple_of3A_195 = tpu.assume_multiple %mul3A_194, 128 : i32
    %dma_start3A_196 = arith.constant 0 : i32
    %dma_start3A_197 = tpu.memref_slice %arg3[%dma_start3A_196, %multiple_of3A_195] : memref<64x1000000xf32, #tpu.memory_space<hbm>> -> memref<64x128xf32, #tpu.memory_space<hbm>>
    %dma_start3A_198 = arith.constant 0 : i32
    %dma_start3A_199 = tpu.memref_slice %arg3[%dma_start3A_198, %multiple_of3A_195] : memref<64x1000000xf32, #tpu.memory_space<hbm>> -> memref<64x128xf32, #tpu.memory_space<hbm>>
    tpu.enqueue_dma source(%dma_start3A_199 : memref<64x128xf32, #tpu.memory_space<hbm>>) target(%arg10 : memref<64x128xf32, #tpu.memory_space<vmem>>) target_semaphore(%arg19 : memref<!tpu.dma_semaphore, #tpu.memory_space<semaphore_mem>>)
    %get3A_200 = arith.constant 258 : index
    %get3A_201 = tpu.vector_load %arg7[%get3A_200] {strides = array<i32>} : memref<528xi32, #tpu.memory_space<vmem>>, vector<16xi32>,
    %slice3A_202 = vector.extract_strided_slice %get3A_201 {offsets = [0], sizes = [1], strides = [1]} : vector<16xi32> to vector<1xi32>
    %squeeze3A_203 = vector.extract %slice3A_202[0] : i32 from vector<1xi32>
    %shift_right_logical3A_204 = arith.constant 7 : i32
    %shift_right_logical3A_205 = arith.shrui %squeeze3A_203, %shift_right_logical3A_204 : i32
    %min3A_206 = arith.constant 7811 : i32
    %min3A_207 = arith.minsi %shift_right_logical3A_205, %min3A_206 : i32
    %mul3A_208 = arith.constant 128 : i32
    %mul3A_209 = arith.muli %min3A_207, %mul3A_208 : i32
    %multiple_of3A_210 = tpu.assume_multiple %mul3A_209, 128 : i32
    %dma_start3A_211 = arith.constant 0 : i32
    %dma_start3A_212 = tpu.memref_slice %arg3[%dma_start3A_211, %multiple_of3A_210] : memref<64x1000000xf32, #tpu.memory_space<hbm>> -> memref<64x128xf32, #tpu.memory_space<hbm>>
    %dma_start3A_213 = arith.constant 0 : i32
    %dma_start3A_214 = tpu.memref_slice %arg3[%dma_start3A_213, %multiple_of3A_210] : memref<64x1000000xf32, #tpu.memory_space<hbm>> -> memref<64x128xf32, #tpu.memory_space<hbm>>
    tpu.enqueue_dma source(%dma_start3A_214 : memref<64x128xf32, #tpu.memory_space<hbm>>) target(%arg11 : memref<64x128xf32, #tpu.memory_space<vmem>>) target_semaphore(%arg20 : memref<!tpu.dma_semaphore, #tpu.memory_space<semaphore_mem>>)
    %get3A_215 = arith.constant 259 : index
    %get3A_216 = tpu.vector_load %arg7[%get3A_215] {strides = array<i32>} : memref<528xi32, #tpu.memory_space<vmem>>, vector<16xi32>,
    %slice3A_217 = vector.extract_strided_slice %get3A_216 {offsets = [0], sizes = [1], strides = [1]} : vector<16xi32> to vector<1xi32>
    %squeeze3A_218 = vector.extract %slice3A_217[0] : i32 from vector<1xi32>
    %shift_right_logical3A_219 = arith.constant 7 : i32
    %shift_right_logical3A_220 = arith.shrui %squeeze3A_218, %shift_right_logical3A_219 : i32
    %min3A_221 = arith.constant 7811 : i32
    %min3A_222 = arith.minsi %shift_right_logical3A_220, %min3A_221 : i32
    %mul3A_223 = arith.constant 128 : i32
    %mul3A_224 = arith.muli %min3A_222, %mul3A_223 : i32
    %multiple_of3A_225 = tpu.assume_multiple %mul3A_224, 128 : i32
    %dma_start3A_226 = arith.constant 0 : i32
    %dma_start3A_227 = tpu.memref_slice %arg3[%dma_start3A_226, %multiple_of3A_225] : memref<64x1000000xf32, #tpu.memory_space<hbm>> -> memref<64x128xf32, #tpu.memory_space<hbm>>
    %dma_start3A_228 = arith.constant 0 : i32
    %dma_start3A_229 = tpu.memref_slice %arg3[%dma_start3A_228, %multiple_of3A_225] : memref<64x1000000xf32, #tpu.memory_space<hbm>> -> memref<64x128xf32, #tpu.memory_space<hbm>>
    tpu.enqueue_dma source(%dma_start3A_229 : memref<64x128xf32, #tpu.memory_space<hbm>>) target(%arg12 : memref<64x128xf32, #tpu.memory_space<vmem>>) target_semaphore(%arg21 : memref<!tpu.dma_semaphore, #tpu.memory_space<semaphore_mem>>)
    %get3A_230 = arith.constant 260 : index
    %get3A_231 = tpu.vector_load %arg7[%get3A_230] {strides = array<i32>} : memref<528xi32, #tpu.memory_space<vmem>>, vector<16xi32>,
    %slice3A_232 = vector.extract_strided_slice %get3A_231 {offsets = [0], sizes = [1], strides = [1]} : vector<16xi32> to vector<1xi32>
    %squeeze3A_233 = vector.extract %slice3A_232[0] : i32 from vector<1xi32>
    %shift_right_logical3A_234 = arith.constant 7 : i32
    %shift_right_logical3A_235 = arith.shrui %squeeze3A_233, %shift_right_logical3A_234 : i32
    %min3A_236 = arith.constant 7811 : i32
    %min3A_237 = arith.minsi %shift_right_logical3A_235, %min3A_236 : i32
    %mul3A_238 = arith.constant 128 : i32
    %mul3A_239 = arith.muli %min3A_237, %mul3A_238 : i32
    %multiple_of3A_240 = tpu.assume_multiple %mul3A_239, 128 : i32
    %dma_start3A_241 = arith.constant 0 : i32
    %dma_start3A_242 = tpu.memref_slice %arg3[%dma_start3A_241, %multiple_of3A_240] : memref<64x1000000xf32, #tpu.memory_space<hbm>> -> memref<64x128xf32, #tpu.memory_space<hbm>>
    %dma_start3A_243 = arith.constant 0 : i32
    %dma_start3A_244 = tpu.memref_slice %arg3[%dma_start3A_243, %multiple_of3A_240] : memref<64x1000000xf32, #tpu.memory_space<hbm>> -> memref<64x128xf32, #tpu.memory_space<hbm>>
    tpu.enqueue_dma source(%dma_start3A_244 : memref<64x128xf32, #tpu.memory_space<hbm>>) target(%arg13 : memref<64x128xf32, #tpu.memory_space<vmem>>) target_semaphore(%arg22 : memref<!tpu.dma_semaphore, #tpu.memory_space<semaphore_mem>>)
    %get3A_245 = arith.constant 261 : index
    %get3A_246 = tpu.vector_load %arg7[%get3A_245] {strides = array<i32>} : memref<528xi32, #tpu.memory_space<vmem>>, vector<16xi32>,
    %slice3A_247 = vector.extract_strided_slice %get3A_246 {offsets = [0], sizes = [1], strides = [1]} : vector<16xi32> to vector<1xi32>
    %squeeze3A_248 = vector.extract %slice3A_247[0] : i32 from vector<1xi32>
    %shift_right_logical3A_249 = arith.constant 7 : i32
    %shift_right_logical3A_250 = arith.shrui %squeeze3A_248, %shift_right_logical3A_249 : i32
    %min3A_251 = arith.constant 7811 : i32
    %min3A_252 = arith.minsi %shift_right_logical3A_250, %min3A_251 : i32
    %mul3A_253 = arith.constant 128 : i32
    %mul3A_254 = arith.muli %min3A_252, %mul3A_253 : i32
    %multiple_of3A_255 = tpu.assume_multiple %mul3A_254, 128 : i32
    %dma_start3A_256 = arith.constant 0 : i32
    %dma_start3A_257 = tpu.memref_slice %arg3[%dma_start3A_256, %multiple_of3A_255] : memref<64x1000000xf32, #tpu.memory_space<hbm>> -> memref<64x128xf32, #tpu.memory_space<hbm>>
    %dma_start3A_258 = arith.constant 0 : i32
    %dma_start3A_259 = tpu.memref_slice %arg3[%dma_start3A_258, %multiple_of3A_255] : memref<64x1000000xf32, #tpu.memory_space<hbm>> -> memref<64x128xf32, #tpu.memory_space<hbm>>
    tpu.enqueue_dma source(%dma_start3A_259 : memref<64x128xf32, #tpu.memory_space<hbm>>) target(%arg14 : memref<64x128xf32, #tpu.memory_space<vmem>>) target_semaphore(%arg23 : memref<!tpu.dma_semaphore, #tpu.memory_space<semaphore_mem>>)
    %get3A_260 = arith.constant 262 : index
    %get3A_261 = tpu.vector_load %arg7[%get3A_260] {strides = array<i32>} : memref<528xi32, #tpu.memory_space<vmem>>, vector<16xi32>,
    %slice3A_262 = vector.extract_strided_slice %get3A_261 {offsets = [0], sizes = [1], strides = [1]} : vector<16xi32> to vector<1xi32>
    %squeeze3A_263 = vector.extract %slice3A_262[0] : i32 from vector<1xi32>
    %shift_right_logical3A_264 = arith.constant 7 : i32
    %shift_right_logical3A_265 = arith.shrui %squeeze3A_263, %shift_right_logical3A_264 : i32
    %min3A_266 = arith.constant 7811 : i32
    %min3A_267 = arith.minsi %shift_right_logical3A_265, %min3A_266 : i32
    %mul3A_268 = arith.constant 128 : i32
    %mul3A_269 = arith.muli %min3A_267, %mul3A_268 : i32
    %multiple_of3A_270 = tpu.assume_multiple %mul3A_269, 128 : i32
    %dma_start3A_271 = arith.constant 0 : i32
    %dma_start3A_272 = tpu.memref_slice %arg3[%dma_start3A_271, %multiple_of3A_270] : memref<64x1000000xf32, #tpu.memory_space<hbm>> -> memref<64x128xf32, #tpu.memory_space<hbm>>
    %dma_start3A_273 = arith.constant 0 : i32
    %dma_start3A_274 = tpu.memref_slice %arg3[%dma_start3A_273, %multiple_of3A_270] : memref<64x1000000xf32, #tpu.memory_space<hbm>> -> memref<64x128xf32, #tpu.memory_space<hbm>>
    tpu.enqueue_dma source(%dma_start3A_274 : memref<64x128xf32, #tpu.memory_space<hbm>>) target(%arg15 : memref<64x128xf32, #tpu.memory_space<vmem>>) target_semaphore(%arg24 : memref<!tpu.dma_semaphore, #tpu.memory_space<semaphore_mem>>)
    %get3A_275 = arith.constant 263 : index
    %get3A_276 = tpu.vector_load %arg7[%get3A_275] {strides = array<i32>} : memref<528xi32, #tpu.memory_space<vmem>>, vector<16xi32>,
    %slice3A_277 = vector.extract_strided_slice %get3A_276 {offsets = [0], sizes = [1], strides = [1]} : vector<16xi32> to vector<1xi32>
    %squeeze3A_278 = vector.extract %slice3A_277[0] : i32 from vector<1xi32>
    %shift_right_logical3A_279 = arith.constant 7 : i32
    %shift_right_logical3A_280 = arith.shrui %squeeze3A_278, %shift_right_logical3A_279 : i32
    %min3A_281 = arith.constant 7811 : i32
    %min3A_282 = arith.minsi %shift_right_logical3A_280, %min3A_281 : i32
    %mul3A_283 = arith.constant 128 : i32
    %mul3A_284 = arith.muli %min3A_282, %mul3A_283 : i32
    %multiple_of3A_285 = tpu.assume_multiple %mul3A_284, 128 : i32
    %dma_start3A_286 = arith.constant 0 : i32
    %dma_start3A_287 = tpu.memref_slice %arg3[%dma_start3A_286, %multiple_of3A_285] : memref<64x1000000xf32, #tpu.memory_space<hbm>> -> memref<64x128xf32, #tpu.memory_space<hbm>>
    %dma_start3A_288 = arith.constant 0 : i32
    %dma_start3A_289 = tpu.memref_slice %arg3[%dma_start3A_288, %multiple_of3A_285] : memref<64x1000000xf32, #tpu.memory_space<hbm>> -> memref<64x128xf32, #tpu.memory_space<hbm>>
    tpu.enqueue_dma source(%dma_start3A_289 : memref<64x128xf32, #tpu.memory_space<hbm>>) target(%arg16 : memref<64x128xf32, #tpu.memory_space<vmem>>) target_semaphore(%arg25 : memref<!tpu.dma_semaphore, #tpu.memory_space<semaphore_mem>>)
    %scan3A_290 = arith.constant 0 : i32
    %scan3A_291 = arith.constant 32 : i32
    %scan3A_292 = arith.addi %scan3A_290, %scan3A_291 : i32
    %scan3A_293 = arith.constant 1 : i32
    scf.for %scan3A_695 = %scan3A_290 to %scan3A_292 step %scan3A_293  : i32 {
      %mul3A_696 = arith.constant 8 : i32
      %mul3A_697 = arith.muli %scan3A_695, %mul3A_696 : i32
      %add3A_698 = arith.constant 256 : i32
      %add3A_699 = arith.addi %add3A_698, %mul3A_697 : i32
      %add3A_700 = arith.constant 0 : i32
      %add3A_701 = arith.addi %add3A_699, %add3A_700 : i32
      %mul3A_702 = arith.constant 8 : i32
      %mul3A_703 = arith.muli %scan3A_695, %mul3A_702 : i32
      %add3A_704 = arith.constant 0 : i32
      %add3A_705 = arith.addi %mul3A_703, %add3A_704 : i32
      %dma_wait3A_706 = arith.constant 0 : i32
      %dma_wait3A_707 = arith.constant 0 : i32
      %dma_wait3A_708 = tpu.memref_slice %arg3[%dma_wait3A_706, %dma_wait3A_707] : memref<64x1000000xf32, #tpu.memory_space<hbm>> -> memref<64x128xf32, #tpu.memory_space<hbm>>
      %dma_wait3A_709 = arith.constant 0 : i32
      %dma_wait3A_710 = arith.constant 0 : i32
      %dma_wait3A_711 = tpu.memref_slice %arg3[%dma_wait3A_709, %dma_wait3A_710] : memref<64x1000000xf32, #tpu.memory_space<hbm>> -> memref<64x128xf32, #tpu.memory_space<hbm>>
      tpu.wait_dma2 semaphore(%arg18 : memref<!tpu.dma_semaphore, #tpu.memory_space<semaphore_mem>>) src(%dma_wait3A_711 : memref<64x128xf32, #tpu.memory_space<hbm>>) dst(%arg9 : memref<64x128xf32, #tpu.memory_space<vmem>>)
      %get3A_712 = arith.index_cast %add3A_701 : i32 to index
      %get3A_713 = tpu.vector_load %arg7[%get3A_712] {strides = array<i32>} : memref<528xi32, #tpu.memory_space<vmem>>, vector<16xi32>,
      %slice3A_714 = vector.extract_strided_slice %get3A_713 {offsets = [0], sizes = [1], strides = [1]} : vector<16xi32> to vector<1xi32>
      %squeeze3A_715 = vector.extract %slice3A_714[0] : i32 from vector<1xi32>
      %shift_right_logical3A_716 = arith.constant 7 : i32
      %shift_right_logical3A_717 = arith.shrui %squeeze3A_715, %shift_right_logical3A_716 : i32
      %min3A_718 = arith.constant 7811 : i32
      %min3A_719 = arith.minsi %shift_right_logical3A_717, %min3A_718 : i32
      %mul3A_720 = arith.constant 128 : i32
      %mul3A_721 = arith.muli %min3A_719, %mul3A_720 : i32
      %sub3A = arith.subi %squeeze3A_715, %mul3A_721 : i32
      %min3A_722 = arith.constant 127 : i32
      %min3A_723 = arith.minsi %sub3A, %min3A_722 : i32
      %broadcast_in_dim3A = vector.broadcast %min3A_723 : i32 to vector<16xi32>
      %broadcast_in_dim3A_724 = vector.broadcast %add3A_705 : i32 to vector<16xi32>
      %iota3A = tpu.iota {dimensions = array<i32: 0>} : vector<16xi32>
      %add3A_725 = arith.constant 0 : i32
      %add3A_726 = vector.broadcast %add3A_725 : i32 to vector<16xi32>
      %add3A_727 = arith.addi %iota3A, %add3A_726 : vector<16xi32>
      %gather3A = tpu.vector_load_idx %arg9[%add3A_727, %broadcast_in_dim3A] : memref<64x128xf32, #tpu.memory_space<vmem>>[vector<16xi32>, vector<16xi32>], vector<16xf32>,
      tpu.vector_store_idx %arg17[%add3A_727, %broadcast_in_dim3A_724], %gather3A : memref<64x256xf32, #tpu.memory_space<vmem>>[vector<16xi32>, vector<16xi32>], vector<16xf32>,
      %iota3A_728 = tpu.iota {dimensions = array<i32: 0>} : vector<16xi32>
      %add3A_729 = arith.constant 16 : i32
      %add3A_730 = vector.broadcast %add3A_729 : i32 to vector<16xi32>
      %add3A_731 = arith.addi %iota3A_728, %add3A_730 : vector<16xi32>
      %gather3A_732 = tpu.vector_load_idx %arg9[%add3A_731, %broadcast_in_dim3A] : memref<64x128xf32, #tpu.memory_space<vmem>>[vector<16xi32>, vector<16xi32>], vector<16xf32>,
      tpu.vector_store_idx %arg17[%add3A_731, %broadcast_in_dim3A_724], %gather3A_732 : memref<64x256xf32, #tpu.memory_space<vmem>>[vector<16xi32>, vector<16xi32>], vector<16xf32>,
      %iota3A_733 = tpu.iota {dimensions = array<i32: 0>} : vector<16xi32>
      %add3A_734 = arith.constant 32 : i32
      %add3A_735 = vector.broadcast %add3A_734 : i32 to vector<16xi32>
      %add3A_736 = arith.addi %iota3A_733, %add3A_735 : vector<16xi32>
      %gather3A_737 = tpu.vector_load_idx %arg9[%add3A_736, %broadcast_in_dim3A] : memref<64x128xf32, #tpu.memory_space<vmem>>[vector<16xi32>, vector<16xi32>], vector<16xf32>,
      tpu.vector_store_idx %arg17[%add3A_736, %broadcast_in_dim3A_724], %gather3A_737 : memref<64x256xf32, #tpu.memory_space<vmem>>[vector<16xi32>, vector<16xi32>], vector<16xf32>,
      %iota3A_738 = tpu.iota {dimensions = array<i32: 0>} : vector<16xi32>
      %add3A_739 = arith.constant 48 : i32
      %add3A_740 = vector.broadcast %add3A_739 : i32 to vector<16xi32>
      %add3A_741 = arith.addi %iota3A_738, %add3A_740 : vector<16xi32>
      %gather3A_742 = tpu.vector_load_idx %arg9[%add3A_741, %broadcast_in_dim3A] : memref<64x128xf32, #tpu.memory_space<vmem>>[vector<16xi32>, vector<16xi32>], vector<16xf32>,
      tpu.vector_store_idx %arg17[%add3A_741, %broadcast_in_dim3A_724], %gather3A_742 : memref<64x256xf32, #tpu.memory_space<vmem>>[vector<16xi32>, vector<16xi32>], vector<16xf32>,
      %add3A_743 = arith.constant 8 : i32
      %add3A_744 = arith.addi %add3A_701, %add3A_743 : i32
      %min3A_745 = arith.constant 511 : i32
      %min3A_746 = arith.minsi %add3A_744, %min3A_745 : i32
      %get3A_747 = arith.index_cast %min3A_746 : i32 to index
      %get3A_748 = tpu.vector_load %arg7[%get3A_747] {strides = array<i32>} : memref<528xi32, #tpu.memory_space<vmem>>, vector<16xi32>,
      %slice3A_749 = vector.extract_strided_slice %get3A_748 {offsets = [0], sizes = [1], strides = [1]} : vector<16xi32> to vector<1xi32>
      %squeeze3A_750 = vector.extract %slice3A_749[0] : i32 from vector<1xi32>
      %shift_right_logical3A_751 = arith.constant 7 : i32
      %shift_right_logical3A_752 = arith.shrui %squeeze3A_750, %shift_right_logical3A_751 : i32
      %min3A_753 = arith.constant 7811 : i32
      %min3A_754 = arith.minsi %shift_right_logical3A_752, %min3A_753 : i32
      %mul3A_755 = arith.constant 128 : i32
      %mul3A_756 = arith.muli %min3A_754, %mul3A_755 : i32
      %multiple_of3A_757 = tpu.assume_multiple %mul3A_756, 128 : i32
      %dma_start3A_758 = arith.constant 0 : i32
      %dma_start3A_759 = tpu.memref_slice %arg3[%dma_start3A_758, %multiple_of3A_757] : memref<64x1000000xf32, #tpu.memory_space<hbm>> -> memref<64x128xf32, #tpu.memory_space<hbm>>
      %dma_start3A_760 = arith.constant 0 : i32
      %dma_start3A_761 = tpu.memref_slice %arg3[%dma_start3A_760, %multiple_of3A_757] : memref<64x1000000xf32, #tpu.memory_space<hbm>> -> memref<64x128xf32, #tpu.memory_space<hbm>>
      tpu.enqueue_dma source(%dma_start3A_761 : memref<64x128xf32, #tpu.memory_space<hbm>>) target(%arg9 : memref<64x128xf32, #tpu.memory_space<vmem>>) target_semaphore(%arg18 : memref<!tpu.dma_semaphore, #tpu.memory_space<semaphore_mem>>)
      %mul3A_762 = arith.constant 8 : i32
      %mul3A_763 = arith.muli %scan3A_695, %mul3A_762 : i32
      %add3A_764 = arith.constant 256 : i32
      %add3A_765 = arith.addi %add3A_764, %mul3A_763 : i32
      %add3A_766 = arith.constant 1 : i32
      %add3A_767 = arith.addi %add3A_765, %add3A_766 : i32
      %mul3A_768 = arith.constant 8 : i32
      %mul3A_769 = arith.muli %scan3A_695, %mul3A_768 : i32
      %add3A_770 = arith.constant 1 : i32
      %add3A_771 = arith.addi %mul3A_769, %add3A_770 : i32
      %dma_wait3A_772 = arith.constant 0 : i32
      %dma_wait3A_773 = arith.constant 0 : i32
      %dma_wait3A_774 = tpu.memref_slice %arg3[%dma_wait3A_772, %dma_wait3A_773] : memref<64x1000000xf32, #tpu.memory_space<hbm>> -> memref<64x128xf32, #tpu.memory_space<hbm>>
      %dma_wait3A_775 = arith.constant 0 : i32
      %dma_wait3A_776 = arith.constant 0 : i32
      %dma_wait3A_777 = tpu.memref_slice %arg3[%dma_wait3A_775, %dma_wait3A_776] : memref<64x1000000xf32, #tpu.memory_space<hbm>> -> memref<64x128xf32, #tpu.memory_space<hbm>>
      tpu.wait_dma2 semaphore(%arg19 : memref<!tpu.dma_semaphore, #tpu.memory_space<semaphore_mem>>) src(%dma_wait3A_777 : memref<64x128xf32, #tpu.memory_space<hbm>>) dst(%arg10 : memref<64x128xf32, #tpu.memory_space<vmem>>)
      %get3A_778 = arith.index_cast %add3A_767 : i32 to index
      %get3A_779 = tpu.vector_load %arg7[%get3A_778] {strides = array<i32>} : memref<528xi32, #tpu.memory_space<vmem>>, vector<16xi32>,
      %slice3A_780 = vector.extract_strided_slice %get3A_779 {offsets = [0], sizes = [1], strides = [1]} : vector<16xi32> to vector<1xi32>
      %squeeze3A_781 = vector.extract %slice3A_780[0] : i32 from vector<1xi32>
      %shift_right_logical3A_782 = arith.constant 7 : i32
      %shift_right_logical3A_783 = arith.shrui %squeeze3A_781, %shift_right_logical3A_782 : i32
      %min3A_784 = arith.constant 7811 : i32
      %min3A_785 = arith.minsi %shift_right_logical3A_783, %min3A_784 : i32
      %mul3A_786 = arith.constant 128 : i32
      %mul3A_787 = arith.muli %min3A_785, %mul3A_786 : i32
      %sub3A_788 = arith.subi %squeeze3A_781, %mul3A_787 : i32
      %min3A_789 = arith.constant 127 : i32
      %min3A_790 = arith.minsi %sub3A_788, %min3A_789 : i32
      %broadcast_in_dim3A_791 = vector.broadcast %min3A_790 : i32 to vector<16xi32>
      %broadcast_in_dim3A_792 = vector.broadcast %add3A_771 : i32 to vector<16xi32>
      %iota3A_793 = tpu.iota {dimensions = array<i32: 0>} : vector<16xi32>
      %add3A_794 = arith.constant 0 : i32
      %add3A_795 = vector.broadcast %add3A_794 : i32 to vector<16xi32>
      %add3A_796 = arith.addi %iota3A_793, %add3A_795 : vector<16xi32>
      %gather3A_797 = tpu.vector_load_idx %arg10[%add3A_796, %broadcast_in_dim3A_791] : memref<64x128xf32, #tpu.memory_space<vmem>>[vector<16xi32>, vector<16xi32>], vector<16xf32>,
      tpu.vector_store_idx %arg17[%add3A_796, %broadcast_in_dim3A_792], %gather3A_797 : memref<64x256xf32, #tpu.memory_space<vmem>>[vector<16xi32>, vector<16xi32>], vector<16xf32>,
      %iota3A_798 = tpu.iota {dimensions = array<i32: 0>} : vector<16xi32>
      %add3A_799 = arith.constant 16 : i32
      %add3A_800 = vector.broadcast %add3A_799 : i32 to vector<16xi32>
      %add3A_801 = arith.addi %iota3A_798, %add3A_800 : vector<16xi32>
      %gather3A_802 = tpu.vector_load_idx %arg10[%add3A_801, %broadcast_in_dim3A_791] : memref<64x128xf32, #tpu.memory_space<vmem>>[vector<16xi32>, vector<16xi32>], vector<16xf32>,
      tpu.vector_store_idx %arg17[%add3A_801, %broadcast_in_dim3A_792], %gather3A_802 : memref<64x256xf32, #tpu.memory_space<vmem>>[vector<16xi32>, vector<16xi32>], vector<16xf32>,
      %iota3A_803 = tpu.iota {dimensions = array<i32: 0>} : vector<16xi32>
      %add3A_804 = arith.constant 32 : i32
      %add3A_805 = vector.broadcast %add3A_804 : i32 to vector<16xi32>
      %add3A_806 = arith.addi %iota3A_803, %add3A_805 : vector<16xi32>
      %gather3A_807 = tpu.vector_load_idx %arg10[%add3A_806, %broadcast_in_dim3A_791] : memref<64x128xf32, #tpu.memory_space<vmem>>[vector<16xi32>, vector<16xi32>], vector<16xf32>,
      tpu.vector_store_idx %arg17[%add3A_806, %broadcast_in_dim3A_792], %gather3A_807 : memref<64x256xf32, #tpu.memory_space<vmem>>[vector<16xi32>, vector<16xi32>], vector<16xf32>,
      %iota3A_808 = tpu.iota {dimensions = array<i32: 0>} : vector<16xi32>
      %add3A_809 = arith.constant 48 : i32
      %add3A_810 = vector.broadcast %add3A_809 : i32 to vector<16xi32>
      %add3A_811 = arith.addi %iota3A_808, %add3A_810 : vector<16xi32>
      %gather3A_812 = tpu.vector_load_idx %arg10[%add3A_811, %broadcast_in_dim3A_791] : memref<64x128xf32, #tpu.memory_space<vmem>>[vector<16xi32>, vector<16xi32>], vector<16xf32>,
      tpu.vector_store_idx %arg17[%add3A_811, %broadcast_in_dim3A_792], %gather3A_812 : memref<64x256xf32, #tpu.memory_space<vmem>>[vector<16xi32>, vector<16xi32>], vector<16xf32>,
      %add3A_813 = arith.constant 8 : i32
      %add3A_814 = arith.addi %add3A_767, %add3A_813 : i32
      %min3A_815 = arith.constant 511 : i32
      %min3A_816 = arith.minsi %add3A_814, %min3A_815 : i32
      %get3A_817 = arith.index_cast %min3A_816 : i32 to index
      %get3A_818 = tpu.vector_load %arg7[%get3A_817] {strides = array<i32>} : memref<528xi32, #tpu.memory_space<vmem>>, vector<16xi32>,
      %slice3A_819 = vector.extract_strided_slice %get3A_818 {offsets = [0], sizes = [1], strides = [1]} : vector<16xi32> to vector<1xi32>
      %squeeze3A_820 = vector.extract %slice3A_819[0] : i32 from vector<1xi32>
      %shift_right_logical3A_821 = arith.constant 7 : i32
      %shift_right_logical3A_822 = arith.shrui %squeeze3A_820, %shift_right_logical3A_821 : i32
      %min3A_823 = arith.constant 7811 : i32
      %min3A_824 = arith.minsi %shift_right_logical3A_822, %min3A_823 : i32
      %mul3A_825 = arith.constant 128 : i32
      %mul3A_826 = arith.muli %min3A_824, %mul3A_825 : i32
      %multiple_of3A_827 = tpu.assume_multiple %mul3A_826, 128 : i32
      %dma_start3A_828 = arith.constant 0 : i32
      %dma_start3A_829 = tpu.memref_slice %arg3[%dma_start3A_828, %multiple_of3A_827] : memref<64x1000000xf32, #tpu.memory_space<hbm>> -> memref<64x128xf32, #tpu.memory_space<hbm>>
      %dma_start3A_830 = arith.constant 0 : i32
      %dma_start3A_831 = tpu.memref_slice %arg3[%dma_start3A_830, %multiple_of3A_827] : memref<64x1000000xf32, #tpu.memory_space<hbm>> -> memref<64x128xf32, #tpu.memory_space<hbm>>
      tpu.enqueue_dma source(%dma_start3A_831 : memref<64x128xf32, #tpu.memory_space<hbm>>) target(%arg10 : memref<64x128xf32, #tpu.memory_space<vmem>>) target_semaphore(%arg19 : memref<!tpu.dma_semaphore, #tpu.memory_space<semaphore_mem>>)
      %mul3A_832 = arith.constant 8 : i32
      %mul3A_833 = arith.muli %scan3A_695, %mul3A_832 : i32
      %add3A_834 = arith.constant 256 : i32
      %add3A_835 = arith.addi %add3A_834, %mul3A_833 : i32
      %add3A_836 = arith.constant 2 : i32
      %add3A_837 = arith.addi %add3A_835, %add3A_836 : i32
      %mul3A_838 = arith.constant 8 : i32
      %mul3A_839 = arith.muli %scan3A_695, %mul3A_838 : i32
      %add3A_840 = arith.constant 2 : i32
      %add3A_841 = arith.addi %mul3A_839, %add3A_840 : i32
      %dma_wait3A_842 = arith.constant 0 : i32
      %dma_wait3A_843 = arith.constant 0 : i32
      %dma_wait3A_844 = tpu.memref_slice %arg3[%dma_wait3A_842, %dma_wait3A_843] : memref<64x1000000xf32, #tpu.memory_space<hbm>> -> memref<64x128xf32, #tpu.memory_space<hbm>>
      %dma_wait3A_845 = arith.constant 0 : i32
      %dma_wait3A_846 = arith.constant 0 : i32
      %dma_wait3A_847 = tpu.memref_slice %arg3[%dma_wait3A_845, %dma_wait3A_846] : memref<64x1000000xf32, #tpu.memory_space<hbm>> -> memref<64x128xf32, #tpu.memory_space<hbm>>
      tpu.wait_dma2 semaphore(%arg20 : memref<!tpu.dma_semaphore, #tpu.memory_space<semaphore_mem>>) src(%dma_wait3A_847 : memref<64x128xf32, #tpu.memory_space<hbm>>) dst(%arg11 : memref<64x128xf32, #tpu.memory_space<vmem>>)
      %get3A_848 = arith.index_cast %add3A_837 : i32 to index
      %get3A_849 = tpu.vector_load %arg7[%get3A_848] {strides = array<i32>} : memref<528xi32, #tpu.memory_space<vmem>>, vector<16xi32>,
      %slice3A_850 = vector.extract_strided_slice %get3A_849 {offsets = [0], sizes = [1], strides = [1]} : vector<16xi32> to vector<1xi32>
      %squeeze3A_851 = vector.extract %slice3A_850[0] : i32 from vector<1xi32>
      %shift_right_logical3A_852 = arith.constant 7 : i32
      %shift_right_logical3A_853 = arith.shrui %squeeze3A_851, %shift_right_logical3A_852 : i32
      %min3A_854 = arith.constant 7811 : i32
      %min3A_855 = arith.minsi %shift_right_logical3A_853, %min3A_854 : i32
      %mul3A_856 = arith.constant 128 : i32
      %mul3A_857 = arith.muli %min3A_855, %mul3A_856 : i32
      %sub3A_858 = arith.subi %squeeze3A_851, %mul3A_857 : i32
      %min3A_859 = arith.constant 127 : i32
      %min3A_860 = arith.minsi %sub3A_858, %min3A_859 : i32
      %broadcast_in_dim3A_861 = vector.broadcast %min3A_860 : i32 to vector<16xi32>
      %broadcast_in_dim3A_862 = vector.broadcast %add3A_841 : i32 to vector<16xi32>
      %iota3A_863 = tpu.iota {dimensions = array<i32: 0>} : vector<16xi32>
      %add3A_864 = arith.constant 0 : i32
      %add3A_865 = vector.broadcast %add3A_864 : i32 to vector<16xi32>
      %add3A_866 = arith.addi %iota3A_863, %add3A_865 : vector<16xi32>
      %gather3A_867 = tpu.vector_load_idx %arg11[%add3A_866, %broadcast_in_dim3A_861] : memref<64x128xf32, #tpu.memory_space<vmem>>[vector<16xi32>, vector<16xi32>], vector<16xf32>,
      tpu.vector_store_idx %arg17[%add3A_866, %broadcast_in_dim3A_862], %gather3A_867 : memref<64x256xf32, #tpu.memory_space<vmem>>[vector<16xi32>, vector<16xi32>], vector<16xf32>,
      %iota3A_868 = tpu.iota {dimensions = array<i32: 0>} : vector<16xi32>
      %add3A_869 = arith.constant 16 : i32
      %add3A_870 = vector.broadcast %add3A_869 : i32 to vector<16xi32>
      %add3A_871 = arith.addi %iota3A_868, %add3A_870 : vector<16xi32>
      %gather3A_872 = tpu.vector_load_idx %arg11[%add3A_871, %broadcast_in_dim3A_861] : memref<64x128xf32, #tpu.memory_space<vmem>>[vector<16xi32>, vector<16xi32>], vector<16xf32>,
      tpu.vector_store_idx %arg17[%add3A_871, %broadcast_in_dim3A_862], %gather3A_872 : memref<64x256xf32, #tpu.memory_space<vmem>>[vector<16xi32>, vector<16xi32>], vector<16xf32>,
      %iota3A_873 = tpu.iota {dimensions = array<i32: 0>} : vector<16xi32>
      %add3A_874 = arith.constant 32 : i32
      %add3A_875 = vector.broadcast %add3A_874 : i32 to vector<16xi32>
      %add3A_876 = arith.addi %iota3A_873, %add3A_875 : vector<16xi32>
      %gather3A_877 = tpu.vector_load_idx %arg11[%add3A_876, %broadcast_in_dim3A_861] : memref<64x128xf32, #tpu.memory_space<vmem>>[vector<16xi32>, vector<16xi32>], vector<16xf32>,
      tpu.vector_store_idx %arg17[%add3A_876, %broadcast_in_dim3A_862], %gather3A_877 : memref<64x256xf32, #tpu.memory_space<vmem>>[vector<16xi32>, vector<16xi32>], vector<16xf32>,
      %iota3A_878 = tpu.iota {dimensions = array<i32: 0>} : vector<16xi32>
      %add3A_879 = arith.constant 48 : i32
      %add3A_880 = vector.broadcast %add3A_879 : i32 to vector<16xi32>
      %add3A_881 = arith.addi %iota3A_878, %add3A_880 : vector<16xi32>
      %gather3A_882 = tpu.vector_load_idx %arg11[%add3A_881, %broadcast_in_dim3A_861] : memref<64x128xf32, #tpu.memory_space<vmem>>[vector<16xi32>, vector<16xi32>], vector<16xf32>,
      tpu.vector_store_idx %arg17[%add3A_881, %broadcast_in_dim3A_862], %gather3A_882 : memref<64x256xf32, #tpu.memory_space<vmem>>[vector<16xi32>, vector<16xi32>], vector<16xf32>,
      %add3A_883 = arith.constant 8 : i32
      %add3A_884 = arith.addi %add3A_837, %add3A_883 : i32
      %min3A_885 = arith.constant 511 : i32
      %min3A_886 = arith.minsi %add3A_884, %min3A_885 : i32
      %get3A_887 = arith.index_cast %min3A_886 : i32 to index
      %get3A_888 = tpu.vector_load %arg7[%get3A_887] {strides = array<i32>} : memref<528xi32, #tpu.memory_space<vmem>>, vector<16xi32>,
      %slice3A_889 = vector.extract_strided_slice %get3A_888 {offsets = [0], sizes = [1], strides = [1]} : vector<16xi32> to vector<1xi32>
      %squeeze3A_890 = vector.extract %slice3A_889[0] : i32 from vector<1xi32>
      %shift_right_logical3A_891 = arith.constant 7 : i32
      %shift_right_logical3A_892 = arith.shrui %squeeze3A_890, %shift_right_logical3A_891 : i32
      %min3A_893 = arith.constant 7811 : i32
      %min3A_894 = arith.minsi %shift_right_logical3A_892, %min3A_893 : i32
      %mul3A_895 = arith.constant 128 : i32
      %mul3A_896 = arith.muli %min3A_894, %mul3A_895 : i32
      %multiple_of3A_897 = tpu.assume_multiple %mul3A_896, 128 : i32
      %dma_start3A_898 = arith.constant 0 : i32
      %dma_start3A_899 = tpu.memref_slice %arg3[%dma_start3A_898, %multiple_of3A_897] : memref<64x1000000xf32, #tpu.memory_space<hbm>> -> memref<64x128xf32, #tpu.memory_space<hbm>>
      %dma_start3A_900 = arith.constant 0 : i32
      %dma_start3A_901 = tpu.memref_slice %arg3[%dma_start3A_900, %multiple_of3A_897] : memref<64x1000000xf32, #tpu.memory_space<hbm>> -> memref<64x128xf32, #tpu.memory_space<hbm>>
      tpu.enqueue_dma source(%dma_start3A_901 : memref<64x128xf32, #tpu.memory_space<hbm>>) target(%arg11 : memref<64x128xf32, #tpu.memory_space<vmem>>) target_semaphore(%arg20 : memref<!tpu.dma_semaphore, #tpu.memory_space<semaphore_mem>>)
      %mul3A_902 = arith.constant 8 : i32
      %mul3A_903 = arith.muli %scan3A_695, %mul3A_902 : i32
      %add3A_904 = arith.constant 256 : i32
      %add3A_905 = arith.addi %add3A_904, %mul3A_903 : i32
      %add3A_906 = arith.constant 3 : i32
      %add3A_907 = arith.addi %add3A_905, %add3A_906 : i32
      %mul3A_908 = arith.constant 8 : i32
      %mul3A_909 = arith.muli %scan3A_695, %mul3A_908 : i32
      %add3A_910 = arith.constant 3 : i32
      %add3A_911 = arith.addi %mul3A_909, %add3A_910 : i32
      %dma_wait3A_912 = arith.constant 0 : i32
      %dma_wait3A_913 = arith.constant 0 : i32
      %dma_wait3A_914 = tpu.memref_slice %arg3[%dma_wait3A_912, %dma_wait3A_913] : memref<64x1000000xf32, #tpu.memory_space<hbm>> -> memref<64x128xf32, #tpu.memory_space<hbm>>
      %dma_wait3A_915 = arith.constant 0 : i32
      %dma_wait3A_916 = arith.constant 0 : i32
      %dma_wait3A_917 = tpu.memref_slice %arg3[%dma_wait3A_915, %dma_wait3A_916] : memref<64x1000000xf32, #tpu.memory_space<hbm>> -> memref<64x128xf32, #tpu.memory_space<hbm>>
      tpu.wait_dma2 semaphore(%arg21 : memref<!tpu.dma_semaphore, #tpu.memory_space<semaphore_mem>>) src(%dma_wait3A_917 : memref<64x128xf32, #tpu.memory_space<hbm>>) dst(%arg12 : memref<64x128xf32, #tpu.memory_space<vmem>>)
      %get3A_918 = arith.index_cast %add3A_907 : i32 to index
      %get3A_919 = tpu.vector_load %arg7[%get3A_918] {strides = array<i32>} : memref<528xi32, #tpu.memory_space<vmem>>, vector<16xi32>,
      %slice3A_920 = vector.extract_strided_slice %get3A_919 {offsets = [0], sizes = [1], strides = [1]} : vector<16xi32> to vector<1xi32>
      %squeeze3A_921 = vector.extract %slice3A_920[0] : i32 from vector<1xi32>
      %shift_right_logical3A_922 = arith.constant 7 : i32
      %shift_right_logical3A_923 = arith.shrui %squeeze3A_921, %shift_right_logical3A_922 : i32
      %min3A_924 = arith.constant 7811 : i32
      %min3A_925 = arith.minsi %shift_right_logical3A_923, %min3A_924 : i32
      %mul3A_926 = arith.constant 128 : i32
      %mul3A_927 = arith.muli %min3A_925, %mul3A_926 : i32
      %sub3A_928 = arith.subi %squeeze3A_921, %mul3A_927 : i32
      %min3A_929 = arith.constant 127 : i32
      %min3A_930 = arith.minsi %sub3A_928, %min3A_929 : i32
      %broadcast_in_dim3A_931 = vector.broadcast %min3A_930 : i32 to vector<16xi32>
      %broadcast_in_dim3A_932 = vector.broadcast %add3A_911 : i32 to vector<16xi32>
      %iota3A_933 = tpu.iota {dimensions = array<i32: 0>} : vector<16xi32>
      %add3A_934 = arith.constant 0 : i32
      %add3A_935 = vector.broadcast %add3A_934 : i32 to vector<16xi32>
      %add3A_936 = arith.addi %iota3A_933, %add3A_935 : vector<16xi32>
      %gather3A_937 = tpu.vector_load_idx %arg12[%add3A_936, %broadcast_in_dim3A_931] : memref<64x128xf32, #tpu.memory_space<vmem>>[vector<16xi32>, vector<16xi32>], vector<16xf32>,
      tpu.vector_store_idx %arg17[%add3A_936, %broadcast_in_dim3A_932], %gather3A_937 : memref<64x256xf32, #tpu.memory_space<vmem>>[vector<16xi32>, vector<16xi32>], vector<16xf32>,
      %iota3A_938 = tpu.iota {dimensions = array<i32: 0>} : vector<16xi32>
      %add3A_939 = arith.constant 16 : i32
      %add3A_940 = vector.broadcast %add3A_939 : i32 to vector<16xi32>
      %add3A_941 = arith.addi %iota3A_938, %add3A_940 : vector<16xi32>
      %gather3A_942 = tpu.vector_load_idx %arg12[%add3A_941, %broadcast_in_dim3A_931] : memref<64x128xf32, #tpu.memory_space<vmem>>[vector<16xi32>, vector<16xi32>], vector<16xf32>,
      tpu.vector_store_idx %arg17[%add3A_941, %broadcast_in_dim3A_932], %gather3A_942 : memref<64x256xf32, #tpu.memory_space<vmem>>[vector<16xi32>, vector<16xi32>], vector<16xf32>,
      %iota3A_943 = tpu.iota {dimensions = array<i32: 0>} : vector<16xi32>
      %add3A_944 = arith.constant 32 : i32
      %add3A_945 = vector.broadcast %add3A_944 : i32 to vector<16xi32>
      %add3A_946 = arith.addi %iota3A_943, %add3A_945 : vector<16xi32>
      %gather3A_947 = tpu.vector_load_idx %arg12[%add3A_946, %broadcast_in_dim3A_931] : memref<64x128xf32, #tpu.memory_space<vmem>>[vector<16xi32>, vector<16xi32>], vector<16xf32>,
      tpu.vector_store_idx %arg17[%add3A_946, %broadcast_in_dim3A_932], %gather3A_947 : memref<64x256xf32, #tpu.memory_space<vmem>>[vector<16xi32>, vector<16xi32>], vector<16xf32>,
      %iota3A_948 = tpu.iota {dimensions = array<i32: 0>} : vector<16xi32>
      %add3A_949 = arith.constant 48 : i32
      %add3A_950 = vector.broadcast %add3A_949 : i32 to vector<16xi32>
      %add3A_951 = arith.addi %iota3A_948, %add3A_950 : vector<16xi32>
      %gather3A_952 = tpu.vector_load_idx %arg12[%add3A_951, %broadcast_in_dim3A_931] : memref<64x128xf32, #tpu.memory_space<vmem>>[vector<16xi32>, vector<16xi32>], vector<16xf32>,
      tpu.vector_store_idx %arg17[%add3A_951, %broadcast_in_dim3A_932], %gather3A_952 : memref<64x256xf32, #tpu.memory_space<vmem>>[vector<16xi32>, vector<16xi32>], vector<16xf32>,
      %add3A_953 = arith.constant 8 : i32
      %add3A_954 = arith.addi %add3A_907, %add3A_953 : i32
      %min3A_955 = arith.constant 511 : i32
      %min3A_956 = arith.minsi %add3A_954, %min3A_955 : i32
      %get3A_957 = arith.index_cast %min3A_956 : i32 to index
      %get3A_958 = tpu.vector_load %arg7[%get3A_957] {strides = array<i32>} : memref<528xi32, #tpu.memory_space<vmem>>, vector<16xi32>,
      %slice3A_959 = vector.extract_strided_slice %get3A_958 {offsets = [0], sizes = [1], strides = [1]} : vector<16xi32> to vector<1xi32>
      %squeeze3A_960 = vector.extract %slice3A_959[0] : i32 from vector<1xi32>
      %shift_right_logical3A_961 = arith.constant 7 : i32
      %shift_right_logical3A_962 = arith.shrui %squeeze3A_960, %shift_right_logical3A_961 : i32
      %min3A_963 = arith.constant 7811 : i32
      %min3A_964 = arith.minsi %shift_right_logical3A_962, %min3A_963 : i32
      %mul3A_965 = arith.constant 128 : i32
      %mul3A_966 = arith.muli %min3A_964, %mul3A_965 : i32
      %multiple_of3A_967 = tpu.assume_multiple %mul3A_966, 128 : i32
      %dma_start3A_968 = arith.constant 0 : i32
      %dma_start3A_969 = tpu.memref_slice %arg3[%dma_start3A_968, %multiple_of3A_967] : memref<64x1000000xf32, #tpu.memory_space<hbm>> -> memref<64x128xf32, #tpu.memory_space<hbm>>
      %dma_start3A_970 = arith.constant 0 : i32
      %dma_start3A_971 = tpu.memref_slice %arg3[%dma_start3A_970, %multiple_of3A_967] : memref<64x1000000xf32, #tpu.memory_space<hbm>> -> memref<64x128xf32, #tpu.memory_space<hbm>>
      tpu.enqueue_dma source(%dma_start3A_971 : memref<64x128xf32, #tpu.memory_space<hbm>>) target(%arg12 : memref<64x128xf32, #tpu.memory_space<vmem>>) target_semaphore(%arg21 : memref<!tpu.dma_semaphore, #tpu.memory_space<semaphore_mem>>)
      %mul3A_972 = arith.constant 8 : i32
      %mul3A_973 = arith.muli %scan3A_695, %mul3A_972 : i32
      %add3A_974 = arith.constant 256 : i32
      %add3A_975 = arith.addi %add3A_974, %mul3A_973 : i32
      %add3A_976 = arith.constant 4 : i32
      %add3A_977 = arith.addi %add3A_975, %add3A_976 : i32
      %mul3A_978 = arith.constant 8 : i32
      %mul3A_979 = arith.muli %scan3A_695, %mul3A_978 : i32
      %add3A_980 = arith.constant 4 : i32
      %add3A_981 = arith.addi %mul3A_979, %add3A_980 : i32
      %dma_wait3A_982 = arith.constant 0 : i32
      %dma_wait3A_983 = arith.constant 0 : i32
      %dma_wait3A_984 = tpu.memref_slice %arg3[%dma_wait3A_982, %dma_wait3A_983] : memref<64x1000000xf32, #tpu.memory_space<hbm>> -> memref<64x128xf32, #tpu.memory_space<hbm>>
      %dma_wait3A_985 = arith.constant 0 : i32
      %dma_wait3A_986 = arith.constant 0 : i32
      %dma_wait3A_987 = tpu.memref_slice %arg3[%dma_wait3A_985, %dma_wait3A_986] : memref<64x1000000xf32, #tpu.memory_space<hbm>> -> memref<64x128xf32, #tpu.memory_space<hbm>>
      tpu.wait_dma2 semaphore(%arg22 : memref<!tpu.dma_semaphore, #tpu.memory_space<semaphore_mem>>) src(%dma_wait3A_987 : memref<64x128xf32, #tpu.memory_space<hbm>>) dst(%arg13 : memref<64x128xf32, #tpu.memory_space<vmem>>)
      %get3A_988 = arith.index_cast %add3A_977 : i32 to index
      %get3A_989 = tpu.vector_load %arg7[%get3A_988] {strides = array<i32>} : memref<528xi32, #tpu.memory_space<vmem>>, vector<16xi32>,
      %slice3A_990 = vector.extract_strided_slice %get3A_989 {offsets = [0], sizes = [1], strides = [1]} : vector<16xi32> to vector<1xi32>
      %squeeze3A_991 = vector.extract %slice3A_990[0] : i32 from vector<1xi32>
      %shift_right_logical3A_992 = arith.constant 7 : i32
      %shift_right_logical3A_993 = arith.shrui %squeeze3A_991, %shift_right_logical3A_992 : i32
      %min3A_994 = arith.constant 7811 : i32
      %min3A_995 = arith.minsi %shift_right_logical3A_993, %min3A_994 : i32
      %mul3A_996 = arith.constant 128 : i32
      %mul3A_997 = arith.muli %min3A_995, %mul3A_996 : i32
      %sub3A_998 = arith.subi %squeeze3A_991, %mul3A_997 : i32
      %min3A_999 = arith.constant 127 : i32
      %min3A_1000 = arith.minsi %sub3A_998, %min3A_999 : i32
      %broadcast_in_dim3A_1001 = vector.broadcast %min3A_1000 : i32 to vector<16xi32>
      %broadcast_in_dim3A_1002 = vector.broadcast %add3A_981 : i32 to vector<16xi32>
      %iota3A_1003 = tpu.iota {dimensions = array<i32: 0>} : vector<16xi32>
      %add3A_1004 = arith.constant 0 : i32
      %add3A_1005 = vector.broadcast %add3A_1004 : i32 to vector<16xi32>
      %add3A_1006 = arith.addi %iota3A_1003, %add3A_1005 : vector<16xi32>
      %gather3A_1007 = tpu.vector_load_idx %arg13[%add3A_1006, %broadcast_in_dim3A_1001] : memref<64x128xf32, #tpu.memory_space<vmem>>[vector<16xi32>, vector<16xi32>], vector<16xf32>,
      tpu.vector_store_idx %arg17[%add3A_1006, %broadcast_in_dim3A_1002], %gather3A_1007 : memref<64x256xf32, #tpu.memory_space<vmem>>[vector<16xi32>, vector<16xi32>], vector<16xf32>,
      %iota3A_1008 = tpu.iota {dimensions = array<i32: 0>} : vector<16xi32>
      %add3A_1009 = arith.constant 16 : i32
      %add3A_1010 = vector.broadcast %add3A_1009 : i32 to vector<16xi32>
      %add3A_1011 = arith.addi %iota3A_1008, %add3A_1010 : vector<16xi32>
      %gather3A_1012 = tpu.vector_load_idx %arg13[%add3A_1011, %broadcast_in_dim3A_1001] : memref<64x128xf32, #tpu.memory_space<vmem>>[vector<16xi32>, vector<16xi32>], vector<16xf32>,
      tpu.vector_store_idx %arg17[%add3A_1011, %broadcast_in_dim3A_1002], %gather3A_1012 : memref<64x256xf32, #tpu.memory_space<vmem>>[vector<16xi32>, vector<16xi32>], vector<16xf32>,
      %iota3A_1013 = tpu.iota {dimensions = array<i32: 0>} : vector<16xi32>
      %add3A_1014 = arith.constant 32 : i32
      %add3A_1015 = vector.broadcast %add3A_1014 : i32 to vector<16xi32>
      %add3A_1016 = arith.addi %iota3A_1013, %add3A_1015 : vector<16xi32>
      %gather3A_1017 = tpu.vector_load_idx %arg13[%add3A_1016, %broadcast_in_dim3A_1001] : memref<64x128xf32, #tpu.memory_space<vmem>>[vector<16xi32>, vector<16xi32>], vector<16xf32>,
      tpu.vector_store_idx %arg17[%add3A_1016, %broadcast_in_dim3A_1002], %gather3A_1017 : memref<64x256xf32, #tpu.memory_space<vmem>>[vector<16xi32>, vector<16xi32>], vector<16xf32>,
      %iota3A_1018 = tpu.iota {dimensions = array<i32: 0>} : vector<16xi32>
      %add3A_1019 = arith.constant 48 : i32
      %add3A_1020 = vector.broadcast %add3A_1019 : i32 to vector<16xi32>
      %add3A_1021 = arith.addi %iota3A_1018, %add3A_1020 : vector<16xi32>
      %gather3A_1022 = tpu.vector_load_idx %arg13[%add3A_1021, %broadcast_in_dim3A_1001] : memref<64x128xf32, #tpu.memory_space<vmem>>[vector<16xi32>, vector<16xi32>], vector<16xf32>,
      tpu.vector_store_idx %arg17[%add3A_1021, %broadcast_in_dim3A_1002], %gather3A_1022 : memref<64x256xf32, #tpu.memory_space<vmem>>[vector<16xi32>, vector<16xi32>], vector<16xf32>,
      %add3A_1023 = arith.constant 8 : i32
      %add3A_1024 = arith.addi %add3A_977, %add3A_1023 : i32
      %min3A_1025 = arith.constant 511 : i32
      %min3A_1026 = arith.minsi %add3A_1024, %min3A_1025 : i32
      %get3A_1027 = arith.index_cast %min3A_1026 : i32 to index
      %get3A_1028 = tpu.vector_load %arg7[%get3A_1027] {strides = array<i32>} : memref<528xi32, #tpu.memory_space<vmem>>, vector<16xi32>,
      %slice3A_1029 = vector.extract_strided_slice %get3A_1028 {offsets = [0], sizes = [1], strides = [1]} : vector<16xi32> to vector<1xi32>
      %squeeze3A_1030 = vector.extract %slice3A_1029[0] : i32 from vector<1xi32>
      %shift_right_logical3A_1031 = arith.constant 7 : i32
      %shift_right_logical3A_1032 = arith.shrui %squeeze3A_1030, %shift_right_logical3A_1031 : i32
      %min3A_1033 = arith.constant 7811 : i32
      %min3A_1034 = arith.minsi %shift_right_logical3A_1032, %min3A_1033 : i32
      %mul3A_1035 = arith.constant 128 : i32
      %mul3A_1036 = arith.muli %min3A_1034, %mul3A_1035 : i32
      %multiple_of3A_1037 = tpu.assume_multiple %mul3A_1036, 128 : i32
      %dma_start3A_1038 = arith.constant 0 : i32
      %dma_start3A_1039 = tpu.memref_slice %arg3[%dma_start3A_1038, %multiple_of3A_1037] : memref<64x1000000xf32, #tpu.memory_space<hbm>> -> memref<64x128xf32, #tpu.memory_space<hbm>>
      %dma_start3A_1040 = arith.constant 0 : i32
      %dma_start3A_1041 = tpu.memref_slice %arg3[%dma_start3A_1040, %multiple_of3A_1037] : memref<64x1000000xf32, #tpu.memory_space<hbm>> -> memref<64x128xf32, #tpu.memory_space<hbm>>
      tpu.enqueue_dma source(%dma_start3A_1041 : memref<64x128xf32, #tpu.memory_space<hbm>>) target(%arg13 : memref<64x128xf32, #tpu.memory_space<vmem>>) target_semaphore(%arg22 : memref<!tpu.dma_semaphore, #tpu.memory_space<semaphore_mem>>)
      %mul3A_1042 = arith.constant 8 : i32
      %mul3A_1043 = arith.muli %scan3A_695, %mul3A_1042 : i32
      %add3A_1044 = arith.constant 256 : i32
      %add3A_1045 = arith.addi %add3A_1044, %mul3A_1043 : i32
      %add3A_1046 = arith.constant 5 : i32
      %add3A_1047 = arith.addi %add3A_1045, %add3A_1046 : i32
      %mul3A_1048 = arith.constant 8 : i32
      %mul3A_1049 = arith.muli %scan3A_695, %mul3A_1048 : i32
      %add3A_1050 = arith.constant 5 : i32
      %add3A_1051 = arith.addi %mul3A_1049, %add3A_1050 : i32
      %dma_wait3A_1052 = arith.constant 0 : i32
      %dma_wait3A_1053 = arith.constant 0 : i32
      %dma_wait3A_1054 = tpu.memref_slice %arg3[%dma_wait3A_1052, %dma_wait3A_1053] : memref<64x1000000xf32, #tpu.memory_space<hbm>> -> memref<64x128xf32, #tpu.memory_space<hbm>>
      %dma_wait3A_1055 = arith.constant 0 : i32
      %dma_wait3A_1056 = arith.constant 0 : i32
      %dma_wait3A_1057 = tpu.memref_slice %arg3[%dma_wait3A_1055, %dma_wait3A_1056] : memref<64x1000000xf32, #tpu.memory_space<hbm>> -> memref<64x128xf32, #tpu.memory_space<hbm>>
      tpu.wait_dma2 semaphore(%arg23 : memref<!tpu.dma_semaphore, #tpu.memory_space<semaphore_mem>>) src(%dma_wait3A_1057 : memref<64x128xf32, #tpu.memory_space<hbm>>) dst(%arg14 : memref<64x128xf32, #tpu.memory_space<vmem>>)
      %get3A_1058 = arith.index_cast %add3A_1047 : i32 to index
      %get3A_1059 = tpu.vector_load %arg7[%get3A_1058] {strides = array<i32>} : memref<528xi32, #tpu.memory_space<vmem>>, vector<16xi32>,
      %slice3A_1060 = vector.extract_strided_slice %get3A_1059 {offsets = [0], sizes = [1], strides = [1]} : vector<16xi32> to vector<1xi32>
      %squeeze3A_1061 = vector.extract %slice3A_1060[0] : i32 from vector<1xi32>
      %shift_right_logical3A_1062 = arith.constant 7 : i32
      %shift_right_logical3A_1063 = arith.shrui %squeeze3A_1061, %shift_right_logical3A_1062 : i32
      %min3A_1064 = arith.constant 7811 : i32
      %min3A_1065 = arith.minsi %shift_right_logical3A_1063, %min3A_1064 : i32
      %mul3A_1066 = arith.constant 128 : i32
      %mul3A_1067 = arith.muli %min3A_1065, %mul3A_1066 : i32
      %sub3A_1068 = arith.subi %squeeze3A_1061, %mul3A_1067 : i32
      %min3A_1069 = arith.constant 127 : i32
      %min3A_1070 = arith.minsi %sub3A_1068, %min3A_1069 : i32
      %broadcast_in_dim3A_1071 = vector.broadcast %min3A_1070 : i32 to vector<16xi32>
      %broadcast_in_dim3A_1072 = vector.broadcast %add3A_1051 : i32 to vector<16xi32>
      %iota3A_1073 = tpu.iota {dimensions = array<i32: 0>} : vector<16xi32>
      %add3A_1074 = arith.constant 0 : i32
      %add3A_1075 = vector.broadcast %add3A_1074 : i32 to vector<16xi32>
      %add3A_1076 = arith.addi %iota3A_1073, %add3A_1075 : vector<16xi32>
      %gather3A_1077 = tpu.vector_load_idx %arg14[%add3A_1076, %broadcast_in_dim3A_1071] : memref<64x128xf32, #tpu.memory_space<vmem>>[vector<16xi32>, vector<16xi32>], vector<16xf32>,
      tpu.vector_store_idx %arg17[%add3A_1076, %broadcast_in_dim3A_1072], %gather3A_1077 : memref<64x256xf32, #tpu.memory_space<vmem>>[vector<16xi32>, vector<16xi32>], vector<16xf32>,
      %iota3A_1078 = tpu.iota {dimensions = array<i32: 0>} : vector<16xi32>
      %add3A_1079 = arith.constant 16 : i32
      %add3A_1080 = vector.broadcast %add3A_1079 : i32 to vector<16xi32>
      %add3A_1081 = arith.addi %iota3A_1078, %add3A_1080 : vector<16xi32>
      %gather3A_1082 = tpu.vector_load_idx %arg14[%add3A_1081, %broadcast_in_dim3A_1071] : memref<64x128xf32, #tpu.memory_space<vmem>>[vector<16xi32>, vector<16xi32>], vector<16xf32>,
      tpu.vector_store_idx %arg17[%add3A_1081, %broadcast_in_dim3A_1072], %gather3A_1082 : memref<64x256xf32, #tpu.memory_space<vmem>>[vector<16xi32>, vector<16xi32>], vector<16xf32>,
      %iota3A_1083 = tpu.iota {dimensions = array<i32: 0>} : vector<16xi32>
      %add3A_1084 = arith.constant 32 : i32
      %add3A_1085 = vector.broadcast %add3A_1084 : i32 to vector<16xi32>
      %add3A_1086 = arith.addi %iota3A_1083, %add3A_1085 : vector<16xi32>
      %gather3A_1087 = tpu.vector_load_idx %arg14[%add3A_1086, %broadcast_in_dim3A_1071] : memref<64x128xf32, #tpu.memory_space<vmem>>[vector<16xi32>, vector<16xi32>], vector<16xf32>,
      tpu.vector_store_idx %arg17[%add3A_1086, %broadcast_in_dim3A_1072], %gather3A_1087 : memref<64x256xf32, #tpu.memory_space<vmem>>[vector<16xi32>, vector<16xi32>], vector<16xf32>,
      %iota3A_1088 = tpu.iota {dimensions = array<i32: 0>} : vector<16xi32>
      %add3A_1089 = arith.constant 48 : i32
      %add3A_1090 = vector.broadcast %add3A_1089 : i32 to vector<16xi32>
      %add3A_1091 = arith.addi %iota3A_1088, %add3A_1090 : vector<16xi32>
      %gather3A_1092 = tpu.vector_load_idx %arg14[%add3A_1091, %broadcast_in_dim3A_1071] : memref<64x128xf32, #tpu.memory_space<vmem>>[vector<16xi32>, vector<16xi32>], vector<16xf32>,
      tpu.vector_store_idx %arg17[%add3A_1091, %broadcast_in_dim3A_1072], %gather3A_1092 : memref<64x256xf32, #tpu.memory_space<vmem>>[vector<16xi32>, vector<16xi32>], vector<16xf32>,
      %add3A_1093 = arith.constant 8 : i32
      %add3A_1094 = arith.addi %add3A_1047, %add3A_1093 : i32
      %min3A_1095 = arith.constant 511 : i32
      %min3A_1096 = arith.minsi %add3A_1094, %min3A_1095 : i32
      %get3A_1097 = arith.index_cast %min3A_1096 : i32 to index
      %get3A_1098 = tpu.vector_load %arg7[%get3A_1097] {strides = array<i32>} : memref<528xi32, #tpu.memory_space<vmem>>, vector<16xi32>,
      %slice3A_1099 = vector.extract_strided_slice %get3A_1098 {offsets = [0], sizes = [1], strides = [1]} : vector<16xi32> to vector<1xi32>
      %squeeze3A_1100 = vector.extract %slice3A_1099[0] : i32 from vector<1xi32>
      %shift_right_logical3A_1101 = arith.constant 7 : i32
      %shift_right_logical3A_1102 = arith.shrui %squeeze3A_1100, %shift_right_logical3A_1101 : i32
      %min3A_1103 = arith.constant 7811 : i32
      %min3A_1104 = arith.minsi %shift_right_logical3A_1102, %min3A_1103 : i32
      %mul3A_1105 = arith.constant 128 : i32
      %mul3A_1106 = arith.muli %min3A_1104, %mul3A_1105 : i32
      %multiple_of3A_1107 = tpu.assume_multiple %mul3A_1106, 128 : i32
      %dma_start3A_1108 = arith.constant 0 : i32
      %dma_start3A_1109 = tpu.memref_slice %arg3[%dma_start3A_1108, %multiple_of3A_1107] : memref<64x1000000xf32, #tpu.memory_space<hbm>> -> memref<64x128xf32, #tpu.memory_space<hbm>>
      %dma_start3A_1110 = arith.constant 0 : i32
      %dma_start3A_1111 = tpu.memref_slice %arg3[%dma_start3A_1110, %multiple_of3A_1107] : memref<64x1000000xf32, #tpu.memory_space<hbm>> -> memref<64x128xf32, #tpu.memory_space<hbm>>
      tpu.enqueue_dma source(%dma_start3A_1111 : memref<64x128xf32, #tpu.memory_space<hbm>>) target(%arg14 : memref<64x128xf32, #tpu.memory_space<vmem>>) target_semaphore(%arg23 : memref<!tpu.dma_semaphore, #tpu.memory_space<semaphore_mem>>)
      %mul3A_1112 = arith.constant 8 : i32
      %mul3A_1113 = arith.muli %scan3A_695, %mul3A_1112 : i32
      %add3A_1114 = arith.constant 256 : i32
      %add3A_1115 = arith.addi %add3A_1114, %mul3A_1113 : i32
      %add3A_1116 = arith.constant 6 : i32
      %add3A_1117 = arith.addi %add3A_1115, %add3A_1116 : i32
      %mul3A_1118 = arith.constant 8 : i32
      %mul3A_1119 = arith.muli %scan3A_695, %mul3A_1118 : i32
      %add3A_1120 = arith.constant 6 : i32
      %add3A_1121 = arith.addi %mul3A_1119, %add3A_1120 : i32
      %dma_wait3A_1122 = arith.constant 0 : i32
      %dma_wait3A_1123 = arith.constant 0 : i32
      %dma_wait3A_1124 = tpu.memref_slice %arg3[%dma_wait3A_1122, %dma_wait3A_1123] : memref<64x1000000xf32, #tpu.memory_space<hbm>> -> memref<64x128xf32, #tpu.memory_space<hbm>>
      %dma_wait3A_1125 = arith.constant 0 : i32
      %dma_wait3A_1126 = arith.constant 0 : i32
      %dma_wait3A_1127 = tpu.memref_slice %arg3[%dma_wait3A_1125, %dma_wait3A_1126] : memref<64x1000000xf32, #tpu.memory_space<hbm>> -> memref<64x128xf32, #tpu.memory_space<hbm>>
      tpu.wait_dma2 semaphore(%arg24 : memref<!tpu.dma_semaphore, #tpu.memory_space<semaphore_mem>>) src(%dma_wait3A_1127 : memref<64x128xf32, #tpu.memory_space<hbm>>) dst(%arg15 : memref<64x128xf32, #tpu.memory_space<vmem>>)
      %get3A_1128 = arith.index_cast %add3A_1117 : i32 to index
      %get3A_1129 = tpu.vector_load %arg7[%get3A_1128] {strides = array<i32>} : memref<528xi32, #tpu.memory_space<vmem>>, vector<16xi32>,
      %slice3A_1130 = vector.extract_strided_slice %get3A_1129 {offsets = [0], sizes = [1], strides = [1]} : vector<16xi32> to vector<1xi32>
      %squeeze3A_1131 = vector.extract %slice3A_1130[0] : i32 from vector<1xi32>
      %shift_right_logical3A_1132 = arith.constant 7 : i32
      %shift_right_logical3A_1133 = arith.shrui %squeeze3A_1131, %shift_right_logical3A_1132 : i32
      %min3A_1134 = arith.constant 7811 : i32
      %min3A_1135 = arith.minsi %shift_right_logical3A_1133, %min3A_1134 : i32
      %mul3A_1136 = arith.constant 128 : i32
      %mul3A_1137 = arith.muli %min3A_1135, %mul3A_1136 : i32
      %sub3A_1138 = arith.subi %squeeze3A_1131, %mul3A_1137 : i32
      %min3A_1139 = arith.constant 127 : i32
      %min3A_1140 = arith.minsi %sub3A_1138, %min3A_1139 : i32
      %broadcast_in_dim3A_1141 = vector.broadcast %min3A_1140 : i32 to vector<16xi32>
      %broadcast_in_dim3A_1142 = vector.broadcast %add3A_1121 : i32 to vector<16xi32>
      %iota3A_1143 = tpu.iota {dimensions = array<i32: 0>} : vector<16xi32>
      %add3A_1144 = arith.constant 0 : i32
      %add3A_1145 = vector.broadcast %add3A_1144 : i32 to vector<16xi32>
      %add3A_1146 = arith.addi %iota3A_1143, %add3A_1145 : vector<16xi32>
      %gather3A_1147 = tpu.vector_load_idx %arg15[%add3A_1146, %broadcast_in_dim3A_1141] : memref<64x128xf32, #tpu.memory_space<vmem>>[vector<16xi32>, vector<16xi32>], vector<16xf32>,
      tpu.vector_store_idx %arg17[%add3A_1146, %broadcast_in_dim3A_1142], %gather3A_1147 : memref<64x256xf32, #tpu.memory_space<vmem>>[vector<16xi32>, vector<16xi32>], vector<16xf32>,
      %iota3A_1148 = tpu.iota {dimensions = array<i32: 0>} : vector<16xi32>
      %add3A_1149 = arith.constant 16 : i32
      %add3A_1150 = vector.broadcast %add3A_1149 : i32 to vector<16xi32>
      %add3A_1151 = arith.addi %iota3A_1148, %add3A_1150 : vector<16xi32>
      %gather3A_1152 = tpu.vector_load_idx %arg15[%add3A_1151, %broadcast_in_dim3A_1141] : memref<64x128xf32, #tpu.memory_space<vmem>>[vector<16xi32>, vector<16xi32>], vector<16xf32>,
      tpu.vector_store_idx %arg17[%add3A_1151, %broadcast_in_dim3A_1142], %gather3A_1152 : memref<64x256xf32, #tpu.memory_space<vmem>>[vector<16xi32>, vector<16xi32>], vector<16xf32>,
      %iota3A_1153 = tpu.iota {dimensions = array<i32: 0>} : vector<16xi32>
      %add3A_1154 = arith.constant 32 : i32
      %add3A_1155 = vector.broadcast %add3A_1154 : i32 to vector<16xi32>
      %add3A_1156 = arith.addi %iota3A_1153, %add3A_1155 : vector<16xi32>
      %gather3A_1157 = tpu.vector_load_idx %arg15[%add3A_1156, %broadcast_in_dim3A_1141] : memref<64x128xf32, #tpu.memory_space<vmem>>[vector<16xi32>, vector<16xi32>], vector<16xf32>,
      tpu.vector_store_idx %arg17[%add3A_1156, %broadcast_in_dim3A_1142], %gather3A_1157 : memref<64x256xf32, #tpu.memory_space<vmem>>[vector<16xi32>, vector<16xi32>], vector<16xf32>,
      %iota3A_1158 = tpu.iota {dimensions = array<i32: 0>} : vector<16xi32>
      %add3A_1159 = arith.constant 48 : i32
      %add3A_1160 = vector.broadcast %add3A_1159 : i32 to vector<16xi32>
      %add3A_1161 = arith.addi %iota3A_1158, %add3A_1160 : vector<16xi32>
      %gather3A_1162 = tpu.vector_load_idx %arg15[%add3A_1161, %broadcast_in_dim3A_1141] : memref<64x128xf32, #tpu.memory_space<vmem>>[vector<16xi32>, vector<16xi32>], vector<16xf32>,
      tpu.vector_store_idx %arg17[%add3A_1161, %broadcast_in_dim3A_1142], %gather3A_1162 : memref<64x256xf32, #tpu.memory_space<vmem>>[vector<16xi32>, vector<16xi32>], vector<16xf32>,
      %add3A_1163 = arith.constant 8 : i32
      %add3A_1164 = arith.addi %add3A_1117, %add3A_1163 : i32
      %min3A_1165 = arith.constant 511 : i32
      %min3A_1166 = arith.minsi %add3A_1164, %min3A_1165 : i32
      %get3A_1167 = arith.index_cast %min3A_1166 : i32 to index
      %get3A_1168 = tpu.vector_load %arg7[%get3A_1167] {strides = array<i32>} : memref<528xi32, #tpu.memory_space<vmem>>, vector<16xi32>,
      %slice3A_1169 = vector.extract_strided_slice %get3A_1168 {offsets = [0], sizes = [1], strides = [1]} : vector<16xi32> to vector<1xi32>
      %squeeze3A_1170 = vector.extract %slice3A_1169[0] : i32 from vector<1xi32>
      %shift_right_logical3A_1171 = arith.constant 7 : i32
      %shift_right_logical3A_1172 = arith.shrui %squeeze3A_1170, %shift_right_logical3A_1171 : i32
      %min3A_1173 = arith.constant 7811 : i32
      %min3A_1174 = arith.minsi %shift_right_logical3A_1172, %min3A_1173 : i32
      %mul3A_1175 = arith.constant 128 : i32
      %mul3A_1176 = arith.muli %min3A_1174, %mul3A_1175 : i32
      %multiple_of3A_1177 = tpu.assume_multiple %mul3A_1176, 128 : i32
      %dma_start3A_1178 = arith.constant 0 : i32
      %dma_start3A_1179 = tpu.memref_slice %arg3[%dma_start3A_1178, %multiple_of3A_1177] : memref<64x1000000xf32, #tpu.memory_space<hbm>> -> memref<64x128xf32, #tpu.memory_space<hbm>>
      %dma_start3A_1180 = arith.constant 0 : i32
      %dma_start3A_1181 = tpu.memref_slice %arg3[%dma_start3A_1180, %multiple_of3A_1177] : memref<64x1000000xf32, #tpu.memory_space<hbm>> -> memref<64x128xf32, #tpu.memory_space<hbm>>
      tpu.enqueue_dma source(%dma_start3A_1181 : memref<64x128xf32, #tpu.memory_space<hbm>>) target(%arg15 : memref<64x128xf32, #tpu.memory_space<vmem>>) target_semaphore(%arg24 : memref<!tpu.dma_semaphore, #tpu.memory_space<semaphore_mem>>)
      %mul3A_1182 = arith.constant 8 : i32
      %mul3A_1183 = arith.muli %scan3A_695, %mul3A_1182 : i32
      %add3A_1184 = arith.constant 256 : i32
      %add3A_1185 = arith.addi %add3A_1184, %mul3A_1183 : i32
      %add3A_1186 = arith.constant 7 : i32
      %add3A_1187 = arith.addi %add3A_1185, %add3A_1186 : i32
      %mul3A_1188 = arith.constant 8 : i32
      %mul3A_1189 = arith.muli %scan3A_695, %mul3A_1188 : i32
      %add3A_1190 = arith.constant 7 : i32
      %add3A_1191 = arith.addi %mul3A_1189, %add3A_1190 : i32
      %dma_wait3A_1192 = arith.constant 0 : i32
      %dma_wait3A_1193 = arith.constant 0 : i32
      %dma_wait3A_1194 = tpu.memref_slice %arg3[%dma_wait3A_1192, %dma_wait3A_1193] : memref<64x1000000xf32, #tpu.memory_space<hbm>> -> memref<64x128xf32, #tpu.memory_space<hbm>>
      %dma_wait3A_1195 = arith.constant 0 : i32
      %dma_wait3A_1196 = arith.constant 0 : i32
      %dma_wait3A_1197 = tpu.memref_slice %arg3[%dma_wait3A_1195, %dma_wait3A_1196] : memref<64x1000000xf32, #tpu.memory_space<hbm>> -> memref<64x128xf32, #tpu.memory_space<hbm>>
      tpu.wait_dma2 semaphore(%arg25 : memref<!tpu.dma_semaphore, #tpu.memory_space<semaphore_mem>>) src(%dma_wait3A_1197 : memref<64x128xf32, #tpu.memory_space<hbm>>) dst(%arg16 : memref<64x128xf32, #tpu.memory_space<vmem>>)
      %get3A_1198 = arith.index_cast %add3A_1187 : i32 to index
      %get3A_1199 = tpu.vector_load %arg7[%get3A_1198] {strides = array<i32>} : memref<528xi32, #tpu.memory_space<vmem>>, vector<16xi32>,
      %slice3A_1200 = vector.extract_strided_slice %get3A_1199 {offsets = [0], sizes = [1], strides = [1]} : vector<16xi32> to vector<1xi32>
      %squeeze3A_1201 = vector.extract %slice3A_1200[0] : i32 from vector<1xi32>
      %shift_right_logical3A_1202 = arith.constant 7 : i32
      %shift_right_logical3A_1203 = arith.shrui %squeeze3A_1201, %shift_right_logical3A_1202 : i32
      %min3A_1204 = arith.constant 7811 : i32
      %min3A_1205 = arith.minsi %shift_right_logical3A_1203, %min3A_1204 : i32
      %mul3A_1206 = arith.constant 128 : i32
      %mul3A_1207 = arith.muli %min3A_1205, %mul3A_1206 : i32
      %sub3A_1208 = arith.subi %squeeze3A_1201, %mul3A_1207 : i32
      %min3A_1209 = arith.constant 127 : i32
      %min3A_1210 = arith.minsi %sub3A_1208, %min3A_1209 : i32
      %broadcast_in_dim3A_1211 = vector.broadcast %min3A_1210 : i32 to vector<16xi32>
      %broadcast_in_dim3A_1212 = vector.broadcast %add3A_1191 : i32 to vector<16xi32>
      %iota3A_1213 = tpu.iota {dimensions = array<i32: 0>} : vector<16xi32>
      %add3A_1214 = arith.constant 0 : i32
      %add3A_1215 = vector.broadcast %add3A_1214 : i32 to vector<16xi32>
      %add3A_1216 = arith.addi %iota3A_1213, %add3A_1215 : vector<16xi32>
      %gather3A_1217 = tpu.vector_load_idx %arg16[%add3A_1216, %broadcast_in_dim3A_1211] : memref<64x128xf32, #tpu.memory_space<vmem>>[vector<16xi32>, vector<16xi32>], vector<16xf32>,
      tpu.vector_store_idx %arg17[%add3A_1216, %broadcast_in_dim3A_1212], %gather3A_1217 : memref<64x256xf32, #tpu.memory_space<vmem>>[vector<16xi32>, vector<16xi32>], vector<16xf32>,
      %iota3A_1218 = tpu.iota {dimensions = array<i32: 0>} : vector<16xi32>
      %add3A_1219 = arith.constant 16 : i32
      %add3A_1220 = vector.broadcast %add3A_1219 : i32 to vector<16xi32>
      %add3A_1221 = arith.addi %iota3A_1218, %add3A_1220 : vector<16xi32>
      %gather3A_1222 = tpu.vector_load_idx %arg16[%add3A_1221, %broadcast_in_dim3A_1211] : memref<64x128xf32, #tpu.memory_space<vmem>>[vector<16xi32>, vector<16xi32>], vector<16xf32>,
      tpu.vector_store_idx %arg17[%add3A_1221, %broadcast_in_dim3A_1212], %gather3A_1222 : memref<64x256xf32, #tpu.memory_space<vmem>>[vector<16xi32>, vector<16xi32>], vector<16xf32>,
      %iota3A_1223 = tpu.iota {dimensions = array<i32: 0>} : vector<16xi32>
      %add3A_1224 = arith.constant 32 : i32
      %add3A_1225 = vector.broadcast %add3A_1224 : i32 to vector<16xi32>
      %add3A_1226 = arith.addi %iota3A_1223, %add3A_1225 : vector<16xi32>
      %gather3A_1227 = tpu.vector_load_idx %arg16[%add3A_1226, %broadcast_in_dim3A_1211] : memref<64x128xf32, #tpu.memory_space<vmem>>[vector<16xi32>, vector<16xi32>], vector<16xf32>,
      tpu.vector_store_idx %arg17[%add3A_1226, %broadcast_in_dim3A_1212], %gather3A_1227 : memref<64x256xf32, #tpu.memory_space<vmem>>[vector<16xi32>, vector<16xi32>], vector<16xf32>,
      %iota3A_1228 = tpu.iota {dimensions = array<i32: 0>} : vector<16xi32>
      %add3A_1229 = arith.constant 48 : i32
      %add3A_1230 = vector.broadcast %add3A_1229 : i32 to vector<16xi32>
      %add3A_1231 = arith.addi %iota3A_1228, %add3A_1230 : vector<16xi32>
      %gather3A_1232 = tpu.vector_load_idx %arg16[%add3A_1231, %broadcast_in_dim3A_1211] : memref<64x128xf32, #tpu.memory_space<vmem>>[vector<16xi32>, vector<16xi32>], vector<16xf32>,
      tpu.vector_store_idx %arg17[%add3A_1231, %broadcast_in_dim3A_1212], %gather3A_1232 : memref<64x256xf32, #tpu.memory_space<vmem>>[vector<16xi32>, vector<16xi32>], vector<16xf32>,
      %add3A_1233 = arith.constant 8 : i32
      %add3A_1234 = arith.addi %add3A_1187, %add3A_1233 : i32
      %min3A_1235 = arith.constant 511 : i32
      %min3A_1236 = arith.minsi %add3A_1234, %min3A_1235 : i32
      %get3A_1237 = arith.index_cast %min3A_1236 : i32 to index
      %get3A_1238 = tpu.vector_load %arg7[%get3A_1237] {strides = array<i32>} : memref<528xi32, #tpu.memory_space<vmem>>, vector<16xi32>,
      %slice3A_1239 = vector.extract_strided_slice %get3A_1238 {offsets = [0], sizes = [1], strides = [1]} : vector<16xi32> to vector<1xi32>
      %squeeze3A_1240 = vector.extract %slice3A_1239[0] : i32 from vector<1xi32>
      %shift_right_logical3A_1241 = arith.constant 7 : i32
      %shift_right_logical3A_1242 = arith.shrui %squeeze3A_1240, %shift_right_logical3A_1241 : i32
      %min3A_1243 = arith.constant 7811 : i32
      %min3A_1244 = arith.minsi %shift_right_logical3A_1242, %min3A_1243 : i32
      %mul3A_1245 = arith.constant 128 : i32
      %mul3A_1246 = arith.muli %min3A_1244, %mul3A_1245 : i32
      %multiple_of3A_1247 = tpu.assume_multiple %mul3A_1246, 128 : i32
      %dma_start3A_1248 = arith.constant 0 : i32
      %dma_start3A_1249 = tpu.memref_slice %arg3[%dma_start3A_1248, %multiple_of3A_1247] : memref<64x1000000xf32, #tpu.memory_space<hbm>> -> memref<64x128xf32, #tpu.memory_space<hbm>>
      %dma_start3A_1250 = arith.constant 0 : i32
      %dma_start3A_1251 = tpu.memref_slice %arg3[%dma_start3A_1250, %multiple_of3A_1247] : memref<64x1000000xf32, #tpu.memory_space<hbm>> -> memref<64x128xf32, #tpu.memory_space<hbm>>
      tpu.enqueue_dma source(%dma_start3A_1251 : memref<64x128xf32, #tpu.memory_space<hbm>>) target(%arg16 : memref<64x128xf32, #tpu.memory_space<vmem>>) target_semaphore(%arg25 : memref<!tpu.dma_semaphore, #tpu.memory_space<semaphore_mem>>)
    }
    %scan3A_294 = arith.constant 32 : i32
    %dma_wait3A_295 = arith.constant 0 : i32
    %dma_wait3A_296 = arith.constant 0 : i32
    %dma_wait3A_297 = tpu.memref_slice %arg3[%dma_wait3A_295, %dma_wait3A_296] : memref<64x1000000xf32, #tpu.memory_space<hbm>> -> memref<64x128xf32, #tpu.memory_space<hbm>>
    %dma_wait3A_298 = arith.constant 0 : i32
    %dma_wait3A_299 = arith.constant 0 : i32
    %dma_wait3A_300 = tpu.memref_slice %arg3[%dma_wait3A_298, %dma_wait3A_299] : memref<64x1000000xf32, #tpu.memory_space<hbm>> -> memref<64x128xf32, #tpu.memory_space<hbm>>
    tpu.wait_dma2 semaphore(%arg18 : memref<!tpu.dma_semaphore, #tpu.memory_space<semaphore_mem>>) src(%dma_wait3A_300 : memref<64x128xf32, #tpu.memory_space<hbm>>) dst(%arg9 : memref<64x128xf32, #tpu.memory_space<vmem>>)
    %dma_wait3A_301 = arith.constant 0 : i32
    %dma_wait3A_302 = arith.constant 0 : i32
    %dma_wait3A_303 = tpu.memref_slice %arg3[%dma_wait3A_301, %dma_wait3A_302] : memref<64x1000000xf32, #tpu.memory_space<hbm>> -> memref<64x128xf32, #tpu.memory_space<hbm>>
    %dma_wait3A_304 = arith.constant 0 : i32
    %dma_wait3A_305 = arith.constant 0 : i32
    %dma_wait3A_306 = tpu.memref_slice %arg3[%dma_wait3A_304, %dma_wait3A_305] : memref<64x1000000xf32, #tpu.memory_space<hbm>> -> memref<64x128xf32, #tpu.memory_space<hbm>>
    tpu.wait_dma2 semaphore(%arg19 : memref<!tpu.dma_semaphore, #tpu.memory_space<semaphore_mem>>) src(%dma_wait3A_306 : memref<64x128xf32, #tpu.memory_space<hbm>>) dst(%arg10 : memref<64x128xf32, #tpu.memory_space<vmem>>)
    %dma_wait3A_307 = arith.constant 0 : i32
    %dma_wait3A_308 = arith.constant 0 : i32
    %dma_wait3A_309 = tpu.memref_slice %arg3[%dma_wait3A_307, %dma_wait3A_308] : memref<64x1000000xf32, #tpu.memory_space<hbm>> -> memref<64x128xf32, #tpu.memory_space<hbm>>
    %dma_wait3A_310 = arith.constant 0 : i32
    %dma_wait3A_311 = arith.constant 0 : i32
    %dma_wait3A_312 = tpu.memref_slice %arg3[%dma_wait3A_310, %dma_wait3A_311] : memref<64x1000000xf32, #tpu.memory_space<hbm>> -> memref<64x128xf32, #tpu.memory_space<hbm>>
    tpu.wait_dma2 semaphore(%arg20 : memref<!tpu.dma_semaphore, #tpu.memory_space<semaphore_mem>>) src(%dma_wait3A_312 : memref<64x128xf32, #tpu.memory_space<hbm>>) dst(%arg11 : memref<64x128xf32, #tpu.memory_space<vmem>>)
    %dma_wait3A_313 = arith.constant 0 : i32
    %dma_wait3A_314 = arith.constant 0 : i32
    %dma_wait3A_315 = tpu.memref_slice %arg3[%dma_wait3A_313, %dma_wait3A_314] : memref<64x1000000xf32, #tpu.memory_space<hbm>> -> memref<64x128xf32, #tpu.memory_space<hbm>>
    %dma_wait3A_316 = arith.constant 0 : i32
    %dma_wait3A_317 = arith.constant 0 : i32
    %dma_wait3A_318 = tpu.memref_slice %arg3[%dma_wait3A_316, %dma_wait3A_317] : memref<64x1000000xf32, #tpu.memory_space<hbm>> -> memref<64x128xf32, #tpu.memory_space<hbm>>
    tpu.wait_dma2 semaphore(%arg21 : memref<!tpu.dma_semaphore, #tpu.memory_space<semaphore_mem>>) src(%dma_wait3A_318 : memref<64x128xf32, #tpu.memory_space<hbm>>) dst(%arg12 : memref<64x128xf32, #tpu.memory_space<vmem>>)
    %dma_wait3A_319 = arith.constant 0 : i32
    %dma_wait3A_320 = arith.constant 0 : i32
    %dma_wait3A_321 = tpu.memref_slice %arg3[%dma_wait3A_319, %dma_wait3A_320] : memref<64x1000000xf32, #tpu.memory_space<hbm>> -> memref<64x128xf32, #tpu.memory_space<hbm>>
    %dma_wait3A_322 = arith.constant 0 : i32
    %dma_wait3A_323 = arith.constant 0 : i32
    %dma_wait3A_324 = tpu.memref_slice %arg3[%dma_wait3A_322, %dma_wait3A_323] : memref<64x1000000xf32, #tpu.memory_space<hbm>> -> memref<64x128xf32, #tpu.memory_space<hbm>>
    tpu.wait_dma2 semaphore(%arg22 : memref<!tpu.dma_semaphore, #tpu.memory_space<semaphore_mem>>) src(%dma_wait3A_324 : memref<64x128xf32, #tpu.memory_space<hbm>>) dst(%arg13 : memref<64x128xf32, #tpu.memory_space<vmem>>)
    %dma_wait3A_325 = arith.constant 0 : i32
    %dma_wait3A_326 = arith.constant 0 : i32
    %dma_wait3A_327 = tpu.memref_slice %arg3[%dma_wait3A_325, %dma_wait3A_326] : memref<64x1000000xf32, #tpu.memory_space<hbm>> -> memref<64x128xf32, #tpu.memory_space<hbm>>
    %dma_wait3A_328 = arith.constant 0 : i32
    %dma_wait3A_329 = arith.constant 0 : i32
    %dma_wait3A_330 = tpu.memref_slice %arg3[%dma_wait3A_328, %dma_wait3A_329] : memref<64x1000000xf32, #tpu.memory_space<hbm>> -> memref<64x128xf32, #tpu.memory_space<hbm>>
    tpu.wait_dma2 semaphore(%arg23 : memref<!tpu.dma_semaphore, #tpu.memory_space<semaphore_mem>>) src(%dma_wait3A_330 : memref<64x128xf32, #tpu.memory_space<hbm>>) dst(%arg14 : memref<64x128xf32, #tpu.memory_space<vmem>>)
    %dma_wait3A_331 = arith.constant 0 : i32
    %dma_wait3A_332 = arith.constant 0 : i32
    %dma_wait3A_333 = tpu.memref_slice %arg3[%dma_wait3A_331, %dma_wait3A_332] : memref<64x1000000xf32, #tpu.memory_space<hbm>> -> memref<64x128xf32, #tpu.memory_space<hbm>>
    %dma_wait3A_334 = arith.constant 0 : i32
    %dma_wait3A_335 = arith.constant 0 : i32
    %dma_wait3A_336 = tpu.memref_slice %arg3[%dma_wait3A_334, %dma_wait3A_335] : memref<64x1000000xf32, #tpu.memory_space<hbm>> -> memref<64x128xf32, #tpu.memory_space<hbm>>
    tpu.wait_dma2 semaphore(%arg24 : memref<!tpu.dma_semaphore, #tpu.memory_space<semaphore_mem>>) src(%dma_wait3A_336 : memref<64x128xf32, #tpu.memory_space<hbm>>) dst(%arg15 : memref<64x128xf32, #tpu.memory_space<vmem>>)
    %dma_wait3A_337 = arith.constant 0 : i32
    %dma_wait3A_338 = arith.constant 0 : i32
    %dma_wait3A_339 = tpu.memref_slice %arg3[%dma_wait3A_337, %dma_wait3A_338] : memref<64x1000000xf32, #tpu.memory_space<hbm>> -> memref<64x128xf32, #tpu.memory_space<hbm>>
    %dma_wait3A_340 = arith.constant 0 : i32
    %dma_wait3A_341 = arith.constant 0 : i32
    %dma_wait3A_342 = tpu.memref_slice %arg3[%dma_wait3A_340, %dma_wait3A_341] : memref<64x1000000xf32, #tpu.memory_space<hbm>> -> memref<64x128xf32, #tpu.memory_space<hbm>>
    tpu.wait_dma2 semaphore(%arg25 : memref<!tpu.dma_semaphore, #tpu.memory_space<semaphore_mem>>) src(%dma_wait3A_342 : memref<64x128xf32, #tpu.memory_space<hbm>>) dst(%arg16 : memref<64x128xf32, #tpu.memory_space<vmem>>)
    %add3A_343 = arith.constant 256 : i32
    %add3A_344 = arith.addi %mul3A_2, %add3A_343 : i32
    "tpu.region"() ({
      %run_scoped3A_695 = tpu.sem_alloc : memref<!tpu.dma_semaphore, #tpu.memory_space<semaphore_mem>>
      %dma_start3A_696 = arith.constant 0 : i32
      %dma_start3A_697 = tpu.memref_slice %arg5[%dma_start3A_696, %add3A_344] : memref<64x16384xf32, #tpu.memory_space<hbm>> -> memref<64x256xf32, #tpu.memory_space<hbm>>
      %dma_start3A_698 = arith.constant 0 : i32
      %dma_start3A_699 = tpu.memref_slice %arg5[%dma_start3A_698, %add3A_344] : memref<64x16384xf32, #tpu.memory_space<hbm>> -> memref<64x256xf32, #tpu.memory_space<hbm>>
      tpu.enqueue_dma source(%arg17 : memref<64x256xf32, #tpu.memory_space<vmem>>) target(%dma_start3A_699 : memref<64x256xf32, #tpu.memory_space<hbm>>) target_semaphore(%run_scoped3A_695 : memref<!tpu.dma_semaphore, #tpu.memory_space<semaphore_mem>>)
      %dma_wait3A_700 = arith.constant 0 : i32
      %dma_wait3A_701 = tpu.memref_slice %arg5[%dma_wait3A_700, %add3A_344] : memref<64x16384xf32, #tpu.memory_space<hbm>> -> memref<64x256xf32, #tpu.memory_space<hbm>>
      %dma_wait3A_702 = arith.constant 0 : i32
      %dma_wait3A_703 = tpu.memref_slice %arg5[%dma_wait3A_702, %add3A_344] : memref<64x16384xf32, #tpu.memory_space<hbm>> -> memref<64x256xf32, #tpu.memory_space<hbm>>
      tpu.wait_dma2 semaphore(%run_scoped3A_695 : memref<!tpu.dma_semaphore, #tpu.memory_space<semaphore_mem>>) src(%arg17 : memref<64x256xf32, #tpu.memory_space<vmem>>) dst(%dma_wait3A_703 : memref<64x256xf32, #tpu.memory_space<hbm>>)
      tpu.yield
    }) : () -> ()
    %get3A_345 = arith.constant 0 : index
    %get3A_346 = tpu.vector_load %arg8[%get3A_345] {strides = array<i32>} : memref<528xi32, #tpu.memory_space<vmem>>, vector<16xi32>,
    %slice3A_347 = vector.extract_strided_slice %get3A_346 {offsets = [0], sizes = [1], strides = [1]} : vector<16xi32> to vector<1xi32>
    %squeeze3A_348 = vector.extract %slice3A_347[0] : i32 from vector<1xi32>
    %shift_right_logical3A_349 = arith.constant 7 : i32
    %shift_right_logical3A_350 = arith.shrui %squeeze3A_348, %shift_right_logical3A_349 : i32
    %min3A_351 = arith.constant 7811 : i32
    %min3A_352 = arith.minsi %shift_right_logical3A_350, %min3A_351 : i32
    %mul3A_353 = arith.constant 128 : i32
    %mul3A_354 = arith.muli %min3A_352, %mul3A_353 : i32
    %multiple_of3A_355 = tpu.assume_multiple %mul3A_354, 128 : i32
    %dma_start3A_356 = arith.constant 0 : i32
    %dma_start3A_357 = tpu.memref_slice %arg4[%dma_start3A_356, %multiple_of3A_355] : memref<64x1000000xf32, #tpu.memory_space<hbm>> -> memref<64x128xf32, #tpu.memory_space<hbm>>
    %dma_start3A_358 = arith.constant 0 : i32
    %dma_start3A_359 = tpu.memref_slice %arg4[%dma_start3A_358, %multiple_of3A_355] : memref<64x1000000xf32, #tpu.memory_space<hbm>> -> memref<64x128xf32, #tpu.memory_space<hbm>>
    tpu.enqueue_dma source(%dma_start3A_359 : memref<64x128xf32, #tpu.memory_space<hbm>>) target(%arg9 : memref<64x128xf32, #tpu.memory_space<vmem>>) target_semaphore(%arg18 : memref<!tpu.dma_semaphore, #tpu.memory_space<semaphore_mem>>)
    %get3A_360 = arith.constant 1 : index
    %get3A_361 = tpu.vector_load %arg8[%get3A_360] {strides = array<i32>} : memref<528xi32, #tpu.memory_space<vmem>>, vector<16xi32>,
    %slice3A_362 = vector.extract_strided_slice %get3A_361 {offsets = [0], sizes = [1], strides = [1]} : vector<16xi32> to vector<1xi32>
    %squeeze3A_363 = vector.extract %slice3A_362[0] : i32 from vector<1xi32>
    %shift_right_logical3A_364 = arith.constant 7 : i32
    %shift_right_logical3A_365 = arith.shrui %squeeze3A_363, %shift_right_logical3A_364 : i32
    %min3A_366 = arith.constant 7811 : i32
    %min3A_367 = arith.minsi %shift_right_logical3A_365, %min3A_366 : i32
    %mul3A_368 = arith.constant 128 : i32
    %mul3A_369 = arith.muli %min3A_367, %mul3A_368 : i32
    %multiple_of3A_370 = tpu.assume_multiple %mul3A_369, 128 : i32
    %dma_start3A_371 = arith.constant 0 : i32
    %dma_start3A_372 = tpu.memref_slice %arg4[%dma_start3A_371, %multiple_of3A_370] : memref<64x1000000xf32, #tpu.memory_space<hbm>> -> memref<64x128xf32, #tpu.memory_space<hbm>>
    %dma_start3A_373 = arith.constant 0 : i32
    %dma_start3A_374 = tpu.memref_slice %arg4[%dma_start3A_373, %multiple_of3A_370] : memref<64x1000000xf32, #tpu.memory_space<hbm>> -> memref<64x128xf32, #tpu.memory_space<hbm>>
    tpu.enqueue_dma source(%dma_start3A_374 : memref<64x128xf32, #tpu.memory_space<hbm>>) target(%arg10 : memref<64x128xf32, #tpu.memory_space<vmem>>) target_semaphore(%arg19 : memref<!tpu.dma_semaphore, #tpu.memory_space<semaphore_mem>>)
    %get3A_375 = arith.constant 2 : index
    %get3A_376 = tpu.vector_load %arg8[%get3A_375] {strides = array<i32>} : memref<528xi32, #tpu.memory_space<vmem>>, vector<16xi32>,
    %slice3A_377 = vector.extract_strided_slice %get3A_376 {offsets = [0], sizes = [1], strides = [1]} : vector<16xi32> to vector<1xi32>
    %squeeze3A_378 = vector.extract %slice3A_377[0] : i32 from vector<1xi32>
    %shift_right_logical3A_379 = arith.constant 7 : i32
    %shift_right_logical3A_380 = arith.shrui %squeeze3A_378, %shift_right_logical3A_379 : i32
    %min3A_381 = arith.constant 7811 : i32
    %min3A_382 = arith.minsi %shift_right_logical3A_380, %min3A_381 : i32
    %mul3A_383 = arith.constant 128 : i32
    %mul3A_384 = arith.muli %min3A_382, %mul3A_383 : i32
    %multiple_of3A_385 = tpu.assume_multiple %mul3A_384, 128 : i32
    %dma_start3A_386 = arith.constant 0 : i32
    %dma_start3A_387 = tpu.memref_slice %arg4[%dma_start3A_386, %multiple_of3A_385] : memref<64x1000000xf32, #tpu.memory_space<hbm>> -> memref<64x128xf32, #tpu.memory_space<hbm>>
    %dma_start3A_388 = arith.constant 0 : i32
    %dma_start3A_389 = tpu.memref_slice %arg4[%dma_start3A_388, %multiple_of3A_385] : memref<64x1000000xf32, #tpu.memory_space<hbm>> -> memref<64x128xf32, #tpu.memory_space<hbm>>
    tpu.enqueue_dma source(%dma_start3A_389 : memref<64x128xf32, #tpu.memory_space<hbm>>) target(%arg11 : memref<64x128xf32, #tpu.memory_space<vmem>>) target_semaphore(%arg20 : memref<!tpu.dma_semaphore, #tpu.memory_space<semaphore_mem>>)
    %get3A_390 = arith.constant 3 : index
    %get3A_391 = tpu.vector_load %arg8[%get3A_390] {strides = array<i32>} : memref<528xi32, #tpu.memory_space<vmem>>, vector<16xi32>,
    %slice3A_392 = vector.extract_strided_slice %get3A_391 {offsets = [0], sizes = [1], strides = [1]} : vector<16xi32> to vector<1xi32>
    %squeeze3A_393 = vector.extract %slice3A_392[0] : i32 from vector<1xi32>
    %shift_right_logical3A_394 = arith.constant 7 : i32
    %shift_right_logical3A_395 = arith.shrui %squeeze3A_393, %shift_right_logical3A_394 : i32
    %min3A_396 = arith.constant 7811 : i32
    %min3A_397 = arith.minsi %shift_right_logical3A_395, %min3A_396 : i32
    %mul3A_398 = arith.constant 128 : i32
    %mul3A_399 = arith.muli %min3A_397, %mul3A_398 : i32
    %multiple_of3A_400 = tpu.assume_multiple %mul3A_399, 128 : i32
    %dma_start3A_401 = arith.constant 0 : i32
    %dma_start3A_402 = tpu.memref_slice %arg4[%dma_start3A_401, %multiple_of3A_400] : memref<64x1000000xf32, #tpu.memory_space<hbm>> -> memref<64x128xf32, #tpu.memory_space<hbm>>
    %dma_start3A_403 = arith.constant 0 : i32
    %dma_start3A_404 = tpu.memref_slice %arg4[%dma_start3A_403, %multiple_of3A_400] : memref<64x1000000xf32, #tpu.memory_space<hbm>> -> memref<64x128xf32, #tpu.memory_space<hbm>>
    tpu.enqueue_dma source(%dma_start3A_404 : memref<64x128xf32, #tpu.memory_space<hbm>>) target(%arg12 : memref<64x128xf32, #tpu.memory_space<vmem>>) target_semaphore(%arg21 : memref<!tpu.dma_semaphore, #tpu.memory_space<semaphore_mem>>)
    %get3A_405 = arith.constant 4 : index
    %get3A_406 = tpu.vector_load %arg8[%get3A_405] {strides = array<i32>} : memref<528xi32, #tpu.memory_space<vmem>>, vector<16xi32>,
    %slice3A_407 = vector.extract_strided_slice %get3A_406 {offsets = [0], sizes = [1], strides = [1]} : vector<16xi32> to vector<1xi32>
    %squeeze3A_408 = vector.extract %slice3A_407[0] : i32 from vector<1xi32>
    %shift_right_logical3A_409 = arith.constant 7 : i32
    %shift_right_logical3A_410 = arith.shrui %squeeze3A_408, %shift_right_logical3A_409 : i32
    %min3A_411 = arith.constant 7811 : i32
    %min3A_412 = arith.minsi %shift_right_logical3A_410, %min3A_411 : i32
    %mul3A_413 = arith.constant 128 : i32
    %mul3A_414 = arith.muli %min3A_412, %mul3A_413 : i32
    %multiple_of3A_415 = tpu.assume_multiple %mul3A_414, 128 : i32
    %dma_start3A_416 = arith.constant 0 : i32
    %dma_start3A_417 = tpu.memref_slice %arg4[%dma_start3A_416, %multiple_of3A_415] : memref<64x1000000xf32, #tpu.memory_space<hbm>> -> memref<64x128xf32, #tpu.memory_space<hbm>>
    %dma_start3A_418 = arith.constant 0 : i32
    %dma_start3A_419 = tpu.memref_slice %arg4[%dma_start3A_418, %multiple_of3A_415] : memref<64x1000000xf32, #tpu.memory_space<hbm>> -> memref<64x128xf32, #tpu.memory_space<hbm>>
    tpu.enqueue_dma source(%dma_start3A_419 : memref<64x128xf32, #tpu.memory_space<hbm>>) target(%arg13 : memref<64x128xf32, #tpu.memory_space<vmem>>) target_semaphore(%arg22 : memref<!tpu.dma_semaphore, #tpu.memory_space<semaphore_mem>>)
    %get3A_420 = arith.constant 5 : index
    %get3A_421 = tpu.vector_load %arg8[%get3A_420] {strides = array<i32>} : memref<528xi32, #tpu.memory_space<vmem>>, vector<16xi32>,
    %slice3A_422 = vector.extract_strided_slice %get3A_421 {offsets = [0], sizes = [1], strides = [1]} : vector<16xi32> to vector<1xi32>
    %squeeze3A_423 = vector.extract %slice3A_422[0] : i32 from vector<1xi32>
    %shift_right_logical3A_424 = arith.constant 7 : i32
    %shift_right_logical3A_425 = arith.shrui %squeeze3A_423, %shift_right_logical3A_424 : i32
    %min3A_426 = arith.constant 7811 : i32
    %min3A_427 = arith.minsi %shift_right_logical3A_425, %min3A_426 : i32
    %mul3A_428 = arith.constant 128 : i32
    %mul3A_429 = arith.muli %min3A_427, %mul3A_428 : i32
    %multiple_of3A_430 = tpu.assume_multiple %mul3A_429, 128 : i32
    %dma_start3A_431 = arith.constant 0 : i32
    %dma_start3A_432 = tpu.memref_slice %arg4[%dma_start3A_431, %multiple_of3A_430] : memref<64x1000000xf32, #tpu.memory_space<hbm>> -> memref<64x128xf32, #tpu.memory_space<hbm>>
    %dma_start3A_433 = arith.constant 0 : i32
    %dma_start3A_434 = tpu.memref_slice %arg4[%dma_start3A_433, %multiple_of3A_430] : memref<64x1000000xf32, #tpu.memory_space<hbm>> -> memref<64x128xf32, #tpu.memory_space<hbm>>
    tpu.enqueue_dma source(%dma_start3A_434 : memref<64x128xf32, #tpu.memory_space<hbm>>) target(%arg14 : memref<64x128xf32, #tpu.memory_space<vmem>>) target_semaphore(%arg23 : memref<!tpu.dma_semaphore, #tpu.memory_space<semaphore_mem>>)
    %get3A_435 = arith.constant 6 : index
    %get3A_436 = tpu.vector_load %arg8[%get3A_435] {strides = array<i32>} : memref<528xi32, #tpu.memory_space<vmem>>, vector<16xi32>,
    %slice3A_437 = vector.extract_strided_slice %get3A_436 {offsets = [0], sizes = [1], strides = [1]} : vector<16xi32> to vector<1xi32>
    %squeeze3A_438 = vector.extract %slice3A_437[0] : i32 from vector<1xi32>
    %shift_right_logical3A_439 = arith.constant 7 : i32
    %shift_right_logical3A_440 = arith.shrui %squeeze3A_438, %shift_right_logical3A_439 : i32
    %min3A_441 = arith.constant 7811 : i32
    %min3A_442 = arith.minsi %shift_right_logical3A_440, %min3A_441 : i32
    %mul3A_443 = arith.constant 128 : i32
    %mul3A_444 = arith.muli %min3A_442, %mul3A_443 : i32
    %multiple_of3A_445 = tpu.assume_multiple %mul3A_444, 128 : i32
    %dma_start3A_446 = arith.constant 0 : i32
    %dma_start3A_447 = tpu.memref_slice %arg4[%dma_start3A_446, %multiple_of3A_445] : memref<64x1000000xf32, #tpu.memory_space<hbm>> -> memref<64x128xf32, #tpu.memory_space<hbm>>
    %dma_start3A_448 = arith.constant 0 : i32
    %dma_start3A_449 = tpu.memref_slice %arg4[%dma_start3A_448, %multiple_of3A_445] : memref<64x1000000xf32, #tpu.memory_space<hbm>> -> memref<64x128xf32, #tpu.memory_space<hbm>>
    tpu.enqueue_dma source(%dma_start3A_449 : memref<64x128xf32, #tpu.memory_space<hbm>>) target(%arg15 : memref<64x128xf32, #tpu.memory_space<vmem>>) target_semaphore(%arg24 : memref<!tpu.dma_semaphore, #tpu.memory_space<semaphore_mem>>)
    %get3A_450 = arith.constant 7 : index
    %get3A_451 = tpu.vector_load %arg8[%get3A_450] {strides = array<i32>} : memref<528xi32, #tpu.memory_space<vmem>>, vector<16xi32>,
    %slice3A_452 = vector.extract_strided_slice %get3A_451 {offsets = [0], sizes = [1], strides = [1]} : vector<16xi32> to vector<1xi32>
    %squeeze3A_453 = vector.extract %slice3A_452[0] : i32 from vector<1xi32>
    %shift_right_logical3A_454 = arith.constant 7 : i32
    %shift_right_logical3A_455 = arith.shrui %squeeze3A_453, %shift_right_logical3A_454 : i32
    %min3A_456 = arith.constant 7811 : i32
    %min3A_457 = arith.minsi %shift_right_logical3A_455, %min3A_456 : i32
    %mul3A_458 = arith.constant 128 : i32
    %mul3A_459 = arith.muli %min3A_457, %mul3A_458 : i32
    %multiple_of3A_460 = tpu.assume_multiple %mul3A_459, 128 : i32
    %dma_start3A_461 = arith.constant 0 : i32
    %dma_start3A_462 = tpu.memref_slice %arg4[%dma_start3A_461, %multiple_of3A_460] : memref<64x1000000xf32, #tpu.memory_space<hbm>> -> memref<64x128xf32, #tpu.memory_space<hbm>>
    %dma_start3A_463 = arith.constant 0 : i32
    %dma_start3A_464 = tpu.memref_slice %arg4[%dma_start3A_463, %multiple_of3A_460] : memref<64x1000000xf32, #tpu.memory_space<hbm>> -> memref<64x128xf32, #tpu.memory_space<hbm>>
    tpu.enqueue_dma source(%dma_start3A_464 : memref<64x128xf32, #tpu.memory_space<hbm>>) target(%arg16 : memref<64x128xf32, #tpu.memory_space<vmem>>) target_semaphore(%arg25 : memref<!tpu.dma_semaphore, #tpu.memory_space<semaphore_mem>>)
    %scan3A_465 = arith.constant 0 : i32
    %scan3A_466 = arith.constant 32 : i32
    %scan3A_467 = arith.addi %scan3A_465, %scan3A_466 : i32
    %scan3A_468 = arith.constant 1 : i32
    scf.for %scan3A_695 = %scan3A_465 to %scan3A_467 step %scan3A_468  : i32 {
      %mul3A_696 = arith.constant 8 : i32
      %mul3A_697 = arith.muli %scan3A_695, %mul3A_696 : i32
      %add3A_698 = arith.constant 0 : i32
      %add3A_699 = arith.addi %add3A_698, %mul3A_697 : i32
      %add3A_700 = arith.constant 0 : i32
      %add3A_701 = arith.addi %add3A_699, %add3A_700 : i32
      %mul3A_702 = arith.constant 8 : i32
      %mul3A_703 = arith.muli %scan3A_695, %mul3A_702 : i32
      %add3A_704 = arith.constant 0 : i32
      %add3A_705 = arith.addi %mul3A_703, %add3A_704 : i32
      %dma_wait3A_706 = arith.constant 0 : i32
      %dma_wait3A_707 = arith.constant 0 : i32
      %dma_wait3A_708 = tpu.memref_slice %arg3[%dma_wait3A_706, %dma_wait3A_707] : memref<64x1000000xf32, #tpu.memory_space<hbm>> -> memref<64x128xf32, #tpu.memory_space<hbm>>
      %dma_wait3A_709 = arith.constant 0 : i32
      %dma_wait3A_710 = arith.constant 0 : i32
      %dma_wait3A_711 = tpu.memref_slice %arg3[%dma_wait3A_709, %dma_wait3A_710] : memref<64x1000000xf32, #tpu.memory_space<hbm>> -> memref<64x128xf32, #tpu.memory_space<hbm>>
      tpu.wait_dma2 semaphore(%arg18 : memref<!tpu.dma_semaphore, #tpu.memory_space<semaphore_mem>>) src(%dma_wait3A_711 : memref<64x128xf32, #tpu.memory_space<hbm>>) dst(%arg9 : memref<64x128xf32, #tpu.memory_space<vmem>>)
      %get3A_712 = arith.index_cast %add3A_701 : i32 to index
      %get3A_713 = tpu.vector_load %arg8[%get3A_712] {strides = array<i32>} : memref<528xi32, #tpu.memory_space<vmem>>, vector<16xi32>,
      %slice3A_714 = vector.extract_strided_slice %get3A_713 {offsets = [0], sizes = [1], strides = [1]} : vector<16xi32> to vector<1xi32>
      %squeeze3A_715 = vector.extract %slice3A_714[0] : i32 from vector<1xi32>
      %shift_right_logical3A_716 = arith.constant 7 : i32
      %shift_right_logical3A_717 = arith.shrui %squeeze3A_715, %shift_right_logical3A_716 : i32
      %min3A_718 = arith.constant 7811 : i32
      %min3A_719 = arith.minsi %shift_right_logical3A_717, %min3A_718 : i32
      %mul3A_720 = arith.constant 128 : i32
      %mul3A_721 = arith.muli %min3A_719, %mul3A_720 : i32
      %sub3A = arith.subi %squeeze3A_715, %mul3A_721 : i32
      %min3A_722 = arith.constant 127 : i32
      %min3A_723 = arith.minsi %sub3A, %min3A_722 : i32
      %broadcast_in_dim3A = vector.broadcast %min3A_723 : i32 to vector<16xi32>
      %broadcast_in_dim3A_724 = vector.broadcast %add3A_705 : i32 to vector<16xi32>
      %iota3A = tpu.iota {dimensions = array<i32: 0>} : vector<16xi32>
      %add3A_725 = arith.constant 0 : i32
      %add3A_726 = vector.broadcast %add3A_725 : i32 to vector<16xi32>
      %add3A_727 = arith.addi %iota3A, %add3A_726 : vector<16xi32>
      %gather3A = tpu.vector_load_idx %arg9[%add3A_727, %broadcast_in_dim3A] : memref<64x128xf32, #tpu.memory_space<vmem>>[vector<16xi32>, vector<16xi32>], vector<16xf32>,
      tpu.vector_store_idx %arg17[%add3A_727, %broadcast_in_dim3A_724], %gather3A : memref<64x256xf32, #tpu.memory_space<vmem>>[vector<16xi32>, vector<16xi32>], vector<16xf32>,
      %iota3A_728 = tpu.iota {dimensions = array<i32: 0>} : vector<16xi32>
      %add3A_729 = arith.constant 16 : i32
      %add3A_730 = vector.broadcast %add3A_729 : i32 to vector<16xi32>
      %add3A_731 = arith.addi %iota3A_728, %add3A_730 : vector<16xi32>
      %gather3A_732 = tpu.vector_load_idx %arg9[%add3A_731, %broadcast_in_dim3A] : memref<64x128xf32, #tpu.memory_space<vmem>>[vector<16xi32>, vector<16xi32>], vector<16xf32>,
      tpu.vector_store_idx %arg17[%add3A_731, %broadcast_in_dim3A_724], %gather3A_732 : memref<64x256xf32, #tpu.memory_space<vmem>>[vector<16xi32>, vector<16xi32>], vector<16xf32>,
      %iota3A_733 = tpu.iota {dimensions = array<i32: 0>} : vector<16xi32>
      %add3A_734 = arith.constant 32 : i32
      %add3A_735 = vector.broadcast %add3A_734 : i32 to vector<16xi32>
      %add3A_736 = arith.addi %iota3A_733, %add3A_735 : vector<16xi32>
      %gather3A_737 = tpu.vector_load_idx %arg9[%add3A_736, %broadcast_in_dim3A] : memref<64x128xf32, #tpu.memory_space<vmem>>[vector<16xi32>, vector<16xi32>], vector<16xf32>,
      tpu.vector_store_idx %arg17[%add3A_736, %broadcast_in_dim3A_724], %gather3A_737 : memref<64x256xf32, #tpu.memory_space<vmem>>[vector<16xi32>, vector<16xi32>], vector<16xf32>,
      %iota3A_738 = tpu.iota {dimensions = array<i32: 0>} : vector<16xi32>
      %add3A_739 = arith.constant 48 : i32
      %add3A_740 = vector.broadcast %add3A_739 : i32 to vector<16xi32>
      %add3A_741 = arith.addi %iota3A_738, %add3A_740 : vector<16xi32>
      %gather3A_742 = tpu.vector_load_idx %arg9[%add3A_741, %broadcast_in_dim3A] : memref<64x128xf32, #tpu.memory_space<vmem>>[vector<16xi32>, vector<16xi32>], vector<16xf32>,
      tpu.vector_store_idx %arg17[%add3A_741, %broadcast_in_dim3A_724], %gather3A_742 : memref<64x256xf32, #tpu.memory_space<vmem>>[vector<16xi32>, vector<16xi32>], vector<16xf32>,
      %add3A_743 = arith.constant 8 : i32
      %add3A_744 = arith.addi %add3A_701, %add3A_743 : i32
      %min3A_745 = arith.constant 255 : i32
      %min3A_746 = arith.minsi %add3A_744, %min3A_745 : i32
      %get3A_747 = arith.index_cast %min3A_746 : i32 to index
      %get3A_748 = tpu.vector_load %arg8[%get3A_747] {strides = array<i32>} : memref<528xi32, #tpu.memory_space<vmem>>, vector<16xi32>,
      %slice3A_749 = vector.extract_strided_slice %get3A_748 {offsets = [0], sizes = [1], strides = [1]} : vector<16xi32> to vector<1xi32>
      %squeeze3A_750 = vector.extract %slice3A_749[0] : i32 from vector<1xi32>
      %shift_right_logical3A_751 = arith.constant 7 : i32
      %shift_right_logical3A_752 = arith.shrui %squeeze3A_750, %shift_right_logical3A_751 : i32
      %min3A_753 = arith.constant 7811 : i32
      %min3A_754 = arith.minsi %shift_right_logical3A_752, %min3A_753 : i32
      %mul3A_755 = arith.constant 128 : i32
      %mul3A_756 = arith.muli %min3A_754, %mul3A_755 : i32
      %multiple_of3A_757 = tpu.assume_multiple %mul3A_756, 128 : i32
      %dma_start3A_758 = arith.constant 0 : i32
      %dma_start3A_759 = tpu.memref_slice %arg4[%dma_start3A_758, %multiple_of3A_757] : memref<64x1000000xf32, #tpu.memory_space<hbm>> -> memref<64x128xf32, #tpu.memory_space<hbm>>
      %dma_start3A_760 = arith.constant 0 : i32
      %dma_start3A_761 = tpu.memref_slice %arg4[%dma_start3A_760, %multiple_of3A_757] : memref<64x1000000xf32, #tpu.memory_space<hbm>> -> memref<64x128xf32, #tpu.memory_space<hbm>>
      tpu.enqueue_dma source(%dma_start3A_761 : memref<64x128xf32, #tpu.memory_space<hbm>>) target(%arg9 : memref<64x128xf32, #tpu.memory_space<vmem>>) target_semaphore(%arg18 : memref<!tpu.dma_semaphore, #tpu.memory_space<semaphore_mem>>)
      %mul3A_762 = arith.constant 8 : i32
      %mul3A_763 = arith.muli %scan3A_695, %mul3A_762 : i32
      %add3A_764 = arith.constant 0 : i32
      %add3A_765 = arith.addi %add3A_764, %mul3A_763 : i32
      %add3A_766 = arith.constant 1 : i32
      %add3A_767 = arith.addi %add3A_765, %add3A_766 : i32
      %mul3A_768 = arith.constant 8 : i32
      %mul3A_769 = arith.muli %scan3A_695, %mul3A_768 : i32
      %add3A_770 = arith.constant 1 : i32
      %add3A_771 = arith.addi %mul3A_769, %add3A_770 : i32
      %dma_wait3A_772 = arith.constant 0 : i32
      %dma_wait3A_773 = arith.constant 0 : i32
      %dma_wait3A_774 = tpu.memref_slice %arg3[%dma_wait3A_772, %dma_wait3A_773] : memref<64x1000000xf32, #tpu.memory_space<hbm>> -> memref<64x128xf32, #tpu.memory_space<hbm>>
      %dma_wait3A_775 = arith.constant 0 : i32
      %dma_wait3A_776 = arith.constant 0 : i32
      %dma_wait3A_777 = tpu.memref_slice %arg3[%dma_wait3A_775, %dma_wait3A_776] : memref<64x1000000xf32, #tpu.memory_space<hbm>> -> memref<64x128xf32, #tpu.memory_space<hbm>>
      tpu.wait_dma2 semaphore(%arg19 : memref<!tpu.dma_semaphore, #tpu.memory_space<semaphore_mem>>) src(%dma_wait3A_777 : memref<64x128xf32, #tpu.memory_space<hbm>>) dst(%arg10 : memref<64x128xf32, #tpu.memory_space<vmem>>)
      %get3A_778 = arith.index_cast %add3A_767 : i32 to index
      %get3A_779 = tpu.vector_load %arg8[%get3A_778] {strides = array<i32>} : memref<528xi32, #tpu.memory_space<vmem>>, vector<16xi32>,
      %slice3A_780 = vector.extract_strided_slice %get3A_779 {offsets = [0], sizes = [1], strides = [1]} : vector<16xi32> to vector<1xi32>
      %squeeze3A_781 = vector.extract %slice3A_780[0] : i32 from vector<1xi32>
      %shift_right_logical3A_782 = arith.constant 7 : i32
      %shift_right_logical3A_783 = arith.shrui %squeeze3A_781, %shift_right_logical3A_782 : i32
      %min3A_784 = arith.constant 7811 : i32
      %min3A_785 = arith.minsi %shift_right_logical3A_783, %min3A_784 : i32
      %mul3A_786 = arith.constant 128 : i32
      %mul3A_787 = arith.muli %min3A_785, %mul3A_786 : i32
      %sub3A_788 = arith.subi %squeeze3A_781, %mul3A_787 : i32
      %min3A_789 = arith.constant 127 : i32
      %min3A_790 = arith.minsi %sub3A_788, %min3A_789 : i32
      %broadcast_in_dim3A_791 = vector.broadcast %min3A_790 : i32 to vector<16xi32>
      %broadcast_in_dim3A_792 = vector.broadcast %add3A_771 : i32 to vector<16xi32>
      %iota3A_793 = tpu.iota {dimensions = array<i32: 0>} : vector<16xi32>
      %add3A_794 = arith.constant 0 : i32
      %add3A_795 = vector.broadcast %add3A_794 : i32 to vector<16xi32>
      %add3A_796 = arith.addi %iota3A_793, %add3A_795 : vector<16xi32>
      %gather3A_797 = tpu.vector_load_idx %arg10[%add3A_796, %broadcast_in_dim3A_791] : memref<64x128xf32, #tpu.memory_space<vmem>>[vector<16xi32>, vector<16xi32>], vector<16xf32>,
      tpu.vector_store_idx %arg17[%add3A_796, %broadcast_in_dim3A_792], %gather3A_797 : memref<64x256xf32, #tpu.memory_space<vmem>>[vector<16xi32>, vector<16xi32>], vector<16xf32>,
      %iota3A_798 = tpu.iota {dimensions = array<i32: 0>} : vector<16xi32>
      %add3A_799 = arith.constant 16 : i32
      %add3A_800 = vector.broadcast %add3A_799 : i32 to vector<16xi32>
      %add3A_801 = arith.addi %iota3A_798, %add3A_800 : vector<16xi32>
      %gather3A_802 = tpu.vector_load_idx %arg10[%add3A_801, %broadcast_in_dim3A_791] : memref<64x128xf32, #tpu.memory_space<vmem>>[vector<16xi32>, vector<16xi32>], vector<16xf32>,
      tpu.vector_store_idx %arg17[%add3A_801, %broadcast_in_dim3A_792], %gather3A_802 : memref<64x256xf32, #tpu.memory_space<vmem>>[vector<16xi32>, vector<16xi32>], vector<16xf32>,
      %iota3A_803 = tpu.iota {dimensions = array<i32: 0>} : vector<16xi32>
      %add3A_804 = arith.constant 32 : i32
      %add3A_805 = vector.broadcast %add3A_804 : i32 to vector<16xi32>
      %add3A_806 = arith.addi %iota3A_803, %add3A_805 : vector<16xi32>
      %gather3A_807 = tpu.vector_load_idx %arg10[%add3A_806, %broadcast_in_dim3A_791] : memref<64x128xf32, #tpu.memory_space<vmem>>[vector<16xi32>, vector<16xi32>], vector<16xf32>,
      tpu.vector_store_idx %arg17[%add3A_806, %broadcast_in_dim3A_792], %gather3A_807 : memref<64x256xf32, #tpu.memory_space<vmem>>[vector<16xi32>, vector<16xi32>], vector<16xf32>,
      %iota3A_808 = tpu.iota {dimensions = array<i32: 0>} : vector<16xi32>
      %add3A_809 = arith.constant 48 : i32
      %add3A_810 = vector.broadcast %add3A_809 : i32 to vector<16xi32>
      %add3A_811 = arith.addi %iota3A_808, %add3A_810 : vector<16xi32>
      %gather3A_812 = tpu.vector_load_idx %arg10[%add3A_811, %broadcast_in_dim3A_791] : memref<64x128xf32, #tpu.memory_space<vmem>>[vector<16xi32>, vector<16xi32>], vector<16xf32>,
      tpu.vector_store_idx %arg17[%add3A_811, %broadcast_in_dim3A_792], %gather3A_812 : memref<64x256xf32, #tpu.memory_space<vmem>>[vector<16xi32>, vector<16xi32>], vector<16xf32>,
      %add3A_813 = arith.constant 8 : i32
      %add3A_814 = arith.addi %add3A_767, %add3A_813 : i32
      %min3A_815 = arith.constant 255 : i32
      %min3A_816 = arith.minsi %add3A_814, %min3A_815 : i32
      %get3A_817 = arith.index_cast %min3A_816 : i32 to index
      %get3A_818 = tpu.vector_load %arg8[%get3A_817] {strides = array<i32>} : memref<528xi32, #tpu.memory_space<vmem>>, vector<16xi32>,
      %slice3A_819 = vector.extract_strided_slice %get3A_818 {offsets = [0], sizes = [1], strides = [1]} : vector<16xi32> to vector<1xi32>
      %squeeze3A_820 = vector.extract %slice3A_819[0] : i32 from vector<1xi32>
      %shift_right_logical3A_821 = arith.constant 7 : i32
      %shift_right_logical3A_822 = arith.shrui %squeeze3A_820, %shift_right_logical3A_821 : i32
      %min3A_823 = arith.constant 7811 : i32
      %min3A_824 = arith.minsi %shift_right_logical3A_822, %min3A_823 : i32
      %mul3A_825 = arith.constant 128 : i32
      %mul3A_826 = arith.muli %min3A_824, %mul3A_825 : i32
      %multiple_of3A_827 = tpu.assume_multiple %mul3A_826, 128 : i32
      %dma_start3A_828 = arith.constant 0 : i32
      %dma_start3A_829 = tpu.memref_slice %arg4[%dma_start3A_828, %multiple_of3A_827] : memref<64x1000000xf32, #tpu.memory_space<hbm>> -> memref<64x128xf32, #tpu.memory_space<hbm>>
      %dma_start3A_830 = arith.constant 0 : i32
      %dma_start3A_831 = tpu.memref_slice %arg4[%dma_start3A_830, %multiple_of3A_827] : memref<64x1000000xf32, #tpu.memory_space<hbm>> -> memref<64x128xf32, #tpu.memory_space<hbm>>
      tpu.enqueue_dma source(%dma_start3A_831 : memref<64x128xf32, #tpu.memory_space<hbm>>) target(%arg10 : memref<64x128xf32, #tpu.memory_space<vmem>>) target_semaphore(%arg19 : memref<!tpu.dma_semaphore, #tpu.memory_space<semaphore_mem>>)
      %mul3A_832 = arith.constant 8 : i32
      %mul3A_833 = arith.muli %scan3A_695, %mul3A_832 : i32
      %add3A_834 = arith.constant 0 : i32
      %add3A_835 = arith.addi %add3A_834, %mul3A_833 : i32
      %add3A_836 = arith.constant 2 : i32
      %add3A_837 = arith.addi %add3A_835, %add3A_836 : i32
      %mul3A_838 = arith.constant 8 : i32
      %mul3A_839 = arith.muli %scan3A_695, %mul3A_838 : i32
      %add3A_840 = arith.constant 2 : i32
      %add3A_841 = arith.addi %mul3A_839, %add3A_840 : i32
      %dma_wait3A_842 = arith.constant 0 : i32
      %dma_wait3A_843 = arith.constant 0 : i32
      %dma_wait3A_844 = tpu.memref_slice %arg3[%dma_wait3A_842, %dma_wait3A_843] : memref<64x1000000xf32, #tpu.memory_space<hbm>> -> memref<64x128xf32, #tpu.memory_space<hbm>>
      %dma_wait3A_845 = arith.constant 0 : i32
      %dma_wait3A_846 = arith.constant 0 : i32
      %dma_wait3A_847 = tpu.memref_slice %arg3[%dma_wait3A_845, %dma_wait3A_846] : memref<64x1000000xf32, #tpu.memory_space<hbm>> -> memref<64x128xf32, #tpu.memory_space<hbm>>
      tpu.wait_dma2 semaphore(%arg20 : memref<!tpu.dma_semaphore, #tpu.memory_space<semaphore_mem>>) src(%dma_wait3A_847 : memref<64x128xf32, #tpu.memory_space<hbm>>) dst(%arg11 : memref<64x128xf32, #tpu.memory_space<vmem>>)
      %get3A_848 = arith.index_cast %add3A_837 : i32 to index
      %get3A_849 = tpu.vector_load %arg8[%get3A_848] {strides = array<i32>} : memref<528xi32, #tpu.memory_space<vmem>>, vector<16xi32>,
      %slice3A_850 = vector.extract_strided_slice %get3A_849 {offsets = [0], sizes = [1], strides = [1]} : vector<16xi32> to vector<1xi32>
      %squeeze3A_851 = vector.extract %slice3A_850[0] : i32 from vector<1xi32>
      %shift_right_logical3A_852 = arith.constant 7 : i32
      %shift_right_logical3A_853 = arith.shrui %squeeze3A_851, %shift_right_logical3A_852 : i32
      %min3A_854 = arith.constant 7811 : i32
      %min3A_855 = arith.minsi %shift_right_logical3A_853, %min3A_854 : i32
      %mul3A_856 = arith.constant 128 : i32
      %mul3A_857 = arith.muli %min3A_855, %mul3A_856 : i32
      %sub3A_858 = arith.subi %squeeze3A_851, %mul3A_857 : i32
      %min3A_859 = arith.constant 127 : i32
      %min3A_860 = arith.minsi %sub3A_858, %min3A_859 : i32
      %broadcast_in_dim3A_861 = vector.broadcast %min3A_860 : i32 to vector<16xi32>
      %broadcast_in_dim3A_862 = vector.broadcast %add3A_841 : i32 to vector<16xi32>
      %iota3A_863 = tpu.iota {dimensions = array<i32: 0>} : vector<16xi32>
      %add3A_864 = arith.constant 0 : i32
      %add3A_865 = vector.broadcast %add3A_864 : i32 to vector<16xi32>
      %add3A_866 = arith.addi %iota3A_863, %add3A_865 : vector<16xi32>
      %gather3A_867 = tpu.vector_load_idx %arg11[%add3A_866, %broadcast_in_dim3A_861] : memref<64x128xf32, #tpu.memory_space<vmem>>[vector<16xi32>, vector<16xi32>], vector<16xf32>,
      tpu.vector_store_idx %arg17[%add3A_866, %broadcast_in_dim3A_862], %gather3A_867 : memref<64x256xf32, #tpu.memory_space<vmem>>[vector<16xi32>, vector<16xi32>], vector<16xf32>,
      %iota3A_868 = tpu.iota {dimensions = array<i32: 0>} : vector<16xi32>
      %add3A_869 = arith.constant 16 : i32
      %add3A_870 = vector.broadcast %add3A_869 : i32 to vector<16xi32>
      %add3A_871 = arith.addi %iota3A_868, %add3A_870 : vector<16xi32>
      %gather3A_872 = tpu.vector_load_idx %arg11[%add3A_871, %broadcast_in_dim3A_861] : memref<64x128xf32, #tpu.memory_space<vmem>>[vector<16xi32>, vector<16xi32>], vector<16xf32>,
      tpu.vector_store_idx %arg17[%add3A_871, %broadcast_in_dim3A_862], %gather3A_872 : memref<64x256xf32, #tpu.memory_space<vmem>>[vector<16xi32>, vector<16xi32>], vector<16xf32>,
      %iota3A_873 = tpu.iota {dimensions = array<i32: 0>} : vector<16xi32>
      %add3A_874 = arith.constant 32 : i32
      %add3A_875 = vector.broadcast %add3A_874 : i32 to vector<16xi32>
      %add3A_876 = arith.addi %iota3A_873, %add3A_875 : vector<16xi32>
      %gather3A_877 = tpu.vector_load_idx %arg11[%add3A_876, %broadcast_in_dim3A_861] : memref<64x128xf32, #tpu.memory_space<vmem>>[vector<16xi32>, vector<16xi32>], vector<16xf32>,
      tpu.vector_store_idx %arg17[%add3A_876, %broadcast_in_dim3A_862], %gather3A_877 : memref<64x256xf32, #tpu.memory_space<vmem>>[vector<16xi32>, vector<16xi32>], vector<16xf32>,
      %iota3A_878 = tpu.iota {dimensions = array<i32: 0>} : vector<16xi32>
      %add3A_879 = arith.constant 48 : i32
      %add3A_880 = vector.broadcast %add3A_879 : i32 to vector<16xi32>
      %add3A_881 = arith.addi %iota3A_878, %add3A_880 : vector<16xi32>
      %gather3A_882 = tpu.vector_load_idx %arg11[%add3A_881, %broadcast_in_dim3A_861] : memref<64x128xf32, #tpu.memory_space<vmem>>[vector<16xi32>, vector<16xi32>], vector<16xf32>,
      tpu.vector_store_idx %arg17[%add3A_881, %broadcast_in_dim3A_862], %gather3A_882 : memref<64x256xf32, #tpu.memory_space<vmem>>[vector<16xi32>, vector<16xi32>], vector<16xf32>,
      %add3A_883 = arith.constant 8 : i32
      %add3A_884 = arith.addi %add3A_837, %add3A_883 : i32
      %min3A_885 = arith.constant 255 : i32
      %min3A_886 = arith.minsi %add3A_884, %min3A_885 : i32
      %get3A_887 = arith.index_cast %min3A_886 : i32 to index
      %get3A_888 = tpu.vector_load %arg8[%get3A_887] {strides = array<i32>} : memref<528xi32, #tpu.memory_space<vmem>>, vector<16xi32>,
      %slice3A_889 = vector.extract_strided_slice %get3A_888 {offsets = [0], sizes = [1], strides = [1]} : vector<16xi32> to vector<1xi32>
      %squeeze3A_890 = vector.extract %slice3A_889[0] : i32 from vector<1xi32>
      %shift_right_logical3A_891 = arith.constant 7 : i32
      %shift_right_logical3A_892 = arith.shrui %squeeze3A_890, %shift_right_logical3A_891 : i32
      %min3A_893 = arith.constant 7811 : i32
      %min3A_894 = arith.minsi %shift_right_logical3A_892, %min3A_893 : i32
      %mul3A_895 = arith.constant 128 : i32
      %mul3A_896 = arith.muli %min3A_894, %mul3A_895 : i32
      %multiple_of3A_897 = tpu.assume_multiple %mul3A_896, 128 : i32
      %dma_start3A_898 = arith.constant 0 : i32
      %dma_start3A_899 = tpu.memref_slice %arg4[%dma_start3A_898, %multiple_of3A_897] : memref<64x1000000xf32, #tpu.memory_space<hbm>> -> memref<64x128xf32, #tpu.memory_space<hbm>>
      %dma_start3A_900 = arith.constant 0 : i32
      %dma_start3A_901 = tpu.memref_slice %arg4[%dma_start3A_900, %multiple_of3A_897] : memref<64x1000000xf32, #tpu.memory_space<hbm>> -> memref<64x128xf32, #tpu.memory_space<hbm>>
      tpu.enqueue_dma source(%dma_start3A_901 : memref<64x128xf32, #tpu.memory_space<hbm>>) target(%arg11 : memref<64x128xf32, #tpu.memory_space<vmem>>) target_semaphore(%arg20 : memref<!tpu.dma_semaphore, #tpu.memory_space<semaphore_mem>>)
      %mul3A_902 = arith.constant 8 : i32
      %mul3A_903 = arith.muli %scan3A_695, %mul3A_902 : i32
      %add3A_904 = arith.constant 0 : i32
      %add3A_905 = arith.addi %add3A_904, %mul3A_903 : i32
      %add3A_906 = arith.constant 3 : i32
      %add3A_907 = arith.addi %add3A_905, %add3A_906 : i32
      %mul3A_908 = arith.constant 8 : i32
      %mul3A_909 = arith.muli %scan3A_695, %mul3A_908 : i32
      %add3A_910 = arith.constant 3 : i32
      %add3A_911 = arith.addi %mul3A_909, %add3A_910 : i32
      %dma_wait3A_912 = arith.constant 0 : i32
      %dma_wait3A_913 = arith.constant 0 : i32
      %dma_wait3A_914 = tpu.memref_slice %arg3[%dma_wait3A_912, %dma_wait3A_913] : memref<64x1000000xf32, #tpu.memory_space<hbm>> -> memref<64x128xf32, #tpu.memory_space<hbm>>
      %dma_wait3A_915 = arith.constant 0 : i32
      %dma_wait3A_916 = arith.constant 0 : i32
      %dma_wait3A_917 = tpu.memref_slice %arg3[%dma_wait3A_915, %dma_wait3A_916] : memref<64x1000000xf32, #tpu.memory_space<hbm>> -> memref<64x128xf32, #tpu.memory_space<hbm>>
      tpu.wait_dma2 semaphore(%arg21 : memref<!tpu.dma_semaphore, #tpu.memory_space<semaphore_mem>>) src(%dma_wait3A_917 : memref<64x128xf32, #tpu.memory_space<hbm>>) dst(%arg12 : memref<64x128xf32, #tpu.memory_space<vmem>>)
      %get3A_918 = arith.index_cast %add3A_907 : i32 to index
      %get3A_919 = tpu.vector_load %arg8[%get3A_918] {strides = array<i32>} : memref<528xi32, #tpu.memory_space<vmem>>, vector<16xi32>,
      %slice3A_920 = vector.extract_strided_slice %get3A_919 {offsets = [0], sizes = [1], strides = [1]} : vector<16xi32> to vector<1xi32>
      %squeeze3A_921 = vector.extract %slice3A_920[0] : i32 from vector<1xi32>
      %shift_right_logical3A_922 = arith.constant 7 : i32
      %shift_right_logical3A_923 = arith.shrui %squeeze3A_921, %shift_right_logical3A_922 : i32
      %min3A_924 = arith.constant 7811 : i32
      %min3A_925 = arith.minsi %shift_right_logical3A_923, %min3A_924 : i32
      %mul3A_926 = arith.constant 128 : i32
      %mul3A_927 = arith.muli %min3A_925, %mul3A_926 : i32
      %sub3A_928 = arith.subi %squeeze3A_921, %mul3A_927 : i32
      %min3A_929 = arith.constant 127 : i32
      %min3A_930 = arith.minsi %sub3A_928, %min3A_929 : i32
      %broadcast_in_dim3A_931 = vector.broadcast %min3A_930 : i32 to vector<16xi32>
      %broadcast_in_dim3A_932 = vector.broadcast %add3A_911 : i32 to vector<16xi32>
      %iota3A_933 = tpu.iota {dimensions = array<i32: 0>} : vector<16xi32>
      %add3A_934 = arith.constant 0 : i32
      %add3A_935 = vector.broadcast %add3A_934 : i32 to vector<16xi32>
      %add3A_936 = arith.addi %iota3A_933, %add3A_935 : vector<16xi32>
      %gather3A_937 = tpu.vector_load_idx %arg12[%add3A_936, %broadcast_in_dim3A_931] : memref<64x128xf32, #tpu.memory_space<vmem>>[vector<16xi32>, vector<16xi32>], vector<16xf32>,
      tpu.vector_store_idx %arg17[%add3A_936, %broadcast_in_dim3A_932], %gather3A_937 : memref<64x256xf32, #tpu.memory_space<vmem>>[vector<16xi32>, vector<16xi32>], vector<16xf32>,
      %iota3A_938 = tpu.iota {dimensions = array<i32: 0>} : vector<16xi32>
      %add3A_939 = arith.constant 16 : i32
      %add3A_940 = vector.broadcast %add3A_939 : i32 to vector<16xi32>
      %add3A_941 = arith.addi %iota3A_938, %add3A_940 : vector<16xi32>
      %gather3A_942 = tpu.vector_load_idx %arg12[%add3A_941, %broadcast_in_dim3A_931] : memref<64x128xf32, #tpu.memory_space<vmem>>[vector<16xi32>, vector<16xi32>], vector<16xf32>,
      tpu.vector_store_idx %arg17[%add3A_941, %broadcast_in_dim3A_932], %gather3A_942 : memref<64x256xf32, #tpu.memory_space<vmem>>[vector<16xi32>, vector<16xi32>], vector<16xf32>,
      %iota3A_943 = tpu.iota {dimensions = array<i32: 0>} : vector<16xi32>
      %add3A_944 = arith.constant 32 : i32
      %add3A_945 = vector.broadcast %add3A_944 : i32 to vector<16xi32>
      %add3A_946 = arith.addi %iota3A_943, %add3A_945 : vector<16xi32>
      %gather3A_947 = tpu.vector_load_idx %arg12[%add3A_946, %broadcast_in_dim3A_931] : memref<64x128xf32, #tpu.memory_space<vmem>>[vector<16xi32>, vector<16xi32>], vector<16xf32>,
      tpu.vector_store_idx %arg17[%add3A_946, %broadcast_in_dim3A_932], %gather3A_947 : memref<64x256xf32, #tpu.memory_space<vmem>>[vector<16xi32>, vector<16xi32>], vector<16xf32>,
      %iota3A_948 = tpu.iota {dimensions = array<i32: 0>} : vector<16xi32>
      %add3A_949 = arith.constant 48 : i32
      %add3A_950 = vector.broadcast %add3A_949 : i32 to vector<16xi32>
      %add3A_951 = arith.addi %iota3A_948, %add3A_950 : vector<16xi32>
      %gather3A_952 = tpu.vector_load_idx %arg12[%add3A_951, %broadcast_in_dim3A_931] : memref<64x128xf32, #tpu.memory_space<vmem>>[vector<16xi32>, vector<16xi32>], vector<16xf32>,
      tpu.vector_store_idx %arg17[%add3A_951, %broadcast_in_dim3A_932], %gather3A_952 : memref<64x256xf32, #tpu.memory_space<vmem>>[vector<16xi32>, vector<16xi32>], vector<16xf32>,
      %add3A_953 = arith.constant 8 : i32
      %add3A_954 = arith.addi %add3A_907, %add3A_953 : i32
      %min3A_955 = arith.constant 255 : i32
      %min3A_956 = arith.minsi %add3A_954, %min3A_955 : i32
      %get3A_957 = arith.index_cast %min3A_956 : i32 to index
      %get3A_958 = tpu.vector_load %arg8[%get3A_957] {strides = array<i32>} : memref<528xi32, #tpu.memory_space<vmem>>, vector<16xi32>,
      %slice3A_959 = vector.extract_strided_slice %get3A_958 {offsets = [0], sizes = [1], strides = [1]} : vector<16xi32> to vector<1xi32>
      %squeeze3A_960 = vector.extract %slice3A_959[0] : i32 from vector<1xi32>
      %shift_right_logical3A_961 = arith.constant 7 : i32
      %shift_right_logical3A_962 = arith.shrui %squeeze3A_960, %shift_right_logical3A_961 : i32
      %min3A_963 = arith.constant 7811 : i32
      %min3A_964 = arith.minsi %shift_right_logical3A_962, %min3A_963 : i32
      %mul3A_965 = arith.constant 128 : i32
      %mul3A_966 = arith.muli %min3A_964, %mul3A_965 : i32
      %multiple_of3A_967 = tpu.assume_multiple %mul3A_966, 128 : i32
      %dma_start3A_968 = arith.constant 0 : i32
      %dma_start3A_969 = tpu.memref_slice %arg4[%dma_start3A_968, %multiple_of3A_967] : memref<64x1000000xf32, #tpu.memory_space<hbm>> -> memref<64x128xf32, #tpu.memory_space<hbm>>
      %dma_start3A_970 = arith.constant 0 : i32
      %dma_start3A_971 = tpu.memref_slice %arg4[%dma_start3A_970, %multiple_of3A_967] : memref<64x1000000xf32, #tpu.memory_space<hbm>> -> memref<64x128xf32, #tpu.memory_space<hbm>>
      tpu.enqueue_dma source(%dma_start3A_971 : memref<64x128xf32, #tpu.memory_space<hbm>>) target(%arg12 : memref<64x128xf32, #tpu.memory_space<vmem>>) target_semaphore(%arg21 : memref<!tpu.dma_semaphore, #tpu.memory_space<semaphore_mem>>)
      %mul3A_972 = arith.constant 8 : i32
      %mul3A_973 = arith.muli %scan3A_695, %mul3A_972 : i32
      %add3A_974 = arith.constant 0 : i32
      %add3A_975 = arith.addi %add3A_974, %mul3A_973 : i32
      %add3A_976 = arith.constant 4 : i32
      %add3A_977 = arith.addi %add3A_975, %add3A_976 : i32
      %mul3A_978 = arith.constant 8 : i32
      %mul3A_979 = arith.muli %scan3A_695, %mul3A_978 : i32
      %add3A_980 = arith.constant 4 : i32
      %add3A_981 = arith.addi %mul3A_979, %add3A_980 : i32
      %dma_wait3A_982 = arith.constant 0 : i32
      %dma_wait3A_983 = arith.constant 0 : i32
      %dma_wait3A_984 = tpu.memref_slice %arg3[%dma_wait3A_982, %dma_wait3A_983] : memref<64x1000000xf32, #tpu.memory_space<hbm>> -> memref<64x128xf32, #tpu.memory_space<hbm>>
      %dma_wait3A_985 = arith.constant 0 : i32
      %dma_wait3A_986 = arith.constant 0 : i32
      %dma_wait3A_987 = tpu.memref_slice %arg3[%dma_wait3A_985, %dma_wait3A_986] : memref<64x1000000xf32, #tpu.memory_space<hbm>> -> memref<64x128xf32, #tpu.memory_space<hbm>>
      tpu.wait_dma2 semaphore(%arg22 : memref<!tpu.dma_semaphore, #tpu.memory_space<semaphore_mem>>) src(%dma_wait3A_987 : memref<64x128xf32, #tpu.memory_space<hbm>>) dst(%arg13 : memref<64x128xf32, #tpu.memory_space<vmem>>)
      %get3A_988 = arith.index_cast %add3A_977 : i32 to index
      %get3A_989 = tpu.vector_load %arg8[%get3A_988] {strides = array<i32>} : memref<528xi32, #tpu.memory_space<vmem>>, vector<16xi32>,
      %slice3A_990 = vector.extract_strided_slice %get3A_989 {offsets = [0], sizes = [1], strides = [1]} : vector<16xi32> to vector<1xi32>
      %squeeze3A_991 = vector.extract %slice3A_990[0] : i32 from vector<1xi32>
      %shift_right_logical3A_992 = arith.constant 7 : i32
      %shift_right_logical3A_993 = arith.shrui %squeeze3A_991, %shift_right_logical3A_992 : i32
      %min3A_994 = arith.constant 7811 : i32
      %min3A_995 = arith.minsi %shift_right_logical3A_993, %min3A_994 : i32
      %mul3A_996 = arith.constant 128 : i32
      %mul3A_997 = arith.muli %min3A_995, %mul3A_996 : i32
      %sub3A_998 = arith.subi %squeeze3A_991, %mul3A_997 : i32
      %min3A_999 = arith.constant 127 : i32
      %min3A_1000 = arith.minsi %sub3A_998, %min3A_999 : i32
      %broadcast_in_dim3A_1001 = vector.broadcast %min3A_1000 : i32 to vector<16xi32>
      %broadcast_in_dim3A_1002 = vector.broadcast %add3A_981 : i32 to vector<16xi32>
      %iota3A_1003 = tpu.iota {dimensions = array<i32: 0>} : vector<16xi32>
      %add3A_1004 = arith.constant 0 : i32
      %add3A_1005 = vector.broadcast %add3A_1004 : i32 to vector<16xi32>
      %add3A_1006 = arith.addi %iota3A_1003, %add3A_1005 : vector<16xi32>
      %gather3A_1007 = tpu.vector_load_idx %arg13[%add3A_1006, %broadcast_in_dim3A_1001] : memref<64x128xf32, #tpu.memory_space<vmem>>[vector<16xi32>, vector<16xi32>], vector<16xf32>,
      tpu.vector_store_idx %arg17[%add3A_1006, %broadcast_in_dim3A_1002], %gather3A_1007 : memref<64x256xf32, #tpu.memory_space<vmem>>[vector<16xi32>, vector<16xi32>], vector<16xf32>,
      %iota3A_1008 = tpu.iota {dimensions = array<i32: 0>} : vector<16xi32>
      %add3A_1009 = arith.constant 16 : i32
      %add3A_1010 = vector.broadcast %add3A_1009 : i32 to vector<16xi32>
      %add3A_1011 = arith.addi %iota3A_1008, %add3A_1010 : vector<16xi32>
      %gather3A_1012 = tpu.vector_load_idx %arg13[%add3A_1011, %broadcast_in_dim3A_1001] : memref<64x128xf32, #tpu.memory_space<vmem>>[vector<16xi32>, vector<16xi32>], vector<16xf32>,
      tpu.vector_store_idx %arg17[%add3A_1011, %broadcast_in_dim3A_1002], %gather3A_1012 : memref<64x256xf32, #tpu.memory_space<vmem>>[vector<16xi32>, vector<16xi32>], vector<16xf32>,
      %iota3A_1013 = tpu.iota {dimensions = array<i32: 0>} : vector<16xi32>
      %add3A_1014 = arith.constant 32 : i32
      %add3A_1015 = vector.broadcast %add3A_1014 : i32 to vector<16xi32>
      %add3A_1016 = arith.addi %iota3A_1013, %add3A_1015 : vector<16xi32>
      %gather3A_1017 = tpu.vector_load_idx %arg13[%add3A_1016, %broadcast_in_dim3A_1001] : memref<64x128xf32, #tpu.memory_space<vmem>>[vector<16xi32>, vector<16xi32>], vector<16xf32>,
      tpu.vector_store_idx %arg17[%add3A_1016, %broadcast_in_dim3A_1002], %gather3A_1017 : memref<64x256xf32, #tpu.memory_space<vmem>>[vector<16xi32>, vector<16xi32>], vector<16xf32>,
      %iota3A_1018 = tpu.iota {dimensions = array<i32: 0>} : vector<16xi32>
      %add3A_1019 = arith.constant 48 : i32
      %add3A_1020 = vector.broadcast %add3A_1019 : i32 to vector<16xi32>
      %add3A_1021 = arith.addi %iota3A_1018, %add3A_1020 : vector<16xi32>
      %gather3A_1022 = tpu.vector_load_idx %arg13[%add3A_1021, %broadcast_in_dim3A_1001] : memref<64x128xf32, #tpu.memory_space<vmem>>[vector<16xi32>, vector<16xi32>], vector<16xf32>,
      tpu.vector_store_idx %arg17[%add3A_1021, %broadcast_in_dim3A_1002], %gather3A_1022 : memref<64x256xf32, #tpu.memory_space<vmem>>[vector<16xi32>, vector<16xi32>], vector<16xf32>,
      %add3A_1023 = arith.constant 8 : i32
      %add3A_1024 = arith.addi %add3A_977, %add3A_1023 : i32
      %min3A_1025 = arith.constant 255 : i32
      %min3A_1026 = arith.minsi %add3A_1024, %min3A_1025 : i32
      %get3A_1027 = arith.index_cast %min3A_1026 : i32 to index
      %get3A_1028 = tpu.vector_load %arg8[%get3A_1027] {strides = array<i32>} : memref<528xi32, #tpu.memory_space<vmem>>, vector<16xi32>,
      %slice3A_1029 = vector.extract_strided_slice %get3A_1028 {offsets = [0], sizes = [1], strides = [1]} : vector<16xi32> to vector<1xi32>
      %squeeze3A_1030 = vector.extract %slice3A_1029[0] : i32 from vector<1xi32>
      %shift_right_logical3A_1031 = arith.constant 7 : i32
      %shift_right_logical3A_1032 = arith.shrui %squeeze3A_1030, %shift_right_logical3A_1031 : i32
      %min3A_1033 = arith.constant 7811 : i32
      %min3A_1034 = arith.minsi %shift_right_logical3A_1032, %min3A_1033 : i32
      %mul3A_1035 = arith.constant 128 : i32
      %mul3A_1036 = arith.muli %min3A_1034, %mul3A_1035 : i32
      %multiple_of3A_1037 = tpu.assume_multiple %mul3A_1036, 128 : i32
      %dma_start3A_1038 = arith.constant 0 : i32
      %dma_start3A_1039 = tpu.memref_slice %arg4[%dma_start3A_1038, %multiple_of3A_1037] : memref<64x1000000xf32, #tpu.memory_space<hbm>> -> memref<64x128xf32, #tpu.memory_space<hbm>>
      %dma_start3A_1040 = arith.constant 0 : i32
      %dma_start3A_1041 = tpu.memref_slice %arg4[%dma_start3A_1040, %multiple_of3A_1037] : memref<64x1000000xf32, #tpu.memory_space<hbm>> -> memref<64x128xf32, #tpu.memory_space<hbm>>
      tpu.enqueue_dma source(%dma_start3A_1041 : memref<64x128xf32, #tpu.memory_space<hbm>>) target(%arg13 : memref<64x128xf32, #tpu.memory_space<vmem>>) target_semaphore(%arg22 : memref<!tpu.dma_semaphore, #tpu.memory_space<semaphore_mem>>)
      %mul3A_1042 = arith.constant 8 : i32
      %mul3A_1043 = arith.muli %scan3A_695, %mul3A_1042 : i32
      %add3A_1044 = arith.constant 0 : i32
      %add3A_1045 = arith.addi %add3A_1044, %mul3A_1043 : i32
      %add3A_1046 = arith.constant 5 : i32
      %add3A_1047 = arith.addi %add3A_1045, %add3A_1046 : i32
      %mul3A_1048 = arith.constant 8 : i32
      %mul3A_1049 = arith.muli %scan3A_695, %mul3A_1048 : i32
      %add3A_1050 = arith.constant 5 : i32
      %add3A_1051 = arith.addi %mul3A_1049, %add3A_1050 : i32
      %dma_wait3A_1052 = arith.constant 0 : i32
      %dma_wait3A_1053 = arith.constant 0 : i32
      %dma_wait3A_1054 = tpu.memref_slice %arg3[%dma_wait3A_1052, %dma_wait3A_1053] : memref<64x1000000xf32, #tpu.memory_space<hbm>> -> memref<64x128xf32, #tpu.memory_space<hbm>>
      %dma_wait3A_1055 = arith.constant 0 : i32
      %dma_wait3A_1056 = arith.constant 0 : i32
      %dma_wait3A_1057 = tpu.memref_slice %arg3[%dma_wait3A_1055, %dma_wait3A_1056] : memref<64x1000000xf32, #tpu.memory_space<hbm>> -> memref<64x128xf32, #tpu.memory_space<hbm>>
      tpu.wait_dma2 semaphore(%arg23 : memref<!tpu.dma_semaphore, #tpu.memory_space<semaphore_mem>>) src(%dma_wait3A_1057 : memref<64x128xf32, #tpu.memory_space<hbm>>) dst(%arg14 : memref<64x128xf32, #tpu.memory_space<vmem>>)
      %get3A_1058 = arith.index_cast %add3A_1047 : i32 to index
      %get3A_1059 = tpu.vector_load %arg8[%get3A_1058] {strides = array<i32>} : memref<528xi32, #tpu.memory_space<vmem>>, vector<16xi32>,
      %slice3A_1060 = vector.extract_strided_slice %get3A_1059 {offsets = [0], sizes = [1], strides = [1]} : vector<16xi32> to vector<1xi32>
      %squeeze3A_1061 = vector.extract %slice3A_1060[0] : i32 from vector<1xi32>
      %shift_right_logical3A_1062 = arith.constant 7 : i32
      %shift_right_logical3A_1063 = arith.shrui %squeeze3A_1061, %shift_right_logical3A_1062 : i32
      %min3A_1064 = arith.constant 7811 : i32
      %min3A_1065 = arith.minsi %shift_right_logical3A_1063, %min3A_1064 : i32
      %mul3A_1066 = arith.constant 128 : i32
      %mul3A_1067 = arith.muli %min3A_1065, %mul3A_1066 : i32
      %sub3A_1068 = arith.subi %squeeze3A_1061, %mul3A_1067 : i32
      %min3A_1069 = arith.constant 127 : i32
      %min3A_1070 = arith.minsi %sub3A_1068, %min3A_1069 : i32
      %broadcast_in_dim3A_1071 = vector.broadcast %min3A_1070 : i32 to vector<16xi32>
      %broadcast_in_dim3A_1072 = vector.broadcast %add3A_1051 : i32 to vector<16xi32>
      %iota3A_1073 = tpu.iota {dimensions = array<i32: 0>} : vector<16xi32>
      %add3A_1074 = arith.constant 0 : i32
      %add3A_1075 = vector.broadcast %add3A_1074 : i32 to vector<16xi32>
      %add3A_1076 = arith.addi %iota3A_1073, %add3A_1075 : vector<16xi32>
      %gather3A_1077 = tpu.vector_load_idx %arg14[%add3A_1076, %broadcast_in_dim3A_1071] : memref<64x128xf32, #tpu.memory_space<vmem>>[vector<16xi32>, vector<16xi32>], vector<16xf32>,
      tpu.vector_store_idx %arg17[%add3A_1076, %broadcast_in_dim3A_1072], %gather3A_1077 : memref<64x256xf32, #tpu.memory_space<vmem>>[vector<16xi32>, vector<16xi32>], vector<16xf32>,
      %iota3A_1078 = tpu.iota {dimensions = array<i32: 0>} : vector<16xi32>
      %add3A_1079 = arith.constant 16 : i32
      %add3A_1080 = vector.broadcast %add3A_1079 : i32 to vector<16xi32>
      %add3A_1081 = arith.addi %iota3A_1078, %add3A_1080 : vector<16xi32>
      %gather3A_1082 = tpu.vector_load_idx %arg14[%add3A_1081, %broadcast_in_dim3A_1071] : memref<64x128xf32, #tpu.memory_space<vmem>>[vector<16xi32>, vector<16xi32>], vector<16xf32>,
      tpu.vector_store_idx %arg17[%add3A_1081, %broadcast_in_dim3A_1072], %gather3A_1082 : memref<64x256xf32, #tpu.memory_space<vmem>>[vector<16xi32>, vector<16xi32>], vector<16xf32>,
      %iota3A_1083 = tpu.iota {dimensions = array<i32: 0>} : vector<16xi32>
      %add3A_1084 = arith.constant 32 : i32
      %add3A_1085 = vector.broadcast %add3A_1084 : i32 to vector<16xi32>
      %add3A_1086 = arith.addi %iota3A_1083, %add3A_1085 : vector<16xi32>
      %gather3A_1087 = tpu.vector_load_idx %arg14[%add3A_1086, %broadcast_in_dim3A_1071] : memref<64x128xf32, #tpu.memory_space<vmem>>[vector<16xi32>, vector<16xi32>], vector<16xf32>,
      tpu.vector_store_idx %arg17[%add3A_1086, %broadcast_in_dim3A_1072], %gather3A_1087 : memref<64x256xf32, #tpu.memory_space<vmem>>[vector<16xi32>, vector<16xi32>], vector<16xf32>,
      %iota3A_1088 = tpu.iota {dimensions = array<i32: 0>} : vector<16xi32>
      %add3A_1089 = arith.constant 48 : i32
      %add3A_1090 = vector.broadcast %add3A_1089 : i32 to vector<16xi32>
      %add3A_1091 = arith.addi %iota3A_1088, %add3A_1090 : vector<16xi32>
      %gather3A_1092 = tpu.vector_load_idx %arg14[%add3A_1091, %broadcast_in_dim3A_1071] : memref<64x128xf32, #tpu.memory_space<vmem>>[vector<16xi32>, vector<16xi32>], vector<16xf32>,
      tpu.vector_store_idx %arg17[%add3A_1091, %broadcast_in_dim3A_1072], %gather3A_1092 : memref<64x256xf32, #tpu.memory_space<vmem>>[vector<16xi32>, vector<16xi32>], vector<16xf32>,
      %add3A_1093 = arith.constant 8 : i32
      %add3A_1094 = arith.addi %add3A_1047, %add3A_1093 : i32
      %min3A_1095 = arith.constant 255 : i32
      %min3A_1096 = arith.minsi %add3A_1094, %min3A_1095 : i32
      %get3A_1097 = arith.index_cast %min3A_1096 : i32 to index
      %get3A_1098 = tpu.vector_load %arg8[%get3A_1097] {strides = array<i32>} : memref<528xi32, #tpu.memory_space<vmem>>, vector<16xi32>,
      %slice3A_1099 = vector.extract_strided_slice %get3A_1098 {offsets = [0], sizes = [1], strides = [1]} : vector<16xi32> to vector<1xi32>
      %squeeze3A_1100 = vector.extract %slice3A_1099[0] : i32 from vector<1xi32>
      %shift_right_logical3A_1101 = arith.constant 7 : i32
      %shift_right_logical3A_1102 = arith.shrui %squeeze3A_1100, %shift_right_logical3A_1101 : i32
      %min3A_1103 = arith.constant 7811 : i32
      %min3A_1104 = arith.minsi %shift_right_logical3A_1102, %min3A_1103 : i32
      %mul3A_1105 = arith.constant 128 : i32
      %mul3A_1106 = arith.muli %min3A_1104, %mul3A_1105 : i32
      %multiple_of3A_1107 = tpu.assume_multiple %mul3A_1106, 128 : i32
      %dma_start3A_1108 = arith.constant 0 : i32
      %dma_start3A_1109 = tpu.memref_slice %arg4[%dma_start3A_1108, %multiple_of3A_1107] : memref<64x1000000xf32, #tpu.memory_space<hbm>> -> memref<64x128xf32, #tpu.memory_space<hbm>>
      %dma_start3A_1110 = arith.constant 0 : i32
      %dma_start3A_1111 = tpu.memref_slice %arg4[%dma_start3A_1110, %multiple_of3A_1107] : memref<64x1000000xf32, #tpu.memory_space<hbm>> -> memref<64x128xf32, #tpu.memory_space<hbm>>
      tpu.enqueue_dma source(%dma_start3A_1111 : memref<64x128xf32, #tpu.memory_space<hbm>>) target(%arg14 : memref<64x128xf32, #tpu.memory_space<vmem>>) target_semaphore(%arg23 : memref<!tpu.dma_semaphore, #tpu.memory_space<semaphore_mem>>)
      %mul3A_1112 = arith.constant 8 : i32
      %mul3A_1113 = arith.muli %scan3A_695, %mul3A_1112 : i32
      %add3A_1114 = arith.constant 0 : i32
      %add3A_1115 = arith.addi %add3A_1114, %mul3A_1113 : i32
      %add3A_1116 = arith.constant 6 : i32
      %add3A_1117 = arith.addi %add3A_1115, %add3A_1116 : i32
      %mul3A_1118 = arith.constant 8 : i32
      %mul3A_1119 = arith.muli %scan3A_695, %mul3A_1118 : i32
      %add3A_1120 = arith.constant 6 : i32
      %add3A_1121 = arith.addi %mul3A_1119, %add3A_1120 : i32
      %dma_wait3A_1122 = arith.constant 0 : i32
      %dma_wait3A_1123 = arith.constant 0 : i32
      %dma_wait3A_1124 = tpu.memref_slice %arg3[%dma_wait3A_1122, %dma_wait3A_1123] : memref<64x1000000xf32, #tpu.memory_space<hbm>> -> memref<64x128xf32, #tpu.memory_space<hbm>>
      %dma_wait3A_1125 = arith.constant 0 : i32
      %dma_wait3A_1126 = arith.constant 0 : i32
      %dma_wait3A_1127 = tpu.memref_slice %arg3[%dma_wait3A_1125, %dma_wait3A_1126] : memref<64x1000000xf32, #tpu.memory_space<hbm>> -> memref<64x128xf32, #tpu.memory_space<hbm>>
      tpu.wait_dma2 semaphore(%arg24 : memref<!tpu.dma_semaphore, #tpu.memory_space<semaphore_mem>>) src(%dma_wait3A_1127 : memref<64x128xf32, #tpu.memory_space<hbm>>) dst(%arg15 : memref<64x128xf32, #tpu.memory_space<vmem>>)
      %get3A_1128 = arith.index_cast %add3A_1117 : i32 to index
      %get3A_1129 = tpu.vector_load %arg8[%get3A_1128] {strides = array<i32>} : memref<528xi32, #tpu.memory_space<vmem>>, vector<16xi32>,
      %slice3A_1130 = vector.extract_strided_slice %get3A_1129 {offsets = [0], sizes = [1], strides = [1]} : vector<16xi32> to vector<1xi32>
      %squeeze3A_1131 = vector.extract %slice3A_1130[0] : i32 from vector<1xi32>
      %shift_right_logical3A_1132 = arith.constant 7 : i32
      %shift_right_logical3A_1133 = arith.shrui %squeeze3A_1131, %shift_right_logical3A_1132 : i32
      %min3A_1134 = arith.constant 7811 : i32
      %min3A_1135 = arith.minsi %shift_right_logical3A_1133, %min3A_1134 : i32
      %mul3A_1136 = arith.constant 128 : i32
      %mul3A_1137 = arith.muli %min3A_1135, %mul3A_1136 : i32
      %sub3A_1138 = arith.subi %squeeze3A_1131, %mul3A_1137 : i32
      %min3A_1139 = arith.constant 127 : i32
      %min3A_1140 = arith.minsi %sub3A_1138, %min3A_1139 : i32
      %broadcast_in_dim3A_1141 = vector.broadcast %min3A_1140 : i32 to vector<16xi32>
      %broadcast_in_dim3A_1142 = vector.broadcast %add3A_1121 : i32 to vector<16xi32>
      %iota3A_1143 = tpu.iota {dimensions = array<i32: 0>} : vector<16xi32>
      %add3A_1144 = arith.constant 0 : i32
      %add3A_1145 = vector.broadcast %add3A_1144 : i32 to vector<16xi32>
      %add3A_1146 = arith.addi %iota3A_1143, %add3A_1145 : vector<16xi32>
      %gather3A_1147 = tpu.vector_load_idx %arg15[%add3A_1146, %broadcast_in_dim3A_1141] : memref<64x128xf32, #tpu.memory_space<vmem>>[vector<16xi32>, vector<16xi32>], vector<16xf32>,
      tpu.vector_store_idx %arg17[%add3A_1146, %broadcast_in_dim3A_1142], %gather3A_1147 : memref<64x256xf32, #tpu.memory_space<vmem>>[vector<16xi32>, vector<16xi32>], vector<16xf32>,
      %iota3A_1148 = tpu.iota {dimensions = array<i32: 0>} : vector<16xi32>
      %add3A_1149 = arith.constant 16 : i32
      %add3A_1150 = vector.broadcast %add3A_1149 : i32 to vector<16xi32>
      %add3A_1151 = arith.addi %iota3A_1148, %add3A_1150 : vector<16xi32>
      %gather3A_1152 = tpu.vector_load_idx %arg15[%add3A_1151, %broadcast_in_dim3A_1141] : memref<64x128xf32, #tpu.memory_space<vmem>>[vector<16xi32>, vector<16xi32>], vector<16xf32>,
      tpu.vector_store_idx %arg17[%add3A_1151, %broadcast_in_dim3A_1142], %gather3A_1152 : memref<64x256xf32, #tpu.memory_space<vmem>>[vector<16xi32>, vector<16xi32>], vector<16xf32>,
      %iota3A_1153 = tpu.iota {dimensions = array<i32: 0>} : vector<16xi32>
      %add3A_1154 = arith.constant 32 : i32
      %add3A_1155 = vector.broadcast %add3A_1154 : i32 to vector<16xi32>
      %add3A_1156 = arith.addi %iota3A_1153, %add3A_1155 : vector<16xi32>
      %gather3A_1157 = tpu.vector_load_idx %arg15[%add3A_1156, %broadcast_in_dim3A_1141] : memref<64x128xf32, #tpu.memory_space<vmem>>[vector<16xi32>, vector<16xi32>], vector<16xf32>,
      tpu.vector_store_idx %arg17[%add3A_1156, %broadcast_in_dim3A_1142], %gather3A_1157 : memref<64x256xf32, #tpu.memory_space<vmem>>[vector<16xi32>, vector<16xi32>], vector<16xf32>,
      %iota3A_1158 = tpu.iota {dimensions = array<i32: 0>} : vector<16xi32>
      %add3A_1159 = arith.constant 48 : i32
      %add3A_1160 = vector.broadcast %add3A_1159 : i32 to vector<16xi32>
      %add3A_1161 = arith.addi %iota3A_1158, %add3A_1160 : vector<16xi32>
      %gather3A_1162 = tpu.vector_load_idx %arg15[%add3A_1161, %broadcast_in_dim3A_1141] : memref<64x128xf32, #tpu.memory_space<vmem>>[vector<16xi32>, vector<16xi32>], vector<16xf32>,
      tpu.vector_store_idx %arg17[%add3A_1161, %broadcast_in_dim3A_1142], %gather3A_1162 : memref<64x256xf32, #tpu.memory_space<vmem>>[vector<16xi32>, vector<16xi32>], vector<16xf32>,
      %add3A_1163 = arith.constant 8 : i32
      %add3A_1164 = arith.addi %add3A_1117, %add3A_1163 : i32
      %min3A_1165 = arith.constant 255 : i32
      %min3A_1166 = arith.minsi %add3A_1164, %min3A_1165 : i32
      %get3A_1167 = arith.index_cast %min3A_1166 : i32 to index
      %get3A_1168 = tpu.vector_load %arg8[%get3A_1167] {strides = array<i32>} : memref<528xi32, #tpu.memory_space<vmem>>, vector<16xi32>,
      %slice3A_1169 = vector.extract_strided_slice %get3A_1168 {offsets = [0], sizes = [1], strides = [1]} : vector<16xi32> to vector<1xi32>
      %squeeze3A_1170 = vector.extract %slice3A_1169[0] : i32 from vector<1xi32>
      %shift_right_logical3A_1171 = arith.constant 7 : i32
      %shift_right_logical3A_1172 = arith.shrui %squeeze3A_1170, %shift_right_logical3A_1171 : i32
      %min3A_1173 = arith.constant 7811 : i32
      %min3A_1174 = arith.minsi %shift_right_logical3A_1172, %min3A_1173 : i32
      %mul3A_1175 = arith.constant 128 : i32
      %mul3A_1176 = arith.muli %min3A_1174, %mul3A_1175 : i32
      %multiple_of3A_1177 = tpu.assume_multiple %mul3A_1176, 128 : i32
      %dma_start3A_1178 = arith.constant 0 : i32
      %dma_start3A_1179 = tpu.memref_slice %arg4[%dma_start3A_1178, %multiple_of3A_1177] : memref<64x1000000xf32, #tpu.memory_space<hbm>> -> memref<64x128xf32, #tpu.memory_space<hbm>>
      %dma_start3A_1180 = arith.constant 0 : i32
      %dma_start3A_1181 = tpu.memref_slice %arg4[%dma_start3A_1180, %multiple_of3A_1177] : memref<64x1000000xf32, #tpu.memory_space<hbm>> -> memref<64x128xf32, #tpu.memory_space<hbm>>
      tpu.enqueue_dma source(%dma_start3A_1181 : memref<64x128xf32, #tpu.memory_space<hbm>>) target(%arg15 : memref<64x128xf32, #tpu.memory_space<vmem>>) target_semaphore(%arg24 : memref<!tpu.dma_semaphore, #tpu.memory_space<semaphore_mem>>)
      %mul3A_1182 = arith.constant 8 : i32
      %mul3A_1183 = arith.muli %scan3A_695, %mul3A_1182 : i32
      %add3A_1184 = arith.constant 0 : i32
      %add3A_1185 = arith.addi %add3A_1184, %mul3A_1183 : i32
      %add3A_1186 = arith.constant 7 : i32
      %add3A_1187 = arith.addi %add3A_1185, %add3A_1186 : i32
      %mul3A_1188 = arith.constant 8 : i32
      %mul3A_1189 = arith.muli %scan3A_695, %mul3A_1188 : i32
      %add3A_1190 = arith.constant 7 : i32
      %add3A_1191 = arith.addi %mul3A_1189, %add3A_1190 : i32
      %dma_wait3A_1192 = arith.constant 0 : i32
      %dma_wait3A_1193 = arith.constant 0 : i32
      %dma_wait3A_1194 = tpu.memref_slice %arg3[%dma_wait3A_1192, %dma_wait3A_1193] : memref<64x1000000xf32, #tpu.memory_space<hbm>> -> memref<64x128xf32, #tpu.memory_space<hbm>>
      %dma_wait3A_1195 = arith.constant 0 : i32
      %dma_wait3A_1196 = arith.constant 0 : i32
      %dma_wait3A_1197 = tpu.memref_slice %arg3[%dma_wait3A_1195, %dma_wait3A_1196] : memref<64x1000000xf32, #tpu.memory_space<hbm>> -> memref<64x128xf32, #tpu.memory_space<hbm>>
      tpu.wait_dma2 semaphore(%arg25 : memref<!tpu.dma_semaphore, #tpu.memory_space<semaphore_mem>>) src(%dma_wait3A_1197 : memref<64x128xf32, #tpu.memory_space<hbm>>) dst(%arg16 : memref<64x128xf32, #tpu.memory_space<vmem>>)
      %get3A_1198 = arith.index_cast %add3A_1187 : i32 to index
      %get3A_1199 = tpu.vector_load %arg8[%get3A_1198] {strides = array<i32>} : memref<528xi32, #tpu.memory_space<vmem>>, vector<16xi32>,
      %slice3A_1200 = vector.extract_strided_slice %get3A_1199 {offsets = [0], sizes = [1], strides = [1]} : vector<16xi32> to vector<1xi32>
      %squeeze3A_1201 = vector.extract %slice3A_1200[0] : i32 from vector<1xi32>
      %shift_right_logical3A_1202 = arith.constant 7 : i32
      %shift_right_logical3A_1203 = arith.shrui %squeeze3A_1201, %shift_right_logical3A_1202 : i32
      %min3A_1204 = arith.constant 7811 : i32
      %min3A_1205 = arith.minsi %shift_right_logical3A_1203, %min3A_1204 : i32
      %mul3A_1206 = arith.constant 128 : i32
      %mul3A_1207 = arith.muli %min3A_1205, %mul3A_1206 : i32
      %sub3A_1208 = arith.subi %squeeze3A_1201, %mul3A_1207 : i32
      %min3A_1209 = arith.constant 127 : i32
      %min3A_1210 = arith.minsi %sub3A_1208, %min3A_1209 : i32
      %broadcast_in_dim3A_1211 = vector.broadcast %min3A_1210 : i32 to vector<16xi32>
      %broadcast_in_dim3A_1212 = vector.broadcast %add3A_1191 : i32 to vector<16xi32>
      %iota3A_1213 = tpu.iota {dimensions = array<i32: 0>} : vector<16xi32>
      %add3A_1214 = arith.constant 0 : i32
      %add3A_1215 = vector.broadcast %add3A_1214 : i32 to vector<16xi32>
      %add3A_1216 = arith.addi %iota3A_1213, %add3A_1215 : vector<16xi32>
      %gather3A_1217 = tpu.vector_load_idx %arg16[%add3A_1216, %broadcast_in_dim3A_1211] : memref<64x128xf32, #tpu.memory_space<vmem>>[vector<16xi32>, vector<16xi32>], vector<16xf32>,
      tpu.vector_store_idx %arg17[%add3A_1216, %broadcast_in_dim3A_1212], %gather3A_1217 : memref<64x256xf32, #tpu.memory_space<vmem>>[vector<16xi32>, vector<16xi32>], vector<16xf32>,
      %iota3A_1218 = tpu.iota {dimensions = array<i32: 0>} : vector<16xi32>
      %add3A_1219 = arith.constant 16 : i32
      %add3A_1220 = vector.broadcast %add3A_1219 : i32 to vector<16xi32>
      %add3A_1221 = arith.addi %iota3A_1218, %add3A_1220 : vector<16xi32>
      %gather3A_1222 = tpu.vector_load_idx %arg16[%add3A_1221, %broadcast_in_dim3A_1211] : memref<64x128xf32, #tpu.memory_space<vmem>>[vector<16xi32>, vector<16xi32>], vector<16xf32>,
      tpu.vector_store_idx %arg17[%add3A_1221, %broadcast_in_dim3A_1212], %gather3A_1222 : memref<64x256xf32, #tpu.memory_space<vmem>>[vector<16xi32>, vector<16xi32>], vector<16xf32>,
      %iota3A_1223 = tpu.iota {dimensions = array<i32: 0>} : vector<16xi32>
      %add3A_1224 = arith.constant 32 : i32
      %add3A_1225 = vector.broadcast %add3A_1224 : i32 to vector<16xi32>
      %add3A_1226 = arith.addi %iota3A_1223, %add3A_1225 : vector<16xi32>
      %gather3A_1227 = tpu.vector_load_idx %arg16[%add3A_1226, %broadcast_in_dim3A_1211] : memref<64x128xf32, #tpu.memory_space<vmem>>[vector<16xi32>, vector<16xi32>], vector<16xf32>,
      tpu.vector_store_idx %arg17[%add3A_1226, %broadcast_in_dim3A_1212], %gather3A_1227 : memref<64x256xf32, #tpu.memory_space<vmem>>[vector<16xi32>, vector<16xi32>], vector<16xf32>,
      %iota3A_1228 = tpu.iota {dimensions = array<i32: 0>} : vector<16xi32>
      %add3A_1229 = arith.constant 48 : i32
      %add3A_1230 = vector.broadcast %add3A_1229 : i32 to vector<16xi32>
      %add3A_1231 = arith.addi %iota3A_1228, %add3A_1230 : vector<16xi32>
      %gather3A_1232 = tpu.vector_load_idx %arg16[%add3A_1231, %broadcast_in_dim3A_1211] : memref<64x128xf32, #tpu.memory_space<vmem>>[vector<16xi32>, vector<16xi32>], vector<16xf32>,
      tpu.vector_store_idx %arg17[%add3A_1231, %broadcast_in_dim3A_1212], %gather3A_1232 : memref<64x256xf32, #tpu.memory_space<vmem>>[vector<16xi32>, vector<16xi32>], vector<16xf32>,
      %add3A_1233 = arith.constant 8 : i32
      %add3A_1234 = arith.addi %add3A_1187, %add3A_1233 : i32
      %min3A_1235 = arith.constant 255 : i32
      %min3A_1236 = arith.minsi %add3A_1234, %min3A_1235 : i32
      %get3A_1237 = arith.index_cast %min3A_1236 : i32 to index
      %get3A_1238 = tpu.vector_load %arg8[%get3A_1237] {strides = array<i32>} : memref<528xi32, #tpu.memory_space<vmem>>, vector<16xi32>,
      %slice3A_1239 = vector.extract_strided_slice %get3A_1238 {offsets = [0], sizes = [1], strides = [1]} : vector<16xi32> to vector<1xi32>
      %squeeze3A_1240 = vector.extract %slice3A_1239[0] : i32 from vector<1xi32>
      %shift_right_logical3A_1241 = arith.constant 7 : i32
      %shift_right_logical3A_1242 = arith.shrui %squeeze3A_1240, %shift_right_logical3A_1241 : i32
      %min3A_1243 = arith.constant 7811 : i32
      %min3A_1244 = arith.minsi %shift_right_logical3A_1242, %min3A_1243 : i32
      %mul3A_1245 = arith.constant 128 : i32
      %mul3A_1246 = arith.muli %min3A_1244, %mul3A_1245 : i32
      %multiple_of3A_1247 = tpu.assume_multiple %mul3A_1246, 128 : i32
      %dma_start3A_1248 = arith.constant 0 : i32
      %dma_start3A_1249 = tpu.memref_slice %arg4[%dma_start3A_1248, %multiple_of3A_1247] : memref<64x1000000xf32, #tpu.memory_space<hbm>> -> memref<64x128xf32, #tpu.memory_space<hbm>>
      %dma_start3A_1250 = arith.constant 0 : i32
      %dma_start3A_1251 = tpu.memref_slice %arg4[%dma_start3A_1250, %multiple_of3A_1247] : memref<64x1000000xf32, #tpu.memory_space<hbm>> -> memref<64x128xf32, #tpu.memory_space<hbm>>
      tpu.enqueue_dma source(%dma_start3A_1251 : memref<64x128xf32, #tpu.memory_space<hbm>>) target(%arg16 : memref<64x128xf32, #tpu.memory_space<vmem>>) target_semaphore(%arg25 : memref<!tpu.dma_semaphore, #tpu.memory_space<semaphore_mem>>)
    }
    %scan3A_469 = arith.constant 32 : i32
    %dma_wait3A_470 = arith.constant 0 : i32
    %dma_wait3A_471 = arith.constant 0 : i32
    %dma_wait3A_472 = tpu.memref_slice %arg3[%dma_wait3A_470, %dma_wait3A_471] : memref<64x1000000xf32, #tpu.memory_space<hbm>> -> memref<64x128xf32, #tpu.memory_space<hbm>>
    %dma_wait3A_473 = arith.constant 0 : i32
    %dma_wait3A_474 = arith.constant 0 : i32
    %dma_wait3A_475 = tpu.memref_slice %arg3[%dma_wait3A_473, %dma_wait3A_474] : memref<64x1000000xf32, #tpu.memory_space<hbm>> -> memref<64x128xf32, #tpu.memory_space<hbm>>
    tpu.wait_dma2 semaphore(%arg18 : memref<!tpu.dma_semaphore, #tpu.memory_space<semaphore_mem>>) src(%dma_wait3A_475 : memref<64x128xf32, #tpu.memory_space<hbm>>) dst(%arg9 : memref<64x128xf32, #tpu.memory_space<vmem>>)
    %dma_wait3A_476 = arith.constant 0 : i32
    %dma_wait3A_477 = arith.constant 0 : i32
    %dma_wait3A_478 = tpu.memref_slice %arg3[%dma_wait3A_476, %dma_wait3A_477] : memref<64x1000000xf32, #tpu.memory_space<hbm>> -> memref<64x128xf32, #tpu.memory_space<hbm>>
    %dma_wait3A_479 = arith.constant 0 : i32
    %dma_wait3A_480 = arith.constant 0 : i32
    %dma_wait3A_481 = tpu.memref_slice %arg3[%dma_wait3A_479, %dma_wait3A_480] : memref<64x1000000xf32, #tpu.memory_space<hbm>> -> memref<64x128xf32, #tpu.memory_space<hbm>>
    tpu.wait_dma2 semaphore(%arg19 : memref<!tpu.dma_semaphore, #tpu.memory_space<semaphore_mem>>) src(%dma_wait3A_481 : memref<64x128xf32, #tpu.memory_space<hbm>>) dst(%arg10 : memref<64x128xf32, #tpu.memory_space<vmem>>)
    %dma_wait3A_482 = arith.constant 0 : i32
    %dma_wait3A_483 = arith.constant 0 : i32
    %dma_wait3A_484 = tpu.memref_slice %arg3[%dma_wait3A_482, %dma_wait3A_483] : memref<64x1000000xf32, #tpu.memory_space<hbm>> -> memref<64x128xf32, #tpu.memory_space<hbm>>
    %dma_wait3A_485 = arith.constant 0 : i32
    %dma_wait3A_486 = arith.constant 0 : i32
    %dma_wait3A_487 = tpu.memref_slice %arg3[%dma_wait3A_485, %dma_wait3A_486] : memref<64x1000000xf32, #tpu.memory_space<hbm>> -> memref<64x128xf32, #tpu.memory_space<hbm>>
    tpu.wait_dma2 semaphore(%arg20 : memref<!tpu.dma_semaphore, #tpu.memory_space<semaphore_mem>>) src(%dma_wait3A_487 : memref<64x128xf32, #tpu.memory_space<hbm>>) dst(%arg11 : memref<64x128xf32, #tpu.memory_space<vmem>>)
    %dma_wait3A_488 = arith.constant 0 : i32
    %dma_wait3A_489 = arith.constant 0 : i32
    %dma_wait3A_490 = tpu.memref_slice %arg3[%dma_wait3A_488, %dma_wait3A_489] : memref<64x1000000xf32, #tpu.memory_space<hbm>> -> memref<64x128xf32, #tpu.memory_space<hbm>>
    %dma_wait3A_491 = arith.constant 0 : i32
    %dma_wait3A_492 = arith.constant 0 : i32
    %dma_wait3A_493 = tpu.memref_slice %arg3[%dma_wait3A_491, %dma_wait3A_492] : memref<64x1000000xf32, #tpu.memory_space<hbm>> -> memref<64x128xf32, #tpu.memory_space<hbm>>
    tpu.wait_dma2 semaphore(%arg21 : memref<!tpu.dma_semaphore, #tpu.memory_space<semaphore_mem>>) src(%dma_wait3A_493 : memref<64x128xf32, #tpu.memory_space<hbm>>) dst(%arg12 : memref<64x128xf32, #tpu.memory_space<vmem>>)
    %dma_wait3A_494 = arith.constant 0 : i32
    %dma_wait3A_495 = arith.constant 0 : i32
    %dma_wait3A_496 = tpu.memref_slice %arg3[%dma_wait3A_494, %dma_wait3A_495] : memref<64x1000000xf32, #tpu.memory_space<hbm>> -> memref<64x128xf32, #tpu.memory_space<hbm>>
    %dma_wait3A_497 = arith.constant 0 : i32
    %dma_wait3A_498 = arith.constant 0 : i32
    %dma_wait3A_499 = tpu.memref_slice %arg3[%dma_wait3A_497, %dma_wait3A_498] : memref<64x1000000xf32, #tpu.memory_space<hbm>> -> memref<64x128xf32, #tpu.memory_space<hbm>>
    tpu.wait_dma2 semaphore(%arg22 : memref<!tpu.dma_semaphore, #tpu.memory_space<semaphore_mem>>) src(%dma_wait3A_499 : memref<64x128xf32, #tpu.memory_space<hbm>>) dst(%arg13 : memref<64x128xf32, #tpu.memory_space<vmem>>)
    %dma_wait3A_500 = arith.constant 0 : i32
    %dma_wait3A_501 = arith.constant 0 : i32
    %dma_wait3A_502 = tpu.memref_slice %arg3[%dma_wait3A_500, %dma_wait3A_501] : memref<64x1000000xf32, #tpu.memory_space<hbm>> -> memref<64x128xf32, #tpu.memory_space<hbm>>
    %dma_wait3A_503 = arith.constant 0 : i32
    %dma_wait3A_504 = arith.constant 0 : i32
    %dma_wait3A_505 = tpu.memref_slice %arg3[%dma_wait3A_503, %dma_wait3A_504] : memref<64x1000000xf32, #tpu.memory_space<hbm>> -> memref<64x128xf32, #tpu.memory_space<hbm>>
    tpu.wait_dma2 semaphore(%arg23 : memref<!tpu.dma_semaphore, #tpu.memory_space<semaphore_mem>>) src(%dma_wait3A_505 : memref<64x128xf32, #tpu.memory_space<hbm>>) dst(%arg14 : memref<64x128xf32, #tpu.memory_space<vmem>>)
    %dma_wait3A_506 = arith.constant 0 : i32
    %dma_wait3A_507 = arith.constant 0 : i32
    %dma_wait3A_508 = tpu.memref_slice %arg3[%dma_wait3A_506, %dma_wait3A_507] : memref<64x1000000xf32, #tpu.memory_space<hbm>> -> memref<64x128xf32, #tpu.memory_space<hbm>>
    %dma_wait3A_509 = arith.constant 0 : i32
    %dma_wait3A_510 = arith.constant 0 : i32
    %dma_wait3A_511 = tpu.memref_slice %arg3[%dma_wait3A_509, %dma_wait3A_510] : memref<64x1000000xf32, #tpu.memory_space<hbm>> -> memref<64x128xf32, #tpu.memory_space<hbm>>
    tpu.wait_dma2 semaphore(%arg24 : memref<!tpu.dma_semaphore, #tpu.memory_space<semaphore_mem>>) src(%dma_wait3A_511 : memref<64x128xf32, #tpu.memory_space<hbm>>) dst(%arg15 : memref<64x128xf32, #tpu.memory_space<vmem>>)
    %dma_wait3A_512 = arith.constant 0 : i32
    %dma_wait3A_513 = arith.constant 0 : i32
    %dma_wait3A_514 = tpu.memref_slice %arg3[%dma_wait3A_512, %dma_wait3A_513] : memref<64x1000000xf32, #tpu.memory_space<hbm>> -> memref<64x128xf32, #tpu.memory_space<hbm>>
    %dma_wait3A_515 = arith.constant 0 : i32
    %dma_wait3A_516 = arith.constant 0 : i32
    %dma_wait3A_517 = tpu.memref_slice %arg3[%dma_wait3A_515, %dma_wait3A_516] : memref<64x1000000xf32, #tpu.memory_space<hbm>> -> memref<64x128xf32, #tpu.memory_space<hbm>>
    tpu.wait_dma2 semaphore(%arg25 : memref<!tpu.dma_semaphore, #tpu.memory_space<semaphore_mem>>) src(%dma_wait3A_517 : memref<64x128xf32, #tpu.memory_space<hbm>>) dst(%arg16 : memref<64x128xf32, #tpu.memory_space<vmem>>)
    %add3A_518 = arith.constant 0 : i32
    %add3A_519 = arith.addi %mul3A_2, %add3A_518 : i32
    "tpu.region"() ({
      %run_scoped3A_695 = tpu.sem_alloc : memref<!tpu.dma_semaphore, #tpu.memory_space<semaphore_mem>>
      %dma_start3A_696 = arith.constant 0 : i32
      %dma_start3A_697 = tpu.memref_slice %arg6[%dma_start3A_696, %add3A_519] : memref<64x16384xf32, #tpu.memory_space<hbm>> -> memref<64x256xf32, #tpu.memory_space<hbm>>
      %dma_start3A_698 = arith.constant 0 : i32
      %dma_start3A_699 = tpu.memref_slice %arg6[%dma_start3A_698, %add3A_519] : memref<64x16384xf32, #tpu.memory_space<hbm>> -> memref<64x256xf32, #tpu.memory_space<hbm>>
      tpu.enqueue_dma source(%arg17 : memref<64x256xf32, #tpu.memory_space<vmem>>) target(%dma_start3A_699 : memref<64x256xf32, #tpu.memory_space<hbm>>) target_semaphore(%run_scoped3A_695 : memref<!tpu.dma_semaphore, #tpu.memory_space<semaphore_mem>>)
      %dma_wait3A_700 = arith.constant 0 : i32
      %dma_wait3A_701 = tpu.memref_slice %arg6[%dma_wait3A_700, %add3A_519] : memref<64x16384xf32, #tpu.memory_space<hbm>> -> memref<64x256xf32, #tpu.memory_space<hbm>>
      %dma_wait3A_702 = arith.constant 0 : i32
      %dma_wait3A_703 = tpu.memref_slice %arg6[%dma_wait3A_702, %add3A_519] : memref<64x16384xf32, #tpu.memory_space<hbm>> -> memref<64x256xf32, #tpu.memory_space<hbm>>
      tpu.wait_dma2 semaphore(%run_scoped3A_695 : memref<!tpu.dma_semaphore, #tpu.memory_space<semaphore_mem>>) src(%arg17 : memref<64x256xf32, #tpu.memory_space<vmem>>) dst(%dma_wait3A_703 : memref<64x256xf32, #tpu.memory_space<hbm>>)
      tpu.yield
    }) : () -> ()
    %get3A_520 = arith.constant 256 : index
    %get3A_521 = tpu.vector_load %arg8[%get3A_520] {strides = array<i32>} : memref<528xi32, #tpu.memory_space<vmem>>, vector<16xi32>,
    %slice3A_522 = vector.extract_strided_slice %get3A_521 {offsets = [0], sizes = [1], strides = [1]} : vector<16xi32> to vector<1xi32>
    %squeeze3A_523 = vector.extract %slice3A_522[0] : i32 from vector<1xi32>
    %shift_right_logical3A_524 = arith.constant 7 : i32
    %shift_right_logical3A_525 = arith.shrui %squeeze3A_523, %shift_right_logical3A_524 : i32
    %min3A_526 = arith.constant 7811 : i32
    %min3A_527 = arith.minsi %shift_right_logical3A_525, %min3A_526 : i32
    %mul3A_528 = arith.constant 128 : i32
    %mul3A_529 = arith.muli %min3A_527, %mul3A_528 : i32
    %multiple_of3A_530 = tpu.assume_multiple %mul3A_529, 128 : i32
    %dma_start3A_531 = arith.constant 0 : i32
    %dma_start3A_532 = tpu.memref_slice %arg4[%dma_start3A_531, %multiple_of3A_530] : memref<64x1000000xf32, #tpu.memory_space<hbm>> -> memref<64x128xf32, #tpu.memory_space<hbm>>
    %dma_start3A_533 = arith.constant 0 : i32
    %dma_start3A_534 = tpu.memref_slice %arg4[%dma_start3A_533, %multiple_of3A_530] : memref<64x1000000xf32, #tpu.memory_space<hbm>> -> memref<64x128xf32, #tpu.memory_space<hbm>>
    tpu.enqueue_dma source(%dma_start3A_534 : memref<64x128xf32, #tpu.memory_space<hbm>>) target(%arg9 : memref<64x128xf32, #tpu.memory_space<vmem>>) target_semaphore(%arg18 : memref<!tpu.dma_semaphore, #tpu.memory_space<semaphore_mem>>)
    %get3A_535 = arith.constant 257 : index
    %get3A_536 = tpu.vector_load %arg8[%get3A_535] {strides = array<i32>} : memref<528xi32, #tpu.memory_space<vmem>>, vector<16xi32>,
    %slice3A_537 = vector.extract_strided_slice %get3A_536 {offsets = [0], sizes = [1], strides = [1]} : vector<16xi32> to vector<1xi32>
    %squeeze3A_538 = vector.extract %slice3A_537[0] : i32 from vector<1xi32>
    %shift_right_logical3A_539 = arith.constant 7 : i32
    %shift_right_logical3A_540 = arith.shrui %squeeze3A_538, %shift_right_logical3A_539 : i32
    %min3A_541 = arith.constant 7811 : i32
    %min3A_542 = arith.minsi %shift_right_logical3A_540, %min3A_541 : i32
    %mul3A_543 = arith.constant 128 : i32
    %mul3A_544 = arith.muli %min3A_542, %mul3A_543 : i32
    %multiple_of3A_545 = tpu.assume_multiple %mul3A_544, 128 : i32
    %dma_start3A_546 = arith.constant 0 : i32
    %dma_start3A_547 = tpu.memref_slice %arg4[%dma_start3A_546, %multiple_of3A_545] : memref<64x1000000xf32, #tpu.memory_space<hbm>> -> memref<64x128xf32, #tpu.memory_space<hbm>>
    %dma_start3A_548 = arith.constant 0 : i32
    %dma_start3A_549 = tpu.memref_slice %arg4[%dma_start3A_548, %multiple_of3A_545] : memref<64x1000000xf32, #tpu.memory_space<hbm>> -> memref<64x128xf32, #tpu.memory_space<hbm>>
    tpu.enqueue_dma source(%dma_start3A_549 : memref<64x128xf32, #tpu.memory_space<hbm>>) target(%arg10 : memref<64x128xf32, #tpu.memory_space<vmem>>) target_semaphore(%arg19 : memref<!tpu.dma_semaphore, #tpu.memory_space<semaphore_mem>>)
    %get3A_550 = arith.constant 258 : index
    %get3A_551 = tpu.vector_load %arg8[%get3A_550] {strides = array<i32>} : memref<528xi32, #tpu.memory_space<vmem>>, vector<16xi32>,
    %slice3A_552 = vector.extract_strided_slice %get3A_551 {offsets = [0], sizes = [1], strides = [1]} : vector<16xi32> to vector<1xi32>
    %squeeze3A_553 = vector.extract %slice3A_552[0] : i32 from vector<1xi32>
    %shift_right_logical3A_554 = arith.constant 7 : i32
    %shift_right_logical3A_555 = arith.shrui %squeeze3A_553, %shift_right_logical3A_554 : i32
    %min3A_556 = arith.constant 7811 : i32
    %min3A_557 = arith.minsi %shift_right_logical3A_555, %min3A_556 : i32
    %mul3A_558 = arith.constant 128 : i32
    %mul3A_559 = arith.muli %min3A_557, %mul3A_558 : i32
    %multiple_of3A_560 = tpu.assume_multiple %mul3A_559, 128 : i32
    %dma_start3A_561 = arith.constant 0 : i32
    %dma_start3A_562 = tpu.memref_slice %arg4[%dma_start3A_561, %multiple_of3A_560] : memref<64x1000000xf32, #tpu.memory_space<hbm>> -> memref<64x128xf32, #tpu.memory_space<hbm>>
    %dma_start3A_563 = arith.constant 0 : i32
    %dma_start3A_564 = tpu.memref_slice %arg4[%dma_start3A_563, %multiple_of3A_560] : memref<64x1000000xf32, #tpu.memory_space<hbm>> -> memref<64x128xf32, #tpu.memory_space<hbm>>
    tpu.enqueue_dma source(%dma_start3A_564 : memref<64x128xf32, #tpu.memory_space<hbm>>) target(%arg11 : memref<64x128xf32, #tpu.memory_space<vmem>>) target_semaphore(%arg20 : memref<!tpu.dma_semaphore, #tpu.memory_space<semaphore_mem>>)
    %get3A_565 = arith.constant 259 : index
    %get3A_566 = tpu.vector_load %arg8[%get3A_565] {strides = array<i32>} : memref<528xi32, #tpu.memory_space<vmem>>, vector<16xi32>,
    %slice3A_567 = vector.extract_strided_slice %get3A_566 {offsets = [0], sizes = [1], strides = [1]} : vector<16xi32> to vector<1xi32>
    %squeeze3A_568 = vector.extract %slice3A_567[0] : i32 from vector<1xi32>
    %shift_right_logical3A_569 = arith.constant 7 : i32
    %shift_right_logical3A_570 = arith.shrui %squeeze3A_568, %shift_right_logical3A_569 : i32
    %min3A_571 = arith.constant 7811 : i32
    %min3A_572 = arith.minsi %shift_right_logical3A_570, %min3A_571 : i32
    %mul3A_573 = arith.constant 128 : i32
    %mul3A_574 = arith.muli %min3A_572, %mul3A_573 : i32
    %multiple_of3A_575 = tpu.assume_multiple %mul3A_574, 128 : i32
    %dma_start3A_576 = arith.constant 0 : i32
    %dma_start3A_577 = tpu.memref_slice %arg4[%dma_start3A_576, %multiple_of3A_575] : memref<64x1000000xf32, #tpu.memory_space<hbm>> -> memref<64x128xf32, #tpu.memory_space<hbm>>
    %dma_start3A_578 = arith.constant 0 : i32
    %dma_start3A_579 = tpu.memref_slice %arg4[%dma_start3A_578, %multiple_of3A_575] : memref<64x1000000xf32, #tpu.memory_space<hbm>> -> memref<64x128xf32, #tpu.memory_space<hbm>>
    tpu.enqueue_dma source(%dma_start3A_579 : memref<64x128xf32, #tpu.memory_space<hbm>>) target(%arg12 : memref<64x128xf32, #tpu.memory_space<vmem>>) target_semaphore(%arg21 : memref<!tpu.dma_semaphore, #tpu.memory_space<semaphore_mem>>)
    %get3A_580 = arith.constant 260 : index
    %get3A_581 = tpu.vector_load %arg8[%get3A_580] {strides = array<i32>} : memref<528xi32, #tpu.memory_space<vmem>>, vector<16xi32>,
    %slice3A_582 = vector.extract_strided_slice %get3A_581 {offsets = [0], sizes = [1], strides = [1]} : vector<16xi32> to vector<1xi32>
    %squeeze3A_583 = vector.extract %slice3A_582[0] : i32 from vector<1xi32>
    %shift_right_logical3A_584 = arith.constant 7 : i32
    %shift_right_logical3A_585 = arith.shrui %squeeze3A_583, %shift_right_logical3A_584 : i32
    %min3A_586 = arith.constant 7811 : i32
    %min3A_587 = arith.minsi %shift_right_logical3A_585, %min3A_586 : i32
    %mul3A_588 = arith.constant 128 : i32
    %mul3A_589 = arith.muli %min3A_587, %mul3A_588 : i32
    %multiple_of3A_590 = tpu.assume_multiple %mul3A_589, 128 : i32
    %dma_start3A_591 = arith.constant 0 : i32
    %dma_start3A_592 = tpu.memref_slice %arg4[%dma_start3A_591, %multiple_of3A_590] : memref<64x1000000xf32, #tpu.memory_space<hbm>> -> memref<64x128xf32, #tpu.memory_space<hbm>>
    %dma_start3A_593 = arith.constant 0 : i32
    %dma_start3A_594 = tpu.memref_slice %arg4[%dma_start3A_593, %multiple_of3A_590] : memref<64x1000000xf32, #tpu.memory_space<hbm>> -> memref<64x128xf32, #tpu.memory_space<hbm>>
    tpu.enqueue_dma source(%dma_start3A_594 : memref<64x128xf32, #tpu.memory_space<hbm>>) target(%arg13 : memref<64x128xf32, #tpu.memory_space<vmem>>) target_semaphore(%arg22 : memref<!tpu.dma_semaphore, #tpu.memory_space<semaphore_mem>>)
    %get3A_595 = arith.constant 261 : index
    %get3A_596 = tpu.vector_load %arg8[%get3A_595] {strides = array<i32>} : memref<528xi32, #tpu.memory_space<vmem>>, vector<16xi32>,
    %slice3A_597 = vector.extract_strided_slice %get3A_596 {offsets = [0], sizes = [1], strides = [1]} : vector<16xi32> to vector<1xi32>
    %squeeze3A_598 = vector.extract %slice3A_597[0] : i32 from vector<1xi32>
    %shift_right_logical3A_599 = arith.constant 7 : i32
    %shift_right_logical3A_600 = arith.shrui %squeeze3A_598, %shift_right_logical3A_599 : i32
    %min3A_601 = arith.constant 7811 : i32
    %min3A_602 = arith.minsi %shift_right_logical3A_600, %min3A_601 : i32
    %mul3A_603 = arith.constant 128 : i32
    %mul3A_604 = arith.muli %min3A_602, %mul3A_603 : i32
    %multiple_of3A_605 = tpu.assume_multiple %mul3A_604, 128 : i32
    %dma_start3A_606 = arith.constant 0 : i32
    %dma_start3A_607 = tpu.memref_slice %arg4[%dma_start3A_606, %multiple_of3A_605] : memref<64x1000000xf32, #tpu.memory_space<hbm>> -> memref<64x128xf32, #tpu.memory_space<hbm>>
    %dma_start3A_608 = arith.constant 0 : i32
    %dma_start3A_609 = tpu.memref_slice %arg4[%dma_start3A_608, %multiple_of3A_605] : memref<64x1000000xf32, #tpu.memory_space<hbm>> -> memref<64x128xf32, #tpu.memory_space<hbm>>
    tpu.enqueue_dma source(%dma_start3A_609 : memref<64x128xf32, #tpu.memory_space<hbm>>) target(%arg14 : memref<64x128xf32, #tpu.memory_space<vmem>>) target_semaphore(%arg23 : memref<!tpu.dma_semaphore, #tpu.memory_space<semaphore_mem>>)
    %get3A_610 = arith.constant 262 : index
    %get3A_611 = tpu.vector_load %arg8[%get3A_610] {strides = array<i32>} : memref<528xi32, #tpu.memory_space<vmem>>, vector<16xi32>,
    %slice3A_612 = vector.extract_strided_slice %get3A_611 {offsets = [0], sizes = [1], strides = [1]} : vector<16xi32> to vector<1xi32>
    %squeeze3A_613 = vector.extract %slice3A_612[0] : i32 from vector<1xi32>
    %shift_right_logical3A_614 = arith.constant 7 : i32
    %shift_right_logical3A_615 = arith.shrui %squeeze3A_613, %shift_right_logical3A_614 : i32
    %min3A_616 = arith.constant 7811 : i32
    %min3A_617 = arith.minsi %shift_right_logical3A_615, %min3A_616 : i32
    %mul3A_618 = arith.constant 128 : i32
    %mul3A_619 = arith.muli %min3A_617, %mul3A_618 : i32
    %multiple_of3A_620 = tpu.assume_multiple %mul3A_619, 128 : i32
    %dma_start3A_621 = arith.constant 0 : i32
    %dma_start3A_622 = tpu.memref_slice %arg4[%dma_start3A_621, %multiple_of3A_620] : memref<64x1000000xf32, #tpu.memory_space<hbm>> -> memref<64x128xf32, #tpu.memory_space<hbm>>
    %dma_start3A_623 = arith.constant 0 : i32
    %dma_start3A_624 = tpu.memref_slice %arg4[%dma_start3A_623, %multiple_of3A_620] : memref<64x1000000xf32, #tpu.memory_space<hbm>> -> memref<64x128xf32, #tpu.memory_space<hbm>>
    tpu.enqueue_dma source(%dma_start3A_624 : memref<64x128xf32, #tpu.memory_space<hbm>>) target(%arg15 : memref<64x128xf32, #tpu.memory_space<vmem>>) target_semaphore(%arg24 : memref<!tpu.dma_semaphore, #tpu.memory_space<semaphore_mem>>)
    %get3A_625 = arith.constant 263 : index
    %get3A_626 = tpu.vector_load %arg8[%get3A_625] {strides = array<i32>} : memref<528xi32, #tpu.memory_space<vmem>>, vector<16xi32>,
    %slice3A_627 = vector.extract_strided_slice %get3A_626 {offsets = [0], sizes = [1], strides = [1]} : vector<16xi32> to vector<1xi32>
    %squeeze3A_628 = vector.extract %slice3A_627[0] : i32 from vector<1xi32>
    %shift_right_logical3A_629 = arith.constant 7 : i32
    %shift_right_logical3A_630 = arith.shrui %squeeze3A_628, %shift_right_logical3A_629 : i32
    %min3A_631 = arith.constant 7811 : i32
    %min3A_632 = arith.minsi %shift_right_logical3A_630, %min3A_631 : i32
    %mul3A_633 = arith.constant 128 : i32
    %mul3A_634 = arith.muli %min3A_632, %mul3A_633 : i32
    %multiple_of3A_635 = tpu.assume_multiple %mul3A_634, 128 : i32
    %dma_start3A_636 = arith.constant 0 : i32
    %dma_start3A_637 = tpu.memref_slice %arg4[%dma_start3A_636, %multiple_of3A_635] : memref<64x1000000xf32, #tpu.memory_space<hbm>> -> memref<64x128xf32, #tpu.memory_space<hbm>>
    %dma_start3A_638 = arith.constant 0 : i32
    %dma_start3A_639 = tpu.memref_slice %arg4[%dma_start3A_638, %multiple_of3A_635] : memref<64x1000000xf32, #tpu.memory_space<hbm>> -> memref<64x128xf32, #tpu.memory_space<hbm>>
    tpu.enqueue_dma source(%dma_start3A_639 : memref<64x128xf32, #tpu.memory_space<hbm>>) target(%arg16 : memref<64x128xf32, #tpu.memory_space<vmem>>) target_semaphore(%arg25 : memref<!tpu.dma_semaphore, #tpu.memory_space<semaphore_mem>>)
    %scan3A_640 = arith.constant 0 : i32
    %scan3A_641 = arith.constant 32 : i32
    %scan3A_642 = arith.addi %scan3A_640, %scan3A_641 : i32
    %scan3A_643 = arith.constant 1 : i32
    scf.for %scan3A_695 = %scan3A_640 to %scan3A_642 step %scan3A_643  : i32 {
      %mul3A_696 = arith.constant 8 : i32
      %mul3A_697 = arith.muli %scan3A_695, %mul3A_696 : i32
      %add3A_698 = arith.constant 256 : i32
      %add3A_699 = arith.addi %add3A_698, %mul3A_697 : i32
      %add3A_700 = arith.constant 0 : i32
      %add3A_701 = arith.addi %add3A_699, %add3A_700 : i32
      %mul3A_702 = arith.constant 8 : i32
      %mul3A_703 = arith.muli %scan3A_695, %mul3A_702 : i32
      %add3A_704 = arith.constant 0 : i32
      %add3A_705 = arith.addi %mul3A_703, %add3A_704 : i32
      %dma_wait3A_706 = arith.constant 0 : i32
      %dma_wait3A_707 = arith.constant 0 : i32
      %dma_wait3A_708 = tpu.memref_slice %arg3[%dma_wait3A_706, %dma_wait3A_707] : memref<64x1000000xf32, #tpu.memory_space<hbm>> -> memref<64x128xf32, #tpu.memory_space<hbm>>
      %dma_wait3A_709 = arith.constant 0 : i32
      %dma_wait3A_710 = arith.constant 0 : i32
      %dma_wait3A_711 = tpu.memref_slice %arg3[%dma_wait3A_709, %dma_wait3A_710] : memref<64x1000000xf32, #tpu.memory_space<hbm>> -> memref<64x128xf32, #tpu.memory_space<hbm>>
      tpu.wait_dma2 semaphore(%arg18 : memref<!tpu.dma_semaphore, #tpu.memory_space<semaphore_mem>>) src(%dma_wait3A_711 : memref<64x128xf32, #tpu.memory_space<hbm>>) dst(%arg9 : memref<64x128xf32, #tpu.memory_space<vmem>>)
      %get3A_712 = arith.index_cast %add3A_701 : i32 to index
      %get3A_713 = tpu.vector_load %arg8[%get3A_712] {strides = array<i32>} : memref<528xi32, #tpu.memory_space<vmem>>, vector<16xi32>,
      %slice3A_714 = vector.extract_strided_slice %get3A_713 {offsets = [0], sizes = [1], strides = [1]} : vector<16xi32> to vector<1xi32>
      %squeeze3A_715 = vector.extract %slice3A_714[0] : i32 from vector<1xi32>
      %shift_right_logical3A_716 = arith.constant 7 : i32
      %shift_right_logical3A_717 = arith.shrui %squeeze3A_715, %shift_right_logical3A_716 : i32
      %min3A_718 = arith.constant 7811 : i32
      %min3A_719 = arith.minsi %shift_right_logical3A_717, %min3A_718 : i32
      %mul3A_720 = arith.constant 128 : i32
      %mul3A_721 = arith.muli %min3A_719, %mul3A_720 : i32
      %sub3A = arith.subi %squeeze3A_715, %mul3A_721 : i32
      %min3A_722 = arith.constant 127 : i32
      %min3A_723 = arith.minsi %sub3A, %min3A_722 : i32
      %broadcast_in_dim3A = vector.broadcast %min3A_723 : i32 to vector<16xi32>
      %broadcast_in_dim3A_724 = vector.broadcast %add3A_705 : i32 to vector<16xi32>
      %iota3A = tpu.iota {dimensions = array<i32: 0>} : vector<16xi32>
      %add3A_725 = arith.constant 0 : i32
      %add3A_726 = vector.broadcast %add3A_725 : i32 to vector<16xi32>
      %add3A_727 = arith.addi %iota3A, %add3A_726 : vector<16xi32>
      %gather3A = tpu.vector_load_idx %arg9[%add3A_727, %broadcast_in_dim3A] : memref<64x128xf32, #tpu.memory_space<vmem>>[vector<16xi32>, vector<16xi32>], vector<16xf32>,
      tpu.vector_store_idx %arg17[%add3A_727, %broadcast_in_dim3A_724], %gather3A : memref<64x256xf32, #tpu.memory_space<vmem>>[vector<16xi32>, vector<16xi32>], vector<16xf32>,
      %iota3A_728 = tpu.iota {dimensions = array<i32: 0>} : vector<16xi32>
      %add3A_729 = arith.constant 16 : i32
      %add3A_730 = vector.broadcast %add3A_729 : i32 to vector<16xi32>
      %add3A_731 = arith.addi %iota3A_728, %add3A_730 : vector<16xi32>
      %gather3A_732 = tpu.vector_load_idx %arg9[%add3A_731, %broadcast_in_dim3A] : memref<64x128xf32, #tpu.memory_space<vmem>>[vector<16xi32>, vector<16xi32>], vector<16xf32>,
      tpu.vector_store_idx %arg17[%add3A_731, %broadcast_in_dim3A_724], %gather3A_732 : memref<64x256xf32, #tpu.memory_space<vmem>>[vector<16xi32>, vector<16xi32>], vector<16xf32>,
      %iota3A_733 = tpu.iota {dimensions = array<i32: 0>} : vector<16xi32>
      %add3A_734 = arith.constant 32 : i32
      %add3A_735 = vector.broadcast %add3A_734 : i32 to vector<16xi32>
      %add3A_736 = arith.addi %iota3A_733, %add3A_735 : vector<16xi32>
      %gather3A_737 = tpu.vector_load_idx %arg9[%add3A_736, %broadcast_in_dim3A] : memref<64x128xf32, #tpu.memory_space<vmem>>[vector<16xi32>, vector<16xi32>], vector<16xf32>,
      tpu.vector_store_idx %arg17[%add3A_736, %broadcast_in_dim3A_724], %gather3A_737 : memref<64x256xf32, #tpu.memory_space<vmem>>[vector<16xi32>, vector<16xi32>], vector<16xf32>,
      %iota3A_738 = tpu.iota {dimensions = array<i32: 0>} : vector<16xi32>
      %add3A_739 = arith.constant 48 : i32
      %add3A_740 = vector.broadcast %add3A_739 : i32 to vector<16xi32>
      %add3A_741 = arith.addi %iota3A_738, %add3A_740 : vector<16xi32>
      %gather3A_742 = tpu.vector_load_idx %arg9[%add3A_741, %broadcast_in_dim3A] : memref<64x128xf32, #tpu.memory_space<vmem>>[vector<16xi32>, vector<16xi32>], vector<16xf32>,
      tpu.vector_store_idx %arg17[%add3A_741, %broadcast_in_dim3A_724], %gather3A_742 : memref<64x256xf32, #tpu.memory_space<vmem>>[vector<16xi32>, vector<16xi32>], vector<16xf32>,
      %add3A_743 = arith.constant 8 : i32
      %add3A_744 = arith.addi %add3A_701, %add3A_743 : i32
      %min3A_745 = arith.constant 511 : i32
      %min3A_746 = arith.minsi %add3A_744, %min3A_745 : i32
      %get3A_747 = arith.index_cast %min3A_746 : i32 to index
      %get3A_748 = tpu.vector_load %arg8[%get3A_747] {strides = array<i32>} : memref<528xi32, #tpu.memory_space<vmem>>, vector<16xi32>,
      %slice3A_749 = vector.extract_strided_slice %get3A_748 {offsets = [0], sizes = [1], strides = [1]} : vector<16xi32> to vector<1xi32>
      %squeeze3A_750 = vector.extract %slice3A_749[0] : i32 from vector<1xi32>
      %shift_right_logical3A_751 = arith.constant 7 : i32
      %shift_right_logical3A_752 = arith.shrui %squeeze3A_750, %shift_right_logical3A_751 : i32
      %min3A_753 = arith.constant 7811 : i32
      %min3A_754 = arith.minsi %shift_right_logical3A_752, %min3A_753 : i32
      %mul3A_755 = arith.constant 128 : i32
      %mul3A_756 = arith.muli %min3A_754, %mul3A_755 : i32
      %multiple_of3A_757 = tpu.assume_multiple %mul3A_756, 128 : i32
      %dma_start3A_758 = arith.constant 0 : i32
      %dma_start3A_759 = tpu.memref_slice %arg4[%dma_start3A_758, %multiple_of3A_757] : memref<64x1000000xf32, #tpu.memory_space<hbm>> -> memref<64x128xf32, #tpu.memory_space<hbm>>
      %dma_start3A_760 = arith.constant 0 : i32
      %dma_start3A_761 = tpu.memref_slice %arg4[%dma_start3A_760, %multiple_of3A_757] : memref<64x1000000xf32, #tpu.memory_space<hbm>> -> memref<64x128xf32, #tpu.memory_space<hbm>>
      tpu.enqueue_dma source(%dma_start3A_761 : memref<64x128xf32, #tpu.memory_space<hbm>>) target(%arg9 : memref<64x128xf32, #tpu.memory_space<vmem>>) target_semaphore(%arg18 : memref<!tpu.dma_semaphore, #tpu.memory_space<semaphore_mem>>)
      %mul3A_762 = arith.constant 8 : i32
      %mul3A_763 = arith.muli %scan3A_695, %mul3A_762 : i32
      %add3A_764 = arith.constant 256 : i32
      %add3A_765 = arith.addi %add3A_764, %mul3A_763 : i32
      %add3A_766 = arith.constant 1 : i32
      %add3A_767 = arith.addi %add3A_765, %add3A_766 : i32
      %mul3A_768 = arith.constant 8 : i32
      %mul3A_769 = arith.muli %scan3A_695, %mul3A_768 : i32
      %add3A_770 = arith.constant 1 : i32
      %add3A_771 = arith.addi %mul3A_769, %add3A_770 : i32
      %dma_wait3A_772 = arith.constant 0 : i32
      %dma_wait3A_773 = arith.constant 0 : i32
      %dma_wait3A_774 = tpu.memref_slice %arg3[%dma_wait3A_772, %dma_wait3A_773] : memref<64x1000000xf32, #tpu.memory_space<hbm>> -> memref<64x128xf32, #tpu.memory_space<hbm>>
      %dma_wait3A_775 = arith.constant 0 : i32
      %dma_wait3A_776 = arith.constant 0 : i32
      %dma_wait3A_777 = tpu.memref_slice %arg3[%dma_wait3A_775, %dma_wait3A_776] : memref<64x1000000xf32, #tpu.memory_space<hbm>> -> memref<64x128xf32, #tpu.memory_space<hbm>>
      tpu.wait_dma2 semaphore(%arg19 : memref<!tpu.dma_semaphore, #tpu.memory_space<semaphore_mem>>) src(%dma_wait3A_777 : memref<64x128xf32, #tpu.memory_space<hbm>>) dst(%arg10 : memref<64x128xf32, #tpu.memory_space<vmem>>)
      %get3A_778 = arith.index_cast %add3A_767 : i32 to index
      %get3A_779 = tpu.vector_load %arg8[%get3A_778] {strides = array<i32>} : memref<528xi32, #tpu.memory_space<vmem>>, vector<16xi32>,
      %slice3A_780 = vector.extract_strided_slice %get3A_779 {offsets = [0], sizes = [1], strides = [1]} : vector<16xi32> to vector<1xi32>
      %squeeze3A_781 = vector.extract %slice3A_780[0] : i32 from vector<1xi32>
      %shift_right_logical3A_782 = arith.constant 7 : i32
      %shift_right_logical3A_783 = arith.shrui %squeeze3A_781, %shift_right_logical3A_782 : i32
      %min3A_784 = arith.constant 7811 : i32
      %min3A_785 = arith.minsi %shift_right_logical3A_783, %min3A_784 : i32
      %mul3A_786 = arith.constant 128 : i32
      %mul3A_787 = arith.muli %min3A_785, %mul3A_786 : i32
      %sub3A_788 = arith.subi %squeeze3A_781, %mul3A_787 : i32
      %min3A_789 = arith.constant 127 : i32
      %min3A_790 = arith.minsi %sub3A_788, %min3A_789 : i32
      %broadcast_in_dim3A_791 = vector.broadcast %min3A_790 : i32 to vector<16xi32>
      %broadcast_in_dim3A_792 = vector.broadcast %add3A_771 : i32 to vector<16xi32>
      %iota3A_793 = tpu.iota {dimensions = array<i32: 0>} : vector<16xi32>
      %add3A_794 = arith.constant 0 : i32
      %add3A_795 = vector.broadcast %add3A_794 : i32 to vector<16xi32>
      %add3A_796 = arith.addi %iota3A_793, %add3A_795 : vector<16xi32>
      %gather3A_797 = tpu.vector_load_idx %arg10[%add3A_796, %broadcast_in_dim3A_791] : memref<64x128xf32, #tpu.memory_space<vmem>>[vector<16xi32>, vector<16xi32>], vector<16xf32>,
      tpu.vector_store_idx %arg17[%add3A_796, %broadcast_in_dim3A_792], %gather3A_797 : memref<64x256xf32, #tpu.memory_space<vmem>>[vector<16xi32>, vector<16xi32>], vector<16xf32>,
      %iota3A_798 = tpu.iota {dimensions = array<i32: 0>} : vector<16xi32>
      %add3A_799 = arith.constant 16 : i32
      %add3A_800 = vector.broadcast %add3A_799 : i32 to vector<16xi32>
      %add3A_801 = arith.addi %iota3A_798, %add3A_800 : vector<16xi32>
      %gather3A_802 = tpu.vector_load_idx %arg10[%add3A_801, %broadcast_in_dim3A_791] : memref<64x128xf32, #tpu.memory_space<vmem>>[vector<16xi32>, vector<16xi32>], vector<16xf32>,
      tpu.vector_store_idx %arg17[%add3A_801, %broadcast_in_dim3A_792], %gather3A_802 : memref<64x256xf32, #tpu.memory_space<vmem>>[vector<16xi32>, vector<16xi32>], vector<16xf32>,
      %iota3A_803 = tpu.iota {dimensions = array<i32: 0>} : vector<16xi32>
      %add3A_804 = arith.constant 32 : i32
      %add3A_805 = vector.broadcast %add3A_804 : i32 to vector<16xi32>
      %add3A_806 = arith.addi %iota3A_803, %add3A_805 : vector<16xi32>
      %gather3A_807 = tpu.vector_load_idx %arg10[%add3A_806, %broadcast_in_dim3A_791] : memref<64x128xf32, #tpu.memory_space<vmem>>[vector<16xi32>, vector<16xi32>], vector<16xf32>,
      tpu.vector_store_idx %arg17[%add3A_806, %broadcast_in_dim3A_792], %gather3A_807 : memref<64x256xf32, #tpu.memory_space<vmem>>[vector<16xi32>, vector<16xi32>], vector<16xf32>,
      %iota3A_808 = tpu.iota {dimensions = array<i32: 0>} : vector<16xi32>
      %add3A_809 = arith.constant 48 : i32
      %add3A_810 = vector.broadcast %add3A_809 : i32 to vector<16xi32>
      %add3A_811 = arith.addi %iota3A_808, %add3A_810 : vector<16xi32>
      %gather3A_812 = tpu.vector_load_idx %arg10[%add3A_811, %broadcast_in_dim3A_791] : memref<64x128xf32, #tpu.memory_space<vmem>>[vector<16xi32>, vector<16xi32>], vector<16xf32>,
      tpu.vector_store_idx %arg17[%add3A_811, %broadcast_in_dim3A_792], %gather3A_812 : memref<64x256xf32, #tpu.memory_space<vmem>>[vector<16xi32>, vector<16xi32>], vector<16xf32>,
      %add3A_813 = arith.constant 8 : i32
      %add3A_814 = arith.addi %add3A_767, %add3A_813 : i32
      %min3A_815 = arith.constant 511 : i32
      %min3A_816 = arith.minsi %add3A_814, %min3A_815 : i32
      %get3A_817 = arith.index_cast %min3A_816 : i32 to index
      %get3A_818 = tpu.vector_load %arg8[%get3A_817] {strides = array<i32>} : memref<528xi32, #tpu.memory_space<vmem>>, vector<16xi32>,
      %slice3A_819 = vector.extract_strided_slice %get3A_818 {offsets = [0], sizes = [1], strides = [1]} : vector<16xi32> to vector<1xi32>
      %squeeze3A_820 = vector.extract %slice3A_819[0] : i32 from vector<1xi32>
      %shift_right_logical3A_821 = arith.constant 7 : i32
      %shift_right_logical3A_822 = arith.shrui %squeeze3A_820, %shift_right_logical3A_821 : i32
      %min3A_823 = arith.constant 7811 : i32
      %min3A_824 = arith.minsi %shift_right_logical3A_822, %min3A_823 : i32
      %mul3A_825 = arith.constant 128 : i32
      %mul3A_826 = arith.muli %min3A_824, %mul3A_825 : i32
      %multiple_of3A_827 = tpu.assume_multiple %mul3A_826, 128 : i32
      %dma_start3A_828 = arith.constant 0 : i32
      %dma_start3A_829 = tpu.memref_slice %arg4[%dma_start3A_828, %multiple_of3A_827] : memref<64x1000000xf32, #tpu.memory_space<hbm>> -> memref<64x128xf32, #tpu.memory_space<hbm>>
      %dma_start3A_830 = arith.constant 0 : i32
      %dma_start3A_831 = tpu.memref_slice %arg4[%dma_start3A_830, %multiple_of3A_827] : memref<64x1000000xf32, #tpu.memory_space<hbm>> -> memref<64x128xf32, #tpu.memory_space<hbm>>
      tpu.enqueue_dma source(%dma_start3A_831 : memref<64x128xf32, #tpu.memory_space<hbm>>) target(%arg10 : memref<64x128xf32, #tpu.memory_space<vmem>>) target_semaphore(%arg19 : memref<!tpu.dma_semaphore, #tpu.memory_space<semaphore_mem>>)
      %mul3A_832 = arith.constant 8 : i32
      %mul3A_833 = arith.muli %scan3A_695, %mul3A_832 : i32
      %add3A_834 = arith.constant 256 : i32
      %add3A_835 = arith.addi %add3A_834, %mul3A_833 : i32
      %add3A_836 = arith.constant 2 : i32
      %add3A_837 = arith.addi %add3A_835, %add3A_836 : i32
      %mul3A_838 = arith.constant 8 : i32
      %mul3A_839 = arith.muli %scan3A_695, %mul3A_838 : i32
      %add3A_840 = arith.constant 2 : i32
      %add3A_841 = arith.addi %mul3A_839, %add3A_840 : i32
      %dma_wait3A_842 = arith.constant 0 : i32
      %dma_wait3A_843 = arith.constant 0 : i32
      %dma_wait3A_844 = tpu.memref_slice %arg3[%dma_wait3A_842, %dma_wait3A_843] : memref<64x1000000xf32, #tpu.memory_space<hbm>> -> memref<64x128xf32, #tpu.memory_space<hbm>>
      %dma_wait3A_845 = arith.constant 0 : i32
      %dma_wait3A_846 = arith.constant 0 : i32
      %dma_wait3A_847 = tpu.memref_slice %arg3[%dma_wait3A_845, %dma_wait3A_846] : memref<64x1000000xf32, #tpu.memory_space<hbm>> -> memref<64x128xf32, #tpu.memory_space<hbm>>
      tpu.wait_dma2 semaphore(%arg20 : memref<!tpu.dma_semaphore, #tpu.memory_space<semaphore_mem>>) src(%dma_wait3A_847 : memref<64x128xf32, #tpu.memory_space<hbm>>) dst(%arg11 : memref<64x128xf32, #tpu.memory_space<vmem>>)
      %get3A_848 = arith.index_cast %add3A_837 : i32 to index
      %get3A_849 = tpu.vector_load %arg8[%get3A_848] {strides = array<i32>} : memref<528xi32, #tpu.memory_space<vmem>>, vector<16xi32>,
      %slice3A_850 = vector.extract_strided_slice %get3A_849 {offsets = [0], sizes = [1], strides = [1]} : vector<16xi32> to vector<1xi32>
      %squeeze3A_851 = vector.extract %slice3A_850[0] : i32 from vector<1xi32>
      %shift_right_logical3A_852 = arith.constant 7 : i32
      %shift_right_logical3A_853 = arith.shrui %squeeze3A_851, %shift_right_logical3A_852 : i32
      %min3A_854 = arith.constant 7811 : i32
      %min3A_855 = arith.minsi %shift_right_logical3A_853, %min3A_854 : i32
      %mul3A_856 = arith.constant 128 : i32
      %mul3A_857 = arith.muli %min3A_855, %mul3A_856 : i32
      %sub3A_858 = arith.subi %squeeze3A_851, %mul3A_857 : i32
      %min3A_859 = arith.constant 127 : i32
      %min3A_860 = arith.minsi %sub3A_858, %min3A_859 : i32
      %broadcast_in_dim3A_861 = vector.broadcast %min3A_860 : i32 to vector<16xi32>
      %broadcast_in_dim3A_862 = vector.broadcast %add3A_841 : i32 to vector<16xi32>
      %iota3A_863 = tpu.iota {dimensions = array<i32: 0>} : vector<16xi32>
      %add3A_864 = arith.constant 0 : i32
      %add3A_865 = vector.broadcast %add3A_864 : i32 to vector<16xi32>
      %add3A_866 = arith.addi %iota3A_863, %add3A_865 : vector<16xi32>
      %gather3A_867 = tpu.vector_load_idx %arg11[%add3A_866, %broadcast_in_dim3A_861] : memref<64x128xf32, #tpu.memory_space<vmem>>[vector<16xi32>, vector<16xi32>], vector<16xf32>,
      tpu.vector_store_idx %arg17[%add3A_866, %broadcast_in_dim3A_862], %gather3A_867 : memref<64x256xf32, #tpu.memory_space<vmem>>[vector<16xi32>, vector<16xi32>], vector<16xf32>,
      %iota3A_868 = tpu.iota {dimensions = array<i32: 0>} : vector<16xi32>
      %add3A_869 = arith.constant 16 : i32
      %add3A_870 = vector.broadcast %add3A_869 : i32 to vector<16xi32>
      %add3A_871 = arith.addi %iota3A_868, %add3A_870 : vector<16xi32>
      %gather3A_872 = tpu.vector_load_idx %arg11[%add3A_871, %broadcast_in_dim3A_861] : memref<64x128xf32, #tpu.memory_space<vmem>>[vector<16xi32>, vector<16xi32>], vector<16xf32>,
      tpu.vector_store_idx %arg17[%add3A_871, %broadcast_in_dim3A_862], %gather3A_872 : memref<64x256xf32, #tpu.memory_space<vmem>>[vector<16xi32>, vector<16xi32>], vector<16xf32>,
      %iota3A_873 = tpu.iota {dimensions = array<i32: 0>} : vector<16xi32>
      %add3A_874 = arith.constant 32 : i32
      %add3A_875 = vector.broadcast %add3A_874 : i32 to vector<16xi32>
      %add3A_876 = arith.addi %iota3A_873, %add3A_875 : vector<16xi32>
      %gather3A_877 = tpu.vector_load_idx %arg11[%add3A_876, %broadcast_in_dim3A_861] : memref<64x128xf32, #tpu.memory_space<vmem>>[vector<16xi32>, vector<16xi32>], vector<16xf32>,
      tpu.vector_store_idx %arg17[%add3A_876, %broadcast_in_dim3A_862], %gather3A_877 : memref<64x256xf32, #tpu.memory_space<vmem>>[vector<16xi32>, vector<16xi32>], vector<16xf32>,
      %iota3A_878 = tpu.iota {dimensions = array<i32: 0>} : vector<16xi32>
      %add3A_879 = arith.constant 48 : i32
      %add3A_880 = vector.broadcast %add3A_879 : i32 to vector<16xi32>
      %add3A_881 = arith.addi %iota3A_878, %add3A_880 : vector<16xi32>
      %gather3A_882 = tpu.vector_load_idx %arg11[%add3A_881, %broadcast_in_dim3A_861] : memref<64x128xf32, #tpu.memory_space<vmem>>[vector<16xi32>, vector<16xi32>], vector<16xf32>,
      tpu.vector_store_idx %arg17[%add3A_881, %broadcast_in_dim3A_862], %gather3A_882 : memref<64x256xf32, #tpu.memory_space<vmem>>[vector<16xi32>, vector<16xi32>], vector<16xf32>,
      %add3A_883 = arith.constant 8 : i32
      %add3A_884 = arith.addi %add3A_837, %add3A_883 : i32
      %min3A_885 = arith.constant 511 : i32
      %min3A_886 = arith.minsi %add3A_884, %min3A_885 : i32
      %get3A_887 = arith.index_cast %min3A_886 : i32 to index
      %get3A_888 = tpu.vector_load %arg8[%get3A_887] {strides = array<i32>} : memref<528xi32, #tpu.memory_space<vmem>>, vector<16xi32>,
      %slice3A_889 = vector.extract_strided_slice %get3A_888 {offsets = [0], sizes = [1], strides = [1]} : vector<16xi32> to vector<1xi32>
      %squeeze3A_890 = vector.extract %slice3A_889[0] : i32 from vector<1xi32>
      %shift_right_logical3A_891 = arith.constant 7 : i32
      %shift_right_logical3A_892 = arith.shrui %squeeze3A_890, %shift_right_logical3A_891 : i32
      %min3A_893 = arith.constant 7811 : i32
      %min3A_894 = arith.minsi %shift_right_logical3A_892, %min3A_893 : i32
      %mul3A_895 = arith.constant 128 : i32
      %mul3A_896 = arith.muli %min3A_894, %mul3A_895 : i32
      %multiple_of3A_897 = tpu.assume_multiple %mul3A_896, 128 : i32
      %dma_start3A_898 = arith.constant 0 : i32
      %dma_start3A_899 = tpu.memref_slice %arg4[%dma_start3A_898, %multiple_of3A_897] : memref<64x1000000xf32, #tpu.memory_space<hbm>> -> memref<64x128xf32, #tpu.memory_space<hbm>>
      %dma_start3A_900 = arith.constant 0 : i32
      %dma_start3A_901 = tpu.memref_slice %arg4[%dma_start3A_900, %multiple_of3A_897] : memref<64x1000000xf32, #tpu.memory_space<hbm>> -> memref<64x128xf32, #tpu.memory_space<hbm>>
      tpu.enqueue_dma source(%dma_start3A_901 : memref<64x128xf32, #tpu.memory_space<hbm>>) target(%arg11 : memref<64x128xf32, #tpu.memory_space<vmem>>) target_semaphore(%arg20 : memref<!tpu.dma_semaphore, #tpu.memory_space<semaphore_mem>>)
      %mul3A_902 = arith.constant 8 : i32
      %mul3A_903 = arith.muli %scan3A_695, %mul3A_902 : i32
      %add3A_904 = arith.constant 256 : i32
      %add3A_905 = arith.addi %add3A_904, %mul3A_903 : i32
      %add3A_906 = arith.constant 3 : i32
      %add3A_907 = arith.addi %add3A_905, %add3A_906 : i32
      %mul3A_908 = arith.constant 8 : i32
      %mul3A_909 = arith.muli %scan3A_695, %mul3A_908 : i32
      %add3A_910 = arith.constant 3 : i32
      %add3A_911 = arith.addi %mul3A_909, %add3A_910 : i32
      %dma_wait3A_912 = arith.constant 0 : i32
      %dma_wait3A_913 = arith.constant 0 : i32
      %dma_wait3A_914 = tpu.memref_slice %arg3[%dma_wait3A_912, %dma_wait3A_913] : memref<64x1000000xf32, #tpu.memory_space<hbm>> -> memref<64x128xf32, #tpu.memory_space<hbm>>
      %dma_wait3A_915 = arith.constant 0 : i32
      %dma_wait3A_916 = arith.constant 0 : i32
      %dma_wait3A_917 = tpu.memref_slice %arg3[%dma_wait3A_915, %dma_wait3A_916] : memref<64x1000000xf32, #tpu.memory_space<hbm>> -> memref<64x128xf32, #tpu.memory_space<hbm>>
      tpu.wait_dma2 semaphore(%arg21 : memref<!tpu.dma_semaphore, #tpu.memory_space<semaphore_mem>>) src(%dma_wait3A_917 : memref<64x128xf32, #tpu.memory_space<hbm>>) dst(%arg12 : memref<64x128xf32, #tpu.memory_space<vmem>>)
      %get3A_918 = arith.index_cast %add3A_907 : i32 to index
      %get3A_919 = tpu.vector_load %arg8[%get3A_918] {strides = array<i32>} : memref<528xi32, #tpu.memory_space<vmem>>, vector<16xi32>,
      %slice3A_920 = vector.extract_strided_slice %get3A_919 {offsets = [0], sizes = [1], strides = [1]} : vector<16xi32> to vector<1xi32>
      %squeeze3A_921 = vector.extract %slice3A_920[0] : i32 from vector<1xi32>
      %shift_right_logical3A_922 = arith.constant 7 : i32
      %shift_right_logical3A_923 = arith.shrui %squeeze3A_921, %shift_right_logical3A_922 : i32
      %min3A_924 = arith.constant 7811 : i32
      %min3A_925 = arith.minsi %shift_right_logical3A_923, %min3A_924 : i32
      %mul3A_926 = arith.constant 128 : i32
      %mul3A_927 = arith.muli %min3A_925, %mul3A_926 : i32
      %sub3A_928 = arith.subi %squeeze3A_921, %mul3A_927 : i32
      %min3A_929 = arith.constant 127 : i32
      %min3A_930 = arith.minsi %sub3A_928, %min3A_929 : i32
      %broadcast_in_dim3A_931 = vector.broadcast %min3A_930 : i32 to vector<16xi32>
      %broadcast_in_dim3A_932 = vector.broadcast %add3A_911 : i32 to vector<16xi32>
      %iota3A_933 = tpu.iota {dimensions = array<i32: 0>} : vector<16xi32>
      %add3A_934 = arith.constant 0 : i32
      %add3A_935 = vector.broadcast %add3A_934 : i32 to vector<16xi32>
      %add3A_936 = arith.addi %iota3A_933, %add3A_935 : vector<16xi32>
      %gather3A_937 = tpu.vector_load_idx %arg12[%add3A_936, %broadcast_in_dim3A_931] : memref<64x128xf32, #tpu.memory_space<vmem>>[vector<16xi32>, vector<16xi32>], vector<16xf32>,
      tpu.vector_store_idx %arg17[%add3A_936, %broadcast_in_dim3A_932], %gather3A_937 : memref<64x256xf32, #tpu.memory_space<vmem>>[vector<16xi32>, vector<16xi32>], vector<16xf32>,
      %iota3A_938 = tpu.iota {dimensions = array<i32: 0>} : vector<16xi32>
      %add3A_939 = arith.constant 16 : i32
      %add3A_940 = vector.broadcast %add3A_939 : i32 to vector<16xi32>
      %add3A_941 = arith.addi %iota3A_938, %add3A_940 : vector<16xi32>
      %gather3A_942 = tpu.vector_load_idx %arg12[%add3A_941, %broadcast_in_dim3A_931] : memref<64x128xf32, #tpu.memory_space<vmem>>[vector<16xi32>, vector<16xi32>], vector<16xf32>,
      tpu.vector_store_idx %arg17[%add3A_941, %broadcast_in_dim3A_932], %gather3A_942 : memref<64x256xf32, #tpu.memory_space<vmem>>[vector<16xi32>, vector<16xi32>], vector<16xf32>,
      %iota3A_943 = tpu.iota {dimensions = array<i32: 0>} : vector<16xi32>
      %add3A_944 = arith.constant 32 : i32
      %add3A_945 = vector.broadcast %add3A_944 : i32 to vector<16xi32>
      %add3A_946 = arith.addi %iota3A_943, %add3A_945 : vector<16xi32>
      %gather3A_947 = tpu.vector_load_idx %arg12[%add3A_946, %broadcast_in_dim3A_931] : memref<64x128xf32, #tpu.memory_space<vmem>>[vector<16xi32>, vector<16xi32>], vector<16xf32>,
      tpu.vector_store_idx %arg17[%add3A_946, %broadcast_in_dim3A_932], %gather3A_947 : memref<64x256xf32, #tpu.memory_space<vmem>>[vector<16xi32>, vector<16xi32>], vector<16xf32>,
      %iota3A_948 = tpu.iota {dimensions = array<i32: 0>} : vector<16xi32>
      %add3A_949 = arith.constant 48 : i32
      %add3A_950 = vector.broadcast %add3A_949 : i32 to vector<16xi32>
      %add3A_951 = arith.addi %iota3A_948, %add3A_950 : vector<16xi32>
      %gather3A_952 = tpu.vector_load_idx %arg12[%add3A_951, %broadcast_in_dim3A_931] : memref<64x128xf32, #tpu.memory_space<vmem>>[vector<16xi32>, vector<16xi32>], vector<16xf32>,
      tpu.vector_store_idx %arg17[%add3A_951, %broadcast_in_dim3A_932], %gather3A_952 : memref<64x256xf32, #tpu.memory_space<vmem>>[vector<16xi32>, vector<16xi32>], vector<16xf32>,
      %add3A_953 = arith.constant 8 : i32
      %add3A_954 = arith.addi %add3A_907, %add3A_953 : i32
      %min3A_955 = arith.constant 511 : i32
      %min3A_956 = arith.minsi %add3A_954, %min3A_955 : i32
      %get3A_957 = arith.index_cast %min3A_956 : i32 to index
      %get3A_958 = tpu.vector_load %arg8[%get3A_957] {strides = array<i32>} : memref<528xi32, #tpu.memory_space<vmem>>, vector<16xi32>,
      %slice3A_959 = vector.extract_strided_slice %get3A_958 {offsets = [0], sizes = [1], strides = [1]} : vector<16xi32> to vector<1xi32>
      %squeeze3A_960 = vector.extract %slice3A_959[0] : i32 from vector<1xi32>
      %shift_right_logical3A_961 = arith.constant 7 : i32
      %shift_right_logical3A_962 = arith.shrui %squeeze3A_960, %shift_right_logical3A_961 : i32
      %min3A_963 = arith.constant 7811 : i32
      %min3A_964 = arith.minsi %shift_right_logical3A_962, %min3A_963 : i32
      %mul3A_965 = arith.constant 128 : i32
      %mul3A_966 = arith.muli %min3A_964, %mul3A_965 : i32
      %multiple_of3A_967 = tpu.assume_multiple %mul3A_966, 128 : i32
      %dma_start3A_968 = arith.constant 0 : i32
      %dma_start3A_969 = tpu.memref_slice %arg4[%dma_start3A_968, %multiple_of3A_967] : memref<64x1000000xf32, #tpu.memory_space<hbm>> -> memref<64x128xf32, #tpu.memory_space<hbm>>
      %dma_start3A_970 = arith.constant 0 : i32
      %dma_start3A_971 = tpu.memref_slice %arg4[%dma_start3A_970, %multiple_of3A_967] : memref<64x1000000xf32, #tpu.memory_space<hbm>> -> memref<64x128xf32, #tpu.memory_space<hbm>>
      tpu.enqueue_dma source(%dma_start3A_971 : memref<64x128xf32, #tpu.memory_space<hbm>>) target(%arg12 : memref<64x128xf32, #tpu.memory_space<vmem>>) target_semaphore(%arg21 : memref<!tpu.dma_semaphore, #tpu.memory_space<semaphore_mem>>)
      %mul3A_972 = arith.constant 8 : i32
      %mul3A_973 = arith.muli %scan3A_695, %mul3A_972 : i32
      %add3A_974 = arith.constant 256 : i32
      %add3A_975 = arith.addi %add3A_974, %mul3A_973 : i32
      %add3A_976 = arith.constant 4 : i32
      %add3A_977 = arith.addi %add3A_975, %add3A_976 : i32
      %mul3A_978 = arith.constant 8 : i32
      %mul3A_979 = arith.muli %scan3A_695, %mul3A_978 : i32
      %add3A_980 = arith.constant 4 : i32
      %add3A_981 = arith.addi %mul3A_979, %add3A_980 : i32
      %dma_wait3A_982 = arith.constant 0 : i32
      %dma_wait3A_983 = arith.constant 0 : i32
      %dma_wait3A_984 = tpu.memref_slice %arg3[%dma_wait3A_982, %dma_wait3A_983] : memref<64x1000000xf32, #tpu.memory_space<hbm>> -> memref<64x128xf32, #tpu.memory_space<hbm>>
      %dma_wait3A_985 = arith.constant 0 : i32
      %dma_wait3A_986 = arith.constant 0 : i32
      %dma_wait3A_987 = tpu.memref_slice %arg3[%dma_wait3A_985, %dma_wait3A_986] : memref<64x1000000xf32, #tpu.memory_space<hbm>> -> memref<64x128xf32, #tpu.memory_space<hbm>>
      tpu.wait_dma2 semaphore(%arg22 : memref<!tpu.dma_semaphore, #tpu.memory_space<semaphore_mem>>) src(%dma_wait3A_987 : memref<64x128xf32, #tpu.memory_space<hbm>>) dst(%arg13 : memref<64x128xf32, #tpu.memory_space<vmem>>)
      %get3A_988 = arith.index_cast %add3A_977 : i32 to index
      %get3A_989 = tpu.vector_load %arg8[%get3A_988] {strides = array<i32>} : memref<528xi32, #tpu.memory_space<vmem>>, vector<16xi32>,
      %slice3A_990 = vector.extract_strided_slice %get3A_989 {offsets = [0], sizes = [1], strides = [1]} : vector<16xi32> to vector<1xi32>
      %squeeze3A_991 = vector.extract %slice3A_990[0] : i32 from vector<1xi32>
      %shift_right_logical3A_992 = arith.constant 7 : i32
      %shift_right_logical3A_993 = arith.shrui %squeeze3A_991, %shift_right_logical3A_992 : i32
      %min3A_994 = arith.constant 7811 : i32
      %min3A_995 = arith.minsi %shift_right_logical3A_993, %min3A_994 : i32
      %mul3A_996 = arith.constant 128 : i32
      %mul3A_997 = arith.muli %min3A_995, %mul3A_996 : i32
      %sub3A_998 = arith.subi %squeeze3A_991, %mul3A_997 : i32
      %min3A_999 = arith.constant 127 : i32
      %min3A_1000 = arith.minsi %sub3A_998, %min3A_999 : i32
      %broadcast_in_dim3A_1001 = vector.broadcast %min3A_1000 : i32 to vector<16xi32>
      %broadcast_in_dim3A_1002 = vector.broadcast %add3A_981 : i32 to vector<16xi32>
      %iota3A_1003 = tpu.iota {dimensions = array<i32: 0>} : vector<16xi32>
      %add3A_1004 = arith.constant 0 : i32
      %add3A_1005 = vector.broadcast %add3A_1004 : i32 to vector<16xi32>
      %add3A_1006 = arith.addi %iota3A_1003, %add3A_1005 : vector<16xi32>
      %gather3A_1007 = tpu.vector_load_idx %arg13[%add3A_1006, %broadcast_in_dim3A_1001] : memref<64x128xf32, #tpu.memory_space<vmem>>[vector<16xi32>, vector<16xi32>], vector<16xf32>,
      tpu.vector_store_idx %arg17[%add3A_1006, %broadcast_in_dim3A_1002], %gather3A_1007 : memref<64x256xf32, #tpu.memory_space<vmem>>[vector<16xi32>, vector<16xi32>], vector<16xf32>,
      %iota3A_1008 = tpu.iota {dimensions = array<i32: 0>} : vector<16xi32>
      %add3A_1009 = arith.constant 16 : i32
      %add3A_1010 = vector.broadcast %add3A_1009 : i32 to vector<16xi32>
      %add3A_1011 = arith.addi %iota3A_1008, %add3A_1010 : vector<16xi32>
      %gather3A_1012 = tpu.vector_load_idx %arg13[%add3A_1011, %broadcast_in_dim3A_1001] : memref<64x128xf32, #tpu.memory_space<vmem>>[vector<16xi32>, vector<16xi32>], vector<16xf32>,
      tpu.vector_store_idx %arg17[%add3A_1011, %broadcast_in_dim3A_1002], %gather3A_1012 : memref<64x256xf32, #tpu.memory_space<vmem>>[vector<16xi32>, vector<16xi32>], vector<16xf32>,
      %iota3A_1013 = tpu.iota {dimensions = array<i32: 0>} : vector<16xi32>
      %add3A_1014 = arith.constant 32 : i32
      %add3A_1015 = vector.broadcast %add3A_1014 : i32 to vector<16xi32>
      %add3A_1016 = arith.addi %iota3A_1013, %add3A_1015 : vector<16xi32>
      %gather3A_1017 = tpu.vector_load_idx %arg13[%add3A_1016, %broadcast_in_dim3A_1001] : memref<64x128xf32, #tpu.memory_space<vmem>>[vector<16xi32>, vector<16xi32>], vector<16xf32>,
      tpu.vector_store_idx %arg17[%add3A_1016, %broadcast_in_dim3A_1002], %gather3A_1017 : memref<64x256xf32, #tpu.memory_space<vmem>>[vector<16xi32>, vector<16xi32>], vector<16xf32>,
      %iota3A_1018 = tpu.iota {dimensions = array<i32: 0>} : vector<16xi32>
      %add3A_1019 = arith.constant 48 : i32
      %add3A_1020 = vector.broadcast %add3A_1019 : i32 to vector<16xi32>
      %add3A_1021 = arith.addi %iota3A_1018, %add3A_1020 : vector<16xi32>
      %gather3A_1022 = tpu.vector_load_idx %arg13[%add3A_1021, %broadcast_in_dim3A_1001] : memref<64x128xf32, #tpu.memory_space<vmem>>[vector<16xi32>, vector<16xi32>], vector<16xf32>,
      tpu.vector_store_idx %arg17[%add3A_1021, %broadcast_in_dim3A_1002], %gather3A_1022 : memref<64x256xf32, #tpu.memory_space<vmem>>[vector<16xi32>, vector<16xi32>], vector<16xf32>,
      %add3A_1023 = arith.constant 8 : i32
      %add3A_1024 = arith.addi %add3A_977, %add3A_1023 : i32
      %min3A_1025 = arith.constant 511 : i32
      %min3A_1026 = arith.minsi %add3A_1024, %min3A_1025 : i32
      %get3A_1027 = arith.index_cast %min3A_1026 : i32 to index
      %get3A_1028 = tpu.vector_load %arg8[%get3A_1027] {strides = array<i32>} : memref<528xi32, #tpu.memory_space<vmem>>, vector<16xi32>,
      %slice3A_1029 = vector.extract_strided_slice %get3A_1028 {offsets = [0], sizes = [1], strides = [1]} : vector<16xi32> to vector<1xi32>
      %squeeze3A_1030 = vector.extract %slice3A_1029[0] : i32 from vector<1xi32>
      %shift_right_logical3A_1031 = arith.constant 7 : i32
      %shift_right_logical3A_1032 = arith.shrui %squeeze3A_1030, %shift_right_logical3A_1031 : i32
      %min3A_1033 = arith.constant 7811 : i32
      %min3A_1034 = arith.minsi %shift_right_logical3A_1032, %min3A_1033 : i32
      %mul3A_1035 = arith.constant 128 : i32
      %mul3A_1036 = arith.muli %min3A_1034, %mul3A_1035 : i32
      %multiple_of3A_1037 = tpu.assume_multiple %mul3A_1036, 128 : i32
      %dma_start3A_1038 = arith.constant 0 : i32
      %dma_start3A_1039 = tpu.memref_slice %arg4[%dma_start3A_1038, %multiple_of3A_1037] : memref<64x1000000xf32, #tpu.memory_space<hbm>> -> memref<64x128xf32, #tpu.memory_space<hbm>>
      %dma_start3A_1040 = arith.constant 0 : i32
      %dma_start3A_1041 = tpu.memref_slice %arg4[%dma_start3A_1040, %multiple_of3A_1037] : memref<64x1000000xf32, #tpu.memory_space<hbm>> -> memref<64x128xf32, #tpu.memory_space<hbm>>
      tpu.enqueue_dma source(%dma_start3A_1041 : memref<64x128xf32, #tpu.memory_space<hbm>>) target(%arg13 : memref<64x128xf32, #tpu.memory_space<vmem>>) target_semaphore(%arg22 : memref<!tpu.dma_semaphore, #tpu.memory_space<semaphore_mem>>)
      %mul3A_1042 = arith.constant 8 : i32
      %mul3A_1043 = arith.muli %scan3A_695, %mul3A_1042 : i32
      %add3A_1044 = arith.constant 256 : i32
      %add3A_1045 = arith.addi %add3A_1044, %mul3A_1043 : i32
      %add3A_1046 = arith.constant 5 : i32
      %add3A_1047 = arith.addi %add3A_1045, %add3A_1046 : i32
      %mul3A_1048 = arith.constant 8 : i32
      %mul3A_1049 = arith.muli %scan3A_695, %mul3A_1048 : i32
      %add3A_1050 = arith.constant 5 : i32
      %add3A_1051 = arith.addi %mul3A_1049, %add3A_1050 : i32
      %dma_wait3A_1052 = arith.constant 0 : i32
      %dma_wait3A_1053 = arith.constant 0 : i32
      %dma_wait3A_1054 = tpu.memref_slice %arg3[%dma_wait3A_1052, %dma_wait3A_1053] : memref<64x1000000xf32, #tpu.memory_space<hbm>> -> memref<64x128xf32, #tpu.memory_space<hbm>>
      %dma_wait3A_1055 = arith.constant 0 : i32
      %dma_wait3A_1056 = arith.constant 0 : i32
      %dma_wait3A_1057 = tpu.memref_slice %arg3[%dma_wait3A_1055, %dma_wait3A_1056] : memref<64x1000000xf32, #tpu.memory_space<hbm>> -> memref<64x128xf32, #tpu.memory_space<hbm>>
      tpu.wait_dma2 semaphore(%arg23 : memref<!tpu.dma_semaphore, #tpu.memory_space<semaphore_mem>>) src(%dma_wait3A_1057 : memref<64x128xf32, #tpu.memory_space<hbm>>) dst(%arg14 : memref<64x128xf32, #tpu.memory_space<vmem>>)
      %get3A_1058 = arith.index_cast %add3A_1047 : i32 to index
      %get3A_1059 = tpu.vector_load %arg8[%get3A_1058] {strides = array<i32>} : memref<528xi32, #tpu.memory_space<vmem>>, vector<16xi32>,
      %slice3A_1060 = vector.extract_strided_slice %get3A_1059 {offsets = [0], sizes = [1], strides = [1]} : vector<16xi32> to vector<1xi32>
      %squeeze3A_1061 = vector.extract %slice3A_1060[0] : i32 from vector<1xi32>
      %shift_right_logical3A_1062 = arith.constant 7 : i32
      %shift_right_logical3A_1063 = arith.shrui %squeeze3A_1061, %shift_right_logical3A_1062 : i32
      %min3A_1064 = arith.constant 7811 : i32
      %min3A_1065 = arith.minsi %shift_right_logical3A_1063, %min3A_1064 : i32
      %mul3A_1066 = arith.constant 128 : i32
      %mul3A_1067 = arith.muli %min3A_1065, %mul3A_1066 : i32
      %sub3A_1068 = arith.subi %squeeze3A_1061, %mul3A_1067 : i32
      %min3A_1069 = arith.constant 127 : i32
      %min3A_1070 = arith.minsi %sub3A_1068, %min3A_1069 : i32
      %broadcast_in_dim3A_1071 = vector.broadcast %min3A_1070 : i32 to vector<16xi32>
      %broadcast_in_dim3A_1072 = vector.broadcast %add3A_1051 : i32 to vector<16xi32>
      %iota3A_1073 = tpu.iota {dimensions = array<i32: 0>} : vector<16xi32>
      %add3A_1074 = arith.constant 0 : i32
      %add3A_1075 = vector.broadcast %add3A_1074 : i32 to vector<16xi32>
      %add3A_1076 = arith.addi %iota3A_1073, %add3A_1075 : vector<16xi32>
      %gather3A_1077 = tpu.vector_load_idx %arg14[%add3A_1076, %broadcast_in_dim3A_1071] : memref<64x128xf32, #tpu.memory_space<vmem>>[vector<16xi32>, vector<16xi32>], vector<16xf32>,
      tpu.vector_store_idx %arg17[%add3A_1076, %broadcast_in_dim3A_1072], %gather3A_1077 : memref<64x256xf32, #tpu.memory_space<vmem>>[vector<16xi32>, vector<16xi32>], vector<16xf32>,
      %iota3A_1078 = tpu.iota {dimensions = array<i32: 0>} : vector<16xi32>
      %add3A_1079 = arith.constant 16 : i32
      %add3A_1080 = vector.broadcast %add3A_1079 : i32 to vector<16xi32>
      %add3A_1081 = arith.addi %iota3A_1078, %add3A_1080 : vector<16xi32>
      %gather3A_1082 = tpu.vector_load_idx %arg14[%add3A_1081, %broadcast_in_dim3A_1071] : memref<64x128xf32, #tpu.memory_space<vmem>>[vector<16xi32>, vector<16xi32>], vector<16xf32>,
      tpu.vector_store_idx %arg17[%add3A_1081, %broadcast_in_dim3A_1072], %gather3A_1082 : memref<64x256xf32, #tpu.memory_space<vmem>>[vector<16xi32>, vector<16xi32>], vector<16xf32>,
      %iota3A_1083 = tpu.iota {dimensions = array<i32: 0>} : vector<16xi32>
      %add3A_1084 = arith.constant 32 : i32
      %add3A_1085 = vector.broadcast %add3A_1084 : i32 to vector<16xi32>
      %add3A_1086 = arith.addi %iota3A_1083, %add3A_1085 : vector<16xi32>
      %gather3A_1087 = tpu.vector_load_idx %arg14[%add3A_1086, %broadcast_in_dim3A_1071] : memref<64x128xf32, #tpu.memory_space<vmem>>[vector<16xi32>, vector<16xi32>], vector<16xf32>,
      tpu.vector_store_idx %arg17[%add3A_1086, %broadcast_in_dim3A_1072], %gather3A_1087 : memref<64x256xf32, #tpu.memory_space<vmem>>[vector<16xi32>, vector<16xi32>], vector<16xf32>,
      %iota3A_1088 = tpu.iota {dimensions = array<i32: 0>} : vector<16xi32>
      %add3A_1089 = arith.constant 48 : i32
      %add3A_1090 = vector.broadcast %add3A_1089 : i32 to vector<16xi32>
      %add3A_1091 = arith.addi %iota3A_1088, %add3A_1090 : vector<16xi32>
      %gather3A_1092 = tpu.vector_load_idx %arg14[%add3A_1091, %broadcast_in_dim3A_1071] : memref<64x128xf32, #tpu.memory_space<vmem>>[vector<16xi32>, vector<16xi32>], vector<16xf32>,
      tpu.vector_store_idx %arg17[%add3A_1091, %broadcast_in_dim3A_1072], %gather3A_1092 : memref<64x256xf32, #tpu.memory_space<vmem>>[vector<16xi32>, vector<16xi32>], vector<16xf32>,
      %add3A_1093 = arith.constant 8 : i32
      %add3A_1094 = arith.addi %add3A_1047, %add3A_1093 : i32
      %min3A_1095 = arith.constant 511 : i32
      %min3A_1096 = arith.minsi %add3A_1094, %min3A_1095 : i32
      %get3A_1097 = arith.index_cast %min3A_1096 : i32 to index
      %get3A_1098 = tpu.vector_load %arg8[%get3A_1097] {strides = array<i32>} : memref<528xi32, #tpu.memory_space<vmem>>, vector<16xi32>,
      %slice3A_1099 = vector.extract_strided_slice %get3A_1098 {offsets = [0], sizes = [1], strides = [1]} : vector<16xi32> to vector<1xi32>
      %squeeze3A_1100 = vector.extract %slice3A_1099[0] : i32 from vector<1xi32>
      %shift_right_logical3A_1101 = arith.constant 7 : i32
      %shift_right_logical3A_1102 = arith.shrui %squeeze3A_1100, %shift_right_logical3A_1101 : i32
      %min3A_1103 = arith.constant 7811 : i32
      %min3A_1104 = arith.minsi %shift_right_logical3A_1102, %min3A_1103 : i32
      %mul3A_1105 = arith.constant 128 : i32
      %mul3A_1106 = arith.muli %min3A_1104, %mul3A_1105 : i32
      %multiple_of3A_1107 = tpu.assume_multiple %mul3A_1106, 128 : i32
      %dma_start3A_1108 = arith.constant 0 : i32
      %dma_start3A_1109 = tpu.memref_slice %arg4[%dma_start3A_1108, %multiple_of3A_1107] : memref<64x1000000xf32, #tpu.memory_space<hbm>> -> memref<64x128xf32, #tpu.memory_space<hbm>>
      %dma_start3A_1110 = arith.constant 0 : i32
      %dma_start3A_1111 = tpu.memref_slice %arg4[%dma_start3A_1110, %multiple_of3A_1107] : memref<64x1000000xf32, #tpu.memory_space<hbm>> -> memref<64x128xf32, #tpu.memory_space<hbm>>
      tpu.enqueue_dma source(%dma_start3A_1111 : memref<64x128xf32, #tpu.memory_space<hbm>>) target(%arg14 : memref<64x128xf32, #tpu.memory_space<vmem>>) target_semaphore(%arg23 : memref<!tpu.dma_semaphore, #tpu.memory_space<semaphore_mem>>)
      %mul3A_1112 = arith.constant 8 : i32
      %mul3A_1113 = arith.muli %scan3A_695, %mul3A_1112 : i32
      %add3A_1114 = arith.constant 256 : i32
      %add3A_1115 = arith.addi %add3A_1114, %mul3A_1113 : i32
      %add3A_1116 = arith.constant 6 : i32
      %add3A_1117 = arith.addi %add3A_1115, %add3A_1116 : i32
      %mul3A_1118 = arith.constant 8 : i32
      %mul3A_1119 = arith.muli %scan3A_695, %mul3A_1118 : i32
      %add3A_1120 = arith.constant 6 : i32
      %add3A_1121 = arith.addi %mul3A_1119, %add3A_1120 : i32
      %dma_wait3A_1122 = arith.constant 0 : i32
      %dma_wait3A_1123 = arith.constant 0 : i32
      %dma_wait3A_1124 = tpu.memref_slice %arg3[%dma_wait3A_1122, %dma_wait3A_1123] : memref<64x1000000xf32, #tpu.memory_space<hbm>> -> memref<64x128xf32, #tpu.memory_space<hbm>>
      %dma_wait3A_1125 = arith.constant 0 : i32
      %dma_wait3A_1126 = arith.constant 0 : i32
      %dma_wait3A_1127 = tpu.memref_slice %arg3[%dma_wait3A_1125, %dma_wait3A_1126] : memref<64x1000000xf32, #tpu.memory_space<hbm>> -> memref<64x128xf32, #tpu.memory_space<hbm>>
      tpu.wait_dma2 semaphore(%arg24 : memref<!tpu.dma_semaphore, #tpu.memory_space<semaphore_mem>>) src(%dma_wait3A_1127 : memref<64x128xf32, #tpu.memory_space<hbm>>) dst(%arg15 : memref<64x128xf32, #tpu.memory_space<vmem>>)
      %get3A_1128 = arith.index_cast %add3A_1117 : i32 to index
      %get3A_1129 = tpu.vector_load %arg8[%get3A_1128] {strides = array<i32>} : memref<528xi32, #tpu.memory_space<vmem>>, vector<16xi32>,
      %slice3A_1130 = vector.extract_strided_slice %get3A_1129 {offsets = [0], sizes = [1], strides = [1]} : vector<16xi32> to vector<1xi32>
      %squeeze3A_1131 = vector.extract %slice3A_1130[0] : i32 from vector<1xi32>
      %shift_right_logical3A_1132 = arith.constant 7 : i32
      %shift_right_logical3A_1133 = arith.shrui %squeeze3A_1131, %shift_right_logical3A_1132 : i32
      %min3A_1134 = arith.constant 7811 : i32
      %min3A_1135 = arith.minsi %shift_right_logical3A_1133, %min3A_1134 : i32
      %mul3A_1136 = arith.constant 128 : i32
      %mul3A_1137 = arith.muli %min3A_1135, %mul3A_1136 : i32
      %sub3A_1138 = arith.subi %squeeze3A_1131, %mul3A_1137 : i32
      %min3A_1139 = arith.constant 127 : i32
      %min3A_1140 = arith.minsi %sub3A_1138, %min3A_1139 : i32
      %broadcast_in_dim3A_1141 = vector.broadcast %min3A_1140 : i32 to vector<16xi32>
      %broadcast_in_dim3A_1142 = vector.broadcast %add3A_1121 : i32 to vector<16xi32>
      %iota3A_1143 = tpu.iota {dimensions = array<i32: 0>} : vector<16xi32>
      %add3A_1144 = arith.constant 0 : i32
      %add3A_1145 = vector.broadcast %add3A_1144 : i32 to vector<16xi32>
      %add3A_1146 = arith.addi %iota3A_1143, %add3A_1145 : vector<16xi32>
      %gather3A_1147 = tpu.vector_load_idx %arg15[%add3A_1146, %broadcast_in_dim3A_1141] : memref<64x128xf32, #tpu.memory_space<vmem>>[vector<16xi32>, vector<16xi32>], vector<16xf32>,
      tpu.vector_store_idx %arg17[%add3A_1146, %broadcast_in_dim3A_1142], %gather3A_1147 : memref<64x256xf32, #tpu.memory_space<vmem>>[vector<16xi32>, vector<16xi32>], vector<16xf32>,
      %iota3A_1148 = tpu.iota {dimensions = array<i32: 0>} : vector<16xi32>
      %add3A_1149 = arith.constant 16 : i32
      %add3A_1150 = vector.broadcast %add3A_1149 : i32 to vector<16xi32>
      %add3A_1151 = arith.addi %iota3A_1148, %add3A_1150 : vector<16xi32>
      %gather3A_1152 = tpu.vector_load_idx %arg15[%add3A_1151, %broadcast_in_dim3A_1141] : memref<64x128xf32, #tpu.memory_space<vmem>>[vector<16xi32>, vector<16xi32>], vector<16xf32>,
      tpu.vector_store_idx %arg17[%add3A_1151, %broadcast_in_dim3A_1142], %gather3A_1152 : memref<64x256xf32, #tpu.memory_space<vmem>>[vector<16xi32>, vector<16xi32>], vector<16xf32>,
      %iota3A_1153 = tpu.iota {dimensions = array<i32: 0>} : vector<16xi32>
      %add3A_1154 = arith.constant 32 : i32
      %add3A_1155 = vector.broadcast %add3A_1154 : i32 to vector<16xi32>
      %add3A_1156 = arith.addi %iota3A_1153, %add3A_1155 : vector<16xi32>
      %gather3A_1157 = tpu.vector_load_idx %arg15[%add3A_1156, %broadcast_in_dim3A_1141] : memref<64x128xf32, #tpu.memory_space<vmem>>[vector<16xi32>, vector<16xi32>], vector<16xf32>,
      tpu.vector_store_idx %arg17[%add3A_1156, %broadcast_in_dim3A_1142], %gather3A_1157 : memref<64x256xf32, #tpu.memory_space<vmem>>[vector<16xi32>, vector<16xi32>], vector<16xf32>,
      %iota3A_1158 = tpu.iota {dimensions = array<i32: 0>} : vector<16xi32>
      %add3A_1159 = arith.constant 48 : i32
      %add3A_1160 = vector.broadcast %add3A_1159 : i32 to vector<16xi32>
      %add3A_1161 = arith.addi %iota3A_1158, %add3A_1160 : vector<16xi32>
      %gather3A_1162 = tpu.vector_load_idx %arg15[%add3A_1161, %broadcast_in_dim3A_1141] : memref<64x128xf32, #tpu.memory_space<vmem>>[vector<16xi32>, vector<16xi32>], vector<16xf32>,
      tpu.vector_store_idx %arg17[%add3A_1161, %broadcast_in_dim3A_1142], %gather3A_1162 : memref<64x256xf32, #tpu.memory_space<vmem>>[vector<16xi32>, vector<16xi32>], vector<16xf32>,
      %add3A_1163 = arith.constant 8 : i32
      %add3A_1164 = arith.addi %add3A_1117, %add3A_1163 : i32
      %min3A_1165 = arith.constant 511 : i32
      %min3A_1166 = arith.minsi %add3A_1164, %min3A_1165 : i32
      %get3A_1167 = arith.index_cast %min3A_1166 : i32 to index
      %get3A_1168 = tpu.vector_load %arg8[%get3A_1167] {strides = array<i32>} : memref<528xi32, #tpu.memory_space<vmem>>, vector<16xi32>,
      %slice3A_1169 = vector.extract_strided_slice %get3A_1168 {offsets = [0], sizes = [1], strides = [1]} : vector<16xi32> to vector<1xi32>
      %squeeze3A_1170 = vector.extract %slice3A_1169[0] : i32 from vector<1xi32>
      %shift_right_logical3A_1171 = arith.constant 7 : i32
      %shift_right_logical3A_1172 = arith.shrui %squeeze3A_1170, %shift_right_logical3A_1171 : i32
      %min3A_1173 = arith.constant 7811 : i32
      %min3A_1174 = arith.minsi %shift_right_logical3A_1172, %min3A_1173 : i32
      %mul3A_1175 = arith.constant 128 : i32
      %mul3A_1176 = arith.muli %min3A_1174, %mul3A_1175 : i32
      %multiple_of3A_1177 = tpu.assume_multiple %mul3A_1176, 128 : i32
      %dma_start3A_1178 = arith.constant 0 : i32
      %dma_start3A_1179 = tpu.memref_slice %arg4[%dma_start3A_1178, %multiple_of3A_1177] : memref<64x1000000xf32, #tpu.memory_space<hbm>> -> memref<64x128xf32, #tpu.memory_space<hbm>>
      %dma_start3A_1180 = arith.constant 0 : i32
      %dma_start3A_1181 = tpu.memref_slice %arg4[%dma_start3A_1180, %multiple_of3A_1177] : memref<64x1000000xf32, #tpu.memory_space<hbm>> -> memref<64x128xf32, #tpu.memory_space<hbm>>
      tpu.enqueue_dma source(%dma_start3A_1181 : memref<64x128xf32, #tpu.memory_space<hbm>>) target(%arg15 : memref<64x128xf32, #tpu.memory_space<vmem>>) target_semaphore(%arg24 : memref<!tpu.dma_semaphore, #tpu.memory_space<semaphore_mem>>)
      %mul3A_1182 = arith.constant 8 : i32
      %mul3A_1183 = arith.muli %scan3A_695, %mul3A_1182 : i32
      %add3A_1184 = arith.constant 256 : i32
      %add3A_1185 = arith.addi %add3A_1184, %mul3A_1183 : i32
      %add3A_1186 = arith.constant 7 : i32
      %add3A_1187 = arith.addi %add3A_1185, %add3A_1186 : i32
      %mul3A_1188 = arith.constant 8 : i32
      %mul3A_1189 = arith.muli %scan3A_695, %mul3A_1188 : i32
      %add3A_1190 = arith.constant 7 : i32
      %add3A_1191 = arith.addi %mul3A_1189, %add3A_1190 : i32
      %dma_wait3A_1192 = arith.constant 0 : i32
      %dma_wait3A_1193 = arith.constant 0 : i32
      %dma_wait3A_1194 = tpu.memref_slice %arg3[%dma_wait3A_1192, %dma_wait3A_1193] : memref<64x1000000xf32, #tpu.memory_space<hbm>> -> memref<64x128xf32, #tpu.memory_space<hbm>>
      %dma_wait3A_1195 = arith.constant 0 : i32
      %dma_wait3A_1196 = arith.constant 0 : i32
      %dma_wait3A_1197 = tpu.memref_slice %arg3[%dma_wait3A_1195, %dma_wait3A_1196] : memref<64x1000000xf32, #tpu.memory_space<hbm>> -> memref<64x128xf32, #tpu.memory_space<hbm>>
      tpu.wait_dma2 semaphore(%arg25 : memref<!tpu.dma_semaphore, #tpu.memory_space<semaphore_mem>>) src(%dma_wait3A_1197 : memref<64x128xf32, #tpu.memory_space<hbm>>) dst(%arg16 : memref<64x128xf32, #tpu.memory_space<vmem>>)
      %get3A_1198 = arith.index_cast %add3A_1187 : i32 to index
      %get3A_1199 = tpu.vector_load %arg8[%get3A_1198] {strides = array<i32>} : memref<528xi32, #tpu.memory_space<vmem>>, vector<16xi32>,
      %slice3A_1200 = vector.extract_strided_slice %get3A_1199 {offsets = [0], sizes = [1], strides = [1]} : vector<16xi32> to vector<1xi32>
      %squeeze3A_1201 = vector.extract %slice3A_1200[0] : i32 from vector<1xi32>
      %shift_right_logical3A_1202 = arith.constant 7 : i32
      %shift_right_logical3A_1203 = arith.shrui %squeeze3A_1201, %shift_right_logical3A_1202 : i32
      %min3A_1204 = arith.constant 7811 : i32
      %min3A_1205 = arith.minsi %shift_right_logical3A_1203, %min3A_1204 : i32
      %mul3A_1206 = arith.constant 128 : i32
      %mul3A_1207 = arith.muli %min3A_1205, %mul3A_1206 : i32
      %sub3A_1208 = arith.subi %squeeze3A_1201, %mul3A_1207 : i32
      %min3A_1209 = arith.constant 127 : i32
      %min3A_1210 = arith.minsi %sub3A_1208, %min3A_1209 : i32
      %broadcast_in_dim3A_1211 = vector.broadcast %min3A_1210 : i32 to vector<16xi32>
      %broadcast_in_dim3A_1212 = vector.broadcast %add3A_1191 : i32 to vector<16xi32>
      %iota3A_1213 = tpu.iota {dimensions = array<i32: 0>} : vector<16xi32>
      %add3A_1214 = arith.constant 0 : i32
      %add3A_1215 = vector.broadcast %add3A_1214 : i32 to vector<16xi32>
      %add3A_1216 = arith.addi %iota3A_1213, %add3A_1215 : vector<16xi32>
      %gather3A_1217 = tpu.vector_load_idx %arg16[%add3A_1216, %broadcast_in_dim3A_1211] : memref<64x128xf32, #tpu.memory_space<vmem>>[vector<16xi32>, vector<16xi32>], vector<16xf32>,
      tpu.vector_store_idx %arg17[%add3A_1216, %broadcast_in_dim3A_1212], %gather3A_1217 : memref<64x256xf32, #tpu.memory_space<vmem>>[vector<16xi32>, vector<16xi32>], vector<16xf32>,
      %iota3A_1218 = tpu.iota {dimensions = array<i32: 0>} : vector<16xi32>
      %add3A_1219 = arith.constant 16 : i32
      %add3A_1220 = vector.broadcast %add3A_1219 : i32 to vector<16xi32>
      %add3A_1221 = arith.addi %iota3A_1218, %add3A_1220 : vector<16xi32>
      %gather3A_1222 = tpu.vector_load_idx %arg16[%add3A_1221, %broadcast_in_dim3A_1211] : memref<64x128xf32, #tpu.memory_space<vmem>>[vector<16xi32>, vector<16xi32>], vector<16xf32>,
      tpu.vector_store_idx %arg17[%add3A_1221, %broadcast_in_dim3A_1212], %gather3A_1222 : memref<64x256xf32, #tpu.memory_space<vmem>>[vector<16xi32>, vector<16xi32>], vector<16xf32>,
      %iota3A_1223 = tpu.iota {dimensions = array<i32: 0>} : vector<16xi32>
      %add3A_1224 = arith.constant 32 : i32
      %add3A_1225 = vector.broadcast %add3A_1224 : i32 to vector<16xi32>
      %add3A_1226 = arith.addi %iota3A_1223, %add3A_1225 : vector<16xi32>
      %gather3A_1227 = tpu.vector_load_idx %arg16[%add3A_1226, %broadcast_in_dim3A_1211] : memref<64x128xf32, #tpu.memory_space<vmem>>[vector<16xi32>, vector<16xi32>], vector<16xf32>,
      tpu.vector_store_idx %arg17[%add3A_1226, %broadcast_in_dim3A_1212], %gather3A_1227 : memref<64x256xf32, #tpu.memory_space<vmem>>[vector<16xi32>, vector<16xi32>], vector<16xf32>,
      %iota3A_1228 = tpu.iota {dimensions = array<i32: 0>} : vector<16xi32>
      %add3A_1229 = arith.constant 48 : i32
      %add3A_1230 = vector.broadcast %add3A_1229 : i32 to vector<16xi32>
      %add3A_1231 = arith.addi %iota3A_1228, %add3A_1230 : vector<16xi32>
      %gather3A_1232 = tpu.vector_load_idx %arg16[%add3A_1231, %broadcast_in_dim3A_1211] : memref<64x128xf32, #tpu.memory_space<vmem>>[vector<16xi32>, vector<16xi32>], vector<16xf32>,
      tpu.vector_store_idx %arg17[%add3A_1231, %broadcast_in_dim3A_1212], %gather3A_1232 : memref<64x256xf32, #tpu.memory_space<vmem>>[vector<16xi32>, vector<16xi32>], vector<16xf32>,
      %add3A_1233 = arith.constant 8 : i32
      %add3A_1234 = arith.addi %add3A_1187, %add3A_1233 : i32
      %min3A_1235 = arith.constant 511 : i32
      %min3A_1236 = arith.minsi %add3A_1234, %min3A_1235 : i32
      %get3A_1237 = arith.index_cast %min3A_1236 : i32 to index
      %get3A_1238 = tpu.vector_load %arg8[%get3A_1237] {strides = array<i32>} : memref<528xi32, #tpu.memory_space<vmem>>, vector<16xi32>,
      %slice3A_1239 = vector.extract_strided_slice %get3A_1238 {offsets = [0], sizes = [1], strides = [1]} : vector<16xi32> to vector<1xi32>
      %squeeze3A_1240 = vector.extract %slice3A_1239[0] : i32 from vector<1xi32>
      %shift_right_logical3A_1241 = arith.constant 7 : i32
      %shift_right_logical3A_1242 = arith.shrui %squeeze3A_1240, %shift_right_logical3A_1241 : i32
      %min3A_1243 = arith.constant 7811 : i32
      %min3A_1244 = arith.minsi %shift_right_logical3A_1242, %min3A_1243 : i32
      %mul3A_1245 = arith.constant 128 : i32
      %mul3A_1246 = arith.muli %min3A_1244, %mul3A_1245 : i32
      %multiple_of3A_1247 = tpu.assume_multiple %mul3A_1246, 128 : i32
      %dma_start3A_1248 = arith.constant 0 : i32
      %dma_start3A_1249 = tpu.memref_slice %arg4[%dma_start3A_1248, %multiple_of3A_1247] : memref<64x1000000xf32, #tpu.memory_space<hbm>> -> memref<64x128xf32, #tpu.memory_space<hbm>>
      %dma_start3A_1250 = arith.constant 0 : i32
      %dma_start3A_1251 = tpu.memref_slice %arg4[%dma_start3A_1250, %multiple_of3A_1247] : memref<64x1000000xf32, #tpu.memory_space<hbm>> -> memref<64x128xf32, #tpu.memory_space<hbm>>
      tpu.enqueue_dma source(%dma_start3A_1251 : memref<64x128xf32, #tpu.memory_space<hbm>>) target(%arg16 : memref<64x128xf32, #tpu.memory_space<vmem>>) target_semaphore(%arg25 : memref<!tpu.dma_semaphore, #tpu.memory_space<semaphore_mem>>)
    }
    %scan3A_644 = arith.constant 32 : i32
    %dma_wait3A_645 = arith.constant 0 : i32
    %dma_wait3A_646 = arith.constant 0 : i32
    %dma_wait3A_647 = tpu.memref_slice %arg3[%dma_wait3A_645, %dma_wait3A_646] : memref<64x1000000xf32, #tpu.memory_space<hbm>> -> memref<64x128xf32, #tpu.memory_space<hbm>>
    %dma_wait3A_648 = arith.constant 0 : i32
    %dma_wait3A_649 = arith.constant 0 : i32
    %dma_wait3A_650 = tpu.memref_slice %arg3[%dma_wait3A_648, %dma_wait3A_649] : memref<64x1000000xf32, #tpu.memory_space<hbm>> -> memref<64x128xf32, #tpu.memory_space<hbm>>
    tpu.wait_dma2 semaphore(%arg18 : memref<!tpu.dma_semaphore, #tpu.memory_space<semaphore_mem>>) src(%dma_wait3A_650 : memref<64x128xf32, #tpu.memory_space<hbm>>) dst(%arg9 : memref<64x128xf32, #tpu.memory_space<vmem>>)
    %dma_wait3A_651 = arith.constant 0 : i32
    %dma_wait3A_652 = arith.constant 0 : i32
    %dma_wait3A_653 = tpu.memref_slice %arg3[%dma_wait3A_651, %dma_wait3A_652] : memref<64x1000000xf32, #tpu.memory_space<hbm>> -> memref<64x128xf32, #tpu.memory_space<hbm>>
    %dma_wait3A_654 = arith.constant 0 : i32
    %dma_wait3A_655 = arith.constant 0 : i32
    %dma_wait3A_656 = tpu.memref_slice %arg3[%dma_wait3A_654, %dma_wait3A_655] : memref<64x1000000xf32, #tpu.memory_space<hbm>> -> memref<64x128xf32, #tpu.memory_space<hbm>>
    tpu.wait_dma2 semaphore(%arg19 : memref<!tpu.dma_semaphore, #tpu.memory_space<semaphore_mem>>) src(%dma_wait3A_656 : memref<64x128xf32, #tpu.memory_space<hbm>>) dst(%arg10 : memref<64x128xf32, #tpu.memory_space<vmem>>)
    %dma_wait3A_657 = arith.constant 0 : i32
    %dma_wait3A_658 = arith.constant 0 : i32
    %dma_wait3A_659 = tpu.memref_slice %arg3[%dma_wait3A_657, %dma_wait3A_658] : memref<64x1000000xf32, #tpu.memory_space<hbm>> -> memref<64x128xf32, #tpu.memory_space<hbm>>
    %dma_wait3A_660 = arith.constant 0 : i32
    %dma_wait3A_661 = arith.constant 0 : i32
    %dma_wait3A_662 = tpu.memref_slice %arg3[%dma_wait3A_660, %dma_wait3A_661] : memref<64x1000000xf32, #tpu.memory_space<hbm>> -> memref<64x128xf32, #tpu.memory_space<hbm>>
    tpu.wait_dma2 semaphore(%arg20 : memref<!tpu.dma_semaphore, #tpu.memory_space<semaphore_mem>>) src(%dma_wait3A_662 : memref<64x128xf32, #tpu.memory_space<hbm>>) dst(%arg11 : memref<64x128xf32, #tpu.memory_space<vmem>>)
    %dma_wait3A_663 = arith.constant 0 : i32
    %dma_wait3A_664 = arith.constant 0 : i32
    %dma_wait3A_665 = tpu.memref_slice %arg3[%dma_wait3A_663, %dma_wait3A_664] : memref<64x1000000xf32, #tpu.memory_space<hbm>> -> memref<64x128xf32, #tpu.memory_space<hbm>>
    %dma_wait3A_666 = arith.constant 0 : i32
    %dma_wait3A_667 = arith.constant 0 : i32
    %dma_wait3A_668 = tpu.memref_slice %arg3[%dma_wait3A_666, %dma_wait3A_667] : memref<64x1000000xf32, #tpu.memory_space<hbm>> -> memref<64x128xf32, #tpu.memory_space<hbm>>
    tpu.wait_dma2 semaphore(%arg21 : memref<!tpu.dma_semaphore, #tpu.memory_space<semaphore_mem>>) src(%dma_wait3A_668 : memref<64x128xf32, #tpu.memory_space<hbm>>) dst(%arg12 : memref<64x128xf32, #tpu.memory_space<vmem>>)
    %dma_wait3A_669 = arith.constant 0 : i32
    %dma_wait3A_670 = arith.constant 0 : i32
    %dma_wait3A_671 = tpu.memref_slice %arg3[%dma_wait3A_669, %dma_wait3A_670] : memref<64x1000000xf32, #tpu.memory_space<hbm>> -> memref<64x128xf32, #tpu.memory_space<hbm>>
    %dma_wait3A_672 = arith.constant 0 : i32
    %dma_wait3A_673 = arith.constant 0 : i32
    %dma_wait3A_674 = tpu.memref_slice %arg3[%dma_wait3A_672, %dma_wait3A_673] : memref<64x1000000xf32, #tpu.memory_space<hbm>> -> memref<64x128xf32, #tpu.memory_space<hbm>>
    tpu.wait_dma2 semaphore(%arg22 : memref<!tpu.dma_semaphore, #tpu.memory_space<semaphore_mem>>) src(%dma_wait3A_674 : memref<64x128xf32, #tpu.memory_space<hbm>>) dst(%arg13 : memref<64x128xf32, #tpu.memory_space<vmem>>)
    %dma_wait3A_675 = arith.constant 0 : i32
    %dma_wait3A_676 = arith.constant 0 : i32
    %dma_wait3A_677 = tpu.memref_slice %arg3[%dma_wait3A_675, %dma_wait3A_676] : memref<64x1000000xf32, #tpu.memory_space<hbm>> -> memref<64x128xf32, #tpu.memory_space<hbm>>
    %dma_wait3A_678 = arith.constant 0 : i32
    %dma_wait3A_679 = arith.constant 0 : i32
    %dma_wait3A_680 = tpu.memref_slice %arg3[%dma_wait3A_678, %dma_wait3A_679] : memref<64x1000000xf32, #tpu.memory_space<hbm>> -> memref<64x128xf32, #tpu.memory_space<hbm>>
    tpu.wait_dma2 semaphore(%arg23 : memref<!tpu.dma_semaphore, #tpu.memory_space<semaphore_mem>>) src(%dma_wait3A_680 : memref<64x128xf32, #tpu.memory_space<hbm>>) dst(%arg14 : memref<64x128xf32, #tpu.memory_space<vmem>>)
    %dma_wait3A_681 = arith.constant 0 : i32
    %dma_wait3A_682 = arith.constant 0 : i32
    %dma_wait3A_683 = tpu.memref_slice %arg3[%dma_wait3A_681, %dma_wait3A_682] : memref<64x1000000xf32, #tpu.memory_space<hbm>> -> memref<64x128xf32, #tpu.memory_space<hbm>>
    %dma_wait3A_684 = arith.constant 0 : i32
    %dma_wait3A_685 = arith.constant 0 : i32
    %dma_wait3A_686 = tpu.memref_slice %arg3[%dma_wait3A_684, %dma_wait3A_685] : memref<64x1000000xf32, #tpu.memory_space<hbm>> -> memref<64x128xf32, #tpu.memory_space<hbm>>
    tpu.wait_dma2 semaphore(%arg24 : memref<!tpu.dma_semaphore, #tpu.memory_space<semaphore_mem>>) src(%dma_wait3A_686 : memref<64x128xf32, #tpu.memory_space<hbm>>) dst(%arg15 : memref<64x128xf32, #tpu.memory_space<vmem>>)
    %dma_wait3A_687 = arith.constant 0 : i32
    %dma_wait3A_688 = arith.constant 0 : i32
    %dma_wait3A_689 = tpu.memref_slice %arg3[%dma_wait3A_687, %dma_wait3A_688] : memref<64x1000000xf32, #tpu.memory_space<hbm>> -> memref<64x128xf32, #tpu.memory_space<hbm>>
    %dma_wait3A_690 = arith.constant 0 : i32
    %dma_wait3A_691 = arith.constant 0 : i32
    %dma_wait3A_692 = tpu.memref_slice %arg3[%dma_wait3A_690, %dma_wait3A_691] : memref<64x1000000xf32, #tpu.memory_space<hbm>> -> memref<64x128xf32, #tpu.memory_space<hbm>>
    tpu.wait_dma2 semaphore(%arg25 : memref<!tpu.dma_semaphore, #tpu.memory_space<semaphore_mem>>) src(%dma_wait3A_692 : memref<64x128xf32, #tpu.memory_space<hbm>>) dst(%arg16 : memref<64x128xf32, #tpu.memory_space<vmem>>)
    %add3A_693 = arith.constant 256 : i32
    %add3A_694 = arith.addi %mul3A_2, %add3A_693 : i32
    "tpu.region"() ({
      %run_scoped3A_695 = tpu.sem_alloc : memref<!tpu.dma_semaphore, #tpu.memory_space<semaphore_mem>>
      %dma_start3A_696 = arith.constant 0 : i32
      %dma_start3A_697 = tpu.memref_slice %arg6[%dma_start3A_696, %add3A_694] : memref<64x16384xf32, #tpu.memory_space<hbm>> -> memref<64x256xf32, #tpu.memory_space<hbm>>
      %dma_start3A_698 = arith.constant 0 : i32
      %dma_start3A_699 = tpu.memref_slice %arg6[%dma_start3A_698, %add3A_694] : memref<64x16384xf32, #tpu.memory_space<hbm>> -> memref<64x256xf32, #tpu.memory_space<hbm>>
      tpu.enqueue_dma source(%arg17 : memref<64x256xf32, #tpu.memory_space<vmem>>) target(%dma_start3A_699 : memref<64x256xf32, #tpu.memory_space<hbm>>) target_semaphore(%run_scoped3A_695 : memref<!tpu.dma_semaphore, #tpu.memory_space<semaphore_mem>>)
      %dma_wait3A_700 = arith.constant 0 : i32
      %dma_wait3A_701 = tpu.memref_slice %arg6[%dma_wait3A_700, %add3A_694] : memref<64x16384xf32, #tpu.memory_space<hbm>> -> memref<64x256xf32, #tpu.memory_space<hbm>>
      %dma_wait3A_702 = arith.constant 0 : i32
      %dma_wait3A_703 = tpu.memref_slice %arg6[%dma_wait3A_702, %add3A_694] : memref<64x16384xf32, #tpu.memory_space<hbm>> -> memref<64x256xf32, #tpu.memory_space<hbm>>
      tpu.wait_dma2 semaphore(%run_scoped3A_695 : memref<!tpu.dma_semaphore, #tpu.memory_space<semaphore_mem>>) src(%arg17 : memref<64x256xf32, #tpu.memory_space<vmem>>) dst(%dma_wait3A_703 : memref<64x256xf32, #tpu.memory_space<hbm>>)
      tpu.yield
    }) : () -> ()
    return
  }
}

</mosaic_0001>

<sc_bundles>
// kernel: _sc_gather.3.cloned.1.call-start
scs
__scs_entry_jumppad:
0x0: {  	(pc) =	sbr.rel $0x88, $3  }
0x1: {  	(tag) =	ssettag $0x0;
	lr =	simm.s32 $0x1  }
0x2: {  	[smem:$0x3F9E] =	sst lr;
	_ =	strace $0xD0000000  }
0x3: {  	_ = 	snop  }
0x4: {  	_ = 	snop  }
0x5: {  	_ = 	snop  }
0x6: {  	_ = 	snop  }
0x7: {  	_ = 	snop  }
__scs_overlays_trampoline_lowered:
0x8: {  	[smem:$0x3FAD] =	sst s0  }
0x9: {  	[smem:$0x3FAE] =	sst s1  }
0xa: {  	[smem:$0x3FAF] =	sst s2  }
0xb: {  	[smem:$0x3FB0] =	sst s3  }
0xc: {  	[smem:$0x3FB1] =	sst s4  }
0xd: {  	[smem:$0x3FB2] =	sst s5  }
0xe: {  	[smem:$0x3FB3] =	sst s6  }
0xf: {  	[smem:$0x3FB4] =	sst s7  }
0x10: {  	[smem:$0x3FB5] =	sst s8  }
0x11: {  	[smem:$0x3FB6] =	sst s9;
	s0 =	simm.s32 @!p0 $0x0  }
0x12: {  	s1 =	sld [smem:$0x3F9C];
	s0 =	simm.s32 @p0 $0x1  }
0x13: {  	[smem:$0x3FB7] =	sst s0;
	s0 =	simm.s32 @!p1 $0x0  }
0x14: {  	s2 =	sld [smem:$0x3F9B];
	s0 =	simm.s32 @p1 $0x1  }
0x15: {  	[smem:$0x3FB8] =	sst s0;
	s0 =	simm.s32 @!p2 $0x0  }
0x16: {  	s3 =	sld [smem:$0x3FDB];
	s0 =	simm.s32 @p2 $0x1  }
0x17: {  	s4 =	simm.s32 $0x1BF5;
	[smem:$0x3FBA] =	sst s0  }
0x18: {  	s0 =	sld [smem:$0x3F9D];
	_ =	swait.ge [sflag:s4], $0x0  }
0x19: {  	s7 =	sld [smem:$0x3F9E]  }
0x1a: {  	s8 =	sadd.s32 $0xFFFFE003, lr  }
0x1b: {  	s9 =	sadd.s32 $0xFFFFFEF7, lr;
	s5 =	simm.s32 $0xFFFFFFFF;
	p2 =	slt.u32 s8, $0xFFFFF086  }
0x1c: {  	p1 =	slt.u32 s9, $0xF7A;
	s5 =	simm.s32 @!p2 $0x0  }
0x1d: {  	s5 =	simm.s32 @p1 $0x1;
	p0 =	seq.s32 s7, s2  }
0x1e: {  	s7 =	smul.u32 @!p0 $0xF7A, s2;
	p2 =	seq.s32 @!p0 s5, $0x0  }
0x1f: {  	s9 =	smul.u32 $0xF7A, s1;
	s8 =	simm.s32 @!p0 $0x1BF5;
	p2 =	por !p2, p0  }
0x20: {  	[sflag:s8] =	ssyncset.s32 @!p0 $0xFFFFF086;
	s6 =	sadd.s32 @!p0 s3, s7;
	s7 =	simm.s32 @!p0 $0x108  }
0x21: {  	s3 =	sadd.s32 s3, s9;
	s6 =	sadd.s32 @!p0 $0x88, s6;
	s7 =	simm.s32 @p2 $0x1082  }
0x22: {  	[simem:s7], [sflag:s8] =	dma.local @!p0 [hbm:s6], $0xF7A  }
0x23: {  	s9 =	sor.u32 $0xD0000000, s2;
	s6 =	simm.s32 $0x108;
	_ =	swait.ge @!p0 [sflag:s8], $0x0  }
0x24: {  	s3 =	sadd.s32 $0x88, s3;
	s6 =	simm.s32 @!p1 $0x1082;
	[sflag:s4] =	ssyncset.s32 $0xFFFFF086  }
0x25: {  	[simem:s6], [sflag:s4] =	dma.local [hbm:s3], $0xF7A  }
0x26: {  	[smem:$0x3F9E] =	sst s1;
	(tag) =	ssettag s2;
	_ =	strace s9  }
0x27: {  	s1 =	sld [smem:$0x3FAE]  }
0x28: {  	s2 =	sld [smem:$0x3FAF]  }
0x29: {  	s4 =	sld [smem:$0x3FB1]  }
0x2a: {  	p0 =	seq.s32 s5, $0x0;
	s5 =	sld [smem:$0x3FB2]  }
0x2b: {  	s6 =	sld [smem:$0x3FB3]  }
0x2c: {  	s7 =	sld [smem:$0x3FB4]  }
0x2d: {  	s3 =	simm.s32 $0x108;
	s8 =	sld [smem:$0x3FB5]  }
0x2e: {  	s3 =	simm.s32 @!p0 $0x1082;
	s9 =	sld [smem:$0x3FB6]  }
0x2f: {  	lr =	sadd.s32 s0, s3;
	s0 =	sld [smem:$0x3FAD]  }
0x30: {  	s3 =	sld [smem:$0x3FB0]  }
0x31: {  	[smem:$0x3FB9] =	sst s10  }
0x32: {  	s10 =	sld [smem:$0x3FB7];
	_ =	sdelay $0x3  }
0x33: {  	p0 =	seq.s32 s10, $0x1;
	s10 =	sld [smem:$0x3FB9];
	_ =	sdelay $0x3  }
0x34: {  	[smem:$0x3FB9] =	sst s10  }
0x35: {  	s10 =	sld [smem:$0x3FB8];
	_ =	sdelay $0x3  }
0x36: {  	p1 =	seq.s32 s10, $0x1;
	s10 =	sld [smem:$0x3FB9];
	_ =	sdelay $0x3  }
0x37: {  	[smem:$0x3FB9] =	sst s10  }
0x38: {  	s10 =	sld [smem:$0x3FBA]  }
0x39: {  	_ = 	snop;
	(pc) =	sbr.ind lr, $3  }
0x3a: {  	_ = 	snop  }
0x3b: {  	_ = 	snop  }
0x3c: {  	p2 =	seq.s32 s10, $0x1;
	s10 =	sld [smem:$0x3FB9]  }
0x3d: {  	_ =	shalt  }
0x3e: {  	_ =	shalt  }
0x3f: {  	_ =	shalt  }
0x40: {  	_ =	shalt  }
0x41: {  	_ =	shalt  }
0x42: {  	_ =	shalt  }
0x43: {  	_ =	shalt  }
0x44: {  	_ =	shalt  }
0x45: {  	_ =	shalt  }
0x46: {  	_ =	shalt  }
0x47: {  	_ =	shalt  }
0x48: {  	_ =	shalt  }
0x49: {  	_ =	shalt  }
0x4a: {  	_ =	shalt  }
0x4b: {  	_ =	shalt  }
0x4c: {  	_ =	shalt  }
0x4d: {  	_ =	shalt  }
0x4e: {  	_ =	shalt  }
0x4f: {  	_ =	shalt  }
0x50: {  	_ =	shalt  }
0x51: {  	_ =	shalt  }
0x52: {  	_ =	shalt  }
0x53: {  	_ =	shalt  }
0x54: {  	_ =	shalt  }
0x55: {  	_ =	shalt  }
0x56: {  	_ =	shalt  }
0x57: {  	_ =	shalt  }
0x58: {  	_ =	shalt  }
0x59: {  	_ =	shalt  }
0x5a: {  	_ =	shalt  }
0x5b: {  	_ =	shalt  }
0x5c: {  	_ =	shalt  }
0x5d: {  	_ =	shalt  }
0x5e: {  	_ =	shalt  }
0x5f: {  	_ =	shalt  }
0x60: {  	_ =	shalt  }
0x61: {  	_ =	shalt  }
0x62: {  	_ =	shalt  }
0x63: {  	_ =	shalt  }
0x64: {  	_ =	shalt  }
0x65: {  	_ =	shalt  }
0x66: {  	_ =	shalt  }
0x67: {  	_ =	shalt  }
0x68: {  	_ =	shalt  }
0x69: {  	_ =	shalt  }
0x6a: {  	_ =	shalt  }
0x6b: {  	_ =	shalt  }
0x6c: {  	_ =	shalt  }
0x6d: {  	_ =	shalt  }
0x6e: {  	_ =	shalt  }
0x6f: {  	_ =	shalt  }
0x70: {  	_ =	shalt  }
0x71: {  	_ =	shalt  }
0x72: {  	_ =	shalt  }
0x73: {  	_ =	shalt  }
0x74: {  	_ =	shalt  }
0x75: {  	_ =	shalt  }
0x76: {  	_ =	shalt  }
0x77: {  	_ =	shalt  }
0x78: {  	_ =	shalt  }
0x79: {  	_ =	shalt  }
0x7a: {  	_ =	shalt  }
0x7b: {  	_ =	shalt  }
0x7c: {  	_ =	shalt  }
0x7d: {  	_ =	shalt  }
0x7e: {  	_ =	shalt  }
0x7f: {  	_ =	shalt  }
0x80: {  	_ =	shalt  }
0x81: {  	_ =	shalt  }
0x82: {  	_ =	shalt  }
0x83: {  	_ =	shalt  }
0x84: {  	_ =	shalt  }
0x85: {  	_ =	shalt  }
0x86: {  	_ =	shalt  }
0x87: {  	_ =	shalt  }
.Lfunc_end0:
.L_simem_size_0:
called_computation_lowered:
.L_overlay_start_0:
0x88: {  	s2 =	sld [smem:$0x3FD9]  }
0x89: {  	s3 =	sld [smem:$0x3FFE];
	_ =	sdelay $0x1  }
0x8a: {  	s1 =	srdreg.scid  }
0x8b: {  	s0 =	sand.u32 $0x1, s1  }
0x8c: {  	s15 =	sshll.u32 s0, $0xA;
	s2 =	sadd.s32 s3, s2  }
0x8d: {  	s2 =	sadd.s32 s2, s15  }
0x8e: {  	[smem:$0x3FC5] =	sst s2  }
0x8f: {  	_ = 	snop  }
0x90: {  	s2 =	sld [smem:$0x3FD0]  }
0x91: {  	s16 =	sld [smem:$0x3FC9]  }
0x92: {  	s4 =	sld [smem:$0x3FC8]  }
0x93: {  	s6 =	simm.s32 $0xA;
	s7 =	simm.s32 $0x10;
	s5 =	sld [smem:$0x3FC7]  }
0x94: {  	[smem:s7], [sflag:s6] =	dma.local [hbm:s2], $0x1  }
0x95: {  	_ =	swait.eq [sflag:s6], $0x1  }
0x96: {  	[sflag:s6] =	ssyncset.done $0x0  }
0x97: {  	s17 =	sld [smem:$0x10];
	[sflag:s6] =	ssyncadd.s32 $0xFFFFFFFF  }
0x98: {  	s18 =	sld [smem:$0x11];
	(tm) =	ssettm $0x1  }
0x99: {  	s19 =	sld [smem:$0x3FFB];
	_ =	sdelay $0x3  }
0x9a: {  	_ =	strace s19  }
0x9b: {  	s7 =	sld [smem:$0x3FFC];
	_ =	sdelay $0x3  }
0x9c: {  	_ =	strace s7  }
0x9d: {  	s7 =	sld [smem:$0x3FFD];
	_ =	sdelay $0x3  }
0x9e: {  	_ =	strace s7  }
0x9f: {  	_ =	strace $0x8FFFFFFF  }
0xa0: {  	s20 =	sld [smem:$0x3FDB];
	_ =	sdelay $0x1  }
0xa1: {  	s8 =	simm.s32 $_scs_section_size  }
0xa2: {  	s9 =	simm.s32 $_size__tile_overlayer_lowered;
	s10 =	simm.s32 $_tile_overlayer_lowered  }
0xa3: {  	s23 =	simm.s32 $0x1BFF;
	s22 =	sshll.u32 s10, $0x1;
	s7 =	sadd.s32 s8, s20  }
0xa4: {  	s11 =	simm.s32 $0x0;
	s21 =	sshll.u32 s9, $0x1;
	s9 =	sadd.s32 s22, s7  }
0xa5: {  	[timem:s11], [sflag:s23] =	dma.local [hbm:s9], s21  }
0xa6: {  	_ =	swait.ge [sflag:s23], s21  }
0xa7: {  	s8 =	ssub.s32 $0x0, s21;
	[sflag:s23] =	ssyncset.done $0x0  }
0xa8: {  	[sflag:s23] =	ssyncadd.s32 s8;
	_ =	sdelay $0x1  }
0xa9: {  	s24 =	simm.s32 $0x1B8B  }
0xaa: {  	_ =	swait.ge [sflag:s24], $0x1  }
0xab: {  	[sflag:s24] =	ssyncset.done $0x0  }
0xac: {  	s25 =	simm.s32 $0x1B8E;
	[sflag:s24] =	ssyncadd.s32 $0xFFFFFFFF  }
0xad: {  	s26 =	simm.s32 $execute0_lowered;
	[smem:$0x3FD2] =	sst s25  }
0xae: {  	s8 =	sshll.u32 s26, $0x1;
	_ =	strace $0x80000046;
	[dreg:$0x1] =	wrdreg $0xFFFFFFFF  }
0xaf: {  	s28 =	simm.s32 $_size_execute0_lowered;
	s7 =	sadd.s32 s7, s8;
	[dreg:$0x0] =	wrdreg $0x0  }
0xb0: {  	s8 =	sshll.u32 s28, $0x1;
	[dreg:$0x2] =	wrdreg s7  }
0xb1: {  	[dreg:$0x3] =	wrdreg s8  }
0xb2: {  	[dreg:$0x4] =	wrdreg $0xC0  }
0xb3: {  	_ =	task [dreg:s11], $0x5FFFF  }
0xb4: {  	[dreg:$0x1] =	wrdreg $0xFFFFFFFF  }
0xb5: {  	[dreg:$0x0] =	wrdreg $0x60  }
0xb6: {  	[dreg:$0x2] =	wrdreg s16  }
0xb7: {  	[dreg:$0x3] =	wrdreg s4  }
0xb8: {  	[dreg:$0x4] =	wrdreg s5  }
0xb9: {  	[dreg:$0x5] =	wrdreg s17  }
0xba: {  	[dreg:$0x6] =	wrdreg s18  }
0xbb: {  	[dreg:$0x7] =	wrdreg $0x9  }
0xbc: {  	_ =	task.clear_ibuf [dreg:s11], $0x8FFFF;
	_ =	strace $0x90000046  }
0xbd: {  	s29 =	simm.s32 $0x9;
	_ =	strace $0x80000048  }
0xbe: {  	_ =	swait.ge [sflag:s29], $0x1  }
0xbf: {  	[sflag:s29] =	ssyncadd.s32 $0xFFFFFFFF  }
0xc0: {  	_ =	strace $0x90000048  }
0xc1: {  	_ =	sfence  }
0xc2: {  	s30 =	sld [smem:$0x0];
	_ =	sdelay $0x2  }
0xc3: {  	s31 =	sshll.u32 s1, $0xD;
	s1 =	sshrl.u32 s1, $0x2  }
0xc4: {  	s3 =	sand.u32 $0x4000, s31;
	s1 =	sadd.s32 s1, s30  }
0xc5: {  	s0 =	sor.u32 s3, s0;
	s1 =	sshll.u32 s1, $0x11  }
0xc6: {  	s0 =	sor.u32 s1, s0  }
0xc7: {  	s0 =	sadd.s32 $0x8F2B, s0  }
0xc8: {  	[sflag:s0] =	ssyncadd.remote.s32 $0x1  }
0xc9: {  	_ =	sfence.sel $0xFFFF  }
0xca: {  	[dreg:$0x0] =	wrdreg $0xFFFFFFFF;
	(pc) =	sbr.abs _section_cstart, $3  }
0xcb: {  	[dreg:$0x1] =	wrdreg $0xFFFFFFFF  }
0xcc: {  	_ =	task.clear_ibuf [dreg:s11], $0x2FFFF;
	_ =	strace $0x9FFFFFFF  }
0xcd: {  	(tm) =	ssettm $0x7FFFFFFF  }
tec
execute0_lowered:
.L_overlay_start_1:
0x0: {  	(tag) =	ssettag $0x1  }
0x1: {  	v0 =	vimm.s32 $0xB80;
	vm14 =	vcmask $0x300;
	vm13 =	vcmask $0x704  }
0x2: {  	vm12 =	vcmask $0xB08;
	vm11 =	vcmask $0xF0C;
	vm10 =	vcmask $0x1310  }
0x3: {  	vm9 =	vcmask $0x1714;
	vm8 =	vcmask $0x1B18;
	vm7 =	vcmask $0x1F1C  }
0x4: {  	vm6 =	vcmask $0x2320;
	vm5 =	vcmask $0x2724;
	vm4 =	vcmask $0x2B28  }
0x5: {  	vm3 =	vcmask $0x2F2C;
	v1 =	vlaneseq.u32;
	vm2 =	vcmask $0x3330  }
0x6: {  	vm1 =	vcmask $0x3734;
	vm0 =	vcmask $0x3B38;
	v3 =	vimm.s32 $0x1B80  }
0x7: {  	v4 =	vimm.s32 $0x2B80;
	v5 =	vimm.s32 $0x3B80;
	v0 =	vsel vm14, $0x0, v0  }
0x8: {  	s2 =	rddreg [dreg:$0x0];
	v3 =	vsel vm14, $0x1000, v3;
	v4 =	vsel vm14, $0x2000, v4;
	v5 =	vsel vm14, $0x3000, v5  }
0x9: {  	s0 =	rddreg [dreg:$0x1];
	v0 =	vsel vm13, $0x80, v0;
	v3 =	vsel vm13, $0x1080, v3;
	v4 =	vsel vm13, $0x2080, v4  }
0xa: {  	s1 =	rddreg [dreg:$0x2];
	v5 =	vsel vm13, $0x3080, v5;
	v0 =	vsel vm12, $0x100, v0;
	v3 =	vsel vm12, $0x1100, v3  }
0xb: {  	s3 =	rddreg [dreg:$0x3];
	v4 =	vsel vm12, $0x2100, v4;
	v5 =	vsel vm12, $0x3100, v5;
	v0 =	vsel vm11, $0x180, v0  }
0xc: {  	s4 =	srdreg.scid;
	s6 =	rddreg [dreg:$0x4];
	v3 =	vsel vm11, $0x1180, v3;
	v4 =	vsel vm11, $0x2180, v4;
	v5 =	vsel vm11, $0x3180, v5  }
0xd: {  	s5 =	stileid.u32;
	s8 =	simm.s32 $0x0;
	s16 =	simm.s32 $0x7A1400;
	v0 =	vsel vm10, $0x200, v0;
	v3 =	vsel vm10, $0x1200, v3;
	v4 =	vsel vm10, $0x2200, v4  }
0xe: {  	s13 =	simm.s32 $0x9;
	s17 =	simm.s32 $0x400;
	s18 =	simm.s32 $0x500;
	v5 =	vsel vm10, $0x3200, v5;
	v0 =	vsel vm9, $0x280, v0;
	v3 =	vsel vm9, $0x1280, v3  }
0xf: {  	s19 =	simm.s32 $0x2500;
	s20 =	simm.s32 $0x4500;
	s21 =	simm.s32 $0x6500;
	v4 =	vsel vm9, $0x2280, v4;
	v5 =	vsel vm9, $0x3280, v5;
	v0 =	vsel vm8, $0x300, v0  }
0x10: {  	s28 =	simm.s32 $0x10500;
	s29 =	simm.s32 $0x2;
	s30 =	simm.s32 $0x3;
	v3 =	vsel vm8, $0x1300, v3;
	v4 =	vsel vm8, $0x2300, v4;
	v5 =	vsel vm8, $0x3300, v5  }
0x11: {  	s31 =	simm.s32 $0x4;
	s15 =	simm.s32 $0x7;
	s12 =	simm.s32 $0x800;
	v0 =	vsel vm7, $0x380, v0;
	v3 =	vsel vm7, $0x1380, v3;
	v4 =	vsel vm7, $0x2380, v4  }
0x12: {  	s14 =	simm.s32 $0x20000;
	s4 =	sand.u32 $0x1, s4;
	s5 =	sshll.u32 s5, $0xA;
	v5 =	vsel vm7, $0x3380, v5;
	v0 =	vsel vm6, $0x800, v0;
	v3 =	vsel vm6, $0x1800, v3  }
0x13: {  	[smem:$0x7FF] =	sst s8;
	s7 =	sshll.u32 s4, $0x9;
	s4 =	ssub.s32 $0x2, s4;
	v4 =	vsel vm6, $0x2800, v4;
	v5 =	vsel vm6, $0x3800, v5;
	v0 =	vsel vm5, $0x880, v0  }
0x14: {  	_ =	strace $0x80000047;
	s7 =	sor.u32 s7, s5;
	s22 =	sshrl.u32 s4, $0x1;
	v3 =	vsel vm5, $0x1880, v3;
	v4 =	vsel vm5, $0x2880, v4;
	v5 =	vsel vm5, $0x3880, v5  }
0x15: {  	s23 =	sshrl.u32 s7, $0x2;
	s4 =	ssub.s32 s4, s22;
	s24 =	sadd.s32 s3, s7;
	v0 =	vsel vm4, $0x900, v0;
	v3 =	vsel vm4, $0x1900, v3;
	v4 =	vsel vm4, $0x2900, v4  }
0x16: {  	s25 =	sor.u32 $0x100, s7;
	s26 =	sadd.s32 s6, s7;
	s22 =	simm.s32 $0x8500;
	v5 =	vsel vm4, $0x3900, v5;
	v2 =	vsel vm3, $0x980, v0;
	v0 =	vmul.u32 $0x80, v1  }
0x17: {  	s5 =	sadd.s32 s2, s23;
	[dreg:$0x7] =	wrdreg s24;
	s3 =	sadd.s32 s3, s25;
	v3 =	vsel vm3, $0x1980, v3;
	v4 =	vsel vm3, $0x2980, v4;
	v5 =	vsel vm3, $0x3980, v5  }
0x18: {  	[dreg:$0x9] =	wrdreg s26;
	s11 =	smax.u32 s4, $0x1;
	s23 =	simm.s32 $0xA500;
	v1 =	vsel vm2, $0xA00, v2;
	v3 =	vsel vm2, $0x1A00, v3;
	v6 =	vsel vm2, $0x2A00, v4  }
0x19: {  	s24 =	simm.s32 $0xC500;
	s26 =	simm.s32 $0x1;
	s4 =	simm.s32 $0x8;
	v5 =	vsel vm2, $0x3A00, v5;
	v1 =	vsel vm1, $0xA80, v1;
	v2 =	vor.u32 $0x800, v0  }
0x1a: {  	s2 =	sadd.s32 $0x10, s5;
	[dreg:$0x8] =	wrdreg s3;
	s3 =	simm.s32 $0x5;
	v3 =	vsel vm1, $0x1A80, v3;
	v4 =	vor.u32 $0x1000, v0;
	v6 =	vsel vm1, $0x2A80, v6  }
0x1b: {  	[dreg:$0x6] =	wrdreg s2;
	s2 =	sadd.s32 s6, s25;
	s25 =	simm.s32 $0xE500;
	v7 =	vsel vm1, $0x3A80, v5;
	v1 =	vsel vm0, $0xB00, v1;
	v3 =	vsel vm0, $0x1B00, v3  }
0x1c: {  	s6 =	simm.s32 $0x0;
	[dreg:$0xa] =	wrdreg s2;
	s2 =	simm.s32 $0x6;
	v5 =	vsel vm0, $0x2B00, v6;
	v6 =	vor.u32 $0x1800, v0;
	v7 =	vsel vm0, $0x3B00, v7  }
.LBB2_1:
0x1d: {  	s7 =	simm.s32 $0x0;
	s8 =	simm.s32 $0x80;
	s9 =	simm.s32 $0x100  }
0x1e: {  	[tilespmem:s7], [sflag:$0x9] =	stream.strided.gather [hbm4b:s5+s8], $0x200, s9, s8, $0x38;
	[tilespmem:$0x14500] =	vst v63  }
0x1f: {  	_ =	swait.ge [sflag:s13], $0x200  }
0x20: {  	[sflag:s13] =	ssyncset.done $0x0  }
0x21: {  	s10 =	simm.s32 $0x280;
	s7 =	rddreg [dreg:$0x6];
	[sflag:s13] =	ssyncadd.s32 $0xFFFFFE00  }
0x22: {  	[tilespmem:s10], [sflag:$0x9] =	stream.strided.gather [hbm4b:s7+s8], $0x200, s9, s8, $0x38;
	[tilespmem:$0x14500] =	vst v63  }
0x23: {  	_ =	swait.ge [sflag:s13], $0x200  }
0x24: {  	[sflag:s13] =	ssyncset.done $0x0  }
0x25: {  	[sflag:s13] =	ssyncadd.s32 $0xFFFFFE00  }
0x26: {  	v8 =	vld [tilespmem:$0x0];
	_ =	sdelay $0x4  }
0x27: {  	(v2sf) =	vpush v8, $0x0;
	_ =	sdelay $0xe  }
0x28: {  	s9 =	spop (v2sf)  }
0x29: {  	s7 =	sshrl.u32 s9, $0x7  }
0x2a: {  	s7 =	smin.u32 s7, $0x1E83  }
0x2b: {  	s7 =	sshll.u32 s7, $0x7  }
0x2c: {  	s7 =	sadd.s32 s0, s7  }
0x2d: {  	[tilespmem:s18], [sflag:$0x1] =	stream.strided.gather [hbm4b:s7+s17], $0x2000, s16, s17, $0x38;
	[tilespmem:$0x14500] =	vst v63  }
0x2e: {  	v8 =	vld [tilespmem:$0x1];
	_ =	sdelay $0x4  }
0x2f: {  	(v2sf) =	vpush v8, $0x0;
	_ =	sdelay $0xe  }
0x30: {  	s10 =	spop (v2sf)  }
0x31: {  	s7 =	sshrl.u32 s10, $0x7  }
0x32: {  	s7 =	smin.u32 s7, $0x1E83  }
0x33: {  	s7 =	sshll.u32 s7, $0x7  }
0x34: {  	s7 =	sadd.s32 s0, s7  }
0x35: {  	[tilespmem:s19], [sflag:$0x2] =	stream.strided.gather [hbm4b:s7+s17], $0x2000, s16, s17, $0x38;
	[tilespmem:$0x14500] =	vst v63  }
0x36: {  	v8 =	vld [tilespmem:$0x2];
	_ =	sdelay $0x4  }
0x37: {  	(v2sf) =	vpush v8, $0x0;
	_ =	sdelay $0xe  }
0x38: {  	s8 =	spop (v2sf)  }
0x39: {  	s7 =	sshrl.u32 s8, $0x7  }
0x3a: {  	s7 =	smin.u32 s7, $0x1E83  }
0x3b: {  	s7 =	sshll.u32 s7, $0x7  }
0x3c: {  	s7 =	sadd.s32 s0, s7  }
0x3d: {  	[tilespmem:s20], [sflag:$0x3] =	stream.strided.gather [hbm4b:s7+s17], $0x2000, s16, s17, $0x38;
	[tilespmem:$0x14500] =	vst v63  }
0x3e: {  	v8 =	vld [tilespmem:$0x3];
	_ =	sdelay $0x4  }
0x3f: {  	(v2sf) =	vpush v8, $0x0;
	_ =	sdelay $0xe  }
0x40: {  	s9 =	spop (v2sf)  }
0x41: {  	s7 =	sshrl.u32 s9, $0x7  }
0x42: {  	s7 =	smin.u32 s7, $0x1E83  }
0x43: {  	s7 =	sshll.u32 s7, $0x7  }
0x44: {  	s7 =	sadd.s32 s0, s7  }
0x45: {  	[tilespmem:s21], [sflag:$0x4] =	stream.strided.gather [hbm4b:s7+s17], $0x2000, s16, s17, $0x38;
	[tilespmem:$0x14500] =	vst v63  }
0x46: {  	v8 =	vld [tilespmem:$0x4];
	_ =	sdelay $0x4  }
0x47: {  	(v2sf) =	vpush v8, $0x0;
	_ =	sdelay $0xe  }
0x48: {  	s10 =	spop (v2sf)  }
0x49: {  	s7 =	sshrl.u32 s10, $0x7  }
0x4a: {  	s7 =	smin.u32 s7, $0x1E83  }
0x4b: {  	s7 =	sshll.u32 s7, $0x7  }
0x4c: {  	s7 =	sadd.s32 s0, s7  }
0x4d: {  	[tilespmem:s22], [sflag:$0x5] =	stream.strided.gather [hbm4b:s7+s17], $0x2000, s16, s17, $0x38;
	[tilespmem:$0x14500] =	vst v63  }
0x4e: {  	v8 =	vld [tilespmem:$0x5];
	_ =	sdelay $0x4  }
0x4f: {  	(v2sf) =	vpush v8, $0x0;
	_ =	sdelay $0xe  }
0x50: {  	s8 =	spop (v2sf)  }
0x51: {  	s7 =	sshrl.u32 s8, $0x7  }
0x52: {  	s7 =	smin.u32 s7, $0x1E83  }
0x53: {  	s7 =	sshll.u32 s7, $0x7  }
0x54: {  	s7 =	sadd.s32 s0, s7  }
0x55: {  	[tilespmem:s23], [sflag:$0x6] =	stream.strided.gather [hbm4b:s7+s17], $0x2000, s16, s17, $0x38;
	[tilespmem:$0x14500] =	vst v63  }
0x56: {  	v8 =	vld [tilespmem:$0x6];
	_ =	sdelay $0x4  }
0x57: {  	(v2sf) =	vpush v8, $0x0;
	_ =	sdelay $0xe  }
0x58: {  	s9 =	spop (v2sf)  }
0x59: {  	s7 =	sshrl.u32 s9, $0x7  }
0x5a: {  	s7 =	smin.u32 s7, $0x1E83  }
0x5b: {  	s7 =	sshll.u32 s7, $0x7  }
0x5c: {  	s7 =	sadd.s32 s0, s7  }
0x5d: {  	[tilespmem:s24], [sflag:$0x7] =	stream.strided.gather [hbm4b:s7+s17], $0x2000, s16, s17, $0x38;
	[tilespmem:$0x14500] =	vst v63  }
0x5e: {  	v8 =	vld [tilespmem:$0x7];
	_ =	sdelay $0x4  }
0x5f: {  	(v2sf) =	vpush v8, $0x0;
	_ =	sdelay $0xe  }
0x60: {  	s10 =	spop (v2sf)  }
0x61: {  	s7 =	sshrl.u32 s10, $0x7  }
0x62: {  	s7 =	smin.u32 s7, $0x1E83  }
0x63: {  	s7 =	sshll.u32 s7, $0x7  }
0x64: {  	s7 =	sadd.s32 s0, s7  }
0x65: {  	[tilespmem:s25], [sflag:$0x8] =	stream.strided.gather [hbm4b:s7+s17], $0x2000, s16, s17, $0x38;
	[tilespmem:$0x14500] =	vst v63  }
0x66: {  	s8 =	simm.s32 $0x0;
	s7 =	simm.s32 $0x4  }
.LBB2_2:
0x67: {  	_ =	swait.ge [sflag:s26], $0x2000  }
0x68: {  	[sflag:s26] =	ssyncset.done $0x0  }
0x69: {  	[sflag:s26] =	ssyncadd.s32 $0xFFFFE000  }
0x6a: {  	v8 =	vld [tilespmem:s7+$0xFFFFFFFC];
	_ =	sdelay $0x4  }
0x6b: {  	(v2sf) =	vpush v8, $0x0;
	_ =	sdelay $0xe  }
0x6c: {  	s9 =	spop (v2sf)  }
0x6d: {  	s10 =	sshrl.u32 s9, $0x7  }
0x6e: {  	s10 =	smin.u32 s10, $0x1E83  }
0x6f: {  	s10 =	sshll.u32 s10, $0x7  }
0x70: {  	s9 =	ssub.s32 s9, s10  }
0x71: {  	p0 =	slt.s32 s9, $0x7F  }
0x72: {  	s9 =	simm.s32 @!p0 $0x7F  }
0x73: {  	v8 =	vadd.s32 s9, v0  }
0x74: {  	v9 =	vmov s8  }
0x75: {  	v10 =	vshll.u32 v9, $0x3  }
0x76: {  	v9 =	vand.u32 $0x78, v9;
	v10 =	vand.u32 $0x400, v10  }
0x77: {  	v9 =	vor.u32 v9, v10  }
0x78: {  	v10 =	vor.u32 v1, v9;
	v8 =	vld.idx.msk [tilespmem:v8+s18+$0x0], $0xffff  }
0x79: {  	v11 =	vadd.s32 s9, v2;
	_ =	sdelay $0x3  }
0x7a: {  	[tilespmem:v10+s28+$0x0] =	vst.idx.msk $0xffff, v8  }
0x7b: {  	v63 =	vor.u32 v3, v9;
	v8 =	vld.idx.msk [tilespmem:v11+s18+$0x0], $0xffff  }
0x7c: {  	v12 =	vadd.s32 s9, v4;
	_ =	sdelay $0x3  }
0x7d: {  	[tilespmem:v63+s28+$0x0] =	vst.idx.msk $0xffff, v8  }
0x7e: {  	v13 =	vor.u32 v5, v9;
	v8 =	vld.idx.msk [tilespmem:v12+s18+$0x0], $0xffff  }
0x7f: {  	v14 =	vadd.s32 s9, v6;
	_ =	sdelay $0x3  }
0x80: {  	[tilespmem:v13+s28+$0x0] =	vst.idx.msk $0xffff, v8  }
0x81: {  	v9 =	vor.u32 v7, v9;
	v8 =	vld.idx.msk [tilespmem:v14+s18+$0x0], $0xffff;
	_ =	sdelay $0x4  }
0x82: {  	s10 =	smin.u32 s8, $0xF7;
	[tilespmem:v9+s28+$0x0] =	vst.idx.msk $0xffff, v8  }
0x83: {  	v8 =	vld [tilespmem:s10+$0x8];
	_ =	sdelay $0x4  }
0x84: {  	(v2sf) =	vpush v8, $0x0;
	_ =	sdelay $0xe  }
0x85: {  	s10 =	spop (v2sf)  }
0x86: {  	s9 =	sshrl.u32 s10, $0x7  }
0x87: {  	s9 =	smin.u32 s9, $0x1E83  }
0x88: {  	s9 =	sshll.u32 s9, $0x7  }
0x89: {  	s9 =	sadd.s32 s0, s9  }
0x8a: {  	[tilespmem:s18], [sflag:$0x1] =	stream.strided.gather [hbm4b:s9+s17], $0x2000, s16, s17, $0x38;
	[tilespmem:$0x14500] =	vst v63  }
0x8b: {  	_ =	swait.ge [sflag:s29], $0x2000  }
0x8c: {  	[sflag:s29] =	ssyncset.done $0x0  }
0x8d: {  	[sflag:s29] =	ssyncadd.s32 $0xFFFFE000  }
0x8e: {  	v8 =	vld [tilespmem:s7+$0xFFFFFFFD];
	_ =	sdelay $0x4  }
0x8f: {  	(v2sf) =	vpush v8, $0x0;
	_ =	sdelay $0xe  }
0x90: {  	s9 =	spop (v2sf)  }
0x91: {  	s10 =	sshrl.u32 s9, $0x7  }
0x92: {  	s10 =	smin.u32 s10, $0x1E83  }
0x93: {  	s10 =	sshll.u32 s10, $0x7  }
0x94: {  	s9 =	ssub.s32 s9, s10  }
0x95: {  	p0 =	slt.s32 s9, $0x7F  }
0x96: {  	s9 =	simm.s32 @!p0 $0x7F  }
0x97: {  	s10 =	sadd.s32 $0x1, s8;
	v8 =	vadd.s32 s9, v0  }
0x98: {  	v15 =	vmov s10  }
0x99: {  	v16 =	vshll.u32 v15, $0x3  }
0x9a: {  	v9 =	vand.u32 $0x79, v15;
	v10 =	vand.u32 $0x400, v16  }
0x9b: {  	v9 =	vor.u32 v9, v10  }
0x9c: {  	v10 =	vor.u32 v1, v9;
	v8 =	vld.idx.msk [tilespmem:v8+s19+$0x0], $0xffff  }
0x9d: {  	v17 =	vadd.s32 s9, v2;
	_ =	sdelay $0x3  }
0x9e: {  	[tilespmem:v10+s28+$0x0] =	vst.idx.msk $0xffff, v8  }
0x9f: {  	v18 =	vor.u32 v3, v9;
	v8 =	vld.idx.msk [tilespmem:v17+s19+$0x0], $0xffff  }
0xa0: {  	v19 =	vadd.s32 s9, v4;
	_ =	sdelay $0x3  }
0xa1: {  	[tilespmem:v18+s28+$0x0] =	vst.idx.msk $0xffff, v8  }
0xa2: {  	v20 =	vor.u32 v5, v9;
	v8 =	vld.idx.msk [tilespmem:v19+s19+$0x0], $0xffff  }
0xa3: {  	v21 =	vadd.s32 s9, v6;
	_ =	sdelay $0x3  }
0xa4: {  	[tilespmem:v20+s28+$0x0] =	vst.idx.msk $0xffff, v8  }
0xa5: {  	v9 =	vor.u32 v7, v9;
	v8 =	vld.idx.msk [tilespmem:v21+s19+$0x0], $0xffff;
	_ =	sdelay $0x4  }
0xa6: {  	s10 =	smin.u32 s8, $0xF6;
	[tilespmem:v9+s28+$0x0] =	vst.idx.msk $0xffff, v8  }
0xa7: {  	v8 =	vld [tilespmem:s10+$0x9];
	_ =	sdelay $0x4  }
0xa8: {  	(v2sf) =	vpush v8, $0x0;
	_ =	sdelay $0xe  }
0xa9: {  	s10 =	spop (v2sf)  }
0xaa: {  	s9 =	sshrl.u32 s10, $0x7  }
0xab: {  	s9 =	smin.u32 s9, $0x1E83  }
0xac: {  	s9 =	sshll.u32 s9, $0x7  }
0xad: {  	s9 =	sadd.s32 s0, s9  }
0xae: {  	[tilespmem:s19], [sflag:$0x2] =	stream.strided.gather [hbm4b:s9+s17], $0x2000, s16, s17, $0x38;
	[tilespmem:$0x14500] =	vst v63  }
0xaf: {  	_ =	swait.ge [sflag:s30], $0x2000  }
0xb0: {  	[sflag:s30] =	ssyncset.done $0x0  }
0xb1: {  	[sflag:s30] =	ssyncadd.s32 $0xFFFFE000  }
0xb2: {  	v8 =	vld [tilespmem:s7+$0xFFFFFFFE];
	_ =	sdelay $0x4  }
0xb3: {  	(v2sf) =	vpush v8, $0x0;
	_ =	sdelay $0xe  }
0xb4: {  	s9 =	spop (v2sf)  }
0xb5: {  	s10 =	sshrl.u32 s9, $0x7  }
0xb6: {  	s10 =	smin.u32 s10, $0x1E83  }
0xb7: {  	s10 =	sshll.u32 s10, $0x7  }
0xb8: {  	s9 =	ssub.s32 s9, s10  }
0xb9: {  	p0 =	slt.s32 s9, $0x7F  }
0xba: {  	s9 =	simm.s32 @!p0 $0x7F  }
0xbb: {  	s10 =	sadd.s32 $0x2, s8;
	v8 =	vadd.s32 s9, v0  }
0xbc: {  	v22 =	vmov s10  }
0xbd: {  	v23 =	vshll.u32 v22, $0x3  }
0xbe: {  	v9 =	vand.u32 $0x7A, v22;
	v10 =	vand.u32 $0x400, v23  }
0xbf: {  	v9 =	vor.u32 v9, v10  }
0xc0: {  	v10 =	vor.u32 v1, v9;
	v8 =	vld.idx.msk [tilespmem:v8+s20+$0x0], $0xffff  }
0xc1: {  	v24 =	vadd.s32 s9, v2;
	_ =	sdelay $0x3  }
0xc2: {  	[tilespmem:v10+s28+$0x0] =	vst.idx.msk $0xffff, v8  }
0xc3: {  	v25 =	vor.u32 v3, v9;
	v8 =	vld.idx.msk [tilespmem:v24+s20+$0x0], $0xffff  }
0xc4: {  	v26 =	vadd.s32 s9, v4;
	_ =	sdelay $0x3  }
0xc5: {  	[tilespmem:v25+s28+$0x0] =	vst.idx.msk $0xffff, v8  }
0xc6: {  	v27 =	vor.u32 v5, v9;
	v8 =	vld.idx.msk [tilespmem:v26+s20+$0x0], $0xffff  }
0xc7: {  	v28 =	vadd.s32 s9, v6;
	_ =	sdelay $0x3  }
0xc8: {  	[tilespmem:v27+s28+$0x0] =	vst.idx.msk $0xffff, v8  }
0xc9: {  	v9 =	vor.u32 v7, v9;
	v8 =	vld.idx.msk [tilespmem:v28+s20+$0x0], $0xffff;
	_ =	sdelay $0x4  }
0xca: {  	s10 =	smin.u32 s8, $0xF5;
	[tilespmem:v9+s28+$0x0] =	vst.idx.msk $0xffff, v8  }
0xcb: {  	v8 =	vld [tilespmem:s10+$0xA];
	_ =	sdelay $0x4  }
0xcc: {  	(v2sf) =	vpush v8, $0x0;
	_ =	sdelay $0xe  }
0xcd: {  	s10 =	spop (v2sf)  }
0xce: {  	s9 =	sshrl.u32 s10, $0x7  }
0xcf: {  	s9 =	smin.u32 s9, $0x1E83  }
0xd0: {  	s9 =	sshll.u32 s9, $0x7  }
0xd1: {  	s9 =	sadd.s32 s0, s9  }
0xd2: {  	[tilespmem:s20], [sflag:$0x3] =	stream.strided.gather [hbm4b:s9+s17], $0x2000, s16, s17, $0x38;
	[tilespmem:$0x14500] =	vst v63  }
0xd3: {  	_ =	swait.ge [sflag:s31], $0x2000  }
0xd4: {  	[sflag:s31] =	ssyncset.done $0x0  }
0xd5: {  	[sflag:s31] =	ssyncadd.s32 $0xFFFFE000  }
0xd6: {  	v8 =	vld [tilespmem:s7+$0xFFFFFFFF];
	_ =	sdelay $0x4  }
0xd7: {  	(v2sf) =	vpush v8, $0x0;
	_ =	sdelay $0xe  }
0xd8: {  	s9 =	spop (v2sf)  }
0xd9: {  	s10 =	sshrl.u32 s9, $0x7  }
0xda: {  	s10 =	smin.u32 s10, $0x1E83  }
0xdb: {  	s10 =	sshll.u32 s10, $0x7  }
0xdc: {  	s9 =	ssub.s32 s9, s10  }
0xdd: {  	p0 =	slt.s32 s9, $0x7F  }
0xde: {  	s9 =	simm.s32 @!p0 $0x7F  }
0xdf: {  	s10 =	sadd.s32 $0x3, s8;
	v8 =	vadd.s32 s9, v0  }
0xe0: {  	v29 =	vmov s10  }
0xe1: {  	v30 =	vshll.u32 v29, $0x3  }
0xe2: {  	v9 =	vand.u32 $0x7B, v29;
	v10 =	vand.u32 $0x400, v30  }
0xe3: {  	v9 =	vor.u32 v9, v10  }
0xe4: {  	v10 =	vor.u32 v1, v9;
	v8 =	vld.idx.msk [tilespmem:v8+s21+$0x0], $0xffff  }
0xe5: {  	v31 =	vadd.s32 s9, v2;
	_ =	sdelay $0x3  }
0xe6: {  	[tilespmem:v10+s28+$0x0] =	vst.idx.msk $0xffff, v8  }
0xe7: {  	v32 =	vor.u32 v3, v9;
	v8 =	vld.idx.msk [tilespmem:v31+s21+$0x0], $0xffff  }
0xe8: {  	v33 =	vadd.s32 s9, v4;
	_ =	sdelay $0x3  }
0xe9: {  	[tilespmem:v32+s28+$0x0] =	vst.idx.msk $0xffff, v8  }
0xea: {  	v34 =	vor.u32 v5, v9;
	v8 =	vld.idx.msk [tilespmem:v33+s21+$0x0], $0xffff  }
0xeb: {  	v35 =	vadd.s32 s9, v6;
	_ =	sdelay $0x3  }
0xec: {  	[tilespmem:v34+s28+$0x0] =	vst.idx.msk $0xffff, v8  }
0xed: {  	v9 =	vor.u32 v7, v9;
	v8 =	vld.idx.msk [tilespmem:v35+s21+$0x0], $0xffff;
	_ =	sdelay $0x4  }
0xee: {  	s10 =	smin.u32 s8, $0xF4;
	[tilespmem:v9+s28+$0x0] =	vst.idx.msk $0xffff, v8  }
0xef: {  	v8 =	vld [tilespmem:s10+$0xB];
	_ =	sdelay $0x4  }
0xf0: {  	(v2sf) =	vpush v8, $0x0;
	_ =	sdelay $0xe  }
0xf1: {  	s10 =	spop (v2sf)  }
0xf2: {  	s9 =	sshrl.u32 s10, $0x7  }
0xf3: {  	s9 =	smin.u32 s9, $0x1E83  }
0xf4: {  	s9 =	sshll.u32 s9, $0x7  }
0xf5: {  	s9 =	sadd.s32 s0, s9  }
0xf6: {  	[tilespmem:s21], [sflag:$0x4] =	stream.strided.gather [hbm4b:s9+s17], $0x2000, s16, s17, $0x38;
	[tilespmem:$0x14500] =	vst v63  }
0xf7: {  	_ =	swait.ge [sflag:s3], $0x2000  }
0xf8: {  	[sflag:s3] =	ssyncset.done $0x0  }
0xf9: {  	[sflag:s3] =	ssyncadd.s32 $0xFFFFE000  }
0xfa: {  	v8 =	vld [tilespmem:s7+$0x0];
	_ =	sdelay $0x4  }
0xfb: {  	(v2sf) =	vpush v8, $0x0;
	_ =	sdelay $0xe  }
0xfc: {  	s9 =	spop (v2sf)  }
0xfd: {  	s10 =	sshrl.u32 s9, $0x7  }
0xfe: {  	s10 =	smin.u32 s10, $0x1E83  }
0xff: {  	s10 =	sshll.u32 s10, $0x7  }
0x100: {  	s9 =	ssub.s32 s9, s10  }
0x101: {  	p0 =	slt.s32 s9, $0x7F  }
0x102: {  	s9 =	simm.s32 @!p0 $0x7F  }
0x103: {  	s10 =	sadd.s32 $0x4, s8;
	v8 =	vadd.s32 s9, v0  }
0x104: {  	v36 =	vmov s10  }
0x105: {  	v37 =	vshll.u32 v36, $0x3  }
0x106: {  	v9 =	vand.u32 $0x7C, v36;
	v10 =	vand.u32 $0x400, v37  }
0x107: {  	v9 =	vor.u32 v9, v10  }
0x108: {  	v10 =	vor.u32 v1, v9;
	v8 =	vld.idx.msk [tilespmem:v8+s22+$0x0], $0xffff  }
0x109: {  	v38 =	vadd.s32 s9, v2;
	_ =	sdelay $0x3  }
0x10a: {  	[tilespmem:v10+s28+$0x0] =	vst.idx.msk $0xffff, v8  }
0x10b: {  	v39 =	vor.u32 v3, v9;
	v8 =	vld.idx.msk [tilespmem:v38+s22+$0x0], $0xffff  }
0x10c: {  	v40 =	vadd.s32 s9, v4;
	_ =	sdelay $0x3  }
0x10d: {  	[tilespmem:v39+s28+$0x0] =	vst.idx.msk $0xffff, v8  }
0x10e: {  	v41 =	vor.u32 v5, v9;
	v8 =	vld.idx.msk [tilespmem:v40+s22+$0x0], $0xffff  }
0x10f: {  	v42 =	vadd.s32 s9, v6;
	_ =	sdelay $0x3  }
0x110: {  	[tilespmem:v41+s28+$0x0] =	vst.idx.msk $0xffff, v8  }
0x111: {  	v9 =	vor.u32 v7, v9;
	v8 =	vld.idx.msk [tilespmem:v42+s22+$0x0], $0xffff;
	_ =	sdelay $0x4  }
0x112: {  	s10 =	smin.u32 s8, $0xF3;
	[tilespmem:v9+s28+$0x0] =	vst.idx.msk $0xffff, v8  }
0x113: {  	v8 =	vld [tilespmem:s10+$0xC];
	_ =	sdelay $0x4  }
0x114: {  	(v2sf) =	vpush v8, $0x0;
	_ =	sdelay $0xe  }
0x115: {  	s10 =	spop (v2sf)  }
0x116: {  	s9 =	sshrl.u32 s10, $0x7  }
0x117: {  	s9 =	smin.u32 s9, $0x1E83  }
0x118: {  	s9 =	sshll.u32 s9, $0x7  }
0x119: {  	s9 =	sadd.s32 s0, s9  }
0x11a: {  	[tilespmem:s22], [sflag:$0x5] =	stream.strided.gather [hbm4b:s9+s17], $0x2000, s16, s17, $0x38;
	[tilespmem:$0x14500] =	vst v63  }
0x11b: {  	_ =	swait.ge [sflag:s2], $0x2000  }
0x11c: {  	[sflag:s2] =	ssyncset.done $0x0  }
0x11d: {  	[sflag:s2] =	ssyncadd.s32 $0xFFFFE000  }
0x11e: {  	v8 =	vld [tilespmem:s7+$0x1];
	_ =	sdelay $0x4  }
0x11f: {  	(v2sf) =	vpush v8, $0x0;
	_ =	sdelay $0xe  }
0x120: {  	s9 =	spop (v2sf)  }
0x121: {  	s10 =	sshrl.u32 s9, $0x7  }
0x122: {  	s10 =	smin.u32 s10, $0x1E83  }
0x123: {  	s10 =	sshll.u32 s10, $0x7  }
0x124: {  	s9 =	ssub.s32 s9, s10  }
0x125: {  	p0 =	slt.s32 s9, $0x7F  }
0x126: {  	s9 =	simm.s32 @!p0 $0x7F  }
0x127: {  	s10 =	sadd.s32 $0x5, s8;
	v8 =	vadd.s32 s9, v0  }
0x128: {  	v43 =	vmov s10  }
0x129: {  	v44 =	vshll.u32 v43, $0x3  }
0x12a: {  	v9 =	vand.u32 $0x7D, v43;
	v10 =	vand.u32 $0x400, v44  }
0x12b: {  	v9 =	vor.u32 v9, v10  }
0x12c: {  	v10 =	vor.u32 v1, v9;
	v8 =	vld.idx.msk [tilespmem:v8+s23+$0x0], $0xffff  }
0x12d: {  	v45 =	vadd.s32 s9, v2;
	_ =	sdelay $0x3  }
0x12e: {  	[tilespmem:v10+s28+$0x0] =	vst.idx.msk $0xffff, v8  }
0x12f: {  	v46 =	vor.u32 v3, v9;
	v8 =	vld.idx.msk [tilespmem:v45+s23+$0x0], $0xffff  }
0x130: {  	v47 =	vadd.s32 s9, v4;
	_ =	sdelay $0x3  }
0x131: {  	[tilespmem:v46+s28+$0x0] =	vst.idx.msk $0xffff, v8  }
0x132: {  	v48 =	vor.u32 v5, v9;
	v8 =	vld.idx.msk [tilespmem:v47+s23+$0x0], $0xffff  }
0x133: {  	v49 =	vadd.s32 s9, v6;
	_ =	sdelay $0x3  }
0x134: {  	[tilespmem:v48+s28+$0x0] =	vst.idx.msk $0xffff, v8  }
0x135: {  	v9 =	vor.u32 v7, v9;
	v8 =	vld.idx.msk [tilespmem:v49+s23+$0x0], $0xffff;
	_ =	sdelay $0x4  }
0x136: {  	s10 =	smin.u32 s8, $0xF2;
	[tilespmem:v9+s28+$0x0] =	vst.idx.msk $0xffff, v8  }
0x137: {  	v8 =	vld [tilespmem:s10+$0xD];
	_ =	sdelay $0x4  }
0x138: {  	(v2sf) =	vpush v8, $0x0;
	_ =	sdelay $0xe  }
0x139: {  	s10 =	spop (v2sf)  }
0x13a: {  	s9 =	sshrl.u32 s10, $0x7  }
0x13b: {  	s9 =	smin.u32 s9, $0x1E83  }
0x13c: {  	s9 =	sshll.u32 s9, $0x7  }
0x13d: {  	s9 =	sadd.s32 s0, s9  }
0x13e: {  	[tilespmem:s23], [sflag:$0x6] =	stream.strided.gather [hbm4b:s9+s17], $0x2000, s16, s17, $0x38;
	[tilespmem:$0x14500] =	vst v63  }
0x13f: {  	_ =	swait.ge [sflag:s15], $0x2000  }
0x140: {  	[sflag:s15] =	ssyncset.done $0x0  }
0x141: {  	[sflag:s15] =	ssyncadd.s32 $0xFFFFE000  }
0x142: {  	v8 =	vld [tilespmem:s7+$0x2];
	_ =	sdelay $0x4  }
0x143: {  	(v2sf) =	vpush v8, $0x0;
	_ =	sdelay $0xe  }
0x144: {  	s9 =	spop (v2sf)  }
0x145: {  	s10 =	sshrl.u32 s9, $0x7  }
0x146: {  	s10 =	smin.u32 s10, $0x1E83  }
0x147: {  	s10 =	sshll.u32 s10, $0x7  }
0x148: {  	s9 =	ssub.s32 s9, s10  }
0x149: {  	p0 =	slt.s32 s9, $0x7F  }
0x14a: {  	s9 =	simm.s32 @!p0 $0x7F  }
0x14b: {  	s10 =	sadd.s32 $0x6, s8;
	v8 =	vadd.s32 s9, v0  }
0x14c: {  	v50 =	vmov s10  }
0x14d: {  	v51 =	vshll.u32 v50, $0x3  }
0x14e: {  	v9 =	vand.u32 $0x7E, v50;
	v10 =	vand.u32 $0x400, v51  }
0x14f: {  	v9 =	vor.u32 v9, v10  }
0x150: {  	v10 =	vor.u32 v1, v9;
	v8 =	vld.idx.msk [tilespmem:v8+s24+$0x0], $0xffff  }
0x151: {  	v52 =	vadd.s32 s9, v2;
	_ =	sdelay $0x3  }
0x152: {  	[tilespmem:v10+s28+$0x0] =	vst.idx.msk $0xffff, v8  }
0x153: {  	v53 =	vor.u32 v3, v9;
	v8 =	vld.idx.msk [tilespmem:v52+s24+$0x0], $0xffff  }
0x154: {  	v54 =	vadd.s32 s9, v4;
	_ =	sdelay $0x3  }
0x155: {  	[tilespmem:v53+s28+$0x0] =	vst.idx.msk $0xffff, v8  }
0x156: {  	v55 =	vor.u32 v5, v9;
	v8 =	vld.idx.msk [tilespmem:v54+s24+$0x0], $0xffff  }
0x157: {  	v56 =	vadd.s32 s9, v6;
	_ =	sdelay $0x3  }
0x158: {  	[tilespmem:v55+s28+$0x0] =	vst.idx.msk $0xffff, v8  }
0x159: {  	v9 =	vor.u32 v7, v9;
	v8 =	vld.idx.msk [tilespmem:v56+s24+$0x0], $0xffff;
	_ =	sdelay $0x4  }
0x15a: {  	s10 =	smin.u32 s8, $0xF1;
	[tilespmem:v9+s28+$0x0] =	vst.idx.msk $0xffff, v8  }
0x15b: {  	v8 =	vld [tilespmem:s10+$0xE];
	_ =	sdelay $0x4  }
0x15c: {  	(v2sf) =	vpush v8, $0x0;
	_ =	sdelay $0xe  }
0x15d: {  	s10 =	spop (v2sf)  }
0x15e: {  	s9 =	sshrl.u32 s10, $0x7  }
0x15f: {  	s9 =	smin.u32 s9, $0x1E83  }
0x160: {  	s9 =	sshll.u32 s9, $0x7  }
0x161: {  	s9 =	sadd.s32 s0, s9  }
0x162: {  	[tilespmem:s24], [sflag:$0x7] =	stream.strided.gather [hbm4b:s9+s17], $0x2000, s16, s17, $0x38;
	[tilespmem:$0x14500] =	vst v63  }
0x163: {  	_ =	swait.ge [sflag:s4], $0x2000  }
0x164: {  	[sflag:s4] =	ssyncset.done $0x0  }
0x165: {  	[sflag:s4] =	ssyncadd.s32 $0xFFFFE000  }
0x166: {  	v8 =	vld [tilespmem:s7+$0x3];
	_ =	sdelay $0x4  }
0x167: {  	(v2sf) =	vpush v8, $0x0;
	_ =	sdelay $0xe  }
0x168: {  	s9 =	spop (v2sf)  }
0x169: {  	s10 =	sshrl.u32 s9, $0x7  }
0x16a: {  	s10 =	smin.u32 s10, $0x1E83  }
0x16b: {  	s10 =	sshll.u32 s10, $0x7  }
0x16c: {  	s9 =	ssub.s32 s9, s10  }
0x16d: {  	p0 =	slt.s32 s9, $0x7F  }
0x16e: {  	s9 =	simm.s32 @!p0 $0x7F  }
0x16f: {  	s10 =	sadd.s32 $0x7, s8;
	v8 =	vadd.s32 s9, v0  }
0x170: {  	v57 =	vmov s10  }
0x171: {  	v58 =	vshll.u32 v57, $0x3  }
0x172: {  	v9 =	vand.u32 $0x7F, v57;
	v10 =	vand.u32 $0x400, v58  }
0x173: {  	v9 =	vor.u32 v9, v10  }
0x174: {  	v10 =	vor.u32 v1, v9;
	v8 =	vld.idx.msk [tilespmem:v8+s25+$0x0], $0xffff  }
0x175: {  	v59 =	vadd.s32 s9, v2;
	_ =	sdelay $0x3  }
0x176: {  	[tilespmem:v10+s28+$0x0] =	vst.idx.msk $0xffff, v8  }
0x177: {  	v60 =	vor.u32 v3, v9;
	v8 =	vld.idx.msk [tilespmem:v59+s25+$0x0], $0xffff  }
0x178: {  	v61 =	vadd.s32 s9, v4;
	_ =	sdelay $0x3  }
0x179: {  	[tilespmem:v60+s28+$0x0] =	vst.idx.msk $0xffff, v8  }
0x17a: {  	v62 =	vor.u32 v5, v9;
	v8 =	vld.idx.msk [tilespmem:v61+s25+$0x0], $0xffff  }
0x17b: {  	v63 =	vadd.s32 s9, v6;
	_ =	sdelay $0x3  }
0x17c: {  	[tilespmem:v62+s28+$0x0] =	vst.idx.msk $0xffff, v8  }
0x17d: {  	v9 =	vor.u32 v7, v9;
	v8 =	vld.idx.msk [tilespmem:v63+s25+$0x0], $0xffff;
	_ =	sdelay $0x4  }
0x17e: {  	s10 =	smin.u32 s8, $0xF0;
	[tilespmem:v9+s28+$0x0] =	vst.idx.msk $0xffff, v8  }
0x17f: {  	v8 =	vld [tilespmem:s10+$0xF];
	_ =	sdelay $0x4  }
0x180: {  	(v2sf) =	vpush v8, $0x0;
	_ =	sdelay $0xe  }
0x181: {  	p0 =	sne.s32 s8, $0xF8;
	s10 =	spop (v2sf)  }
.Ltmp0:
0x182: {  	s9 =	sshrl.u32 s10, $0x7;
	(pc) =	sbr.rel @p0 .LBB2_2-.Ltmp0, $4  }
0x183: {  	s9 =	smin.u32 s9, $0x1E83  }
0x184: {  	s9 =	sshll.u32 s9, $0x7  }
0x185: {  	s7 =	sadd.s32 $0x8, s7;
	s8 =	sadd.s32 $0x8, s8;
	s9 =	sadd.s32 s0, s9  }
0x186: {  	[tilespmem:s25], [sflag:$0x8] =	stream.strided.gather [hbm4b:s9+s17], $0x2000, s16, s17, $0x38;
	[tilespmem:$0x14500] =	vst v63  }
0x187: {  	_ =	swait.ge [sflag:s26], $0x2000  }
0x188: {  	[sflag:s26] =	ssyncset.done $0x0  }
0x189: {  	[sflag:s26] =	ssyncadd.s32 $0xFFFFE000  }
0x18a: {  	_ =	swait.ge [sflag:s29], $0x2000  }
0x18b: {  	[sflag:s29] =	ssyncset.done $0x0  }
0x18c: {  	[sflag:s29] =	ssyncadd.s32 $0xFFFFE000  }
0x18d: {  	_ =	swait.ge [sflag:s30], $0x2000  }
0x18e: {  	[sflag:s30] =	ssyncset.done $0x0  }
0x18f: {  	[sflag:s30] =	ssyncadd.s32 $0xFFFFE000  }
0x190: {  	_ =	swait.ge [sflag:s31], $0x2000  }
0x191: {  	[sflag:s31] =	ssyncset.done $0x0  }
0x192: {  	[sflag:s31] =	ssyncadd.s32 $0xFFFFE000  }
0x193: {  	_ =	swait.ge [sflag:s3], $0x2000  }
0x194: {  	[sflag:s3] =	ssyncset.done $0x0  }
0x195: {  	[sflag:s3] =	ssyncadd.s32 $0xFFFFE000  }
0x196: {  	_ =	swait.ge [sflag:s2], $0x2000  }
0x197: {  	[sflag:s2] =	ssyncset.done $0x0  }
0x198: {  	[sflag:s2] =	ssyncadd.s32 $0xFFFFE000  }
0x199: {  	_ =	swait.ge [sflag:s15], $0x2000  }
0x19a: {  	[sflag:s15] =	ssyncset.done $0x0  }
0x19b: {  	[sflag:s15] =	ssyncadd.s32 $0xFFFFE000  }
0x19c: {  	_ =	swait.ge [sflag:s4], $0x2000  }
0x19d: {  	[sflag:s4] =	ssyncset.done $0x0  }
0x19e: {  	s7 =	rddreg [dreg:$0x7];
	[sflag:s4] =	ssyncadd.s32 $0xFFFFE000  }
0x19f: {  	[hbm4b:s7+s12] =	stream.strided.scatter [tilespmem:s28], [sflag:$0x9], $0x4000, s14, s12, $0x38;
	[tilespmem:$0x14500] =	vst v63  }
0x1a0: {  	_ =	swait.ge [sflag:s13], $0x4000  }
0x1a1: {  	[sflag:s13] =	ssyncset.done $0x0  }
0x1a2: {  	[sflag:s13] =	ssyncadd.s32 $0xFFFFC000  }
0x1a3: {  	v8 =	vld [tilespmem:$0x100];
	_ =	sdelay $0x4  }
0x1a4: {  	(v2sf) =	vpush v8, $0x0;
	_ =	sdelay $0xe  }
0x1a5: {  	s9 =	spop (v2sf)  }
0x1a6: {  	s7 =	sshrl.u32 s9, $0x7  }
0x1a7: {  	s7 =	smin.u32 s7, $0x1E83  }
0x1a8: {  	s7 =	sshll.u32 s7, $0x7  }
0x1a9: {  	s7 =	sadd.s32 s0, s7  }
0x1aa: {  	[tilespmem:s18], [sflag:$0x1] =	stream.strided.gather [hbm4b:s7+s17], $0x2000, s16, s17, $0x38;
	[tilespmem:$0x14500] =	vst v63  }
0x1ab: {  	v8 =	vld [tilespmem:$0x101];
	_ =	sdelay $0x4  }
0x1ac: {  	(v2sf) =	vpush v8, $0x0;
	_ =	sdelay $0xe  }
0x1ad: {  	s10 =	spop (v2sf)  }
0x1ae: {  	s7 =	sshrl.u32 s10, $0x7  }
0x1af: {  	s7 =	smin.u32 s7, $0x1E83  }
0x1b0: {  	s7 =	sshll.u32 s7, $0x7  }
0x1b1: {  	s7 =	sadd.s32 s0, s7  }
0x1b2: {  	[tilespmem:s19], [sflag:$0x2] =	stream.strided.gather [hbm4b:s7+s17], $0x2000, s16, s17, $0x38;
	[tilespmem:$0x14500] =	vst v63  }
0x1b3: {  	v8 =	vld [tilespmem:$0x102];
	_ =	sdelay $0x4  }
0x1b4: {  	(v2sf) =	vpush v8, $0x0;
	_ =	sdelay $0xe  }
0x1b5: {  	s8 =	spop (v2sf)  }
0x1b6: {  	s7 =	sshrl.u32 s8, $0x7  }
0x1b7: {  	s7 =	smin.u32 s7, $0x1E83  }
0x1b8: {  	s7 =	sshll.u32 s7, $0x7  }
0x1b9: {  	s7 =	sadd.s32 s0, s7  }
0x1ba: {  	[tilespmem:s20], [sflag:$0x3] =	stream.strided.gather [hbm4b:s7+s17], $0x2000, s16, s17, $0x38;
	[tilespmem:$0x14500] =	vst v63  }
0x1bb: {  	v8 =	vld [tilespmem:$0x103];
	_ =	sdelay $0x4  }
0x1bc: {  	(v2sf) =	vpush v8, $0x0;
	_ =	sdelay $0xe  }
0x1bd: {  	s9 =	spop (v2sf)  }
0x1be: {  	s7 =	sshrl.u32 s9, $0x7  }
0x1bf: {  	s7 =	smin.u32 s7, $0x1E83  }
0x1c0: {  	s7 =	sshll.u32 s7, $0x7  }
0x1c1: {  	s7 =	sadd.s32 s0, s7  }
0x1c2: {  	[tilespmem:s21], [sflag:$0x4] =	stream.strided.gather [hbm4b:s7+s17], $0x2000, s16, s17, $0x38;
	[tilespmem:$0x14500] =	vst v63  }
0x1c3: {  	v8 =	vld [tilespmem:$0x104];
	_ =	sdelay $0x4  }
0x1c4: {  	(v2sf) =	vpush v8, $0x0;
	_ =	sdelay $0xe  }
0x1c5: {  	s10 =	spop (v2sf)  }
0x1c6: {  	s7 =	sshrl.u32 s10, $0x7  }
0x1c7: {  	s7 =	smin.u32 s7, $0x1E83  }
0x1c8: {  	s7 =	sshll.u32 s7, $0x7  }
0x1c9: {  	s7 =	sadd.s32 s0, s7  }
0x1ca: {  	[tilespmem:s22], [sflag:$0x5] =	stream.strided.gather [hbm4b:s7+s17], $0x2000, s16, s17, $0x38;
	[tilespmem:$0x14500] =	vst v63  }
0x1cb: {  	v8 =	vld [tilespmem:$0x105];
	_ =	sdelay $0x4  }
0x1cc: {  	(v2sf) =	vpush v8, $0x0;
	_ =	sdelay $0xe  }
0x1cd: {  	s8 =	spop (v2sf)  }
0x1ce: {  	s7 =	sshrl.u32 s8, $0x7  }
0x1cf: {  	s7 =	smin.u32 s7, $0x1E83  }
0x1d0: {  	s7 =	sshll.u32 s7, $0x7  }
0x1d1: {  	s7 =	sadd.s32 s0, s7  }
0x1d2: {  	[tilespmem:s23], [sflag:$0x6] =	stream.strided.gather [hbm4b:s7+s17], $0x2000, s16, s17, $0x38;
	[tilespmem:$0x14500] =	vst v63  }
0x1d3: {  	v8 =	vld [tilespmem:$0x106];
	_ =	sdelay $0x4  }
0x1d4: {  	(v2sf) =	vpush v8, $0x0;
	_ =	sdelay $0xe  }
0x1d5: {  	s9 =	spop (v2sf)  }
0x1d6: {  	s7 =	sshrl.u32 s9, $0x7  }
0x1d7: {  	s7 =	smin.u32 s7, $0x1E83  }
0x1d8: {  	s7 =	sshll.u32 s7, $0x7  }
0x1d9: {  	s7 =	sadd.s32 s0, s7  }
0x1da: {  	[tilespmem:s24], [sflag:$0x7] =	stream.strided.gather [hbm4b:s7+s17], $0x2000, s16, s17, $0x38;
	[tilespmem:$0x14500] =	vst v63  }
0x1db: {  	v8 =	vld [tilespmem:$0x107];
	_ =	sdelay $0x4  }
0x1dc: {  	(v2sf) =	vpush v8, $0x0;
	_ =	sdelay $0xe  }
0x1dd: {  	s10 =	spop (v2sf)  }
0x1de: {  	s7 =	sshrl.u32 s10, $0x7  }
0x1df: {  	s7 =	smin.u32 s7, $0x1E83  }
0x1e0: {  	s7 =	sshll.u32 s7, $0x7  }
0x1e1: {  	s7 =	sadd.s32 s0, s7  }
0x1e2: {  	[tilespmem:s25], [sflag:$0x8] =	stream.strided.gather [hbm4b:s7+s17], $0x2000, s16, s17, $0x38;
	[tilespmem:$0x14500] =	vst v63  }
0x1e3: {  	s8 =	simm.s32 $0x107;
	s7 =	simm.s32 $0x0  }
.LBB2_4:
0x1e4: {  	_ =	swait.ge [sflag:s26], $0x2000  }
0x1e5: {  	[sflag:s26] =	ssyncset.done $0x0  }
0x1e6: {  	s9 =	sand.u32 $0xF8, s7;
	[sflag:s26] =	ssyncadd.s32 $0xFFFFE000  }
0x1e7: {  	v8 =	vld [tilespmem:s9+$0x100];
	_ =	sdelay $0x4  }
0x1e8: {  	(v2sf) =	vpush v8, $0x0;
	_ =	sdelay $0xe  }
0x1e9: {  	s9 =	spop (v2sf)  }
0x1ea: {  	s10 =	sshrl.u32 s9, $0x7  }
0x1eb: {  	s10 =	smin.u32 s10, $0x1E83  }
0x1ec: {  	s10 =	sshll.u32 s10, $0x7  }
0x1ed: {  	s9 =	ssub.s32 s9, s10  }
0x1ee: {  	p0 =	slt.s32 s9, $0x7F  }
0x1ef: {  	s9 =	simm.s32 @!p0 $0x7F  }
0x1f0: {  	v8 =	vadd.s32 s9, v0  }
0x1f1: {  	v9 =	vmov s7  }
0x1f2: {  	v10 =	vshll.u32 v9, $0x3  }
0x1f3: {  	v9 =	vand.u32 $0x78, v9;
	v10 =	vand.u32 $0x400, v10  }
0x1f4: {  	v9 =	vor.u32 v9, v10  }
0x1f5: {  	v10 =	vor.u32 v1, v9;
	v8 =	vld.idx.msk [tilespmem:v8+s18+$0x0], $0xffff  }
0x1f6: {  	v11 =	vadd.s32 s9, v2;
	_ =	sdelay $0x3  }
0x1f7: {  	[tilespmem:v10+s28+$0x0] =	vst.idx.msk $0xffff, v8  }
0x1f8: {  	v63 =	vor.u32 v3, v9;
	v8 =	vld.idx.msk [tilespmem:v11+s18+$0x0], $0xffff  }
0x1f9: {  	v12 =	vadd.s32 s9, v4;
	_ =	sdelay $0x3  }
0x1fa: {  	[tilespmem:v63+s28+$0x0] =	vst.idx.msk $0xffff, v8  }
0x1fb: {  	v13 =	vor.u32 v5, v9;
	v8 =	vld.idx.msk [tilespmem:v12+s18+$0x0], $0xffff  }
0x1fc: {  	v14 =	vadd.s32 s9, v6;
	_ =	sdelay $0x3  }
0x1fd: {  	[tilespmem:v13+s28+$0x0] =	vst.idx.msk $0xffff, v8  }
0x1fe: {  	v9 =	vor.u32 v7, v9;
	v8 =	vld.idx.msk [tilespmem:v14+s18+$0x0], $0xffff;
	_ =	sdelay $0x4  }
0x1ff: {  	s10 =	smin.u32 s7, $0xF7;
	[tilespmem:v9+s28+$0x0] =	vst.idx.msk $0xffff, v8  }
0x200: {  	v8 =	vld [tilespmem:s10+$0x108];
	_ =	sdelay $0x4  }
0x201: {  	(v2sf) =	vpush v8, $0x0;
	_ =	sdelay $0xe  }
0x202: {  	s10 =	spop (v2sf)  }
0x203: {  	s9 =	sshrl.u32 s10, $0x7  }
0x204: {  	s9 =	smin.u32 s9, $0x1E83  }
0x205: {  	s9 =	sshll.u32 s9, $0x7  }
0x206: {  	s9 =	sadd.s32 s0, s9  }
0x207: {  	[tilespmem:s18], [sflag:$0x1] =	stream.strided.gather [hbm4b:s9+s17], $0x2000, s16, s17, $0x38;
	[tilespmem:$0x14500] =	vst v63  }
0x208: {  	_ =	swait.ge [sflag:s29], $0x2000  }
0x209: {  	[sflag:s29] =	ssyncset.done $0x0  }
0x20a: {  	[sflag:s29] =	ssyncadd.s32 $0xFFFFE000  }
0x20b: {  	v8 =	vld [tilespmem:s8+$0xFFFFFFFA];
	_ =	sdelay $0x4  }
0x20c: {  	(v2sf) =	vpush v8, $0x0;
	_ =	sdelay $0xe  }
0x20d: {  	s9 =	spop (v2sf)  }
0x20e: {  	s10 =	sshrl.u32 s9, $0x7  }
0x20f: {  	s10 =	smin.u32 s10, $0x1E83  }
0x210: {  	s10 =	sshll.u32 s10, $0x7  }
0x211: {  	s9 =	ssub.s32 s9, s10  }
0x212: {  	p0 =	slt.s32 s9, $0x7F  }
0x213: {  	s9 =	simm.s32 @!p0 $0x7F  }
0x214: {  	s10 =	sadd.s32 $0x1, s7;
	v8 =	vadd.s32 s9, v0  }
0x215: {  	v15 =	vmov s10  }
0x216: {  	v16 =	vshll.u32 v15, $0x3  }
0x217: {  	v9 =	vand.u32 $0x79, v15;
	v10 =	vand.u32 $0x400, v16  }
0x218: {  	v9 =	vor.u32 v9, v10  }
0x219: {  	v10 =	vor.u32 v1, v9;
	v8 =	vld.idx.msk [tilespmem:v8+s19+$0x0], $0xffff  }
0x21a: {  	v17 =	vadd.s32 s9, v2;
	_ =	sdelay $0x3  }
0x21b: {  	[tilespmem:v10+s28+$0x0] =	vst.idx.msk $0xffff, v8  }
0x21c: {  	v18 =	vor.u32 v3, v9;
	v8 =	vld.idx.msk [tilespmem:v17+s19+$0x0], $0xffff  }
0x21d: {  	v19 =	vadd.s32 s9, v4;
	_ =	sdelay $0x3  }
0x21e: {  	[tilespmem:v18+s28+$0x0] =	vst.idx.msk $0xffff, v8  }
0x21f: {  	v20 =	vor.u32 v5, v9;
	v8 =	vld.idx.msk [tilespmem:v19+s19+$0x0], $0xffff  }
0x220: {  	v21 =	vadd.s32 s9, v6;
	_ =	sdelay $0x3  }
0x221: {  	[tilespmem:v20+s28+$0x0] =	vst.idx.msk $0xffff, v8  }
0x222: {  	v9 =	vor.u32 v7, v9;
	v8 =	vld.idx.msk [tilespmem:v21+s19+$0x0], $0xffff;
	_ =	sdelay $0x4  }
0x223: {  	s10 =	smin.u32 s7, $0xF6;
	[tilespmem:v9+s28+$0x0] =	vst.idx.msk $0xffff, v8  }
0x224: {  	v8 =	vld [tilespmem:s10+$0x109];
	_ =	sdelay $0x4  }
0x225: {  	(v2sf) =	vpush v8, $0x0;
	_ =	sdelay $0xe  }
0x226: {  	s10 =	spop (v2sf)  }
0x227: {  	s9 =	sshrl.u32 s10, $0x7  }
0x228: {  	s9 =	smin.u32 s9, $0x1E83  }
0x229: {  	s9 =	sshll.u32 s9, $0x7  }
0x22a: {  	s9 =	sadd.s32 s0, s9  }
0x22b: {  	[tilespmem:s19], [sflag:$0x2] =	stream.strided.gather [hbm4b:s9+s17], $0x2000, s16, s17, $0x38;
	[tilespmem:$0x14500] =	vst v63  }
0x22c: {  	_ =	swait.ge [sflag:s30], $0x2000  }
0x22d: {  	[sflag:s30] =	ssyncset.done $0x0  }
0x22e: {  	[sflag:s30] =	ssyncadd.s32 $0xFFFFE000  }
0x22f: {  	v8 =	vld [tilespmem:s8+$0xFFFFFFFB];
	_ =	sdelay $0x4  }
0x230: {  	(v2sf) =	vpush v8, $0x0;
	_ =	sdelay $0xe  }
0x231: {  	s9 =	spop (v2sf)  }
0x232: {  	s10 =	sshrl.u32 s9, $0x7  }
0x233: {  	s10 =	smin.u32 s10, $0x1E83  }
0x234: {  	s10 =	sshll.u32 s10, $0x7  }
0x235: {  	s9 =	ssub.s32 s9, s10  }
0x236: {  	p0 =	slt.s32 s9, $0x7F  }
0x237: {  	s9 =	simm.s32 @!p0 $0x7F  }
0x238: {  	s10 =	sadd.s32 $0x2, s7;
	v8 =	vadd.s32 s9, v0  }
0x239: {  	v22 =	vmov s10  }
0x23a: {  	v23 =	vshll.u32 v22, $0x3  }
0x23b: {  	v9 =	vand.u32 $0x7A, v22;
	v10 =	vand.u32 $0x400, v23  }
0x23c: {  	v9 =	vor.u32 v9, v10  }
0x23d: {  	v10 =	vor.u32 v1, v9;
	v8 =	vld.idx.msk [tilespmem:v8+s20+$0x0], $0xffff  }
0x23e: {  	v24 =	vadd.s32 s9, v2;
	_ =	sdelay $0x3  }
0x23f: {  	[tilespmem:v10+s28+$0x0] =	vst.idx.msk $0xffff, v8  }
0x240: {  	v25 =	vor.u32 v3, v9;
	v8 =	vld.idx.msk [tilespmem:v24+s20+$0x0], $0xffff  }
0x241: {  	v26 =	vadd.s32 s9, v4;
	_ =	sdelay $0x3  }
0x242: {  	[tilespmem:v25+s28+$0x0] =	vst.idx.msk $0xffff, v8  }
0x243: {  	v27 =	vor.u32 v5, v9;
	v8 =	vld.idx.msk [tilespmem:v26+s20+$0x0], $0xffff  }
0x244: {  	v28 =	vadd.s32 s9, v6;
	_ =	sdelay $0x3  }
0x245: {  	[tilespmem:v27+s28+$0x0] =	vst.idx.msk $0xffff, v8  }
0x246: {  	v9 =	vor.u32 v7, v9;
	v8 =	vld.idx.msk [tilespmem:v28+s20+$0x0], $0xffff;
	_ =	sdelay $0x4  }
0x247: {  	s10 =	smin.u32 s7, $0xF5;
	[tilespmem:v9+s28+$0x0] =	vst.idx.msk $0xffff, v8  }
0x248: {  	v8 =	vld [tilespmem:s10+$0x10A];
	_ =	sdelay $0x4  }
0x249: {  	(v2sf) =	vpush v8, $0x0;
	_ =	sdelay $0xe  }
0x24a: {  	s10 =	spop (v2sf)  }
0x24b: {  	s9 =	sshrl.u32 s10, $0x7  }
0x24c: {  	s9 =	smin.u32 s9, $0x1E83  }
0x24d: {  	s9 =	sshll.u32 s9, $0x7  }
0x24e: {  	s9 =	sadd.s32 s0, s9  }
0x24f: {  	[tilespmem:s20], [sflag:$0x3] =	stream.strided.gather [hbm4b:s9+s17], $0x2000, s16, s17, $0x38;
	[tilespmem:$0x14500] =	vst v63  }
0x250: {  	_ =	swait.ge [sflag:s31], $0x2000  }
0x251: {  	[sflag:s31] =	ssyncset.done $0x0  }
0x252: {  	[sflag:s31] =	ssyncadd.s32 $0xFFFFE000  }
0x253: {  	v8 =	vld [tilespmem:s8+$0xFFFFFFFC];
	_ =	sdelay $0x4  }
0x254: {  	(v2sf) =	vpush v8, $0x0;
	_ =	sdelay $0xe  }
0x255: {  	s9 =	spop (v2sf)  }
0x256: {  	s10 =	sshrl.u32 s9, $0x7  }
0x257: {  	s10 =	smin.u32 s10, $0x1E83  }
0x258: {  	s10 =	sshll.u32 s10, $0x7  }
0x259: {  	s9 =	ssub.s32 s9, s10  }
0x25a: {  	p0 =	slt.s32 s9, $0x7F  }
0x25b: {  	s9 =	simm.s32 @!p0 $0x7F  }
0x25c: {  	s10 =	sadd.s32 $0x3, s7;
	v8 =	vadd.s32 s9, v0  }
0x25d: {  	v29 =	vmov s10  }
0x25e: {  	v30 =	vshll.u32 v29, $0x3  }
0x25f: {  	v9 =	vand.u32 $0x7B, v29;
	v10 =	vand.u32 $0x400, v30  }
0x260: {  	v9 =	vor.u32 v9, v10  }
0x261: {  	v10 =	vor.u32 v1, v9;
	v8 =	vld.idx.msk [tilespmem:v8+s21+$0x0], $0xffff  }
0x262: {  	v31 =	vadd.s32 s9, v2;
	_ =	sdelay $0x3  }
0x263: {  	[tilespmem:v10+s28+$0x0] =	vst.idx.msk $0xffff, v8  }
0x264: {  	v32 =	vor.u32 v3, v9;
	v8 =	vld.idx.msk [tilespmem:v31+s21+$0x0], $0xffff  }
0x265: {  	v33 =	vadd.s32 s9, v4;
	_ =	sdelay $0x3  }
0x266: {  	[tilespmem:v32+s28+$0x0] =	vst.idx.msk $0xffff, v8  }
0x267: {  	v34 =	vor.u32 v5, v9;
	v8 =	vld.idx.msk [tilespmem:v33+s21+$0x0], $0xffff  }
0x268: {  	v35 =	vadd.s32 s9, v6;
	_ =	sdelay $0x3  }
0x269: {  	[tilespmem:v34+s28+$0x0] =	vst.idx.msk $0xffff, v8  }
0x26a: {  	v9 =	vor.u32 v7, v9;
	v8 =	vld.idx.msk [tilespmem:v35+s21+$0x0], $0xffff;
	_ =	sdelay $0x4  }
0x26b: {  	s10 =	smin.u32 s7, $0xF4;
	[tilespmem:v9+s28+$0x0] =	vst.idx.msk $0xffff, v8  }
0x26c: {  	v8 =	vld [tilespmem:s10+$0x10B];
	_ =	sdelay $0x4  }
0x26d: {  	(v2sf) =	vpush v8, $0x0;
	_ =	sdelay $0xe  }
0x26e: {  	s10 =	spop (v2sf)  }
0x26f: {  	s9 =	sshrl.u32 s10, $0x7  }
0x270: {  	s9 =	smin.u32 s9, $0x1E83  }
0x271: {  	s9 =	sshll.u32 s9, $0x7  }
0x272: {  	s9 =	sadd.s32 s0, s9  }
0x273: {  	[tilespmem:s21], [sflag:$0x4] =	stream.strided.gather [hbm4b:s9+s17], $0x2000, s16, s17, $0x38;
	[tilespmem:$0x14500] =	vst v63  }
0x274: {  	_ =	swait.ge [sflag:s3], $0x2000  }
0x275: {  	[sflag:s3] =	ssyncset.done $0x0  }
0x276: {  	[sflag:s3] =	ssyncadd.s32 $0xFFFFE000  }
0x277: {  	v8 =	vld [tilespmem:s8+$0xFFFFFFFD];
	_ =	sdelay $0x4  }
0x278: {  	(v2sf) =	vpush v8, $0x0;
	_ =	sdelay $0xe  }
0x279: {  	s9 =	spop (v2sf)  }
0x27a: {  	s10 =	sshrl.u32 s9, $0x7  }
0x27b: {  	s10 =	smin.u32 s10, $0x1E83  }
0x27c: {  	s10 =	sshll.u32 s10, $0x7  }
0x27d: {  	s9 =	ssub.s32 s9, s10  }
0x27e: {  	p0 =	slt.s32 s9, $0x7F  }
0x27f: {  	s9 =	simm.s32 @!p0 $0x7F  }
0x280: {  	s10 =	sadd.s32 $0x4, s7;
	v8 =	vadd.s32 s9, v0  }
0x281: {  	v36 =	vmov s10  }
0x282: {  	v37 =	vshll.u32 v36, $0x3  }
0x283: {  	v9 =	vand.u32 $0x7C, v36;
	v10 =	vand.u32 $0x400, v37  }
0x284: {  	v9 =	vor.u32 v9, v10  }
0x285: {  	v10 =	vor.u32 v1, v9;
	v8 =	vld.idx.msk [tilespmem:v8+s22+$0x0], $0xffff  }
0x286: {  	v38 =	vadd.s32 s9, v2;
	_ =	sdelay $0x3  }
0x287: {  	[tilespmem:v10+s28+$0x0] =	vst.idx.msk $0xffff, v8  }
0x288: {  	v39 =	vor.u32 v3, v9;
	v8 =	vld.idx.msk [tilespmem:v38+s22+$0x0], $0xffff  }
0x289: {  	v40 =	vadd.s32 s9, v4;
	_ =	sdelay $0x3  }
0x28a: {  	[tilespmem:v39+s28+$0x0] =	vst.idx.msk $0xffff, v8  }
0x28b: {  	v41 =	vor.u32 v5, v9;
	v8 =	vld.idx.msk [tilespmem:v40+s22+$0x0], $0xffff  }
0x28c: {  	v42 =	vadd.s32 s9, v6;
	_ =	sdelay $0x3  }
0x28d: {  	[tilespmem:v41+s28+$0x0] =	vst.idx.msk $0xffff, v8  }
0x28e: {  	v9 =	vor.u32 v7, v9;
	v8 =	vld.idx.msk [tilespmem:v42+s22+$0x0], $0xffff;
	_ =	sdelay $0x4  }
0x28f: {  	s10 =	smin.u32 s7, $0xF3;
	[tilespmem:v9+s28+$0x0] =	vst.idx.msk $0xffff, v8  }
0x290: {  	v8 =	vld [tilespmem:s10+$0x10C];
	_ =	sdelay $0x4  }
0x291: {  	(v2sf) =	vpush v8, $0x0;
	_ =	sdelay $0xe  }
0x292: {  	s10 =	spop (v2sf)  }
0x293: {  	s9 =	sshrl.u32 s10, $0x7  }
0x294: {  	s9 =	smin.u32 s9, $0x1E83  }
0x295: {  	s9 =	sshll.u32 s9, $0x7  }
0x296: {  	s9 =	sadd.s32 s0, s9  }
0x297: {  	[tilespmem:s22], [sflag:$0x5] =	stream.strided.gather [hbm4b:s9+s17], $0x2000, s16, s17, $0x38;
	[tilespmem:$0x14500] =	vst v63  }
0x298: {  	_ =	swait.ge [sflag:s2], $0x2000  }
0x299: {  	[sflag:s2] =	ssyncset.done $0x0  }
0x29a: {  	[sflag:s2] =	ssyncadd.s32 $0xFFFFE000  }
0x29b: {  	v8 =	vld [tilespmem:s8+$0xFFFFFFFE];
	_ =	sdelay $0x4  }
0x29c: {  	(v2sf) =	vpush v8, $0x0;
	_ =	sdelay $0xe  }
0x29d: {  	s9 =	spop (v2sf)  }
0x29e: {  	s10 =	sshrl.u32 s9, $0x7  }
0x29f: {  	s10 =	smin.u32 s10, $0x1E83  }
0x2a0: {  	s10 =	sshll.u32 s10, $0x7  }
0x2a1: {  	s9 =	ssub.s32 s9, s10  }
0x2a2: {  	p0 =	slt.s32 s9, $0x7F  }
0x2a3: {  	s9 =	simm.s32 @!p0 $0x7F  }
0x2a4: {  	s10 =	sadd.s32 $0x5, s7;
	v8 =	vadd.s32 s9, v0  }
0x2a5: {  	v43 =	vmov s10  }
0x2a6: {  	v44 =	vshll.u32 v43, $0x3  }
0x2a7: {  	v9 =	vand.u32 $0x7D, v43;
	v10 =	vand.u32 $0x400, v44  }
0x2a8: {  	v9 =	vor.u32 v9, v10  }
0x2a9: {  	v10 =	vor.u32 v1, v9;
	v8 =	vld.idx.msk [tilespmem:v8+s23+$0x0], $0xffff  }
0x2aa: {  	v45 =	vadd.s32 s9, v2;
	_ =	sdelay $0x3  }
0x2ab: {  	[tilespmem:v10+s28+$0x0] =	vst.idx.msk $0xffff, v8  }
0x2ac: {  	v46 =	vor.u32 v3, v9;
	v8 =	vld.idx.msk [tilespmem:v45+s23+$0x0], $0xffff  }
0x2ad: {  	v47 =	vadd.s32 s9, v4;
	_ =	sdelay $0x3  }
0x2ae: {  	[tilespmem:v46+s28+$0x0] =	vst.idx.msk $0xffff, v8  }
0x2af: {  	v48 =	vor.u32 v5, v9;
	v8 =	vld.idx.msk [tilespmem:v47+s23+$0x0], $0xffff  }
0x2b0: {  	v49 =	vadd.s32 s9, v6;
	_ =	sdelay $0x3  }
0x2b1: {  	[tilespmem:v48+s28+$0x0] =	vst.idx.msk $0xffff, v8  }
0x2b2: {  	v9 =	vor.u32 v7, v9;
	v8 =	vld.idx.msk [tilespmem:v49+s23+$0x0], $0xffff;
	_ =	sdelay $0x4  }
0x2b3: {  	s10 =	smin.u32 s7, $0xF2;
	[tilespmem:v9+s28+$0x0] =	vst.idx.msk $0xffff, v8  }
0x2b4: {  	v8 =	vld [tilespmem:s10+$0x10D];
	_ =	sdelay $0x4  }
0x2b5: {  	(v2sf) =	vpush v8, $0x0;
	_ =	sdelay $0xe  }
0x2b6: {  	s10 =	spop (v2sf)  }
0x2b7: {  	s9 =	sshrl.u32 s10, $0x7  }
0x2b8: {  	s9 =	smin.u32 s9, $0x1E83  }
0x2b9: {  	s9 =	sshll.u32 s9, $0x7  }
0x2ba: {  	s9 =	sadd.s32 s0, s9  }
0x2bb: {  	[tilespmem:s23], [sflag:$0x6] =	stream.strided.gather [hbm4b:s9+s17], $0x2000, s16, s17, $0x38;
	[tilespmem:$0x14500] =	vst v63  }
0x2bc: {  	_ =	swait.ge [sflag:s15], $0x2000  }
0x2bd: {  	[sflag:s15] =	ssyncset.done $0x0  }
0x2be: {  	[sflag:s15] =	ssyncadd.s32 $0xFFFFE000  }
0x2bf: {  	v8 =	vld [tilespmem:s8+$0xFFFFFFFF];
	_ =	sdelay $0x4  }
0x2c0: {  	(v2sf) =	vpush v8, $0x0;
	_ =	sdelay $0xe  }
0x2c1: {  	s9 =	spop (v2sf)  }
0x2c2: {  	s10 =	sshrl.u32 s9, $0x7  }
0x2c3: {  	s10 =	smin.u32 s10, $0x1E83  }
0x2c4: {  	s10 =	sshll.u32 s10, $0x7  }
0x2c5: {  	s9 =	ssub.s32 s9, s10  }
0x2c6: {  	p0 =	slt.s32 s9, $0x7F  }
0x2c7: {  	s9 =	simm.s32 @!p0 $0x7F  }
0x2c8: {  	s10 =	sadd.s32 $0x6, s7;
	v8 =	vadd.s32 s9, v0  }
0x2c9: {  	v50 =	vmov s10  }
0x2ca: {  	v51 =	vshll.u32 v50, $0x3  }
0x2cb: {  	v9 =	vand.u32 $0x7E, v50;
	v10 =	vand.u32 $0x400, v51  }
0x2cc: {  	v9 =	vor.u32 v9, v10  }
0x2cd: {  	v10 =	vor.u32 v1, v9;
	v8 =	vld.idx.msk [tilespmem:v8+s24+$0x0], $0xffff  }
0x2ce: {  	v52 =	vadd.s32 s9, v2;
	_ =	sdelay $0x3  }
0x2cf: {  	[tilespmem:v10+s28+$0x0] =	vst.idx.msk $0xffff, v8  }
0x2d0: {  	v53 =	vor.u32 v3, v9;
	v8 =	vld.idx.msk [tilespmem:v52+s24+$0x0], $0xffff  }
0x2d1: {  	v54 =	vadd.s32 s9, v4;
	_ =	sdelay $0x3  }
0x2d2: {  	[tilespmem:v53+s28+$0x0] =	vst.idx.msk $0xffff, v8  }
0x2d3: {  	v55 =	vor.u32 v5, v9;
	v8 =	vld.idx.msk [tilespmem:v54+s24+$0x0], $0xffff  }
0x2d4: {  	v56 =	vadd.s32 s9, v6;
	_ =	sdelay $0x3  }
0x2d5: {  	[tilespmem:v55+s28+$0x0] =	vst.idx.msk $0xffff, v8  }
0x2d6: {  	v9 =	vor.u32 v7, v9;
	v8 =	vld.idx.msk [tilespmem:v56+s24+$0x0], $0xffff;
	_ =	sdelay $0x4  }
0x2d7: {  	s10 =	smin.u32 s7, $0xF1;
	[tilespmem:v9+s28+$0x0] =	vst.idx.msk $0xffff, v8  }
0x2d8: {  	v8 =	vld [tilespmem:s10+$0x10E];
	_ =	sdelay $0x4  }
0x2d9: {  	(v2sf) =	vpush v8, $0x0;
	_ =	sdelay $0xe  }
0x2da: {  	s10 =	spop (v2sf)  }
0x2db: {  	s9 =	sshrl.u32 s10, $0x7  }
0x2dc: {  	s9 =	smin.u32 s9, $0x1E83  }
0x2dd: {  	s9 =	sshll.u32 s9, $0x7  }
0x2de: {  	s9 =	sadd.s32 s0, s9  }
0x2df: {  	[tilespmem:s24], [sflag:$0x7] =	stream.strided.gather [hbm4b:s9+s17], $0x2000, s16, s17, $0x38;
	[tilespmem:$0x14500] =	vst v63  }
0x2e0: {  	_ =	swait.ge [sflag:s4], $0x2000  }
0x2e1: {  	[sflag:s4] =	ssyncset.done $0x0  }
0x2e2: {  	[sflag:s4] =	ssyncadd.s32 $0xFFFFE000  }
0x2e3: {  	v8 =	vld [tilespmem:s8+$0x0];
	_ =	sdelay $0x4  }
0x2e4: {  	(v2sf) =	vpush v8, $0x0;
	_ =	sdelay $0xe  }
0x2e5: {  	s9 =	spop (v2sf)  }
0x2e6: {  	s10 =	sshrl.u32 s9, $0x7  }
0x2e7: {  	s10 =	smin.u32 s10, $0x1E83  }
0x2e8: {  	s10 =	sshll.u32 s10, $0x7  }
0x2e9: {  	s9 =	ssub.s32 s9, s10  }
0x2ea: {  	p0 =	slt.s32 s9, $0x7F  }
0x2eb: {  	s9 =	simm.s32 @!p0 $0x7F  }
0x2ec: {  	s10 =	sadd.s32 $0x7, s7;
	v8 =	vadd.s32 s9, v0  }
0x2ed: {  	v57 =	vmov s10  }
0x2ee: {  	v58 =	vshll.u32 v57, $0x3  }
0x2ef: {  	v9 =	vand.u32 $0x7F, v57;
	v10 =	vand.u32 $0x400, v58  }
0x2f0: {  	v9 =	vor.u32 v9, v10  }
0x2f1: {  	v10 =	vor.u32 v1, v9;
	v8 =	vld.idx.msk [tilespmem:v8+s25+$0x0], $0xffff  }
0x2f2: {  	v59 =	vadd.s32 s9, v2;
	_ =	sdelay $0x3  }
0x2f3: {  	[tilespmem:v10+s28+$0x0] =	vst.idx.msk $0xffff, v8  }
0x2f4: {  	v60 =	vor.u32 v3, v9;
	v8 =	vld.idx.msk [tilespmem:v59+s25+$0x0], $0xffff  }
0x2f5: {  	v61 =	vadd.s32 s9, v4;
	_ =	sdelay $0x3  }
0x2f6: {  	[tilespmem:v60+s28+$0x0] =	vst.idx.msk $0xffff, v8  }
0x2f7: {  	v62 =	vor.u32 v5, v9;
	v8 =	vld.idx.msk [tilespmem:v61+s25+$0x0], $0xffff  }
0x2f8: {  	v63 =	vadd.s32 s9, v6;
	_ =	sdelay $0x3  }
0x2f9: {  	[tilespmem:v62+s28+$0x0] =	vst.idx.msk $0xffff, v8  }
0x2fa: {  	v9 =	vor.u32 v7, v9;
	v8 =	vld.idx.msk [tilespmem:v63+s25+$0x0], $0xffff;
	_ =	sdelay $0x4  }
0x2fb: {  	s10 =	smin.u32 s7, $0xF0;
	[tilespmem:v9+s28+$0x0] =	vst.idx.msk $0xffff, v8  }
0x2fc: {  	v8 =	vld [tilespmem:s10+$0x10F];
	_ =	sdelay $0x4  }
0x2fd: {  	(v2sf) =	vpush v8, $0x0;
	_ =	sdelay $0xe  }
0x2fe: {  	p0 =	sne.s32 s7, $0xF8;
	s10 =	spop (v2sf)  }
.Ltmp1:
0x2ff: {  	s9 =	sshrl.u32 s10, $0x7;
	(pc) =	sbr.rel @p0 .LBB2_4-.Ltmp1, $4  }
0x300: {  	s9 =	smin.u32 s9, $0x1E83  }
0x301: {  	s9 =	sshll.u32 s9, $0x7  }
0x302: {  	s8 =	sadd.s32 $0x8, s8;
	s7 =	sadd.s32 $0x8, s7;
	s9 =	sadd.s32 s0, s9  }
0x303: {  	[tilespmem:s25], [sflag:$0x8] =	stream.strided.gather [hbm4b:s9+s17], $0x2000, s16, s17, $0x38;
	[tilespmem:$0x14500] =	vst v63  }
0x304: {  	_ =	swait.ge [sflag:s26], $0x2000  }
0x305: {  	[sflag:s26] =	ssyncset.done $0x0  }
0x306: {  	[sflag:s26] =	ssyncadd.s32 $0xFFFFE000  }
0x307: {  	_ =	swait.ge [sflag:s29], $0x2000  }
0x308: {  	[sflag:s29] =	ssyncset.done $0x0  }
0x309: {  	[sflag:s29] =	ssyncadd.s32 $0xFFFFE000  }
0x30a: {  	_ =	swait.ge [sflag:s30], $0x2000  }
0x30b: {  	[sflag:s30] =	ssyncset.done $0x0  }
0x30c: {  	[sflag:s30] =	ssyncadd.s32 $0xFFFFE000  }
0x30d: {  	_ =	swait.ge [sflag:s31], $0x2000  }
0x30e: {  	[sflag:s31] =	ssyncset.done $0x0  }
0x30f: {  	[sflag:s31] =	ssyncadd.s32 $0xFFFFE000  }
0x310: {  	_ =	swait.ge [sflag:s3], $0x2000  }
0x311: {  	[sflag:s3] =	ssyncset.done $0x0  }
0x312: {  	[sflag:s3] =	ssyncadd.s32 $0xFFFFE000  }
0x313: {  	_ =	swait.ge [sflag:s2], $0x2000  }
0x314: {  	[sflag:s2] =	ssyncset.done $0x0  }
0x315: {  	[sflag:s2] =	ssyncadd.s32 $0xFFFFE000  }
0x316: {  	_ =	swait.ge [sflag:s15], $0x2000  }
0x317: {  	[sflag:s15] =	ssyncset.done $0x0  }
0x318: {  	[sflag:s15] =	ssyncadd.s32 $0xFFFFE000  }
0x319: {  	_ =	swait.ge [sflag:s4], $0x2000  }
0x31a: {  	[sflag:s4] =	ssyncset.done $0x0  }
0x31b: {  	s7 =	rddreg [dreg:$0x8];
	[sflag:s4] =	ssyncadd.s32 $0xFFFFE000  }
0x31c: {  	[hbm4b:s7+s12] =	stream.strided.scatter [tilespmem:s28], [sflag:$0x9], $0x4000, s14, s12, $0x38;
	[tilespmem:$0x14500] =	vst v63  }
0x31d: {  	_ =	swait.ge [sflag:s13], $0x4000  }
0x31e: {  	[sflag:s13] =	ssyncset.done $0x0  }
0x31f: {  	[sflag:s13] =	ssyncadd.s32 $0xFFFFC000  }
0x320: {  	v8 =	vld [tilespmem:$0x280];
	_ =	sdelay $0x4  }
0x321: {  	(v2sf) =	vpush v8, $0x0;
	_ =	sdelay $0xe  }
0x322: {  	s9 =	spop (v2sf)  }
0x323: {  	s7 =	sshrl.u32 s9, $0x7  }
0x324: {  	s7 =	smin.u32 s7, $0x1E83  }
0x325: {  	s7 =	sshll.u32 s7, $0x7  }
0x326: {  	s7 =	sadd.s32 s1, s7  }
0x327: {  	[tilespmem:s18], [sflag:$0x1] =	stream.strided.gather [hbm4b:s7+s17], $0x2000, s16, s17, $0x38;
	[tilespmem:$0x14500] =	vst v63  }
0x328: {  	v8 =	vld [tilespmem:$0x281];
	_ =	sdelay $0x4  }
0x329: {  	(v2sf) =	vpush v8, $0x0;
	_ =	sdelay $0xe  }
0x32a: {  	s10 =	spop (v2sf)  }
0x32b: {  	s7 =	sshrl.u32 s10, $0x7  }
0x32c: {  	s7 =	smin.u32 s7, $0x1E83  }
0x32d: {  	s7 =	sshll.u32 s7, $0x7  }
0x32e: {  	s7 =	sadd.s32 s1, s7  }
0x32f: {  	[tilespmem:s19], [sflag:$0x2] =	stream.strided.gather [hbm4b:s7+s17], $0x2000, s16, s17, $0x38;
	[tilespmem:$0x14500] =	vst v63  }
0x330: {  	v8 =	vld [tilespmem:$0x282];
	_ =	sdelay $0x4  }
0x331: {  	(v2sf) =	vpush v8, $0x0;
	_ =	sdelay $0xe  }
0x332: {  	s8 =	spop (v2sf)  }
0x333: {  	s7 =	sshrl.u32 s8, $0x7  }
0x334: {  	s7 =	smin.u32 s7, $0x1E83  }
0x335: {  	s7 =	sshll.u32 s7, $0x7  }
0x336: {  	s7 =	sadd.s32 s1, s7  }
0x337: {  	[tilespmem:s20], [sflag:$0x3] =	stream.strided.gather [hbm4b:s7+s17], $0x2000, s16, s17, $0x38;
	[tilespmem:$0x14500] =	vst v63  }
0x338: {  	v8 =	vld [tilespmem:$0x283];
	_ =	sdelay $0x4  }
0x339: {  	(v2sf) =	vpush v8, $0x0;
	_ =	sdelay $0xe  }
0x33a: {  	s9 =	spop (v2sf)  }
0x33b: {  	s7 =	sshrl.u32 s9, $0x7  }
0x33c: {  	s7 =	smin.u32 s7, $0x1E83  }
0x33d: {  	s7 =	sshll.u32 s7, $0x7  }
0x33e: {  	s7 =	sadd.s32 s1, s7  }
0x33f: {  	[tilespmem:s21], [sflag:$0x4] =	stream.strided.gather [hbm4b:s7+s17], $0x2000, s16, s17, $0x38;
	[tilespmem:$0x14500] =	vst v63  }
0x340: {  	v8 =	vld [tilespmem:$0x284];
	_ =	sdelay $0x4  }
0x341: {  	(v2sf) =	vpush v8, $0x0;
	_ =	sdelay $0xe  }
0x342: {  	s10 =	spop (v2sf)  }
0x343: {  	s7 =	sshrl.u32 s10, $0x7  }
0x344: {  	s7 =	smin.u32 s7, $0x1E83  }
0x345: {  	s7 =	sshll.u32 s7, $0x7  }
0x346: {  	s7 =	sadd.s32 s1, s7  }
0x347: {  	[tilespmem:s22], [sflag:$0x5] =	stream.strided.gather [hbm4b:s7+s17], $0x2000, s16, s17, $0x38;
	[tilespmem:$0x14500] =	vst v63  }
0x348: {  	v8 =	vld [tilespmem:$0x285];
	_ =	sdelay $0x4  }
0x349: {  	(v2sf) =	vpush v8, $0x0;
	_ =	sdelay $0xe  }
0x34a: {  	s8 =	spop (v2sf)  }
0x34b: {  	s7 =	sshrl.u32 s8, $0x7  }
0x34c: {  	s7 =	smin.u32 s7, $0x1E83  }
0x34d: {  	s7 =	sshll.u32 s7, $0x7  }
0x34e: {  	s7 =	sadd.s32 s1, s7  }
0x34f: {  	[tilespmem:s23], [sflag:$0x6] =	stream.strided.gather [hbm4b:s7+s17], $0x2000, s16, s17, $0x38;
	[tilespmem:$0x14500] =	vst v63  }
0x350: {  	v8 =	vld [tilespmem:$0x286];
	_ =	sdelay $0x4  }
0x351: {  	(v2sf) =	vpush v8, $0x0;
	_ =	sdelay $0xe  }
0x352: {  	s9 =	spop (v2sf)  }
0x353: {  	s7 =	sshrl.u32 s9, $0x7  }
0x354: {  	s7 =	smin.u32 s7, $0x1E83  }
0x355: {  	s7 =	sshll.u32 s7, $0x7  }
0x356: {  	s7 =	sadd.s32 s1, s7  }
0x357: {  	[tilespmem:s24], [sflag:$0x7] =	stream.strided.gather [hbm4b:s7+s17], $0x2000, s16, s17, $0x38;
	[tilespmem:$0x14500] =	vst v63  }
0x358: {  	v8 =	vld [tilespmem:$0x287];
	_ =	sdelay $0x4  }
0x359: {  	(v2sf) =	vpush v8, $0x0;
	_ =	sdelay $0xe  }
0x35a: {  	s10 =	spop (v2sf)  }
0x35b: {  	s7 =	sshrl.u32 s10, $0x7  }
0x35c: {  	s7 =	smin.u32 s7, $0x1E83  }
0x35d: {  	s7 =	sshll.u32 s7, $0x7  }
0x35e: {  	s7 =	sadd.s32 s1, s7  }
0x35f: {  	[tilespmem:s25], [sflag:$0x8] =	stream.strided.gather [hbm4b:s7+s17], $0x2000, s16, s17, $0x38;
	[tilespmem:$0x14500] =	vst v63  }
0x360: {  	s8 =	simm.s32 $0x284;
	s7 =	simm.s32 $0x0  }
.LBB2_6:
0x361: {  	_ =	swait.ge [sflag:s26], $0x2000  }
0x362: {  	[sflag:s26] =	ssyncset.done $0x0  }
0x363: {  	[sflag:s26] =	ssyncadd.s32 $0xFFFFE000  }
0x364: {  	v8 =	vld [tilespmem:s8+$0xFFFFFFFC];
	_ =	sdelay $0x4  }
0x365: {  	(v2sf) =	vpush v8, $0x0;
	_ =	sdelay $0xe  }
0x366: {  	s9 =	spop (v2sf)  }
0x367: {  	s10 =	sshrl.u32 s9, $0x7  }
0x368: {  	s10 =	smin.u32 s10, $0x1E83  }
0x369: {  	s10 =	sshll.u32 s10, $0x7  }
0x36a: {  	s9 =	ssub.s32 s9, s10  }
0x36b: {  	p0 =	slt.s32 s9, $0x7F  }
0x36c: {  	s9 =	simm.s32 @!p0 $0x7F  }
0x36d: {  	v8 =	vadd.s32 s9, v0  }
0x36e: {  	v9 =	vmov s7  }
0x36f: {  	v10 =	vshll.u32 v9, $0x3  }
0x370: {  	v9 =	vand.u32 $0x78, v9;
	v10 =	vand.u32 $0x400, v10  }
0x371: {  	v9 =	vor.u32 v9, v10  }
0x372: {  	v10 =	vor.u32 v1, v9;
	v8 =	vld.idx.msk [tilespmem:v8+s18+$0x0], $0xffff  }
0x373: {  	v11 =	vadd.s32 s9, v2;
	_ =	sdelay $0x3  }
0x374: {  	[tilespmem:v10+s28+$0x0] =	vst.idx.msk $0xffff, v8  }
0x375: {  	v63 =	vor.u32 v3, v9;
	v8 =	vld.idx.msk [tilespmem:v11+s18+$0x0], $0xffff  }
0x376: {  	v12 =	vadd.s32 s9, v4;
	_ =	sdelay $0x3  }
0x377: {  	[tilespmem:v63+s28+$0x0] =	vst.idx.msk $0xffff, v8  }
0x378: {  	v13 =	vor.u32 v5, v9;
	v8 =	vld.idx.msk [tilespmem:v12+s18+$0x0], $0xffff  }
0x379: {  	v14 =	vadd.s32 s9, v6;
	_ =	sdelay $0x3  }
0x37a: {  	[tilespmem:v13+s28+$0x0] =	vst.idx.msk $0xffff, v8  }
0x37b: {  	v9 =	vor.u32 v7, v9;
	v8 =	vld.idx.msk [tilespmem:v14+s18+$0x0], $0xffff;
	_ =	sdelay $0x4  }
0x37c: {  	s10 =	smin.u32 s7, $0xF7;
	[tilespmem:v9+s28+$0x0] =	vst.idx.msk $0xffff, v8  }
0x37d: {  	v8 =	vld [tilespmem:s10+$0x288];
	_ =	sdelay $0x4  }
0x37e: {  	(v2sf) =	vpush v8, $0x0;
	_ =	sdelay $0xe  }
0x37f: {  	s10 =	spop (v2sf)  }
0x380: {  	s9 =	sshrl.u32 s10, $0x7  }
0x381: {  	s9 =	smin.u32 s9, $0x1E83  }
0x382: {  	s9 =	sshll.u32 s9, $0x7  }
0x383: {  	s9 =	sadd.s32 s1, s9  }
0x384: {  	[tilespmem:s18], [sflag:$0x1] =	stream.strided.gather [hbm4b:s9+s17], $0x2000, s16, s17, $0x38;
	[tilespmem:$0x14500] =	vst v63  }
0x385: {  	_ =	swait.ge [sflag:s29], $0x2000  }
0x386: {  	[sflag:s29] =	ssyncset.done $0x0  }
0x387: {  	[sflag:s29] =	ssyncadd.s32 $0xFFFFE000  }
0x388: {  	v8 =	vld [tilespmem:s8+$0xFFFFFFFD];
	_ =	sdelay $0x4  }
0x389: {  	(v2sf) =	vpush v8, $0x0;
	_ =	sdelay $0xe  }
0x38a: {  	s9 =	spop (v2sf)  }
0x38b: {  	s10 =	sshrl.u32 s9, $0x7  }
0x38c: {  	s10 =	smin.u32 s10, $0x1E83  }
0x38d: {  	s10 =	sshll.u32 s10, $0x7  }
0x38e: {  	s9 =	ssub.s32 s9, s10  }
0x38f: {  	p0 =	slt.s32 s9, $0x7F  }
0x390: {  	s9 =	simm.s32 @!p0 $0x7F  }
0x391: {  	s10 =	sadd.s32 $0x1, s7;
	v8 =	vadd.s32 s9, v0  }
0x392: {  	v15 =	vmov s10  }
0x393: {  	v16 =	vshll.u32 v15, $0x3  }
0x394: {  	v9 =	vand.u32 $0x79, v15;
	v10 =	vand.u32 $0x400, v16  }
0x395: {  	v9 =	vor.u32 v9, v10  }
0x396: {  	v10 =	vor.u32 v1, v9;
	v8 =	vld.idx.msk [tilespmem:v8+s19+$0x0], $0xffff  }
0x397: {  	v17 =	vadd.s32 s9, v2;
	_ =	sdelay $0x3  }
0x398: {  	[tilespmem:v10+s28+$0x0] =	vst.idx.msk $0xffff, v8  }
0x399: {  	v18 =	vor.u32 v3, v9;
	v8 =	vld.idx.msk [tilespmem:v17+s19+$0x0], $0xffff  }
0x39a: {  	v19 =	vadd.s32 s9, v4;
	_ =	sdelay $0x3  }
0x39b: {  	[tilespmem:v18+s28+$0x0] =	vst.idx.msk $0xffff, v8  }
0x39c: {  	v20 =	vor.u32 v5, v9;
	v8 =	vld.idx.msk [tilespmem:v19+s19+$0x0], $0xffff  }
0x39d: {  	v21 =	vadd.s32 s9, v6;
	_ =	sdelay $0x3  }
0x39e: {  	[tilespmem:v20+s28+$0x0] =	vst.idx.msk $0xffff, v8  }
0x39f: {  	v9 =	vor.u32 v7, v9;
	v8 =	vld.idx.msk [tilespmem:v21+s19+$0x0], $0xffff;
	_ =	sdelay $0x4  }
0x3a0: {  	s10 =	smin.u32 s7, $0xF6;
	[tilespmem:v9+s28+$0x0] =	vst.idx.msk $0xffff, v8  }
0x3a1: {  	v8 =	vld [tilespmem:s10+$0x289];
	_ =	sdelay $0x4  }
0x3a2: {  	(v2sf) =	vpush v8, $0x0;
	_ =	sdelay $0xe  }
0x3a3: {  	s10 =	spop (v2sf)  }
0x3a4: {  	s9 =	sshrl.u32 s10, $0x7  }
0x3a5: {  	s9 =	smin.u32 s9, $0x1E83  }
0x3a6: {  	s9 =	sshll.u32 s9, $0x7  }
0x3a7: {  	s9 =	sadd.s32 s1, s9  }
0x3a8: {  	[tilespmem:s19], [sflag:$0x2] =	stream.strided.gather [hbm4b:s9+s17], $0x2000, s16, s17, $0x38;
	[tilespmem:$0x14500] =	vst v63  }
0x3a9: {  	_ =	swait.ge [sflag:s30], $0x2000  }
0x3aa: {  	[sflag:s30] =	ssyncset.done $0x0  }
0x3ab: {  	[sflag:s30] =	ssyncadd.s32 $0xFFFFE000  }
0x3ac: {  	v8 =	vld [tilespmem:s8+$0xFFFFFFFE];
	_ =	sdelay $0x4  }
0x3ad: {  	(v2sf) =	vpush v8, $0x0;
	_ =	sdelay $0xe  }
0x3ae: {  	s9 =	spop (v2sf)  }
0x3af: {  	s10 =	sshrl.u32 s9, $0x7  }
0x3b0: {  	s10 =	smin.u32 s10, $0x1E83  }
0x3b1: {  	s10 =	sshll.u32 s10, $0x7  }
0x3b2: {  	s9 =	ssub.s32 s9, s10  }
0x3b3: {  	p0 =	slt.s32 s9, $0x7F  }
0x3b4: {  	s9 =	simm.s32 @!p0 $0x7F  }
0x3b5: {  	s10 =	sadd.s32 $0x2, s7;
	v8 =	vadd.s32 s9, v0  }
0x3b6: {  	v22 =	vmov s10  }
0x3b7: {  	v23 =	vshll.u32 v22, $0x3  }
0x3b8: {  	v9 =	vand.u32 $0x7A, v22;
	v10 =	vand.u32 $0x400, v23  }
0x3b9: {  	v9 =	vor.u32 v9, v10  }
0x3ba: {  	v10 =	vor.u32 v1, v9;
	v8 =	vld.idx.msk [tilespmem:v8+s20+$0x0], $0xffff  }
0x3bb: {  	v24 =	vadd.s32 s9, v2;
	_ =	sdelay $0x3  }
0x3bc: {  	[tilespmem:v10+s28+$0x0] =	vst.idx.msk $0xffff, v8  }
0x3bd: {  	v25 =	vor.u32 v3, v9;
	v8 =	vld.idx.msk [tilespmem:v24+s20+$0x0], $0xffff  }
0x3be: {  	v26 =	vadd.s32 s9, v4;
	_ =	sdelay $0x3  }
0x3bf: {  	[tilespmem:v25+s28+$0x0] =	vst.idx.msk $0xffff, v8  }
0x3c0: {  	v27 =	vor.u32 v5, v9;
	v8 =	vld.idx.msk [tilespmem:v26+s20+$0x0], $0xffff  }
0x3c1: {  	v28 =	vadd.s32 s9, v6;
	_ =	sdelay $0x3  }
0x3c2: {  	[tilespmem:v27+s28+$0x0] =	vst.idx.msk $0xffff, v8  }
0x3c3: {  	v9 =	vor.u32 v7, v9;
	v8 =	vld.idx.msk [tilespmem:v28+s20+$0x0], $0xffff;
	_ =	sdelay $0x4  }
0x3c4: {  	s10 =	smin.u32 s7, $0xF5;
	[tilespmem:v9+s28+$0x0] =	vst.idx.msk $0xffff, v8  }
0x3c5: {  	v8 =	vld [tilespmem:s10+$0x28A];
	_ =	sdelay $0x4  }
0x3c6: {  	(v2sf) =	vpush v8, $0x0;
	_ =	sdelay $0xe  }
0x3c7: {  	s10 =	spop (v2sf)  }
0x3c8: {  	s9 =	sshrl.u32 s10, $0x7  }
0x3c9: {  	s9 =	smin.u32 s9, $0x1E83  }
0x3ca: {  	s9 =	sshll.u32 s9, $0x7  }
0x3cb: {  	s9 =	sadd.s32 s1, s9  }
0x3cc: {  	[tilespmem:s20], [sflag:$0x3] =	stream.strided.gather [hbm4b:s9+s17], $0x2000, s16, s17, $0x38;
	[tilespmem:$0x14500] =	vst v63  }
0x3cd: {  	_ =	swait.ge [sflag:s31], $0x2000  }
0x3ce: {  	[sflag:s31] =	ssyncset.done $0x0  }
0x3cf: {  	[sflag:s31] =	ssyncadd.s32 $0xFFFFE000  }
0x3d0: {  	v8 =	vld [tilespmem:s8+$0xFFFFFFFF];
	_ =	sdelay $0x4  }
0x3d1: {  	(v2sf) =	vpush v8, $0x0;
	_ =	sdelay $0xe  }
0x3d2: {  	s9 =	spop (v2sf)  }
0x3d3: {  	s10 =	sshrl.u32 s9, $0x7  }
0x3d4: {  	s10 =	smin.u32 s10, $0x1E83  }
0x3d5: {  	s10 =	sshll.u32 s10, $0x7  }
0x3d6: {  	s9 =	ssub.s32 s9, s10  }
0x3d7: {  	p0 =	slt.s32 s9, $0x7F  }
0x3d8: {  	s9 =	simm.s32 @!p0 $0x7F  }
0x3d9: {  	s10 =	sadd.s32 $0x3, s7;
	v8 =	vadd.s32 s9, v0  }
0x3da: {  	v29 =	vmov s10  }
0x3db: {  	v30 =	vshll.u32 v29, $0x3  }
0x3dc: {  	v9 =	vand.u32 $0x7B, v29;
	v10 =	vand.u32 $0x400, v30  }
0x3dd: {  	v9 =	vor.u32 v9, v10  }
0x3de: {  	v10 =	vor.u32 v1, v9;
	v8 =	vld.idx.msk [tilespmem:v8+s21+$0x0], $0xffff  }
0x3df: {  	v31 =	vadd.s32 s9, v2;
	_ =	sdelay $0x3  }
0x3e0: {  	[tilespmem:v10+s28+$0x0] =	vst.idx.msk $0xffff, v8  }
0x3e1: {  	v32 =	vor.u32 v3, v9;
	v8 =	vld.idx.msk [tilespmem:v31+s21+$0x0], $0xffff  }
0x3e2: {  	v33 =	vadd.s32 s9, v4;
	_ =	sdelay $0x3  }
0x3e3: {  	[tilespmem:v32+s28+$0x0] =	vst.idx.msk $0xffff, v8  }
0x3e4: {  	v34 =	vor.u32 v5, v9;
	v8 =	vld.idx.msk [tilespmem:v33+s21+$0x0], $0xffff  }
0x3e5: {  	v35 =	vadd.s32 s9, v6;
	_ =	sdelay $0x3  }
0x3e6: {  	[tilespmem:v34+s28+$0x0] =	vst.idx.msk $0xffff, v8  }
0x3e7: {  	v9 =	vor.u32 v7, v9;
	v8 =	vld.idx.msk [tilespmem:v35+s21+$0x0], $0xffff;
	_ =	sdelay $0x4  }
0x3e8: {  	s10 =	smin.u32 s7, $0xF4;
	[tilespmem:v9+s28+$0x0] =	vst.idx.msk $0xffff, v8  }
0x3e9: {  	v8 =	vld [tilespmem:s10+$0x28B];
	_ =	sdelay $0x4  }
0x3ea: {  	(v2sf) =	vpush v8, $0x0;
	_ =	sdelay $0xe  }
0x3eb: {  	s10 =	spop (v2sf)  }
0x3ec: {  	s9 =	sshrl.u32 s10, $0x7  }
0x3ed: {  	s9 =	smin.u32 s9, $0x1E83  }
0x3ee: {  	s9 =	sshll.u32 s9, $0x7  }
0x3ef: {  	s9 =	sadd.s32 s1, s9  }
0x3f0: {  	[tilespmem:s21], [sflag:$0x4] =	stream.strided.gather [hbm4b:s9+s17], $0x2000, s16, s17, $0x38;
	[tilespmem:$0x14500] =	vst v63  }
0x3f1: {  	_ =	swait.ge [sflag:s3], $0x2000  }
0x3f2: {  	[sflag:s3] =	ssyncset.done $0x0  }
0x3f3: {  	[sflag:s3] =	ssyncadd.s32 $0xFFFFE000  }
0x3f4: {  	v8 =	vld [tilespmem:s8+$0x0];
	_ =	sdelay $0x4  }
0x3f5: {  	(v2sf) =	vpush v8, $0x0;
	_ =	sdelay $0xe  }
0x3f6: {  	s9 =	spop (v2sf)  }
0x3f7: {  	s10 =	sshrl.u32 s9, $0x7  }
0x3f8: {  	s10 =	smin.u32 s10, $0x1E83  }
0x3f9: {  	s10 =	sshll.u32 s10, $0x7  }
0x3fa: {  	s9 =	ssub.s32 s9, s10  }
0x3fb: {  	p0 =	slt.s32 s9, $0x7F  }
0x3fc: {  	s9 =	simm.s32 @!p0 $0x7F  }
0x3fd: {  	s10 =	sadd.s32 $0x4, s7;
	v8 =	vadd.s32 s9, v0  }
0x3fe: {  	v36 =	vmov s10  }
0x3ff: {  	v37 =	vshll.u32 v36, $0x3  }
0x400: {  	v9 =	vand.u32 $0x7C, v36;
	v10 =	vand.u32 $0x400, v37  }
0x401: {  	v9 =	vor.u32 v9, v10  }
0x402: {  	v10 =	vor.u32 v1, v9;
	v8 =	vld.idx.msk [tilespmem:v8+s22+$0x0], $0xffff  }
0x403: {  	v38 =	vadd.s32 s9, v2;
	_ =	sdelay $0x3  }
0x404: {  	[tilespmem:v10+s28+$0x0] =	vst.idx.msk $0xffff, v8  }
0x405: {  	v39 =	vor.u32 v3, v9;
	v8 =	vld.idx.msk [tilespmem:v38+s22+$0x0], $0xffff  }
0x406: {  	v40 =	vadd.s32 s9, v4;
	_ =	sdelay $0x3  }
0x407: {  	[tilespmem:v39+s28+$0x0] =	vst.idx.msk $0xffff, v8  }
0x408: {  	v41 =	vor.u32 v5, v9;
	v8 =	vld.idx.msk [tilespmem:v40+s22+$0x0], $0xffff  }
0x409: {  	v42 =	vadd.s32 s9, v6;
	_ =	sdelay $0x3  }
0x40a: {  	[tilespmem:v41+s28+$0x0] =	vst.idx.msk $0xffff, v8  }
0x40b: {  	v9 =	vor.u32 v7, v9;
	v8 =	vld.idx.msk [tilespmem:v42+s22+$0x0], $0xffff;
	_ =	sdelay $0x4  }
0x40c: {  	s10 =	smin.u32 s7, $0xF3;
	[tilespmem:v9+s28+$0x0] =	vst.idx.msk $0xffff, v8  }
0x40d: {  	v8 =	vld [tilespmem:s10+$0x28C];
	_ =	sdelay $0x4  }
0x40e: {  	(v2sf) =	vpush v8, $0x0;
	_ =	sdelay $0xe  }
0x40f: {  	s10 =	spop (v2sf)  }
0x410: {  	s9 =	sshrl.u32 s10, $0x7  }
0x411: {  	s9 =	smin.u32 s9, $0x1E83  }
0x412: {  	s9 =	sshll.u32 s9, $0x7  }
0x413: {  	s9 =	sadd.s32 s1, s9  }
0x414: {  	[tilespmem:s22], [sflag:$0x5] =	stream.strided.gather [hbm4b:s9+s17], $0x2000, s16, s17, $0x38;
	[tilespmem:$0x14500] =	vst v63  }
0x415: {  	_ =	swait.ge [sflag:s2], $0x2000  }
0x416: {  	[sflag:s2] =	ssyncset.done $0x0  }
0x417: {  	[sflag:s2] =	ssyncadd.s32 $0xFFFFE000  }
0x418: {  	v8 =	vld [tilespmem:s8+$0x1];
	_ =	sdelay $0x4  }
0x419: {  	(v2sf) =	vpush v8, $0x0;
	_ =	sdelay $0xe  }
0x41a: {  	s9 =	spop (v2sf)  }
0x41b: {  	s10 =	sshrl.u32 s9, $0x7  }
0x41c: {  	s10 =	smin.u32 s10, $0x1E83  }
0x41d: {  	s10 =	sshll.u32 s10, $0x7  }
0x41e: {  	s9 =	ssub.s32 s9, s10  }
0x41f: {  	p0 =	slt.s32 s9, $0x7F  }
0x420: {  	s9 =	simm.s32 @!p0 $0x7F  }
0x421: {  	s10 =	sadd.s32 $0x5, s7;
	v8 =	vadd.s32 s9, v0  }
0x422: {  	v43 =	vmov s10  }
0x423: {  	v44 =	vshll.u32 v43, $0x3  }
0x424: {  	v9 =	vand.u32 $0x7D, v43;
	v10 =	vand.u32 $0x400, v44  }
0x425: {  	v9 =	vor.u32 v9, v10  }
0x426: {  	v10 =	vor.u32 v1, v9;
	v8 =	vld.idx.msk [tilespmem:v8+s23+$0x0], $0xffff  }
0x427: {  	v45 =	vadd.s32 s9, v2;
	_ =	sdelay $0x3  }
0x428: {  	[tilespmem:v10+s28+$0x0] =	vst.idx.msk $0xffff, v8  }
0x429: {  	v46 =	vor.u32 v3, v9;
	v8 =	vld.idx.msk [tilespmem:v45+s23+$0x0], $0xffff  }
0x42a: {  	v47 =	vadd.s32 s9, v4;
	_ =	sdelay $0x3  }
0x42b: {  	[tilespmem:v46+s28+$0x0] =	vst.idx.msk $0xffff, v8  }
0x42c: {  	v48 =	vor.u32 v5, v9;
	v8 =	vld.idx.msk [tilespmem:v47+s23+$0x0], $0xffff  }
0x42d: {  	v49 =	vadd.s32 s9, v6;
	_ =	sdelay $0x3  }
0x42e: {  	[tilespmem:v48+s28+$0x0] =	vst.idx.msk $0xffff, v8  }
0x42f: {  	v9 =	vor.u32 v7, v9;
	v8 =	vld.idx.msk [tilespmem:v49+s23+$0x0], $0xffff;
	_ =	sdelay $0x4  }
0x430: {  	s10 =	smin.u32 s7, $0xF2;
	[tilespmem:v9+s28+$0x0] =	vst.idx.msk $0xffff, v8  }
0x431: {  	v8 =	vld [tilespmem:s10+$0x28D];
	_ =	sdelay $0x4  }
0x432: {  	(v2sf) =	vpush v8, $0x0;
	_ =	sdelay $0xe  }
0x433: {  	s10 =	spop (v2sf)  }
0x434: {  	s9 =	sshrl.u32 s10, $0x7  }
0x435: {  	s9 =	smin.u32 s9, $0x1E83  }
0x436: {  	s9 =	sshll.u32 s9, $0x7  }
0x437: {  	s9 =	sadd.s32 s1, s9  }
0x438: {  	[tilespmem:s23], [sflag:$0x6] =	stream.strided.gather [hbm4b:s9+s17], $0x2000, s16, s17, $0x38;
	[tilespmem:$0x14500] =	vst v63  }
0x439: {  	_ =	swait.ge [sflag:s15], $0x2000  }
0x43a: {  	[sflag:s15] =	ssyncset.done $0x0  }
0x43b: {  	[sflag:s15] =	ssyncadd.s32 $0xFFFFE000  }
0x43c: {  	v8 =	vld [tilespmem:s8+$0x2];
	_ =	sdelay $0x4  }
0x43d: {  	(v2sf) =	vpush v8, $0x0;
	_ =	sdelay $0xe  }
0x43e: {  	s9 =	spop (v2sf)  }
0x43f: {  	s10 =	sshrl.u32 s9, $0x7  }
0x440: {  	s10 =	smin.u32 s10, $0x1E83  }
0x441: {  	s10 =	sshll.u32 s10, $0x7  }
0x442: {  	s9 =	ssub.s32 s9, s10  }
0x443: {  	p0 =	slt.s32 s9, $0x7F  }
0x444: {  	s9 =	simm.s32 @!p0 $0x7F  }
0x445: {  	s10 =	sadd.s32 $0x6, s7;
	v8 =	vadd.s32 s9, v0  }
0x446: {  	v50 =	vmov s10  }
0x447: {  	v51 =	vshll.u32 v50, $0x3  }
0x448: {  	v9 =	vand.u32 $0x7E, v50;
	v10 =	vand.u32 $0x400, v51  }
0x449: {  	v9 =	vor.u32 v9, v10  }
0x44a: {  	v10 =	vor.u32 v1, v9;
	v8 =	vld.idx.msk [tilespmem:v8+s24+$0x0], $0xffff  }
0x44b: {  	v52 =	vadd.s32 s9, v2;
	_ =	sdelay $0x3  }
0x44c: {  	[tilespmem:v10+s28+$0x0] =	vst.idx.msk $0xffff, v8  }
0x44d: {  	v53 =	vor.u32 v3, v9;
	v8 =	vld.idx.msk [tilespmem:v52+s24+$0x0], $0xffff  }
0x44e: {  	v54 =	vadd.s32 s9, v4;
	_ =	sdelay $0x3  }
0x44f: {  	[tilespmem:v53+s28+$0x0] =	vst.idx.msk $0xffff, v8  }
0x450: {  	v55 =	vor.u32 v5, v9;
	v8 =	vld.idx.msk [tilespmem:v54+s24+$0x0], $0xffff  }
0x451: {  	v56 =	vadd.s32 s9, v6;
	_ =	sdelay $0x3  }
0x452: {  	[tilespmem:v55+s28+$0x0] =	vst.idx.msk $0xffff, v8  }
0x453: {  	v9 =	vor.u32 v7, v9;
	v8 =	vld.idx.msk [tilespmem:v56+s24+$0x0], $0xffff;
	_ =	sdelay $0x4  }
0x454: {  	s10 =	smin.u32 s7, $0xF1;
	[tilespmem:v9+s28+$0x0] =	vst.idx.msk $0xffff, v8  }
0x455: {  	v8 =	vld [tilespmem:s10+$0x28E];
	_ =	sdelay $0x4  }
0x456: {  	(v2sf) =	vpush v8, $0x0;
	_ =	sdelay $0xe  }
0x457: {  	s10 =	spop (v2sf)  }
0x458: {  	s9 =	sshrl.u32 s10, $0x7  }
0x459: {  	s9 =	smin.u32 s9, $0x1E83  }
0x45a: {  	s9 =	sshll.u32 s9, $0x7  }
0x45b: {  	s9 =	sadd.s32 s1, s9  }
0x45c: {  	[tilespmem:s24], [sflag:$0x7] =	stream.strided.gather [hbm4b:s9+s17], $0x2000, s16, s17, $0x38;
	[tilespmem:$0x14500] =	vst v63  }
0x45d: {  	_ =	swait.ge [sflag:s4], $0x2000  }
0x45e: {  	[sflag:s4] =	ssyncset.done $0x0  }
0x45f: {  	[sflag:s4] =	ssyncadd.s32 $0xFFFFE000  }
0x460: {  	v8 =	vld [tilespmem:s8+$0x3];
	_ =	sdelay $0x4  }
0x461: {  	(v2sf) =	vpush v8, $0x0;
	_ =	sdelay $0xe  }
0x462: {  	s9 =	spop (v2sf)  }
0x463: {  	s10 =	sshrl.u32 s9, $0x7  }
0x464: {  	s10 =	smin.u32 s10, $0x1E83  }
0x465: {  	s10 =	sshll.u32 s10, $0x7  }
0x466: {  	s9 =	ssub.s32 s9, s10  }
0x467: {  	p0 =	slt.s32 s9, $0x7F  }
0x468: {  	s9 =	simm.s32 @!p0 $0x7F  }
0x469: {  	s10 =	sadd.s32 $0x7, s7;
	v8 =	vadd.s32 s9, v0  }
0x46a: {  	v57 =	vmov s10  }
0x46b: {  	v58 =	vshll.u32 v57, $0x3  }
0x46c: {  	v9 =	vand.u32 $0x7F, v57;
	v10 =	vand.u32 $0x400, v58  }
0x46d: {  	v9 =	vor.u32 v9, v10  }
0x46e: {  	v10 =	vor.u32 v1, v9;
	v8 =	vld.idx.msk [tilespmem:v8+s25+$0x0], $0xffff  }
0x46f: {  	v59 =	vadd.s32 s9, v2;
	_ =	sdelay $0x3  }
0x470: {  	[tilespmem:v10+s28+$0x0] =	vst.idx.msk $0xffff, v8  }
0x471: {  	v60 =	vor.u32 v3, v9;
	v8 =	vld.idx.msk [tilespmem:v59+s25+$0x0], $0xffff  }
0x472: {  	v61 =	vadd.s32 s9, v4;
	_ =	sdelay $0x3  }
0x473: {  	[tilespmem:v60+s28+$0x0] =	vst.idx.msk $0xffff, v8  }
0x474: {  	v62 =	vor.u32 v5, v9;
	v8 =	vld.idx.msk [tilespmem:v61+s25+$0x0], $0xffff  }
0x475: {  	v63 =	vadd.s32 s9, v6;
	_ =	sdelay $0x3  }
0x476: {  	[tilespmem:v62+s28+$0x0] =	vst.idx.msk $0xffff, v8  }
0x477: {  	v9 =	vor.u32 v7, v9;
	v8 =	vld.idx.msk [tilespmem:v63+s25+$0x0], $0xffff;
	_ =	sdelay $0x4  }
0x478: {  	s10 =	smin.u32 s7, $0xF0;
	[tilespmem:v9+s28+$0x0] =	vst.idx.msk $0xffff, v8  }
0x479: {  	v8 =	vld [tilespmem:s10+$0x28F];
	_ =	sdelay $0x4  }
0x47a: {  	(v2sf) =	vpush v8, $0x0;
	_ =	sdelay $0xe  }
0x47b: {  	p0 =	sne.s32 s7, $0xF8;
	s10 =	spop (v2sf)  }
.Ltmp2:
0x47c: {  	s9 =	sshrl.u32 s10, $0x7;
	(pc) =	sbr.rel @p0 .LBB2_6-.Ltmp2, $4  }
0x47d: {  	s9 =	smin.u32 s9, $0x1E83  }
0x47e: {  	s9 =	sshll.u32 s9, $0x7  }
0x47f: {  	s8 =	sadd.s32 $0x8, s8;
	s7 =	sadd.s32 $0x8, s7;
	s9 =	sadd.s32 s1, s9  }
0x480: {  	[tilespmem:s25], [sflag:$0x8] =	stream.strided.gather [hbm4b:s9+s17], $0x2000, s16, s17, $0x38;
	[tilespmem:$0x14500] =	vst v63  }
0x481: {  	_ =	swait.ge [sflag:s26], $0x2000  }
0x482: {  	[sflag:s26] =	ssyncset.done $0x0  }
0x483: {  	[sflag:s26] =	ssyncadd.s32 $0xFFFFE000  }
0x484: {  	_ =	swait.ge [sflag:s29], $0x2000  }
0x485: {  	[sflag:s29] =	ssyncset.done $0x0  }
0x486: {  	[sflag:s29] =	ssyncadd.s32 $0xFFFFE000  }
0x487: {  	_ =	swait.ge [sflag:s30], $0x2000  }
0x488: {  	[sflag:s30] =	ssyncset.done $0x0  }
0x489: {  	[sflag:s30] =	ssyncadd.s32 $0xFFFFE000  }
0x48a: {  	_ =	swait.ge [sflag:s31], $0x2000  }
0x48b: {  	[sflag:s31] =	ssyncset.done $0x0  }
0x48c: {  	[sflag:s31] =	ssyncadd.s32 $0xFFFFE000  }
0x48d: {  	_ =	swait.ge [sflag:s3], $0x2000  }
0x48e: {  	[sflag:s3] =	ssyncset.done $0x0  }
0x48f: {  	[sflag:s3] =	ssyncadd.s32 $0xFFFFE000  }
0x490: {  	_ =	swait.ge [sflag:s2], $0x2000  }
0x491: {  	[sflag:s2] =	ssyncset.done $0x0  }
0x492: {  	[sflag:s2] =	ssyncadd.s32 $0xFFFFE000  }
0x493: {  	_ =	swait.ge [sflag:s15], $0x2000  }
0x494: {  	[sflag:s15] =	ssyncset.done $0x0  }
0x495: {  	[sflag:s15] =	ssyncadd.s32 $0xFFFFE000  }
0x496: {  	_ =	swait.ge [sflag:s4], $0x2000  }
0x497: {  	[sflag:s4] =	ssyncset.done $0x0  }
0x498: {  	s7 =	rddreg [dreg:$0x9];
	[sflag:s4] =	ssyncadd.s32 $0xFFFFE000  }
0x499: {  	[hbm4b:s7+s12] =	stream.strided.scatter [tilespmem:s28], [sflag:$0x9], $0x4000, s14, s12, $0x38;
	[tilespmem:$0x14500] =	vst v63  }
0x49a: {  	_ =	swait.ge [sflag:s13], $0x4000  }
0x49b: {  	[sflag:s13] =	ssyncset.done $0x0  }
0x49c: {  	[sflag:s13] =	ssyncadd.s32 $0xFFFFC000  }
0x49d: {  	v8 =	vld [tilespmem:$0x380];
	_ =	sdelay $0x4  }
0x49e: {  	(v2sf) =	vpush v8, $0x0;
	_ =	sdelay $0xe  }
0x49f: {  	s9 =	spop (v2sf)  }
0x4a0: {  	s7 =	sshrl.u32 s9, $0x7  }
0x4a1: {  	s7 =	smin.u32 s7, $0x1E83  }
0x4a2: {  	s7 =	sshll.u32 s7, $0x7  }
0x4a3: {  	s7 =	sadd.s32 s1, s7  }
0x4a4: {  	[tilespmem:s18], [sflag:$0x1] =	stream.strided.gather [hbm4b:s7+s17], $0x2000, s16, s17, $0x38;
	[tilespmem:$0x14500] =	vst v63  }
0x4a5: {  	v8 =	vld [tilespmem:$0x381];
	_ =	sdelay $0x4  }
0x4a6: {  	(v2sf) =	vpush v8, $0x0;
	_ =	sdelay $0xe  }
0x4a7: {  	s10 =	spop (v2sf)  }
0x4a8: {  	s7 =	sshrl.u32 s10, $0x7  }
0x4a9: {  	s7 =	smin.u32 s7, $0x1E83  }
0x4aa: {  	s7 =	sshll.u32 s7, $0x7  }
0x4ab: {  	s7 =	sadd.s32 s1, s7  }
0x4ac: {  	[tilespmem:s19], [sflag:$0x2] =	stream.strided.gather [hbm4b:s7+s17], $0x2000, s16, s17, $0x38;
	[tilespmem:$0x14500] =	vst v63  }
0x4ad: {  	v8 =	vld [tilespmem:$0x382];
	_ =	sdelay $0x4  }
0x4ae: {  	(v2sf) =	vpush v8, $0x0;
	_ =	sdelay $0xe  }
0x4af: {  	s8 =	spop (v2sf)  }
0x4b0: {  	s7 =	sshrl.u32 s8, $0x7  }
0x4b1: {  	s7 =	smin.u32 s7, $0x1E83  }
0x4b2: {  	s7 =	sshll.u32 s7, $0x7  }
0x4b3: {  	s7 =	sadd.s32 s1, s7  }
0x4b4: {  	[tilespmem:s20], [sflag:$0x3] =	stream.strided.gather [hbm4b:s7+s17], $0x2000, s16, s17, $0x38;
	[tilespmem:$0x14500] =	vst v63  }
0x4b5: {  	v8 =	vld [tilespmem:$0x383];
	_ =	sdelay $0x4  }
0x4b6: {  	(v2sf) =	vpush v8, $0x0;
	_ =	sdelay $0xe  }
0x4b7: {  	s9 =	spop (v2sf)  }
0x4b8: {  	s7 =	sshrl.u32 s9, $0x7  }
0x4b9: {  	s7 =	smin.u32 s7, $0x1E83  }
0x4ba: {  	s7 =	sshll.u32 s7, $0x7  }
0x4bb: {  	s7 =	sadd.s32 s1, s7  }
0x4bc: {  	[tilespmem:s21], [sflag:$0x4] =	stream.strided.gather [hbm4b:s7+s17], $0x2000, s16, s17, $0x38;
	[tilespmem:$0x14500] =	vst v63  }
0x4bd: {  	v8 =	vld [tilespmem:$0x384];
	_ =	sdelay $0x4  }
0x4be: {  	(v2sf) =	vpush v8, $0x0;
	_ =	sdelay $0xe  }
0x4bf: {  	s10 =	spop (v2sf)  }
0x4c0: {  	s7 =	sshrl.u32 s10, $0x7  }
0x4c1: {  	s7 =	smin.u32 s7, $0x1E83  }
0x4c2: {  	s7 =	sshll.u32 s7, $0x7  }
0x4c3: {  	s7 =	sadd.s32 s1, s7  }
0x4c4: {  	[tilespmem:s22], [sflag:$0x5] =	stream.strided.gather [hbm4b:s7+s17], $0x2000, s16, s17, $0x38;
	[tilespmem:$0x14500] =	vst v63  }
0x4c5: {  	v8 =	vld [tilespmem:$0x385];
	_ =	sdelay $0x4  }
0x4c6: {  	(v2sf) =	vpush v8, $0x0;
	_ =	sdelay $0xe  }
0x4c7: {  	s8 =	spop (v2sf)  }
0x4c8: {  	s7 =	sshrl.u32 s8, $0x7  }
0x4c9: {  	s7 =	smin.u32 s7, $0x1E83  }
0x4ca: {  	s7 =	sshll.u32 s7, $0x7  }
0x4cb: {  	s7 =	sadd.s32 s1, s7  }
0x4cc: {  	[tilespmem:s23], [sflag:$0x6] =	stream.strided.gather [hbm4b:s7+s17], $0x2000, s16, s17, $0x38;
	[tilespmem:$0x14500] =	vst v63  }
0x4cd: {  	v8 =	vld [tilespmem:$0x386];
	_ =	sdelay $0x4  }
0x4ce: {  	(v2sf) =	vpush v8, $0x0;
	_ =	sdelay $0xe  }
0x4cf: {  	s9 =	spop (v2sf)  }
0x4d0: {  	s7 =	sshrl.u32 s9, $0x7  }
0x4d1: {  	s7 =	smin.u32 s7, $0x1E83  }
0x4d2: {  	s7 =	sshll.u32 s7, $0x7  }
0x4d3: {  	s7 =	sadd.s32 s1, s7  }
0x4d4: {  	[tilespmem:s24], [sflag:$0x7] =	stream.strided.gather [hbm4b:s7+s17], $0x2000, s16, s17, $0x38;
	[tilespmem:$0x14500] =	vst v63  }
0x4d5: {  	v8 =	vld [tilespmem:$0x387];
	_ =	sdelay $0x4  }
0x4d6: {  	(v2sf) =	vpush v8, $0x0;
	_ =	sdelay $0xe  }
0x4d7: {  	s10 =	spop (v2sf)  }
0x4d8: {  	s7 =	sshrl.u32 s10, $0x7  }
0x4d9: {  	s7 =	smin.u32 s7, $0x1E83  }
0x4da: {  	s7 =	sshll.u32 s7, $0x7  }
0x4db: {  	s7 =	sadd.s32 s1, s7  }
0x4dc: {  	[tilespmem:s25], [sflag:$0x8] =	stream.strided.gather [hbm4b:s7+s17], $0x2000, s16, s17, $0x38;
	[tilespmem:$0x14500] =	vst v63  }
0x4dd: {  	s8 =	simm.s32 $0x387;
	s7 =	simm.s32 $0x0  }
.LBB2_8:
0x4de: {  	_ =	swait.ge [sflag:s26], $0x2000  }
0x4df: {  	[sflag:s26] =	ssyncset.done $0x0  }
0x4e0: {  	s9 =	sand.u32 $0xF8, s7;
	[sflag:s26] =	ssyncadd.s32 $0xFFFFE000  }
0x4e1: {  	v8 =	vld [tilespmem:s9+$0x380];
	_ =	sdelay $0x4  }
0x4e2: {  	(v2sf) =	vpush v8, $0x0;
	_ =	sdelay $0xe  }
0x4e3: {  	s9 =	spop (v2sf)  }
0x4e4: {  	s10 =	sshrl.u32 s9, $0x7  }
0x4e5: {  	s10 =	smin.u32 s10, $0x1E83  }
0x4e6: {  	s10 =	sshll.u32 s10, $0x7  }
0x4e7: {  	s9 =	ssub.s32 s9, s10  }
0x4e8: {  	p0 =	slt.s32 s9, $0x7F  }
0x4e9: {  	s9 =	simm.s32 @!p0 $0x7F  }
0x4ea: {  	v8 =	vadd.s32 s9, v0  }
0x4eb: {  	v9 =	vmov s7  }
0x4ec: {  	v10 =	vshll.u32 v9, $0x3  }
0x4ed: {  	v9 =	vand.u32 $0x78, v9;
	v10 =	vand.u32 $0x400, v10  }
0x4ee: {  	v9 =	vor.u32 v9, v10  }
0x4ef: {  	v10 =	vor.u32 v1, v9;
	v8 =	vld.idx.msk [tilespmem:v8+s18+$0x0], $0xffff  }
0x4f0: {  	v11 =	vadd.s32 s9, v2;
	_ =	sdelay $0x3  }
0x4f1: {  	[tilespmem:v10+s28+$0x0] =	vst.idx.msk $0xffff, v8  }
0x4f2: {  	v63 =	vor.u32 v3, v9;
	v8 =	vld.idx.msk [tilespmem:v11+s18+$0x0], $0xffff  }
0x4f3: {  	v12 =	vadd.s32 s9, v4;
	_ =	sdelay $0x3  }
0x4f4: {  	[tilespmem:v63+s28+$0x0] =	vst.idx.msk $0xffff, v8  }
0x4f5: {  	v13 =	vor.u32 v5, v9;
	v8 =	vld.idx.msk [tilespmem:v12+s18+$0x0], $0xffff  }
0x4f6: {  	v14 =	vadd.s32 s9, v6;
	_ =	sdelay $0x3  }
0x4f7: {  	[tilespmem:v13+s28+$0x0] =	vst.idx.msk $0xffff, v8  }
0x4f8: {  	v9 =	vor.u32 v7, v9;
	v8 =	vld.idx.msk [tilespmem:v14+s18+$0x0], $0xffff;
	_ =	sdelay $0x4  }
0x4f9: {  	s10 =	smin.u32 s7, $0xF7;
	[tilespmem:v9+s28+$0x0] =	vst.idx.msk $0xffff, v8  }
0x4fa: {  	v8 =	vld [tilespmem:s10+$0x388];
	_ =	sdelay $0x4  }
0x4fb: {  	(v2sf) =	vpush v8, $0x0;
	_ =	sdelay $0xe  }
0x4fc: {  	s10 =	spop (v2sf)  }
0x4fd: {  	s9 =	sshrl.u32 s10, $0x7  }
0x4fe: {  	s9 =	smin.u32 s9, $0x1E83  }
0x4ff: {  	s9 =	sshll.u32 s9, $0x7  }
0x500: {  	s9 =	sadd.s32 s1, s9  }
0x501: {  	[tilespmem:s18], [sflag:$0x1] =	stream.strided.gather [hbm4b:s9+s17], $0x2000, s16, s17, $0x38;
	[tilespmem:$0x14500] =	vst v63  }
0x502: {  	_ =	swait.ge [sflag:s29], $0x2000  }
0x503: {  	[sflag:s29] =	ssyncset.done $0x0  }
0x504: {  	[sflag:s29] =	ssyncadd.s32 $0xFFFFE000  }
0x505: {  	v8 =	vld [tilespmem:s8+$0xFFFFFFFA];
	_ =	sdelay $0x4  }
0x506: {  	(v2sf) =	vpush v8, $0x0;
	_ =	sdelay $0xe  }
0x507: {  	s9 =	spop (v2sf)  }
0x508: {  	s10 =	sshrl.u32 s9, $0x7  }
0x509: {  	s10 =	smin.u32 s10, $0x1E83  }
0x50a: {  	s10 =	sshll.u32 s10, $0x7  }
0x50b: {  	s9 =	ssub.s32 s9, s10  }
0x50c: {  	p0 =	slt.s32 s9, $0x7F  }
0x50d: {  	s9 =	simm.s32 @!p0 $0x7F  }
0x50e: {  	s10 =	sadd.s32 $0x1, s7;
	v8 =	vadd.s32 s9, v0  }
0x50f: {  	v15 =	vmov s10  }
0x510: {  	v16 =	vshll.u32 v15, $0x3  }
0x511: {  	v9 =	vand.u32 $0x79, v15;
	v10 =	vand.u32 $0x400, v16  }
0x512: {  	v9 =	vor.u32 v9, v10  }
0x513: {  	v10 =	vor.u32 v1, v9;
	v8 =	vld.idx.msk [tilespmem:v8+s19+$0x0], $0xffff  }
0x514: {  	v17 =	vadd.s32 s9, v2;
	_ =	sdelay $0x3  }
0x515: {  	[tilespmem:v10+s28+$0x0] =	vst.idx.msk $0xffff, v8  }
0x516: {  	v18 =	vor.u32 v3, v9;
	v8 =	vld.idx.msk [tilespmem:v17+s19+$0x0], $0xffff  }
0x517: {  	v19 =	vadd.s32 s9, v4;
	_ =	sdelay $0x3  }
0x518: {  	[tilespmem:v18+s28+$0x0] =	vst.idx.msk $0xffff, v8  }
0x519: {  	v20 =	vor.u32 v5, v9;
	v8 =	vld.idx.msk [tilespmem:v19+s19+$0x0], $0xffff  }
0x51a: {  	v21 =	vadd.s32 s9, v6;
	_ =	sdelay $0x3  }
0x51b: {  	[tilespmem:v20+s28+$0x0] =	vst.idx.msk $0xffff, v8  }
0x51c: {  	v9 =	vor.u32 v7, v9;
	v8 =	vld.idx.msk [tilespmem:v21+s19+$0x0], $0xffff;
	_ =	sdelay $0x4  }
0x51d: {  	s10 =	smin.u32 s7, $0xF6;
	[tilespmem:v9+s28+$0x0] =	vst.idx.msk $0xffff, v8  }
0x51e: {  	v8 =	vld [tilespmem:s10+$0x389];
	_ =	sdelay $0x4  }
0x51f: {  	(v2sf) =	vpush v8, $0x0;
	_ =	sdelay $0xe  }
0x520: {  	s10 =	spop (v2sf)  }
0x521: {  	s9 =	sshrl.u32 s10, $0x7  }
0x522: {  	s9 =	smin.u32 s9, $0x1E83  }
0x523: {  	s9 =	sshll.u32 s9, $0x7  }
0x524: {  	s9 =	sadd.s32 s1, s9  }
0x525: {  	[tilespmem:s19], [sflag:$0x2] =	stream.strided.gather [hbm4b:s9+s17], $0x2000, s16, s17, $0x38;
	[tilespmem:$0x14500] =	vst v63  }
0x526: {  	_ =	swait.ge [sflag:s30], $0x2000  }
0x527: {  	[sflag:s30] =	ssyncset.done $0x0  }
0x528: {  	[sflag:s30] =	ssyncadd.s32 $0xFFFFE000  }
0x529: {  	v8 =	vld [tilespmem:s8+$0xFFFFFFFB];
	_ =	sdelay $0x4  }
0x52a: {  	(v2sf) =	vpush v8, $0x0;
	_ =	sdelay $0xe  }
0x52b: {  	s9 =	spop (v2sf)  }
0x52c: {  	s10 =	sshrl.u32 s9, $0x7  }
0x52d: {  	s10 =	smin.u32 s10, $0x1E83  }
0x52e: {  	s10 =	sshll.u32 s10, $0x7  }
0x52f: {  	s9 =	ssub.s32 s9, s10  }
0x530: {  	p0 =	slt.s32 s9, $0x7F  }
0x531: {  	s9 =	simm.s32 @!p0 $0x7F  }
0x532: {  	s10 =	sadd.s32 $0x2, s7;
	v8 =	vadd.s32 s9, v0  }
0x533: {  	v22 =	vmov s10  }
0x534: {  	v23 =	vshll.u32 v22, $0x3  }
0x535: {  	v9 =	vand.u32 $0x7A, v22;
	v10 =	vand.u32 $0x400, v23  }
0x536: {  	v9 =	vor.u32 v9, v10  }
0x537: {  	v10 =	vor.u32 v1, v9;
	v8 =	vld.idx.msk [tilespmem:v8+s20+$0x0], $0xffff  }
0x538: {  	v24 =	vadd.s32 s9, v2;
	_ =	sdelay $0x3  }
0x539: {  	[tilespmem:v10+s28+$0x0] =	vst.idx.msk $0xffff, v8  }
0x53a: {  	v25 =	vor.u32 v3, v9;
	v8 =	vld.idx.msk [tilespmem:v24+s20+$0x0], $0xffff  }
0x53b: {  	v26 =	vadd.s32 s9, v4;
	_ =	sdelay $0x3  }
0x53c: {  	[tilespmem:v25+s28+$0x0] =	vst.idx.msk $0xffff, v8  }
0x53d: {  	v27 =	vor.u32 v5, v9;
	v8 =	vld.idx.msk [tilespmem:v26+s20+$0x0], $0xffff  }
0x53e: {  	v28 =	vadd.s32 s9, v6;
	_ =	sdelay $0x3  }
0x53f: {  	[tilespmem:v27+s28+$0x0] =	vst.idx.msk $0xffff, v8  }
0x540: {  	v9 =	vor.u32 v7, v9;
	v8 =	vld.idx.msk [tilespmem:v28+s20+$0x0], $0xffff;
	_ =	sdelay $0x4  }
0x541: {  	s10 =	smin.u32 s7, $0xF5;
	[tilespmem:v9+s28+$0x0] =	vst.idx.msk $0xffff, v8  }
0x542: {  	v8 =	vld [tilespmem:s10+$0x38A];
	_ =	sdelay $0x4  }
0x543: {  	(v2sf) =	vpush v8, $0x0;
	_ =	sdelay $0xe  }
0x544: {  	s10 =	spop (v2sf)  }
0x545: {  	s9 =	sshrl.u32 s10, $0x7  }
0x546: {  	s9 =	smin.u32 s9, $0x1E83  }
0x547: {  	s9 =	sshll.u32 s9, $0x7  }
0x548: {  	s9 =	sadd.s32 s1, s9  }
0x549: {  	[tilespmem:s20], [sflag:$0x3] =	stream.strided.gather [hbm4b:s9+s17], $0x2000, s16, s17, $0x38;
	[tilespmem:$0x14500] =	vst v63  }
0x54a: {  	_ =	swait.ge [sflag:s31], $0x2000  }
0x54b: {  	[sflag:s31] =	ssyncset.done $0x0  }
0x54c: {  	[sflag:s31] =	ssyncadd.s32 $0xFFFFE000  }
0x54d: {  	v8 =	vld [tilespmem:s8+$0xFFFFFFFC];
	_ =	sdelay $0x4  }
0x54e: {  	(v2sf) =	vpush v8, $0x0;
	_ =	sdelay $0xe  }
0x54f: {  	s9 =	spop (v2sf)  }
0x550: {  	s10 =	sshrl.u32 s9, $0x7  }
0x551: {  	s10 =	smin.u32 s10, $0x1E83  }
0x552: {  	s10 =	sshll.u32 s10, $0x7  }
0x553: {  	s9 =	ssub.s32 s9, s10  }
0x554: {  	p0 =	slt.s32 s9, $0x7F  }
0x555: {  	s9 =	simm.s32 @!p0 $0x7F  }
0x556: {  	s10 =	sadd.s32 $0x3, s7;
	v8 =	vadd.s32 s9, v0  }
0x557: {  	v29 =	vmov s10  }
0x558: {  	v30 =	vshll.u32 v29, $0x3  }
0x559: {  	v9 =	vand.u32 $0x7B, v29;
	v10 =	vand.u32 $0x400, v30  }
0x55a: {  	v9 =	vor.u32 v9, v10  }
0x55b: {  	v10 =	vor.u32 v1, v9;
	v8 =	vld.idx.msk [tilespmem:v8+s21+$0x0], $0xffff  }
0x55c: {  	v31 =	vadd.s32 s9, v2;
	_ =	sdelay $0x3  }
0x55d: {  	[tilespmem:v10+s28+$0x0] =	vst.idx.msk $0xffff, v8  }
0x55e: {  	v32 =	vor.u32 v3, v9;
	v8 =	vld.idx.msk [tilespmem:v31+s21+$0x0], $0xffff  }
0x55f: {  	v33 =	vadd.s32 s9, v4;
	_ =	sdelay $0x3  }
0x560: {  	[tilespmem:v32+s28+$0x0] =	vst.idx.msk $0xffff, v8  }
0x561: {  	v34 =	vor.u32 v5, v9;
	v8 =	vld.idx.msk [tilespmem:v33+s21+$0x0], $0xffff  }
0x562: {  	v35 =	vadd.s32 s9, v6;
	_ =	sdelay $0x3  }
0x563: {  	[tilespmem:v34+s28+$0x0] =	vst.idx.msk $0xffff, v8  }
0x564: {  	v9 =	vor.u32 v7, v9;
	v8 =	vld.idx.msk [tilespmem:v35+s21+$0x0], $0xffff;
	_ =	sdelay $0x4  }
0x565: {  	s10 =	smin.u32 s7, $0xF4;
	[tilespmem:v9+s28+$0x0] =	vst.idx.msk $0xffff, v8  }
0x566: {  	v8 =	vld [tilespmem:s10+$0x38B];
	_ =	sdelay $0x4  }
0x567: {  	(v2sf) =	vpush v8, $0x0;
	_ =	sdelay $0xe  }
0x568: {  	s10 =	spop (v2sf)  }
0x569: {  	s9 =	sshrl.u32 s10, $0x7  }
0x56a: {  	s9 =	smin.u32 s9, $0x1E83  }
0x56b: {  	s9 =	sshll.u32 s9, $0x7  }
0x56c: {  	s9 =	sadd.s32 s1, s9  }
0x56d: {  	[tilespmem:s21], [sflag:$0x4] =	stream.strided.gather [hbm4b:s9+s17], $0x2000, s16, s17, $0x38;
	[tilespmem:$0x14500] =	vst v63  }
0x56e: {  	_ =	swait.ge [sflag:s3], $0x2000  }
0x56f: {  	[sflag:s3] =	ssyncset.done $0x0  }
0x570: {  	[sflag:s3] =	ssyncadd.s32 $0xFFFFE000  }
0x571: {  	v8 =	vld [tilespmem:s8+$0xFFFFFFFD];
	_ =	sdelay $0x4  }
0x572: {  	(v2sf) =	vpush v8, $0x0;
	_ =	sdelay $0xe  }
0x573: {  	s9 =	spop (v2sf)  }
0x574: {  	s10 =	sshrl.u32 s9, $0x7  }
0x575: {  	s10 =	smin.u32 s10, $0x1E83  }
0x576: {  	s10 =	sshll.u32 s10, $0x7  }
0x577: {  	s9 =	ssub.s32 s9, s10  }
0x578: {  	p0 =	slt.s32 s9, $0x7F  }
0x579: {  	s9 =	simm.s32 @!p0 $0x7F  }
0x57a: {  	s10 =	sadd.s32 $0x4, s7;
	v8 =	vadd.s32 s9, v0  }
0x57b: {  	v36 =	vmov s10  }
0x57c: {  	v37 =	vshll.u32 v36, $0x3  }
0x57d: {  	v9 =	vand.u32 $0x7C, v36;
	v10 =	vand.u32 $0x400, v37  }
0x57e: {  	v9 =	vor.u32 v9, v10  }
0x57f: {  	v10 =	vor.u32 v1, v9;
	v8 =	vld.idx.msk [tilespmem:v8+s22+$0x0], $0xffff  }
0x580: {  	v38 =	vadd.s32 s9, v2;
	_ =	sdelay $0x3  }
0x581: {  	[tilespmem:v10+s28+$0x0] =	vst.idx.msk $0xffff, v8  }
0x582: {  	v39 =	vor.u32 v3, v9;
	v8 =	vld.idx.msk [tilespmem:v38+s22+$0x0], $0xffff  }
0x583: {  	v40 =	vadd.s32 s9, v4;
	_ =	sdelay $0x3  }
0x584: {  	[tilespmem:v39+s28+$0x0] =	vst.idx.msk $0xffff, v8  }
0x585: {  	v41 =	vor.u32 v5, v9;
	v8 =	vld.idx.msk [tilespmem:v40+s22+$0x0], $0xffff  }
0x586: {  	v42 =	vadd.s32 s9, v6;
	_ =	sdelay $0x3  }
0x587: {  	[tilespmem:v41+s28+$0x0] =	vst.idx.msk $0xffff, v8  }
0x588: {  	v9 =	vor.u32 v7, v9;
	v8 =	vld.idx.msk [tilespmem:v42+s22+$0x0], $0xffff;
	_ =	sdelay $0x4  }
0x589: {  	s10 =	smin.u32 s7, $0xF3;
	[tilespmem:v9+s28+$0x0] =	vst.idx.msk $0xffff, v8  }
0x58a: {  	v8 =	vld [tilespmem:s10+$0x38C];
	_ =	sdelay $0x4  }
0x58b: {  	(v2sf) =	vpush v8, $0x0;
	_ =	sdelay $0xe  }
0x58c: {  	s10 =	spop (v2sf)  }
0x58d: {  	s9 =	sshrl.u32 s10, $0x7  }
0x58e: {  	s9 =	smin.u32 s9, $0x1E83  }
0x58f: {  	s9 =	sshll.u32 s9, $0x7  }
0x590: {  	s9 =	sadd.s32 s1, s9  }
0x591: {  	[tilespmem:s22], [sflag:$0x5] =	stream.strided.gather [hbm4b:s9+s17], $0x2000, s16, s17, $0x38;
	[tilespmem:$0x14500] =	vst v63  }
0x592: {  	_ =	swait.ge [sflag:s2], $0x2000  }
0x593: {  	[sflag:s2] =	ssyncset.done $0x0  }
0x594: {  	[sflag:s2] =	ssyncadd.s32 $0xFFFFE000  }
0x595: {  	v8 =	vld [tilespmem:s8+$0xFFFFFFFE];
	_ =	sdelay $0x4  }
0x596: {  	(v2sf) =	vpush v8, $0x0;
	_ =	sdelay $0xe  }
0x597: {  	s9 =	spop (v2sf)  }
0x598: {  	s10 =	sshrl.u32 s9, $0x7  }
0x599: {  	s10 =	smin.u32 s10, $0x1E83  }
0x59a: {  	s10 =	sshll.u32 s10, $0x7  }
0x59b: {  	s9 =	ssub.s32 s9, s10  }
0x59c: {  	p0 =	slt.s32 s9, $0x7F  }
0x59d: {  	s9 =	simm.s32 @!p0 $0x7F  }
0x59e: {  	s10 =	sadd.s32 $0x5, s7;
	v8 =	vadd.s32 s9, v0  }
0x59f: {  	v43 =	vmov s10  }
0x5a0: {  	v44 =	vshll.u32 v43, $0x3  }
0x5a1: {  	v9 =	vand.u32 $0x7D, v43;
	v10 =	vand.u32 $0x400, v44  }
0x5a2: {  	v9 =	vor.u32 v9, v10  }
0x5a3: {  	v10 =	vor.u32 v1, v9;
	v8 =	vld.idx.msk [tilespmem:v8+s23+$0x0], $0xffff  }
0x5a4: {  	v45 =	vadd.s32 s9, v2;
	_ =	sdelay $0x3  }
0x5a5: {  	[tilespmem:v10+s28+$0x0] =	vst.idx.msk $0xffff, v8  }
0x5a6: {  	v46 =	vor.u32 v3, v9;
	v8 =	vld.idx.msk [tilespmem:v45+s23+$0x0], $0xffff  }
0x5a7: {  	v47 =	vadd.s32 s9, v4;
	_ =	sdelay $0x3  }
0x5a8: {  	[tilespmem:v46+s28+$0x0] =	vst.idx.msk $0xffff, v8  }
0x5a9: {  	v48 =	vor.u32 v5, v9;
	v8 =	vld.idx.msk [tilespmem:v47+s23+$0x0], $0xffff  }
0x5aa: {  	v49 =	vadd.s32 s9, v6;
	_ =	sdelay $0x3  }
0x5ab: {  	[tilespmem:v48+s28+$0x0] =	vst.idx.msk $0xffff, v8  }
0x5ac: {  	v9 =	vor.u32 v7, v9;
	v8 =	vld.idx.msk [tilespmem:v49+s23+$0x0], $0xffff;
	_ =	sdelay $0x4  }
0x5ad: {  	s10 =	smin.u32 s7, $0xF2;
	[tilespmem:v9+s28+$0x0] =	vst.idx.msk $0xffff, v8  }
0x5ae: {  	v8 =	vld [tilespmem:s10+$0x38D];
	_ =	sdelay $0x4  }
0x5af: {  	(v2sf) =	vpush v8, $0x0;
	_ =	sdelay $0xe  }
0x5b0: {  	s10 =	spop (v2sf)  }
0x5b1: {  	s9 =	sshrl.u32 s10, $0x7  }
0x5b2: {  	s9 =	smin.u32 s9, $0x1E83  }
0x5b3: {  	s9 =	sshll.u32 s9, $0x7  }
0x5b4: {  	s9 =	sadd.s32 s1, s9  }
0x5b5: {  	[tilespmem:s23], [sflag:$0x6] =	stream.strided.gather [hbm4b:s9+s17], $0x2000, s16, s17, $0x38;
	[tilespmem:$0x14500] =	vst v63  }
0x5b6: {  	_ =	swait.ge [sflag:s15], $0x2000  }
0x5b7: {  	[sflag:s15] =	ssyncset.done $0x0  }
0x5b8: {  	[sflag:s15] =	ssyncadd.s32 $0xFFFFE000  }
0x5b9: {  	v8 =	vld [tilespmem:s8+$0xFFFFFFFF];
	_ =	sdelay $0x4  }
0x5ba: {  	(v2sf) =	vpush v8, $0x0;
	_ =	sdelay $0xe  }
0x5bb: {  	s9 =	spop (v2sf)  }
0x5bc: {  	s10 =	sshrl.u32 s9, $0x7  }
0x5bd: {  	s10 =	smin.u32 s10, $0x1E83  }
0x5be: {  	s10 =	sshll.u32 s10, $0x7  }
0x5bf: {  	s9 =	ssub.s32 s9, s10  }
0x5c0: {  	p0 =	slt.s32 s9, $0x7F  }
0x5c1: {  	s9 =	simm.s32 @!p0 $0x7F  }
0x5c2: {  	s10 =	sadd.s32 $0x6, s7;
	v8 =	vadd.s32 s9, v0  }
0x5c3: {  	v50 =	vmov s10  }
0x5c4: {  	v51 =	vshll.u32 v50, $0x3  }
0x5c5: {  	v9 =	vand.u32 $0x7E, v50;
	v10 =	vand.u32 $0x400, v51  }
0x5c6: {  	v9 =	vor.u32 v9, v10  }
0x5c7: {  	v10 =	vor.u32 v1, v9;
	v8 =	vld.idx.msk [tilespmem:v8+s24+$0x0], $0xffff  }
0x5c8: {  	v52 =	vadd.s32 s9, v2;
	_ =	sdelay $0x3  }
0x5c9: {  	[tilespmem:v10+s28+$0x0] =	vst.idx.msk $0xffff, v8  }
0x5ca: {  	v53 =	vor.u32 v3, v9;
	v8 =	vld.idx.msk [tilespmem:v52+s24+$0x0], $0xffff  }
0x5cb: {  	v54 =	vadd.s32 s9, v4;
	_ =	sdelay $0x3  }
0x5cc: {  	[tilespmem:v53+s28+$0x0] =	vst.idx.msk $0xffff, v8  }
0x5cd: {  	v55 =	vor.u32 v5, v9;
	v8 =	vld.idx.msk [tilespmem:v54+s24+$0x0], $0xffff  }
0x5ce: {  	v56 =	vadd.s32 s9, v6;
	_ =	sdelay $0x3  }
0x5cf: {  	[tilespmem:v55+s28+$0x0] =	vst.idx.msk $0xffff, v8  }
0x5d0: {  	v9 =	vor.u32 v7, v9;
	v8 =	vld.idx.msk [tilespmem:v56+s24+$0x0], $0xffff;
	_ =	sdelay $0x4  }
0x5d1: {  	s10 =	smin.u32 s7, $0xF1;
	[tilespmem:v9+s28+$0x0] =	vst.idx.msk $0xffff, v8  }
0x5d2: {  	v8 =	vld [tilespmem:s10+$0x38E];
	_ =	sdelay $0x4  }
0x5d3: {  	(v2sf) =	vpush v8, $0x0;
	_ =	sdelay $0xe  }
0x5d4: {  	s10 =	spop (v2sf)  }
0x5d5: {  	s9 =	sshrl.u32 s10, $0x7  }
0x5d6: {  	s9 =	smin.u32 s9, $0x1E83  }
0x5d7: {  	s9 =	sshll.u32 s9, $0x7  }
0x5d8: {  	s9 =	sadd.s32 s1, s9  }
0x5d9: {  	[tilespmem:s24], [sflag:$0x7] =	stream.strided.gather [hbm4b:s9+s17], $0x2000, s16, s17, $0x38;
	[tilespmem:$0x14500] =	vst v63  }
0x5da: {  	_ =	swait.ge [sflag:s4], $0x2000  }
0x5db: {  	[sflag:s4] =	ssyncset.done $0x0  }
0x5dc: {  	[sflag:s4] =	ssyncadd.s32 $0xFFFFE000  }
0x5dd: {  	v8 =	vld [tilespmem:s8+$0x0];
	_ =	sdelay $0x4  }
0x5de: {  	(v2sf) =	vpush v8, $0x0;
	_ =	sdelay $0xe  }
0x5df: {  	s9 =	spop (v2sf)  }
0x5e0: {  	s10 =	sshrl.u32 s9, $0x7  }
0x5e1: {  	s10 =	smin.u32 s10, $0x1E83  }
0x5e2: {  	s10 =	sshll.u32 s10, $0x7  }
0x5e3: {  	s9 =	ssub.s32 s9, s10  }
0x5e4: {  	p0 =	slt.s32 s9, $0x7F  }
0x5e5: {  	s9 =	simm.s32 @!p0 $0x7F  }
0x5e6: {  	s10 =	sadd.s32 $0x7, s7;
	v8 =	vadd.s32 s9, v0  }
0x5e7: {  	v57 =	vmov s10  }
0x5e8: {  	v58 =	vshll.u32 v57, $0x3  }
0x5e9: {  	v9 =	vand.u32 $0x7F, v57;
	v10 =	vand.u32 $0x400, v58  }
0x5ea: {  	v9 =	vor.u32 v9, v10  }
0x5eb: {  	v10 =	vor.u32 v1, v9;
	v8 =	vld.idx.msk [tilespmem:v8+s25+$0x0], $0xffff  }
0x5ec: {  	v59 =	vadd.s32 s9, v2;
	_ =	sdelay $0x3  }
0x5ed: {  	[tilespmem:v10+s28+$0x0] =	vst.idx.msk $0xffff, v8  }
0x5ee: {  	v60 =	vor.u32 v3, v9;
	v8 =	vld.idx.msk [tilespmem:v59+s25+$0x0], $0xffff  }
0x5ef: {  	v61 =	vadd.s32 s9, v4;
	_ =	sdelay $0x3  }
0x5f0: {  	[tilespmem:v60+s28+$0x0] =	vst.idx.msk $0xffff, v8  }
0x5f1: {  	v62 =	vor.u32 v5, v9;
	v8 =	vld.idx.msk [tilespmem:v61+s25+$0x0], $0xffff  }
0x5f2: {  	v63 =	vadd.s32 s9, v6;
	_ =	sdelay $0x3  }
0x5f3: {  	[tilespmem:v62+s28+$0x0] =	vst.idx.msk $0xffff, v8  }
0x5f4: {  	v9 =	vor.u32 v7, v9;
	v8 =	vld.idx.msk [tilespmem:v63+s25+$0x0], $0xffff;
	_ =	sdelay $0x4  }
0x5f5: {  	s10 =	smin.u32 s7, $0xF0;
	[tilespmem:v9+s28+$0x0] =	vst.idx.msk $0xffff, v8  }
0x5f6: {  	v8 =	vld [tilespmem:s10+$0x38F];
	_ =	sdelay $0x4  }
0x5f7: {  	(v2sf) =	vpush v8, $0x0;
	_ =	sdelay $0xe  }
0x5f8: {  	p0 =	sne.s32 s7, $0xF8;
	s10 =	spop (v2sf)  }
.Ltmp3:
0x5f9: {  	s9 =	sshrl.u32 s10, $0x7;
	(pc) =	sbr.rel @p0 .LBB2_8-.Ltmp3, $4  }
0x5fa: {  	s9 =	smin.u32 s9, $0x1E83  }
0x5fb: {  	s9 =	sshll.u32 s9, $0x7  }
0x5fc: {  	s8 =	sadd.s32 $0x8, s8;
	s7 =	sadd.s32 $0x8, s7;
	s9 =	sadd.s32 s1, s9  }
0x5fd: {  	[tilespmem:s25], [sflag:$0x8] =	stream.strided.gather [hbm4b:s9+s17], $0x2000, s16, s17, $0x38;
	[tilespmem:$0x14500] =	vst v63  }
0x5fe: {  	_ =	swait.ge [sflag:s26], $0x2000  }
0x5ff: {  	[sflag:s26] =	ssyncset.done $0x0  }
0x600: {  	[sflag:s26] =	ssyncadd.s32 $0xFFFFE000  }
0x601: {  	_ =	swait.ge [sflag:s29], $0x2000  }
0x602: {  	[sflag:s29] =	ssyncset.done $0x0  }
0x603: {  	[sflag:s29] =	ssyncadd.s32 $0xFFFFE000  }
0x604: {  	_ =	swait.ge [sflag:s30], $0x2000  }
0x605: {  	[sflag:s30] =	ssyncset.done $0x0  }
0x606: {  	[sflag:s30] =	ssyncadd.s32 $0xFFFFE000  }
0x607: {  	_ =	swait.ge [sflag:s31], $0x2000  }
0x608: {  	[sflag:s31] =	ssyncset.done $0x0  }
0x609: {  	[sflag:s31] =	ssyncadd.s32 $0xFFFFE000  }
0x60a: {  	_ =	swait.ge [sflag:s3], $0x2000  }
0x60b: {  	[sflag:s3] =	ssyncset.done $0x0  }
0x60c: {  	[sflag:s3] =	ssyncadd.s32 $0xFFFFE000  }
0x60d: {  	_ =	swait.ge [sflag:s2], $0x2000  }
0x60e: {  	[sflag:s2] =	ssyncset.done $0x0  }
0x60f: {  	[sflag:s2] =	ssyncadd.s32 $0xFFFFE000  }
0x610: {  	_ =	swait.ge [sflag:s15], $0x2000  }
0x611: {  	[sflag:s15] =	ssyncset.done $0x0  }
0x612: {  	[sflag:s15] =	ssyncadd.s32 $0xFFFFE000  }
0x613: {  	s6 =	sadd.s32 $0x1, s6;
	_ =	swait.ge [sflag:s4], $0x2000  }
0x614: {  	p0 =	sne.s32 s6, s11;
	[sflag:s4] =	ssyncset.done $0x0  }
.Ltmp4:
0x615: {  	s7 =	rddreg [dreg:$0xa];
	[sflag:s4] =	ssyncadd.s32 $0xFFFFE000;
	(pc) =	sbr.rel @p0 .LBB2_1-.Ltmp4, $4  }
0x616: {  	[hbm4b:s7+s12] =	stream.strided.scatter [tilespmem:s28], [sflag:$0x9], $0x4000, s14, s12, $0x38;
	[tilespmem:$0x14500] =	vst v63  }
0x617: {  	_ =	swait.ge [sflag:s13], $0x4000  }
0x618: {  	[sflag:s13] =	ssyncset.done $0x0  }
0x619: {  	[sflag:s13] =	ssyncadd.s32 $0xFFFFC000  }
0x61a: {  	_ =	sfence.sel $0x180000  }
0x61b: {  	[bflag:$0x0] =	sbarrier.arrive $0xFFFF  }
0x61c: {  	_ =	strace $0x90000047  }
0x61d: {  	s0 =	stileid.u32;
	[bflag:$0x2] =	sbarrier.arrive $0xFFFF  }
0x61e: {  	p0 =	sne.s32 s0, $0x0;
	s0 =	rddreg [dreg:$0x5]  }
0x61f: {  	s0 =	sadd.s32 @!p0 $0x100000, s0  }
0x620: {  	[sflag:s0] =	ssyncadd.tile.s32 @!p0 $0x1;
	_ =	shalt  }
.Lfunc_end2:
_tile_overlayer_lowered:
.L_overlay_start_2:
0x621: {  	(tag) =	ssettag $0x2  }
0x622: {  	s0 =	rddreg [dreg:$0x0];
	s2 =	stileid.u32  }
0x623: {  	s1 =	rddreg [dreg:$0x1];
	p0 =	sne.s32 s2, $0x0  }
0x624: {  	s3 =	rddreg [dreg:$0x2];
	[bflag:$0x3] =	sbarrier.arrive $0xFFFF;
	s2 =	simm.s32 @!p0 $0x1C09  }
0x625: {  	[timem:s3], [sflag:s2] =	dma.local @!p0 [hbm:s0], s1  }
0x626: {  	s0 =	simm.s32 @!p0 $0x9  }
0x627: {  	_ =	swait.ge @!p0 [sflag:s0], s1  }
0x628: {  	s1 =	ssub.s32 @!p0 $0x0, s1;
	[sflag:s0] =	ssyncset.done @!p0 $0x0  }
0x629: {  	[sflag:s0] =	ssyncadd.s32 @!p0 s1  }
0x62a: {  	[bflag:$0x3] =	sbarrier.arrive $0xFFFF  }
0x62b: {  	_ =	shalt  }

</sc_bundles>
